<compile_context>
chip_gen: v7x
topology: tpu7x:2x2x1
jax: 0.10.2.dev20260603
libtpu: 0.0.44.dev20260713+nightly
codegen_flags: <defaults>
</compile_context>

<pallas_src>
import functools
import jax
import jax.numpy as jnp
from jax import lax
from jax.experimental import pallas as pl
from jax.experimental.pallas import tpu as pltpu
from jax.experimental.pallas import tpu_sc as plsc

N = 10000
E = 320000
D_IN = 128
H2 = 256
HID = 128
PROJ = 64

NC = 2
NS = 16
CH = 128
NB = 4
CPT_F = 160
CPT_E = 80
E_PAD = NC * NS * CPT_E * CH
PADC = E_PAD // CH
NPAD = 10240
RPT = NPAD // NS
DUMMY = N

RB = 400
GRID = N // RB
RB2 = 512
GRID2 = NPAD // RB2

_mesh = plsc.VectorSubcoreMesh(
    core_axis_name="c", subcore_axis_name="s", num_cores=NC, num_subcores=NS
)



def _deg_body(sd_hbm, z_hbm, deg_hbm, di, ones_b, acc, *sems):
    c = lax.axis_index("c")
    s = lax.axis_index("s")

    @pl.when(c == 0)
    def _():
        for k in range(CH // 16):
            ones_b[pl.ds(k * 16, 16)] = jnp.ones((16,), jnp.float32)
        pltpu.sync_copy(z_hbm.at[pl.ds(s * RPT, RPT)], acc.at[pl.ds(s * RPT, RPT)])
        pltpu.sync_copy(sd_hbm.at[pl.ds(s * CPT_F, CPT_F)], di)
        plsc.subcore_barrier()

        def scat(j, b):
            return pltpu.make_async_copy(ones_b, acc.at[di.at[j, 0]], sems[b])

        def grp(g, carry):
            for b in range(NB):
                j = g * NB + b
                scat(j, b).start(add=True)
            for b in range(NB):
                scat(0, b).wait()
            return carry

        lax.fori_loop(0, CPT_F // NB, grp, 0)
        plsc.subcore_barrier()
        pltpu.sync_copy(acc.at[pl.ds(s * RPT, RPT)], deg_hbm.at[pl.ds(s * RPT, RPT)])


def _deg_call(sd_pad, z1):
    f = pl.kernel(
        _deg_body,
        out_type=jax.ShapeDtypeStruct((NPAD,), jnp.float32),
        mesh=_mesh,
        scratch_types=[
            pltpu.VMEM((CPT_F, 1, CH), jnp.int32),
            pltpu.VMEM((CH,), jnp.float32),
            pltpu.VMEM_SHARED((NPAD,), jnp.float32),
        ]
        + [pltpu.SemaphoreType.DMA] * NB,
    )
    return f(sd_pad, z1)


def _mp_common(cpt, chunk_base, y_hbm, sd_hbm, sdb, rows, acc, sems, stride=1):
    gs, ss, ix = sems[0:2], sems[2:4], sems[4:6]

    def idx(j, b):
        return pltpu.make_async_copy(sd_hbm.at[chunk_base + stride * j], sdb[b], ix[b])

    def gat(j, b):
        return pltpu.make_async_copy(y_hbm.at[sdb[b].at[0]], rows[b], gs[b])

    def scat(b):
        return pltpu.make_async_copy(rows[b], acc.at[sdb[b].at[1]], ss[b])

    plsc.subcore_barrier()
    idx(0, 0).start()
    idx(1, 1).start()
    idx(0, 0).wait()
    gat(0, 0).start()

    def grp(g, carry):
        for b in range(2):
            j = 2 * g + b
            gat(j, b).wait()
            scat(b).start(add=True)

            @pl.when(j + 2 < cpt)
            def _():
                idx(j + 2, b).start()

            @pl.when(j + 1 < cpt)
            def _():
                @pl.when(j >= 1)
                def _():
                    scat(1 - b).wait()

                idx(0, 1 - b).wait()
                gat(j + 1, 1 - b).start()

        return carry

    lax.fori_loop(0, cpt // 2, grp, 0)
    scat(0).wait()
    scat(1).wait()
    plsc.subcore_barrier()


def _mp_writeback(c, s, acc, s0_out, s1_out):
    @pl.when(c == 0)
    def _():
        pltpu.sync_copy(acc.at[pl.ds(s * RPT, RPT)], s0_out.at[pl.ds(s * RPT, RPT)])

    @pl.when(c == 1)
    def _():
        pltpu.sync_copy(acc.at[pl.ds(s * RPT, RPT)], s1_out.at[pl.ds(s * RPT, RPT)])


def _mp_body(hc, y0, y1, sd_hbm, s0_out, s1_out,
             sd0, sd1, r0, r1, acc, *sems):
    c = lax.axis_index("c")
    s = lax.axis_index("s")

    @pl.when(c == 0)
    def _():
        pltpu.sync_copy(y0.at[pl.ds(s * RPT, RPT)], acc.at[pl.ds(s * RPT, RPT)])
        _mp_common(CPT_F, s * CPT_F, y0, sd_hbm, (sd0, sd1), (r0, r1), acc, sems)

    @pl.when(c == 1)
    def _():
        pltpu.sync_copy(y1.at[pl.ds(s * RPT, RPT)], acc.at[pl.ds(s * RPT, RPT)])
        _mp_common(CPT_F, s * CPT_F, y1, sd_hbm, (sd0, sd1), (r0, r1), acc, sems)

    _mp_writeback(c, s, acc, s0_out, s1_out)


def _mp_call(hc, y0, y1, sd_pad):
    f = pl.kernel(
        functools.partial(_mp_body, hc),
        out_type=[jax.ShapeDtypeStruct((NPAD, hc), jnp.float32)] * 2,
        mesh=_mesh,
        scratch_types=[
            pltpu.VMEM((2, CH), jnp.int32),
            pltpu.VMEM((2, CH), jnp.int32),
            pltpu.VMEM((CH, hc), jnp.float32),
            pltpu.VMEM((CH, hc), jnp.float32),
            pltpu.VMEM_SHARED((NPAD, hc), jnp.float32),
        ]
        + [pltpu.SemaphoreType.DMA] * 6,
    )
    return f(y0, y1, sd_pad)


def _mp_edge_body(hc, y0, y1, sd_hbm, z_hbm, s0_out, s1_out,
                  sd0, sd1, r0, r1, acc, *sems):
    c = lax.axis_index("c")
    s = lax.axis_index("s")

    @pl.when(c == 0)
    def _():
        pltpu.sync_copy(y0.at[pl.ds(s * RPT, RPT)], acc.at[pl.ds(s * RPT, RPT)])
        _mp_common(CPT_E, NC * s * CPT_E, y0, sd_hbm, (sd0, sd1), (r0, r1),
                   acc, sems, stride=NC)

    @pl.when(c == 1)
    def _():
        pltpu.sync_copy(z_hbm.at[pl.ds(s * RPT, RPT)], acc.at[pl.ds(s * RPT, RPT)])
        _mp_common(CPT_E, NC * s * CPT_E + 1, y1, sd_hbm, (sd0, sd1), (r0, r1),
                   acc, sems, stride=NC)

    _mp_writeback(c, s, acc, s0_out, s1_out)


def _mp_edge_call(hc, y0, y1, sd_pad, z):
    f = pl.kernel(
        functools.partial(_mp_edge_body, hc),
        out_type=[jax.ShapeDtypeStruct((NPAD, hc), jnp.float32)] * 2,
        mesh=_mesh,
        scratch_types=[
            pltpu.VMEM((2, CH), jnp.int32),
            pltpu.VMEM((2, CH), jnp.int32),
            pltpu.VMEM((CH, hc), jnp.float32),
            pltpu.VMEM((CH, hc), jnp.float32),
            pltpu.VMEM_SHARED((NPAD, hc), jnp.float32),
        ]
        + [pltpu.SemaphoreType.DMA] * 6,
    )
    return f(y0, y1, sd_pad, z)



def _dis(deg_ref):
    return lax.rsqrt(deg_ref[...] + 1.0)


def _lin1_body(x_ref, w_ref, deg_ref, y0_ref, y1_ref):
    dis = _dis(deg_ref)
    y = jnp.dot(x_ref[...], w_ref[...], preferred_element_type=jnp.float32) * dis
    y0_ref[...] = y[:, : H2 // 2]
    y1_ref[...] = y[:, H2 // 2 :]


def _lin1_call(x_pad, w0, deg2):
    return pl.pallas_call(
        _lin1_body,
        grid=(GRID2,),
        in_specs=[
            pl.BlockSpec((RB2, D_IN), lambda i: (i, 0)),
            pl.BlockSpec((D_IN, H2), lambda i: (0, 0)),
            pl.BlockSpec((RB2, 1), lambda i: (i, 0)),
        ],
        out_specs=[
            pl.BlockSpec((RB2, H2 // 2), lambda i: (i, 0)),
            pl.BlockSpec((RB2, H2 // 2), lambda i: (i, 0)),
        ],
        out_shape=[jax.ShapeDtypeStruct((NPAD, H2 // 2), jnp.float32)] * 2,
    )(x_pad, w0, deg2)


def _mid_body(split_out, s0_ref, s1_ref, deg_ref, w_ref, b_ref, *out_refs):
    dis = _dis(deg_ref)
    h = jnp.concatenate([s0_ref[...], s1_ref[...]], axis=1)
    h = jax.nn.relu(dis * h + b_ref[...])
    y = jnp.dot(h, w_ref[...], preferred_element_type=jnp.float32) * dis
    row = pl.program_id(0) * RB2 + jax.lax.broadcasted_iota(
        jnp.int32, (RB2, 1), 0
    )
    y = jnp.where(row < N, y, 0.0)
    if split_out:
        hh = w_ref.shape[1] // 2
        out_refs[0][...] = y[:, :hh]
        out_refs[1][...] = y[:, hh:]
    else:
        out_refs[0][...] = y
        out_refs[1][...] = y


def _mid_call(s0, s1, deg2, w, b2d, split_out=True):
    hin = w.shape[0]
    hout = w.shape[1]
    if split_out:
        out_specs = [
            pl.BlockSpec((RB2, hout // 2), lambda i: (i, 0)),
            pl.BlockSpec((RB2, hout // 2), lambda i: (i, 0)),
        ]
        out_shape = [jax.ShapeDtypeStruct((NPAD, hout // 2), jnp.float32)] * 2
    else:
        out_specs = [
            pl.BlockSpec((RB2, hout), lambda i: (i, 0)),
            pl.BlockSpec((RB2, hout), lambda i: (i, 0)),
        ]
        out_shape = [jax.ShapeDtypeStruct((NPAD, hout), jnp.float32)] * 2
    return pl.pallas_call(
        functools.partial(_mid_body, split_out),
        grid=(GRID2,),
        in_specs=[
            pl.BlockSpec((RB2, hin // 2), lambda i: (i, 0)),
            pl.BlockSpec((RB2, hin // 2), lambda i: (i, 0)),
            pl.BlockSpec((RB2, 1), lambda i: (i, 0)),
            pl.BlockSpec((hin, hout), lambda i: (0, 0)),
            pl.BlockSpec((1, hin), lambda i: (0, 0)),
        ],
        out_specs=out_specs,
        out_shape=out_shape,
    )(s0, s1, deg2, w, b2d)


def _fin_body(s0_ref, s1_ref, deg_ref, b2_ref, wp_ref, bp_ref, out_ref):
    dis = _dis(deg_ref)
    h = s0_ref[...] + s1_ref[...]
    h = jax.nn.relu(dis * h + b2_ref[...])
    p = jax.nn.relu(
        jnp.dot(h, wp_ref[...], preferred_element_type=jnp.float32) + bp_ref[...]
    )
    nrm = jnp.sqrt(jnp.sum(p * p, axis=1, keepdims=True))
    out_ref[...] = p / jnp.maximum(nrm, 1e-12)


def _fin_call(s0, s1, deg2, b2d, wp, bp2d):
    return pl.pallas_call(
        _fin_body,
        grid=(GRID,),
        in_specs=[
            pl.BlockSpec((RB, HID), lambda i: (i, 0)),
            pl.BlockSpec((RB, HID), lambda i: (i, 0)),
            pl.BlockSpec((RB, 1), lambda i: (i, 0)),
            pl.BlockSpec((1, HID), lambda i: (0, 0)),
            pl.BlockSpec((HID, PROJ), lambda i: (0, 0)),
            pl.BlockSpec((1, PROJ), lambda i: (0, 0)),
        ],
        out_specs=pl.BlockSpec((RB, PROJ), lambda i: (i, 0)),
        out_shape=jax.ShapeDtypeStruct((N, PROJ), jnp.float32),
    )(s0, s1, deg2, b2d, wp, bp2d)



def kernel(x, edge_index1, W0, b0, W1, b1, W2, b2, Wp, bp):
    pad = E_PAD - E
    ar = jnp.arange(pad, dtype=jnp.int32)
    src_pad = jnp.concatenate([edge_index1[0], DUMMY + ar % (NPAD - N)])
    dst_pad = jnp.concatenate([edge_index1[1], ar % NPAD])
    sd_pad = jnp.stack(
        [src_pad.reshape(PADC, CH), dst_pad.reshape(PADC, CH)], axis=1
    )
    dd_pad = jnp.concatenate(
        [edge_index1[1], DUMMY + ar % (NPAD - N)]
    ).reshape(PADC, 1, CH)
    z1 = jnp.zeros((NPAD,), jnp.float32)
    z2 = jnp.zeros((NPAD, H2 // 2), jnp.float32)
    x_pad = jnp.concatenate([x, jnp.zeros((NPAD - N, D_IN), jnp.float32)])

    deg = _deg_call(dd_pad, z1)
    deg2 = deg[:, None]

    y0a, y0b = _lin1_call(x_pad, W0, deg2)
    s1a, s1b = _mp_call(H2 // 2, y0a, y0b, sd_pad)

    y1a, y1b = _mid_call(s1a, s1b, deg2, W1, b0[None, :])
    s2a, s2b = _mp_call(H2 // 2, y1a, y1b, sd_pad)

    y2a, y2b = _mid_call(s2a, s2b, deg2, W2, b1[None, :], split_out=False)
    s3a, s3b = _mp_edge_call(HID, y2a, y2b, sd_pad, z2)

    return _fin_call(s3a, s3b, deg2, b2[None, :], Wp, bp[None, :])

# --- scband reference (transcript-rebuilt; emitter-appended) ---
"""Pipeline reference for scband-sup-cg-3118146257545 (READ-ONLY COPY).

The authoritative reference and input builder live on the scoring server;
editing this copy changes nothing except your own understanding.
"""

import jax, jax.numpy as jnp
import numpy as np

N = 10000
E = 320000
D_IN = 128
H2 = 256
HID = 128
PROJ = 64


def setup_inputs(seed: int = 0) -> dict:
    key = jax.random.key(seed)
    ks = jax.random.split(key, 12)
    x = jax.random.normal(ks[0], (N, D_IN), dtype=jnp.float32)
    edge_index1 = jax.random.randint(ks[1], (2, E), 0, N, dtype=jnp.int32)
    W0 = jax.random.normal(ks[2], (D_IN, H2), dtype=jnp.float32) * 0.05
    b0 = jnp.zeros((H2,), dtype=jnp.float32)
    W1 = jax.random.normal(ks[3], (H2, H2), dtype=jnp.float32) * 0.05
    b1 = jnp.zeros((H2,), dtype=jnp.float32)
    W2 = jax.random.normal(ks[4], (H2, HID), dtype=jnp.float32) * 0.05
    b2 = jnp.zeros((HID,), dtype=jnp.float32)
    Wp = jax.random.normal(ks[5], (HID, PROJ), dtype=jnp.float32) * 0.05
    bp = jnp.zeros((PROJ,), dtype=jnp.float32)
    return {"x": x, "edge_index1": edge_index1, "W0": W0, "b0": b0, "W1": W1, "b1": b1, "W2": W2, "b2": b2, "Wp": Wp, "bp": bp}


def _gcn_conv(x, src, dst, W, b):
    # PyG GCNConv: x' = D^{-1/2} (A + I) D^{-1/2} X W + b  (self-loops already in src/dst)
    x = x @ W
    deg = jnp.zeros((N,), x.dtype).at[dst].add(1.0)
    dis = 1.0 / jnp.sqrt(jnp.maximum(deg, 1.0))
    norm = dis[src] * dis[dst]
    msg = x[src] * norm[:, None]
    out = jnp.zeros((N, x.shape[1]), x.dtype).at[dst].add(msg)
    return out + b


def reference(x, edge_index1, W0, b0, W1, b1, W2, b2, Wp, bp):
    loop = jnp.arange(N, dtype=edge_index1.dtype)
    src = jnp.concatenate([edge_index1[0], loop])
    dst = jnp.concatenate([edge_index1[1], loop])
    # GCN_Encoder.embed: num_layers GCNConv, each followed by ReLU (no dropout in embed)
    h = jax.nn.relu(_gcn_conv(x, src, dst, W0, b0))
    h = jax.nn.relu(_gcn_conv(h, src, dst, W1, b1))
    h = jax.nn.relu(_gcn_conv(h, src, dst, W2, b2))
    # Projection_Head (type='Linear'): single Linear + ReLU
    p = jax.nn.relu(h @ Wp + bp)
    # F.normalize(dim=1)
    nrm = jnp.linalg.norm(p, axis=1, keepdims=True)
    return p / jnp.maximum(nrm, 1e-12)

if __name__ == "__main__":
    import jax
    _d = setup_inputs()
    print(jax.jit(kernel)(*tuple(_d.values())))

</pallas_src>

<mosaic_0001>
#map = affine_map<(d0, d1) -> (0, 0)>
#map1 = affine_map<(d0, d1) -> (0, 0, 0)>
module attributes {stable_mosaic.version = 14 : i64} {
  func.func @_mp_body(%arg0: i32, %arg1: i32, %arg2: memref<10240x128xf32, #tpu.memory_space<hbm>>, %arg3: memref<10240x128xf32, #tpu.memory_space<hbm>>, %arg4: memref<2560x2x128xi32, #tpu.memory_space<hbm>>, %arg5: memref<10240x128xf32, #tpu.memory_space<hbm>>, %arg6: memref<10240x128xf32, #tpu.memory_space<hbm>>, %arg7: memref<2x128xi32, #tpu.memory_space<vmem>>, %arg8: memref<2x128xi32, #tpu.memory_space<vmem>>, %arg9: memref<128x128xf32, #tpu.memory_space<vmem>>, %arg10: memref<128x128xf32, #tpu.memory_space<vmem>>, %arg11: memref<10240x128xf32, #tpu.memory_space<vmem_shared>>, %arg12: memref<!tpu.dma_semaphore, #tpu.memory_space<semaphore_mem>>, %arg13: memref<!tpu.dma_semaphore, #tpu.memory_space<semaphore_mem>>, %arg14: memref<!tpu.dma_semaphore, #tpu.memory_space<semaphore_mem>>, %arg15: memref<!tpu.dma_semaphore, #tpu.memory_space<semaphore_mem>>, %arg16: memref<!tpu.dma_semaphore, #tpu.memory_space<semaphore_mem>>, %arg17: memref<!tpu.dma_semaphore, #tpu.memory_space<semaphore_mem>>) attributes {dimension_semantics = [#tpu.dimension_semantics<core_parallel>, #tpu.dimension_semantics<subcore_parallel>], iteration_bounds = array<i64: 2, 16>, scalar_prefetch = 0 : i64, scratch_operands = 11 : i64, tpu.core_type = #tpu.core_type<sc_vector_subcore>, window_params = [{transform_indices = #map}, {transform_indices = #map}, {transform_indices = #map1}, {transform_indices = #map}, {transform_indices = #map}]} {
    %eq3A = arith.constant 0 : i32
    %eq3A_0 = arith.cmpi eq, %arg0, %eq3A : i32
    %convert_element_type3A = arith.extui %eq3A_0 : i1 to i32
    %cond3A = arith.constant 0 : i32
    %cond3A_1 = arith.cmpi ne, %convert_element_type3A, %cond3A : i32
    scf.if %cond3A_1 {
      %mul3A = arith.constant 640 : i32
      %mul3A_17 = arith.muli %arg1, %mul3A : i32
      %mul3A_18 = arith.constant 640 : i32
      %mul3A_19 = arith.muli %arg1, %mul3A_18 : i32
      "tpu.region"() ({
        %run_scoped3A = tpu.sem_alloc : memref<!tpu.dma_semaphore, #tpu.memory_space<semaphore_mem>>
        %dma_start3A_76 = arith.constant 0 : i32
        %dma_start3A_77 = tpu.memref_slice %arg11[%mul3A_19, %dma_start3A_76] : memref<10240x128xf32, #tpu.memory_space<vmem_shared>> -> memref<640x128xf32, #tpu.memory_space<vmem_shared>>
        %dma_start3A_78 = arith.constant 0 : i32
        %dma_start3A_79 = tpu.memref_slice %arg2[%mul3A_17, %dma_start3A_78] : memref<10240x128xf32, #tpu.memory_space<hbm>> -> memref<640x128xf32, #tpu.memory_space<hbm>>
        tpu.enqueue_dma source(%dma_start3A_79 : memref<640x128xf32, #tpu.memory_space<hbm>>) target(%dma_start3A_77 : memref<640x128xf32, #tpu.memory_space<vmem_shared>>) target_semaphore(%run_scoped3A : memref<!tpu.dma_semaphore, #tpu.memory_space<semaphore_mem>>)
        %dma_wait3A_80 = arith.constant 0 : i32
        %dma_wait3A_81 = tpu.memref_slice %arg11[%mul3A_19, %dma_wait3A_80] : memref<10240x128xf32, #tpu.memory_space<vmem_shared>> -> memref<640x128xf32, #tpu.memory_space<vmem_shared>>
        %dma_wait3A_82 = arith.constant 0 : i32
        %dma_wait3A_83 = tpu.memref_slice %arg2[%mul3A_17, %dma_wait3A_82] : memref<10240x128xf32, #tpu.memory_space<hbm>> -> memref<640x128xf32, #tpu.memory_space<hbm>>
        tpu.wait_dma2 semaphore(%run_scoped3A : memref<!tpu.dma_semaphore, #tpu.memory_space<semaphore_mem>>) src(%dma_wait3A_83 : memref<640x128xf32, #tpu.memory_space<hbm>>) dst(%dma_wait3A_81 : memref<640x128xf32, #tpu.memory_space<vmem_shared>>)
        tpu.yield
      }) : () -> ()
      %mul3A_20 = arith.constant 160 : i32
      %mul3A_21 = arith.muli %arg1, %mul3A_20 : i32
      %barrier3A = arith.constant 0 : index
      tpu.barrier barrier_id(%barrier3A)
      %add3A = arith.constant 0 : i32
      %add3A_22 = arith.addi %mul3A_21, %add3A : i32
      %dma_start3A = arith.constant 0 : i32
      %dma_start3A_23 = arith.constant 0 : i32
      %dma_start3A_24 = tpu.memref_slice %arg4[%add3A_22, %dma_start3A, %dma_start3A_23] : memref<2560x2x128xi32, #tpu.memory_space<hbm>> -> memref<1x2x128xi32, #tpu.memory_space<hbm>>
      %dma_start3A_25 = tpu.memref_squeeze %dma_start3A_24 : memref<1x2x128xi32, #tpu.memory_space<hbm>> -> memref<2x128xi32, #tpu.memory_space<hbm>>
      %dma_start3A_26 = arith.constant 0 : i32
      %dma_start3A_27 = arith.constant 0 : i32
      %dma_start3A_28 = tpu.memref_slice %arg4[%add3A_22, %dma_start3A_26, %dma_start3A_27] : memref<2560x2x128xi32, #tpu.memory_space<hbm>> -> memref<1x2x128xi32, #tpu.memory_space<hbm>>
      %dma_start3A_29 = tpu.memref_squeeze %dma_start3A_28 : memref<1x2x128xi32, #tpu.memory_space<hbm>> -> memref<2x128xi32, #tpu.memory_space<hbm>>
      tpu.enqueue_dma source(%dma_start3A_29 : memref<2x128xi32, #tpu.memory_space<hbm>>) target(%arg7 : memref<2x128xi32, #tpu.memory_space<vmem>>) target_semaphore(%arg16 : memref<!tpu.dma_semaphore, #tpu.memory_space<semaphore_mem>>)
      %add3A_30 = arith.constant 1 : i32
      %add3A_31 = arith.addi %mul3A_21, %add3A_30 : i32
      %dma_start3A_32 = arith.constant 0 : i32
      %dma_start3A_33 = arith.constant 0 : i32
      %dma_start3A_34 = tpu.memref_slice %arg4[%add3A_31, %dma_start3A_32, %dma_start3A_33] : memref<2560x2x128xi32, #tpu.memory_space<hbm>> -> memref<1x2x128xi32, #tpu.memory_space<hbm>>
      %dma_start3A_35 = tpu.memref_squeeze %dma_start3A_34 : memref<1x2x128xi32, #tpu.memory_space<hbm>> -> memref<2x128xi32, #tpu.memory_space<hbm>>
      %dma_start3A_36 = arith.constant 0 : i32
      %dma_start3A_37 = arith.constant 0 : i32
      %dma_start3A_38 = tpu.memref_slice %arg4[%add3A_31, %dma_start3A_36, %dma_start3A_37] : memref<2560x2x128xi32, #tpu.memory_space<hbm>> -> memref<1x2x128xi32, #tpu.memory_space<hbm>>
      %dma_start3A_39 = tpu.memref_squeeze %dma_start3A_38 : memref<1x2x128xi32, #tpu.memory_space<hbm>> -> memref<2x128xi32, #tpu.memory_space<hbm>>
      tpu.enqueue_dma source(%dma_start3A_39 : memref<2x128xi32, #tpu.memory_space<hbm>>) target(%arg8 : memref<2x128xi32, #tpu.memory_space<vmem>>) target_semaphore(%arg17 : memref<!tpu.dma_semaphore, #tpu.memory_space<semaphore_mem>>)
      %add3A_40 = arith.constant 0 : i32
      %add3A_41 = arith.addi %mul3A_21, %add3A_40 : i32
      %dma_wait3A = arith.constant 0 : i32
      %dma_wait3A_42 = arith.constant 0 : i32
      %dma_wait3A_43 = tpu.memref_slice %arg4[%add3A_41, %dma_wait3A, %dma_wait3A_42] : memref<2560x2x128xi32, #tpu.memory_space<hbm>> -> memref<1x2x128xi32, #tpu.memory_space<hbm>>
      %dma_wait3A_44 = tpu.memref_squeeze %dma_wait3A_43 : memref<1x2x128xi32, #tpu.memory_space<hbm>> -> memref<2x128xi32, #tpu.memory_space<hbm>>
      %dma_wait3A_45 = arith.constant 0 : i32
      %dma_wait3A_46 = arith.constant 0 : i32
      %dma_wait3A_47 = tpu.memref_slice %arg4[%add3A_41, %dma_wait3A_45, %dma_wait3A_46] : memref<2560x2x128xi32, #tpu.memory_space<hbm>> -> memref<1x2x128xi32, #tpu.memory_space<hbm>>
      %dma_wait3A_48 = tpu.memref_squeeze %dma_wait3A_47 : memref<1x2x128xi32, #tpu.memory_space<hbm>> -> memref<2x128xi32, #tpu.memory_space<hbm>>
      tpu.wait_dma2 semaphore(%arg16 : memref<!tpu.dma_semaphore, #tpu.memory_space<semaphore_mem>>) src(%dma_wait3A_48 : memref<2x128xi32, #tpu.memory_space<hbm>>) dst(%arg7 : memref<2x128xi32, #tpu.memory_space<vmem>>)
      %dma_start3A_49 = arith.constant 0 : i32
      %dma_start3A_50 = arith.constant 0 : i32
      %dma_start3A_51 = tpu.memref_slice %arg7[%dma_start3A_49, %dma_start3A_50] : memref<2x128xi32, #tpu.memory_space<vmem>> -> memref<1x128xi32, #tpu.memory_space<vmem>>
      %dma_start3A_52 = tpu.memref_squeeze %dma_start3A_51 : memref<1x128xi32, #tpu.memory_space<vmem>> -> memref<128xi32, #tpu.memory_space<vmem>>
      %dma_start3A_53 = arith.constant 0 : i32
      %dma_start3A_54 = arith.constant 0 : i32
      %dma_start3A_55 = tpu.memref_slice %arg2[%dma_start3A_53, %dma_start3A_54] : memref<10240x128xf32, #tpu.memory_space<hbm>> -> memref<10240x128xf32, #tpu.memory_space<hbm>>
      tpu.enqueue_indirect_dma source(%dma_start3A_55 : memref<10240x128xf32, #tpu.memory_space<hbm>>) target(%arg9 : memref<128x128xf32, #tpu.memory_space<vmem>>) offsets(%dma_start3A_52 : memref<128xi32, #tpu.memory_space<vmem>>) semaphore(%arg12 : memref<!tpu.dma_semaphore, #tpu.memory_space<semaphore_mem>>)
      %scan3A = arith.constant 0 : i32
      %scan3A_56 = arith.constant 0 : i32
      %scan3A_57 = arith.constant 80 : i32
      %scan3A_58 = arith.addi %scan3A_56, %scan3A_57 : i32
      %scan3A_59 = arith.constant 1 : i32
      scf.for %scan3A_76 = %scan3A_56 to %scan3A_58 step %scan3A_59  : i32 {
        %mul3A_77 = arith.constant 2 : i32
        %mul3A_78 = arith.muli %mul3A_77, %scan3A_76 : i32
        %add3A_79 = arith.constant 0 : i32
        %add3A_80 = arith.addi %mul3A_78, %add3A_79 : i32
        %dma_wait3A_81 = arith.constant 0 : i32
        %dma_wait3A_82 = arith.constant 0 : i32
        %dma_wait3A_83 = tpu.memref_slice %arg7[%dma_wait3A_81, %dma_wait3A_82] : memref<2x128xi32, #tpu.memory_space<vmem>> -> memref<1x128xi32, #tpu.memory_space<vmem>>
        %dma_wait3A_84 = tpu.memref_squeeze %dma_wait3A_83 : memref<1x128xi32, #tpu.memory_space<vmem>> -> memref<128xi32, #tpu.memory_space<vmem>>
        %dma_wait3A_85 = arith.constant 0 : i32
        %dma_wait3A_86 = arith.constant 0 : i32
        %dma_wait3A_87 = tpu.memref_slice %arg2[%dma_wait3A_85, %dma_wait3A_86] : memref<10240x128xf32, #tpu.memory_space<hbm>> -> memref<10240x128xf32, #tpu.memory_space<hbm>>
        tpu.wait_indirect_dma semaphore(%arg12 : memref<!tpu.dma_semaphore, #tpu.memory_space<semaphore_mem>>) src(%dma_wait3A_87 : memref<10240x128xf32, #tpu.memory_space<hbm>>) dst(%arg9 : memref<128x128xf32, #tpu.memory_space<vmem>>)
        %dma_start3A_88 = arith.constant 1 : i32
        %dma_start3A_89 = arith.constant 0 : i32
        %dma_start3A_90 = tpu.memref_slice %arg7[%dma_start3A_88, %dma_start3A_89] : memref<2x128xi32, #tpu.memory_space<vmem>> -> memref<1x128xi32, #tpu.memory_space<vmem>>
        %dma_start3A_91 = tpu.memref_squeeze %dma_start3A_90 : memref<1x128xi32, #tpu.memory_space<vmem>> -> memref<128xi32, #tpu.memory_space<vmem>>
        %dma_start3A_92 = arith.constant 0 : i32
        %dma_start3A_93 = arith.constant 0 : i32
        %dma_start3A_94 = tpu.memref_slice %arg11[%dma_start3A_92, %dma_start3A_93] : memref<10240x128xf32, #tpu.memory_space<vmem_shared>> -> memref<10240x128xf32, #tpu.memory_space<vmem_shared>>
        tpu.enqueue_indirect_dma source(%arg9 : memref<128x128xf32, #tpu.memory_space<vmem>>) target(%dma_start3A_94 : memref<10240x128xf32, #tpu.memory_space<vmem_shared>>) offsets(%dma_start3A_91 : memref<128xi32, #tpu.memory_space<vmem>>) semaphore(%arg14 : memref<!tpu.dma_semaphore, #tpu.memory_space<semaphore_mem>>) {add = true}
        %add3A_95 = arith.constant 2 : i32
        %add3A_96 = arith.addi %add3A_80, %add3A_95 : i32
        %lt3A = arith.constant 160 : i32
        %lt3A_97 = arith.cmpi slt, %add3A_96, %lt3A : i32
        %convert_element_type3A_98 = arith.extui %lt3A_97 : i1 to i32
        %cond3A_99 = arith.constant 0 : i32
        %cond3A_100 = arith.cmpi ne, %convert_element_type3A_98, %cond3A_99 : i32
        scf.if %cond3A_100 {
          %add3A_140 = arith.constant 2 : i32
          %add3A_141 = arith.addi %add3A_80, %add3A_140 : i32
          %mul3A_142 = arith.constant 1 : i32
          %mul3A_143 = arith.muli %mul3A_142, %add3A_141 : i32
          %add3A_144 = arith.addi %mul3A_21, %mul3A_143 : i32
          %dma_start3A_145 = arith.constant 0 : i32
          %dma_start3A_146 = arith.constant 0 : i32
          %dma_start3A_147 = tpu.memref_slice %arg4[%add3A_144, %dma_start3A_145, %dma_start3A_146] : memref<2560x2x128xi32, #tpu.memory_space<hbm>> -> memref<1x2x128xi32, #tpu.memory_space<hbm>>
          %dma_start3A_148 = tpu.memref_squeeze %dma_start3A_147 : memref<1x2x128xi32, #tpu.memory_space<hbm>> -> memref<2x128xi32, #tpu.memory_space<hbm>>
          %dma_start3A_149 = arith.constant 0 : i32
          %dma_start3A_150 = arith.constant 0 : i32
          %dma_start3A_151 = tpu.memref_slice %arg4[%add3A_144, %dma_start3A_149, %dma_start3A_150] : memref<2560x2x128xi32, #tpu.memory_space<hbm>> -> memref<1x2x128xi32, #tpu.memory_space<hbm>>
          %dma_start3A_152 = tpu.memref_squeeze %dma_start3A_151 : memref<1x2x128xi32, #tpu.memory_space<hbm>> -> memref<2x128xi32, #tpu.memory_space<hbm>>
          tpu.enqueue_dma source(%dma_start3A_152 : memref<2x128xi32, #tpu.memory_space<hbm>>) target(%arg7 : memref<2x128xi32, #tpu.memory_space<vmem>>) target_semaphore(%arg16 : memref<!tpu.dma_semaphore, #tpu.memory_space<semaphore_mem>>)
        } else {
        }
        %add3A_101 = arith.constant 1 : i32
        %add3A_102 = arith.addi %add3A_80, %add3A_101 : i32
        %lt3A_103 = arith.constant 160 : i32
        %lt3A_104 = arith.cmpi slt, %add3A_102, %lt3A_103 : i32
        %convert_element_type3A_105 = arith.extui %lt3A_104 : i1 to i32
        %cond3A_106 = arith.constant 0 : i32
        %cond3A_107 = arith.cmpi ne, %convert_element_type3A_105, %cond3A_106 : i32
        scf.if %cond3A_107 {
          %ge3A = arith.constant 1 : i32
          %ge3A_140 = arith.cmpi sge, %add3A_80, %ge3A : i32
          %convert_element_type3A_141 = arith.extui %ge3A_140 : i1 to i32
          %cond3A_142 = arith.constant 0 : i32
          %cond3A_143 = arith.cmpi ne, %convert_element_type3A_141, %cond3A_142 : i32
          scf.if %cond3A_143 {
            %dma_wait3A_163 = arith.constant 1 : i32
            %dma_wait3A_164 = arith.constant 0 : i32
            %dma_wait3A_165 = tpu.memref_slice %arg8[%dma_wait3A_163, %dma_wait3A_164] : memref<2x128xi32, #tpu.memory_space<vmem>> -> memref<1x128xi32, #tpu.memory_space<vmem>>
            %dma_wait3A_166 = tpu.memref_squeeze %dma_wait3A_165 : memref<1x128xi32, #tpu.memory_space<vmem>> -> memref<128xi32, #tpu.memory_space<vmem>>
            %dma_wait3A_167 = arith.constant 0 : i32
            %dma_wait3A_168 = arith.constant 0 : i32
            %dma_wait3A_169 = tpu.memref_slice %arg11[%dma_wait3A_167, %dma_wait3A_168] : memref<10240x128xf32, #tpu.memory_space<vmem_shared>> -> memref<10240x128xf32, #tpu.memory_space<vmem_shared>>
            tpu.wait_indirect_dma semaphore(%arg15 : memref<!tpu.dma_semaphore, #tpu.memory_space<semaphore_mem>>) src(%arg10 : memref<128x128xf32, #tpu.memory_space<vmem>>) dst(%dma_wait3A_169 : memref<10240x128xf32, #tpu.memory_space<vmem_shared>>)
          } else {
          }
          %add3A_144 = arith.constant 0 : i32
          %add3A_145 = arith.addi %mul3A_21, %add3A_144 : i32
          %dma_wait3A_146 = arith.constant 0 : i32
          %dma_wait3A_147 = arith.constant 0 : i32
          %dma_wait3A_148 = tpu.memref_slice %arg4[%add3A_145, %dma_wait3A_146, %dma_wait3A_147] : memref<2560x2x128xi32, #tpu.memory_space<hbm>> -> memref<1x2x128xi32, #tpu.memory_space<hbm>>
          %dma_wait3A_149 = tpu.memref_squeeze %dma_wait3A_148 : memref<1x2x128xi32, #tpu.memory_space<hbm>> -> memref<2x128xi32, #tpu.memory_space<hbm>>
          %dma_wait3A_150 = arith.constant 0 : i32
          %dma_wait3A_151 = arith.constant 0 : i32
          %dma_wait3A_152 = tpu.memref_slice %arg4[%add3A_145, %dma_wait3A_150, %dma_wait3A_151] : memref<2560x2x128xi32, #tpu.memory_space<hbm>> -> memref<1x2x128xi32, #tpu.memory_space<hbm>>
          %dma_wait3A_153 = tpu.memref_squeeze %dma_wait3A_152 : memref<1x2x128xi32, #tpu.memory_space<hbm>> -> memref<2x128xi32, #tpu.memory_space<hbm>>
          tpu.wait_dma2 semaphore(%arg17 : memref<!tpu.dma_semaphore, #tpu.memory_space<semaphore_mem>>) src(%dma_wait3A_153 : memref<2x128xi32, #tpu.memory_space<hbm>>) dst(%arg8 : memref<2x128xi32, #tpu.memory_space<vmem>>)
          %add3A_154 = arith.constant 1 : i32
          %add3A_155 = arith.addi %add3A_80, %add3A_154 : i32
          %dma_start3A_156 = arith.constant 0 : i32
          %dma_start3A_157 = arith.constant 0 : i32
          %dma_start3A_158 = tpu.memref_slice %arg8[%dma_start3A_156, %dma_start3A_157] : memref<2x128xi32, #tpu.memory_space<vmem>> -> memref<1x128xi32, #tpu.memory_space<vmem>>
          %dma_start3A_159 = tpu.memref_squeeze %dma_start3A_158 : memref<1x128xi32, #tpu.memory_space<vmem>> -> memref<128xi32, #tpu.memory_space<vmem>>
          %dma_start3A_160 = arith.constant 0 : i32
          %dma_start3A_161 = arith.constant 0 : i32
          %dma_start3A_162 = tpu.memref_slice %arg2[%dma_start3A_160, %dma_start3A_161] : memref<10240x128xf32, #tpu.memory_space<hbm>> -> memref<10240x128xf32, #tpu.memory_space<hbm>>
          tpu.enqueue_indirect_dma source(%dma_start3A_162 : memref<10240x128xf32, #tpu.memory_space<hbm>>) target(%arg10 : memref<128x128xf32, #tpu.memory_space<vmem>>) offsets(%dma_start3A_159 : memref<128xi32, #tpu.memory_space<vmem>>) semaphore(%arg13 : memref<!tpu.dma_semaphore, #tpu.memory_space<semaphore_mem>>)
        } else {
        }
        %mul3A_108 = arith.constant 2 : i32
        %mul3A_109 = arith.muli %mul3A_108, %scan3A_76 : i32
        %add3A_110 = arith.constant 1 : i32
        %add3A_111 = arith.addi %mul3A_109, %add3A_110 : i32
        %dma_wait3A_112 = arith.constant 0 : i32
        %dma_wait3A_113 = arith.constant 0 : i32
        %dma_wait3A_114 = tpu.memref_slice %arg8[%dma_wait3A_112, %dma_wait3A_113] : memref<2x128xi32, #tpu.memory_space<vmem>> -> memref<1x128xi32, #tpu.memory_space<vmem>>
        %dma_wait3A_115 = tpu.memref_squeeze %dma_wait3A_114 : memref<1x128xi32, #tpu.memory_space<vmem>> -> memref<128xi32, #tpu.memory_space<vmem>>
        %dma_wait3A_116 = arith.constant 0 : i32
        %dma_wait3A_117 = arith.constant 0 : i32
        %dma_wait3A_118 = tpu.memref_slice %arg2[%dma_wait3A_116, %dma_wait3A_117] : memref<10240x128xf32, #tpu.memory_space<hbm>> -> memref<10240x128xf32, #tpu.memory_space<hbm>>
        tpu.wait_indirect_dma semaphore(%arg13 : memref<!tpu.dma_semaphore, #tpu.memory_space<semaphore_mem>>) src(%dma_wait3A_118 : memref<10240x128xf32, #tpu.memory_space<hbm>>) dst(%arg10 : memref<128x128xf32, #tpu.memory_space<vmem>>)
        %dma_start3A_119 = arith.constant 1 : i32
        %dma_start3A_120 = arith.constant 0 : i32
        %dma_start3A_121 = tpu.memref_slice %arg8[%dma_start3A_119, %dma_start3A_120] : memref<2x128xi32, #tpu.memory_space<vmem>> -> memref<1x128xi32, #tpu.memory_space<vmem>>
        %dma_start3A_122 = tpu.memref_squeeze %dma_start3A_121 : memref<1x128xi32, #tpu.memory_space<vmem>> -> memref<128xi32, #tpu.memory_space<vmem>>
        %dma_start3A_123 = arith.constant 0 : i32
        %dma_start3A_124 = arith.constant 0 : i32
        %dma_start3A_125 = tpu.memref_slice %arg11[%dma_start3A_123, %dma_start3A_124] : memref<10240x128xf32, #tpu.memory_space<vmem_shared>> -> memref<10240x128xf32, #tpu.memory_space<vmem_shared>>
        tpu.enqueue_indirect_dma source(%arg10 : memref<128x128xf32, #tpu.memory_space<vmem>>) target(%dma_start3A_125 : memref<10240x128xf32, #tpu.memory_space<vmem_shared>>) offsets(%dma_start3A_122 : memref<128xi32, #tpu.memory_space<vmem>>) semaphore(%arg15 : memref<!tpu.dma_semaphore, #tpu.memory_space<semaphore_mem>>) {add = true}
        %add3A_126 = arith.constant 2 : i32
        %add3A_127 = arith.addi %add3A_111, %add3A_126 : i32
        %lt3A_128 = arith.constant 160 : i32
        %lt3A_129 = arith.cmpi slt, %add3A_127, %lt3A_128 : i32
        %convert_element_type3A_130 = arith.extui %lt3A_129 : i1 to i32
        %cond3A_131 = arith.constant 0 : i32
        %cond3A_132 = arith.cmpi ne, %convert_element_type3A_130, %cond3A_131 : i32
        scf.if %cond3A_132 {
          %add3A_140 = arith.constant 2 : i32
          %add3A_141 = arith.addi %add3A_111, %add3A_140 : i32
          %mul3A_142 = arith.constant 1 : i32
          %mul3A_143 = arith.muli %mul3A_142, %add3A_141 : i32
          %add3A_144 = arith.addi %mul3A_21, %mul3A_143 : i32
          %dma_start3A_145 = arith.constant 0 : i32
          %dma_start3A_146 = arith.constant 0 : i32
          %dma_start3A_147 = tpu.memref_slice %arg4[%add3A_144, %dma_start3A_145, %dma_start3A_146] : memref<2560x2x128xi32, #tpu.memory_space<hbm>> -> memref<1x2x128xi32, #tpu.memory_space<hbm>>
          %dma_start3A_148 = tpu.memref_squeeze %dma_start3A_147 : memref<1x2x128xi32, #tpu.memory_space<hbm>> -> memref<2x128xi32, #tpu.memory_space<hbm>>
          %dma_start3A_149 = arith.constant 0 : i32
          %dma_start3A_150 = arith.constant 0 : i32
          %dma_start3A_151 = tpu.memref_slice %arg4[%add3A_144, %dma_start3A_149, %dma_start3A_150] : memref<2560x2x128xi32, #tpu.memory_space<hbm>> -> memref<1x2x128xi32, #tpu.memory_space<hbm>>
          %dma_start3A_152 = tpu.memref_squeeze %dma_start3A_151 : memref<1x2x128xi32, #tpu.memory_space<hbm>> -> memref<2x128xi32, #tpu.memory_space<hbm>>
          tpu.enqueue_dma source(%dma_start3A_152 : memref<2x128xi32, #tpu.memory_space<hbm>>) target(%arg8 : memref<2x128xi32, #tpu.memory_space<vmem>>) target_semaphore(%arg17 : memref<!tpu.dma_semaphore, #tpu.memory_space<semaphore_mem>>)
        } else {
        }
        %add3A_133 = arith.constant 1 : i32
        %add3A_134 = arith.addi %add3A_111, %add3A_133 : i32
        %lt3A_135 = arith.constant 160 : i32
        %lt3A_136 = arith.cmpi slt, %add3A_134, %lt3A_135 : i32
        %convert_element_type3A_137 = arith.extui %lt3A_136 : i1 to i32
        %cond3A_138 = arith.constant 0 : i32
        %cond3A_139 = arith.cmpi ne, %convert_element_type3A_137, %cond3A_138 : i32
        scf.if %cond3A_139 {
          %ge3A = arith.constant 1 : i32
          %ge3A_140 = arith.cmpi sge, %add3A_111, %ge3A : i32
          %convert_element_type3A_141 = arith.extui %ge3A_140 : i1 to i32
          %cond3A_142 = arith.constant 0 : i32
          %cond3A_143 = arith.cmpi ne, %convert_element_type3A_141, %cond3A_142 : i32
          scf.if %cond3A_143 {
            %dma_wait3A_163 = arith.constant 1 : i32
            %dma_wait3A_164 = arith.constant 0 : i32
            %dma_wait3A_165 = tpu.memref_slice %arg7[%dma_wait3A_163, %dma_wait3A_164] : memref<2x128xi32, #tpu.memory_space<vmem>> -> memref<1x128xi32, #tpu.memory_space<vmem>>
            %dma_wait3A_166 = tpu.memref_squeeze %dma_wait3A_165 : memref<1x128xi32, #tpu.memory_space<vmem>> -> memref<128xi32, #tpu.memory_space<vmem>>
            %dma_wait3A_167 = arith.constant 0 : i32
            %dma_wait3A_168 = arith.constant 0 : i32
            %dma_wait3A_169 = tpu.memref_slice %arg11[%dma_wait3A_167, %dma_wait3A_168] : memref<10240x128xf32, #tpu.memory_space<vmem_shared>> -> memref<10240x128xf32, #tpu.memory_space<vmem_shared>>
            tpu.wait_indirect_dma semaphore(%arg14 : memref<!tpu.dma_semaphore, #tpu.memory_space<semaphore_mem>>) src(%arg9 : memref<128x128xf32, #tpu.memory_space<vmem>>) dst(%dma_wait3A_169 : memref<10240x128xf32, #tpu.memory_space<vmem_shared>>)
          } else {
          }
          %add3A_144 = arith.constant 0 : i32
          %add3A_145 = arith.addi %mul3A_21, %add3A_144 : i32
          %dma_wait3A_146 = arith.constant 0 : i32
          %dma_wait3A_147 = arith.constant 0 : i32
          %dma_wait3A_148 = tpu.memref_slice %arg4[%add3A_145, %dma_wait3A_146, %dma_wait3A_147] : memref<2560x2x128xi32, #tpu.memory_space<hbm>> -> memref<1x2x128xi32, #tpu.memory_space<hbm>>
          %dma_wait3A_149 = tpu.memref_squeeze %dma_wait3A_148 : memref<1x2x128xi32, #tpu.memory_space<hbm>> -> memref<2x128xi32, #tpu.memory_space<hbm>>
          %dma_wait3A_150 = arith.constant 0 : i32
          %dma_wait3A_151 = arith.constant 0 : i32
          %dma_wait3A_152 = tpu.memref_slice %arg4[%add3A_145, %dma_wait3A_150, %dma_wait3A_151] : memref<2560x2x128xi32, #tpu.memory_space<hbm>> -> memref<1x2x128xi32, #tpu.memory_space<hbm>>
          %dma_wait3A_153 = tpu.memref_squeeze %dma_wait3A_152 : memref<1x2x128xi32, #tpu.memory_space<hbm>> -> memref<2x128xi32, #tpu.memory_space<hbm>>
          tpu.wait_dma2 semaphore(%arg16 : memref<!tpu.dma_semaphore, #tpu.memory_space<semaphore_mem>>) src(%dma_wait3A_153 : memref<2x128xi32, #tpu.memory_space<hbm>>) dst(%arg7 : memref<2x128xi32, #tpu.memory_space<vmem>>)
          %add3A_154 = arith.constant 1 : i32
          %add3A_155 = arith.addi %add3A_111, %add3A_154 : i32
          %dma_start3A_156 = arith.constant 0 : i32
          %dma_start3A_157 = arith.constant 0 : i32
          %dma_start3A_158 = tpu.memref_slice %arg7[%dma_start3A_156, %dma_start3A_157] : memref<2x128xi32, #tpu.memory_space<vmem>> -> memref<1x128xi32, #tpu.memory_space<vmem>>
          %dma_start3A_159 = tpu.memref_squeeze %dma_start3A_158 : memref<1x128xi32, #tpu.memory_space<vmem>> -> memref<128xi32, #tpu.memory_space<vmem>>
          %dma_start3A_160 = arith.constant 0 : i32
          %dma_start3A_161 = arith.constant 0 : i32
          %dma_start3A_162 = tpu.memref_slice %arg2[%dma_start3A_160, %dma_start3A_161] : memref<10240x128xf32, #tpu.memory_space<hbm>> -> memref<10240x128xf32, #tpu.memory_space<hbm>>
          tpu.enqueue_indirect_dma source(%dma_start3A_162 : memref<10240x128xf32, #tpu.memory_space<hbm>>) target(%arg9 : memref<128x128xf32, #tpu.memory_space<vmem>>) offsets(%dma_start3A_159 : memref<128xi32, #tpu.memory_space<vmem>>) semaphore(%arg12 : memref<!tpu.dma_semaphore, #tpu.memory_space<semaphore_mem>>)
        } else {
        }
      }
      %scan3A_60 = arith.constant 80 : i32
      %dma_wait3A_61 = arith.constant 1 : i32
      %dma_wait3A_62 = arith.constant 0 : i32
      %dma_wait3A_63 = tpu.memref_slice %arg7[%dma_wait3A_61, %dma_wait3A_62] : memref<2x128xi32, #tpu.memory_space<vmem>> -> memref<1x128xi32, #tpu.memory_space<vmem>>
      %dma_wait3A_64 = tpu.memref_squeeze %dma_wait3A_63 : memref<1x128xi32, #tpu.memory_space<vmem>> -> memref<128xi32, #tpu.memory_space<vmem>>
      %dma_wait3A_65 = arith.constant 0 : i32
      %dma_wait3A_66 = arith.constant 0 : i32
      %dma_wait3A_67 = tpu.memref_slice %arg11[%dma_wait3A_65, %dma_wait3A_66] : memref<10240x128xf32, #tpu.memory_space<vmem_shared>> -> memref<10240x128xf32, #tpu.memory_space<vmem_shared>>
      tpu.wait_indirect_dma semaphore(%arg14 : memref<!tpu.dma_semaphore, #tpu.memory_space<semaphore_mem>>) src(%arg9 : memref<128x128xf32, #tpu.memory_space<vmem>>) dst(%dma_wait3A_67 : memref<10240x128xf32, #tpu.memory_space<vmem_shared>>)
      %dma_wait3A_68 = arith.constant 1 : i32
      %dma_wait3A_69 = arith.constant 0 : i32
      %dma_wait3A_70 = tpu.memref_slice %arg8[%dma_wait3A_68, %dma_wait3A_69] : memref<2x128xi32, #tpu.memory_space<vmem>> -> memref<1x128xi32, #tpu.memory_space<vmem>>
      %dma_wait3A_71 = tpu.memref_squeeze %dma_wait3A_70 : memref<1x128xi32, #tpu.memory_space<vmem>> -> memref<128xi32, #tpu.memory_space<vmem>>
      %dma_wait3A_72 = arith.constant 0 : i32
      %dma_wait3A_73 = arith.constant 0 : i32
      %dma_wait3A_74 = tpu.memref_slice %arg11[%dma_wait3A_72, %dma_wait3A_73] : memref<10240x128xf32, #tpu.memory_space<vmem_shared>> -> memref<10240x128xf32, #tpu.memory_space<vmem_shared>>
      tpu.wait_indirect_dma semaphore(%arg15 : memref<!tpu.dma_semaphore, #tpu.memory_space<semaphore_mem>>) src(%arg10 : memref<128x128xf32, #tpu.memory_space<vmem>>) dst(%dma_wait3A_74 : memref<10240x128xf32, #tpu.memory_space<vmem_shared>>)
      %barrier3A_75 = arith.constant 0 : index
      tpu.barrier barrier_id(%barrier3A_75)
    } else {
    }
    %eq3A_2 = arith.constant 1 : i32
    %eq3A_3 = arith.cmpi eq, %arg0, %eq3A_2 : i32
    %convert_element_type3A_4 = arith.extui %eq3A_3 : i1 to i32
    %cond3A_5 = arith.constant 0 : i32
    %cond3A_6 = arith.cmpi ne, %convert_element_type3A_4, %cond3A_5 : i32
    scf.if %cond3A_6 {
      %mul3A = arith.constant 640 : i32
      %mul3A_17 = arith.muli %arg1, %mul3A : i32
      %mul3A_18 = arith.constant 640 : i32
      %mul3A_19 = arith.muli %arg1, %mul3A_18 : i32
      "tpu.region"() ({
        %run_scoped3A = tpu.sem_alloc : memref<!tpu.dma_semaphore, #tpu.memory_space<semaphore_mem>>
        %dma_start3A_76 = arith.constant 0 : i32
        %dma_start3A_77 = tpu.memref_slice %arg11[%mul3A_19, %dma_start3A_76] : memref<10240x128xf32, #tpu.memory_space<vmem_shared>> -> memref<640x128xf32, #tpu.memory_space<vmem_shared>>
        %dma_start3A_78 = arith.constant 0 : i32
        %dma_start3A_79 = tpu.memref_slice %arg3[%mul3A_17, %dma_start3A_78] : memref<10240x128xf32, #tpu.memory_space<hbm>> -> memref<640x128xf32, #tpu.memory_space<hbm>>
        tpu.enqueue_dma source(%dma_start3A_79 : memref<640x128xf32, #tpu.memory_space<hbm>>) target(%dma_start3A_77 : memref<640x128xf32, #tpu.memory_space<vmem_shared>>) target_semaphore(%run_scoped3A : memref<!tpu.dma_semaphore, #tpu.memory_space<semaphore_mem>>)
        %dma_wait3A_80 = arith.constant 0 : i32
        %dma_wait3A_81 = tpu.memref_slice %arg11[%mul3A_19, %dma_wait3A_80] : memref<10240x128xf32, #tpu.memory_space<vmem_shared>> -> memref<640x128xf32, #tpu.memory_space<vmem_shared>>
        %dma_wait3A_82 = arith.constant 0 : i32
        %dma_wait3A_83 = tpu.memref_slice %arg3[%mul3A_17, %dma_wait3A_82] : memref<10240x128xf32, #tpu.memory_space<hbm>> -> memref<640x128xf32, #tpu.memory_space<hbm>>
        tpu.wait_dma2 semaphore(%run_scoped3A : memref<!tpu.dma_semaphore, #tpu.memory_space<semaphore_mem>>) src(%dma_wait3A_83 : memref<640x128xf32, #tpu.memory_space<hbm>>) dst(%dma_wait3A_81 : memref<640x128xf32, #tpu.memory_space<vmem_shared>>)
        tpu.yield
      }) : () -> ()
      %mul3A_20 = arith.constant 160 : i32
      %mul3A_21 = arith.muli %arg1, %mul3A_20 : i32
      %barrier3A = arith.constant 0 : index
      tpu.barrier barrier_id(%barrier3A)
      %add3A = arith.constant 0 : i32
      %add3A_22 = arith.addi %mul3A_21, %add3A : i32
      %dma_start3A = arith.constant 0 : i32
      %dma_start3A_23 = arith.constant 0 : i32
      %dma_start3A_24 = tpu.memref_slice %arg4[%add3A_22, %dma_start3A, %dma_start3A_23] : memref<2560x2x128xi32, #tpu.memory_space<hbm>> -> memref<1x2x128xi32, #tpu.memory_space<hbm>>
      %dma_start3A_25 = tpu.memref_squeeze %dma_start3A_24 : memref<1x2x128xi32, #tpu.memory_space<hbm>> -> memref<2x128xi32, #tpu.memory_space<hbm>>
      %dma_start3A_26 = arith.constant 0 : i32
      %dma_start3A_27 = arith.constant 0 : i32
      %dma_start3A_28 = tpu.memref_slice %arg4[%add3A_22, %dma_start3A_26, %dma_start3A_27] : memref<2560x2x128xi32, #tpu.memory_space<hbm>> -> memref<1x2x128xi32, #tpu.memory_space<hbm>>
      %dma_start3A_29 = tpu.memref_squeeze %dma_start3A_28 : memref<1x2x128xi32, #tpu.memory_space<hbm>> -> memref<2x128xi32, #tpu.memory_space<hbm>>
      tpu.enqueue_dma source(%dma_start3A_29 : memref<2x128xi32, #tpu.memory_space<hbm>>) target(%arg7 : memref<2x128xi32, #tpu.memory_space<vmem>>) target_semaphore(%arg16 : memref<!tpu.dma_semaphore, #tpu.memory_space<semaphore_mem>>)
      %add3A_30 = arith.constant 1 : i32
      %add3A_31 = arith.addi %mul3A_21, %add3A_30 : i32
      %dma_start3A_32 = arith.constant 0 : i32
      %dma_start3A_33 = arith.constant 0 : i32
      %dma_start3A_34 = tpu.memref_slice %arg4[%add3A_31, %dma_start3A_32, %dma_start3A_33] : memref<2560x2x128xi32, #tpu.memory_space<hbm>> -> memref<1x2x128xi32, #tpu.memory_space<hbm>>
      %dma_start3A_35 = tpu.memref_squeeze %dma_start3A_34 : memref<1x2x128xi32, #tpu.memory_space<hbm>> -> memref<2x128xi32, #tpu.memory_space<hbm>>
      %dma_start3A_36 = arith.constant 0 : i32
      %dma_start3A_37 = arith.constant 0 : i32
      %dma_start3A_38 = tpu.memref_slice %arg4[%add3A_31, %dma_start3A_36, %dma_start3A_37] : memref<2560x2x128xi32, #tpu.memory_space<hbm>> -> memref<1x2x128xi32, #tpu.memory_space<hbm>>
      %dma_start3A_39 = tpu.memref_squeeze %dma_start3A_38 : memref<1x2x128xi32, #tpu.memory_space<hbm>> -> memref<2x128xi32, #tpu.memory_space<hbm>>
      tpu.enqueue_dma source(%dma_start3A_39 : memref<2x128xi32, #tpu.memory_space<hbm>>) target(%arg8 : memref<2x128xi32, #tpu.memory_space<vmem>>) target_semaphore(%arg17 : memref<!tpu.dma_semaphore, #tpu.memory_space<semaphore_mem>>)
      %add3A_40 = arith.constant 0 : i32
      %add3A_41 = arith.addi %mul3A_21, %add3A_40 : i32
      %dma_wait3A = arith.constant 0 : i32
      %dma_wait3A_42 = arith.constant 0 : i32
      %dma_wait3A_43 = tpu.memref_slice %arg4[%add3A_41, %dma_wait3A, %dma_wait3A_42] : memref<2560x2x128xi32, #tpu.memory_space<hbm>> -> memref<1x2x128xi32, #tpu.memory_space<hbm>>
      %dma_wait3A_44 = tpu.memref_squeeze %dma_wait3A_43 : memref<1x2x128xi32, #tpu.memory_space<hbm>> -> memref<2x128xi32, #tpu.memory_space<hbm>>
      %dma_wait3A_45 = arith.constant 0 : i32
      %dma_wait3A_46 = arith.constant 0 : i32
      %dma_wait3A_47 = tpu.memref_slice %arg4[%add3A_41, %dma_wait3A_45, %dma_wait3A_46] : memref<2560x2x128xi32, #tpu.memory_space<hbm>> -> memref<1x2x128xi32, #tpu.memory_space<hbm>>
      %dma_wait3A_48 = tpu.memref_squeeze %dma_wait3A_47 : memref<1x2x128xi32, #tpu.memory_space<hbm>> -> memref<2x128xi32, #tpu.memory_space<hbm>>
      tpu.wait_dma2 semaphore(%arg16 : memref<!tpu.dma_semaphore, #tpu.memory_space<semaphore_mem>>) src(%dma_wait3A_48 : memref<2x128xi32, #tpu.memory_space<hbm>>) dst(%arg7 : memref<2x128xi32, #tpu.memory_space<vmem>>)
      %dma_start3A_49 = arith.constant 0 : i32
      %dma_start3A_50 = arith.constant 0 : i32
      %dma_start3A_51 = tpu.memref_slice %arg7[%dma_start3A_49, %dma_start3A_50] : memref<2x128xi32, #tpu.memory_space<vmem>> -> memref<1x128xi32, #tpu.memory_space<vmem>>
      %dma_start3A_52 = tpu.memref_squeeze %dma_start3A_51 : memref<1x128xi32, #tpu.memory_space<vmem>> -> memref<128xi32, #tpu.memory_space<vmem>>
      %dma_start3A_53 = arith.constant 0 : i32
      %dma_start3A_54 = arith.constant 0 : i32
      %dma_start3A_55 = tpu.memref_slice %arg3[%dma_start3A_53, %dma_start3A_54] : memref<10240x128xf32, #tpu.memory_space<hbm>> -> memref<10240x128xf32, #tpu.memory_space<hbm>>
      tpu.enqueue_indirect_dma source(%dma_start3A_55 : memref<10240x128xf32, #tpu.memory_space<hbm>>) target(%arg9 : memref<128x128xf32, #tpu.memory_space<vmem>>) offsets(%dma_start3A_52 : memref<128xi32, #tpu.memory_space<vmem>>) semaphore(%arg12 : memref<!tpu.dma_semaphore, #tpu.memory_space<semaphore_mem>>)
      %scan3A = arith.constant 0 : i32
      %scan3A_56 = arith.constant 0 : i32
      %scan3A_57 = arith.constant 80 : i32
      %scan3A_58 = arith.addi %scan3A_56, %scan3A_57 : i32
      %scan3A_59 = arith.constant 1 : i32
      scf.for %scan3A_76 = %scan3A_56 to %scan3A_58 step %scan3A_59  : i32 {
        %mul3A_77 = arith.constant 2 : i32
        %mul3A_78 = arith.muli %mul3A_77, %scan3A_76 : i32
        %add3A_79 = arith.constant 0 : i32
        %add3A_80 = arith.addi %mul3A_78, %add3A_79 : i32
        %dma_wait3A_81 = arith.constant 0 : i32
        %dma_wait3A_82 = arith.constant 0 : i32
        %dma_wait3A_83 = tpu.memref_slice %arg7[%dma_wait3A_81, %dma_wait3A_82] : memref<2x128xi32, #tpu.memory_space<vmem>> -> memref<1x128xi32, #tpu.memory_space<vmem>>
        %dma_wait3A_84 = tpu.memref_squeeze %dma_wait3A_83 : memref<1x128xi32, #tpu.memory_space<vmem>> -> memref<128xi32, #tpu.memory_space<vmem>>
        %dma_wait3A_85 = arith.constant 0 : i32
        %dma_wait3A_86 = arith.constant 0 : i32
        %dma_wait3A_87 = tpu.memref_slice %arg3[%dma_wait3A_85, %dma_wait3A_86] : memref<10240x128xf32, #tpu.memory_space<hbm>> -> memref<10240x128xf32, #tpu.memory_space<hbm>>
        tpu.wait_indirect_dma semaphore(%arg12 : memref<!tpu.dma_semaphore, #tpu.memory_space<semaphore_mem>>) src(%dma_wait3A_87 : memref<10240x128xf32, #tpu.memory_space<hbm>>) dst(%arg9 : memref<128x128xf32, #tpu.memory_space<vmem>>)
        %dma_start3A_88 = arith.constant 1 : i32
        %dma_start3A_89 = arith.constant 0 : i32
        %dma_start3A_90 = tpu.memref_slice %arg7[%dma_start3A_88, %dma_start3A_89] : memref<2x128xi32, #tpu.memory_space<vmem>> -> memref<1x128xi32, #tpu.memory_space<vmem>>
        %dma_start3A_91 = tpu.memref_squeeze %dma_start3A_90 : memref<1x128xi32, #tpu.memory_space<vmem>> -> memref<128xi32, #tpu.memory_space<vmem>>
        %dma_start3A_92 = arith.constant 0 : i32
        %dma_start3A_93 = arith.constant 0 : i32
        %dma_start3A_94 = tpu.memref_slice %arg11[%dma_start3A_92, %dma_start3A_93] : memref<10240x128xf32, #tpu.memory_space<vmem_shared>> -> memref<10240x128xf32, #tpu.memory_space<vmem_shared>>
        tpu.enqueue_indirect_dma source(%arg9 : memref<128x128xf32, #tpu.memory_space<vmem>>) target(%dma_start3A_94 : memref<10240x128xf32, #tpu.memory_space<vmem_shared>>) offsets(%dma_start3A_91 : memref<128xi32, #tpu.memory_space<vmem>>) semaphore(%arg14 : memref<!tpu.dma_semaphore, #tpu.memory_space<semaphore_mem>>) {add = true}
        %add3A_95 = arith.constant 2 : i32
        %add3A_96 = arith.addi %add3A_80, %add3A_95 : i32
        %lt3A = arith.constant 160 : i32
        %lt3A_97 = arith.cmpi slt, %add3A_96, %lt3A : i32
        %convert_element_type3A_98 = arith.extui %lt3A_97 : i1 to i32
        %cond3A_99 = arith.constant 0 : i32
        %cond3A_100 = arith.cmpi ne, %convert_element_type3A_98, %cond3A_99 : i32
        scf.if %cond3A_100 {
          %add3A_140 = arith.constant 2 : i32
          %add3A_141 = arith.addi %add3A_80, %add3A_140 : i32
          %mul3A_142 = arith.constant 1 : i32
          %mul3A_143 = arith.muli %mul3A_142, %add3A_141 : i32
          %add3A_144 = arith.addi %mul3A_21, %mul3A_143 : i32
          %dma_start3A_145 = arith.constant 0 : i32
          %dma_start3A_146 = arith.constant 0 : i32
          %dma_start3A_147 = tpu.memref_slice %arg4[%add3A_144, %dma_start3A_145, %dma_start3A_146] : memref<2560x2x128xi32, #tpu.memory_space<hbm>> -> memref<1x2x128xi32, #tpu.memory_space<hbm>>
          %dma_start3A_148 = tpu.memref_squeeze %dma_start3A_147 : memref<1x2x128xi32, #tpu.memory_space<hbm>> -> memref<2x128xi32, #tpu.memory_space<hbm>>
          %dma_start3A_149 = arith.constant 0 : i32
          %dma_start3A_150 = arith.constant 0 : i32
          %dma_start3A_151 = tpu.memref_slice %arg4[%add3A_144, %dma_start3A_149, %dma_start3A_150] : memref<2560x2x128xi32, #tpu.memory_space<hbm>> -> memref<1x2x128xi32, #tpu.memory_space<hbm>>
          %dma_start3A_152 = tpu.memref_squeeze %dma_start3A_151 : memref<1x2x128xi32, #tpu.memory_space<hbm>> -> memref<2x128xi32, #tpu.memory_space<hbm>>
          tpu.enqueue_dma source(%dma_start3A_152 : memref<2x128xi32, #tpu.memory_space<hbm>>) target(%arg7 : memref<2x128xi32, #tpu.memory_space<vmem>>) target_semaphore(%arg16 : memref<!tpu.dma_semaphore, #tpu.memory_space<semaphore_mem>>)
        } else {
        }
        %add3A_101 = arith.constant 1 : i32
        %add3A_102 = arith.addi %add3A_80, %add3A_101 : i32
        %lt3A_103 = arith.constant 160 : i32
        %lt3A_104 = arith.cmpi slt, %add3A_102, %lt3A_103 : i32
        %convert_element_type3A_105 = arith.extui %lt3A_104 : i1 to i32
        %cond3A_106 = arith.constant 0 : i32
        %cond3A_107 = arith.cmpi ne, %convert_element_type3A_105, %cond3A_106 : i32
        scf.if %cond3A_107 {
          %ge3A = arith.constant 1 : i32
          %ge3A_140 = arith.cmpi sge, %add3A_80, %ge3A : i32
          %convert_element_type3A_141 = arith.extui %ge3A_140 : i1 to i32
          %cond3A_142 = arith.constant 0 : i32
          %cond3A_143 = arith.cmpi ne, %convert_element_type3A_141, %cond3A_142 : i32
          scf.if %cond3A_143 {
            %dma_wait3A_163 = arith.constant 1 : i32
            %dma_wait3A_164 = arith.constant 0 : i32
            %dma_wait3A_165 = tpu.memref_slice %arg8[%dma_wait3A_163, %dma_wait3A_164] : memref<2x128xi32, #tpu.memory_space<vmem>> -> memref<1x128xi32, #tpu.memory_space<vmem>>
            %dma_wait3A_166 = tpu.memref_squeeze %dma_wait3A_165 : memref<1x128xi32, #tpu.memory_space<vmem>> -> memref<128xi32, #tpu.memory_space<vmem>>
            %dma_wait3A_167 = arith.constant 0 : i32
            %dma_wait3A_168 = arith.constant 0 : i32
            %dma_wait3A_169 = tpu.memref_slice %arg11[%dma_wait3A_167, %dma_wait3A_168] : memref<10240x128xf32, #tpu.memory_space<vmem_shared>> -> memref<10240x128xf32, #tpu.memory_space<vmem_shared>>
            tpu.wait_indirect_dma semaphore(%arg15 : memref<!tpu.dma_semaphore, #tpu.memory_space<semaphore_mem>>) src(%arg10 : memref<128x128xf32, #tpu.memory_space<vmem>>) dst(%dma_wait3A_169 : memref<10240x128xf32, #tpu.memory_space<vmem_shared>>)
          } else {
          }
          %add3A_144 = arith.constant 0 : i32
          %add3A_145 = arith.addi %mul3A_21, %add3A_144 : i32
          %dma_wait3A_146 = arith.constant 0 : i32
          %dma_wait3A_147 = arith.constant 0 : i32
          %dma_wait3A_148 = tpu.memref_slice %arg4[%add3A_145, %dma_wait3A_146, %dma_wait3A_147] : memref<2560x2x128xi32, #tpu.memory_space<hbm>> -> memref<1x2x128xi32, #tpu.memory_space<hbm>>
          %dma_wait3A_149 = tpu.memref_squeeze %dma_wait3A_148 : memref<1x2x128xi32, #tpu.memory_space<hbm>> -> memref<2x128xi32, #tpu.memory_space<hbm>>
          %dma_wait3A_150 = arith.constant 0 : i32
          %dma_wait3A_151 = arith.constant 0 : i32
          %dma_wait3A_152 = tpu.memref_slice %arg4[%add3A_145, %dma_wait3A_150, %dma_wait3A_151] : memref<2560x2x128xi32, #tpu.memory_space<hbm>> -> memref<1x2x128xi32, #tpu.memory_space<hbm>>
          %dma_wait3A_153 = tpu.memref_squeeze %dma_wait3A_152 : memref<1x2x128xi32, #tpu.memory_space<hbm>> -> memref<2x128xi32, #tpu.memory_space<hbm>>
          tpu.wait_dma2 semaphore(%arg17 : memref<!tpu.dma_semaphore, #tpu.memory_space<semaphore_mem>>) src(%dma_wait3A_153 : memref<2x128xi32, #tpu.memory_space<hbm>>) dst(%arg8 : memref<2x128xi32, #tpu.memory_space<vmem>>)
          %add3A_154 = arith.constant 1 : i32
          %add3A_155 = arith.addi %add3A_80, %add3A_154 : i32
          %dma_start3A_156 = arith.constant 0 : i32
          %dma_start3A_157 = arith.constant 0 : i32
          %dma_start3A_158 = tpu.memref_slice %arg8[%dma_start3A_156, %dma_start3A_157] : memref<2x128xi32, #tpu.memory_space<vmem>> -> memref<1x128xi32, #tpu.memory_space<vmem>>
          %dma_start3A_159 = tpu.memref_squeeze %dma_start3A_158 : memref<1x128xi32, #tpu.memory_space<vmem>> -> memref<128xi32, #tpu.memory_space<vmem>>
          %dma_start3A_160 = arith.constant 0 : i32
          %dma_start3A_161 = arith.constant 0 : i32
          %dma_start3A_162 = tpu.memref_slice %arg3[%dma_start3A_160, %dma_start3A_161] : memref<10240x128xf32, #tpu.memory_space<hbm>> -> memref<10240x128xf32, #tpu.memory_space<hbm>>
          tpu.enqueue_indirect_dma source(%dma_start3A_162 : memref<10240x128xf32, #tpu.memory_space<hbm>>) target(%arg10 : memref<128x128xf32, #tpu.memory_space<vmem>>) offsets(%dma_start3A_159 : memref<128xi32, #tpu.memory_space<vmem>>) semaphore(%arg13 : memref<!tpu.dma_semaphore, #tpu.memory_space<semaphore_mem>>)
        } else {
        }
        %mul3A_108 = arith.constant 2 : i32
        %mul3A_109 = arith.muli %mul3A_108, %scan3A_76 : i32
        %add3A_110 = arith.constant 1 : i32
        %add3A_111 = arith.addi %mul3A_109, %add3A_110 : i32
        %dma_wait3A_112 = arith.constant 0 : i32
        %dma_wait3A_113 = arith.constant 0 : i32
        %dma_wait3A_114 = tpu.memref_slice %arg8[%dma_wait3A_112, %dma_wait3A_113] : memref<2x128xi32, #tpu.memory_space<vmem>> -> memref<1x128xi32, #tpu.memory_space<vmem>>
        %dma_wait3A_115 = tpu.memref_squeeze %dma_wait3A_114 : memref<1x128xi32, #tpu.memory_space<vmem>> -> memref<128xi32, #tpu.memory_space<vmem>>
        %dma_wait3A_116 = arith.constant 0 : i32
        %dma_wait3A_117 = arith.constant 0 : i32
        %dma_wait3A_118 = tpu.memref_slice %arg3[%dma_wait3A_116, %dma_wait3A_117] : memref<10240x128xf32, #tpu.memory_space<hbm>> -> memref<10240x128xf32, #tpu.memory_space<hbm>>
        tpu.wait_indirect_dma semaphore(%arg13 : memref<!tpu.dma_semaphore, #tpu.memory_space<semaphore_mem>>) src(%dma_wait3A_118 : memref<10240x128xf32, #tpu.memory_space<hbm>>) dst(%arg10 : memref<128x128xf32, #tpu.memory_space<vmem>>)
        %dma_start3A_119 = arith.constant 1 : i32
        %dma_start3A_120 = arith.constant 0 : i32
        %dma_start3A_121 = tpu.memref_slice %arg8[%dma_start3A_119, %dma_start3A_120] : memref<2x128xi32, #tpu.memory_space<vmem>> -> memref<1x128xi32, #tpu.memory_space<vmem>>
        %dma_start3A_122 = tpu.memref_squeeze %dma_start3A_121 : memref<1x128xi32, #tpu.memory_space<vmem>> -> memref<128xi32, #tpu.memory_space<vmem>>
        %dma_start3A_123 = arith.constant 0 : i32
        %dma_start3A_124 = arith.constant 0 : i32
        %dma_start3A_125 = tpu.memref_slice %arg11[%dma_start3A_123, %dma_start3A_124] : memref<10240x128xf32, #tpu.memory_space<vmem_shared>> -> memref<10240x128xf32, #tpu.memory_space<vmem_shared>>
        tpu.enqueue_indirect_dma source(%arg10 : memref<128x128xf32, #tpu.memory_space<vmem>>) target(%dma_start3A_125 : memref<10240x128xf32, #tpu.memory_space<vmem_shared>>) offsets(%dma_start3A_122 : memref<128xi32, #tpu.memory_space<vmem>>) semaphore(%arg15 : memref<!tpu.dma_semaphore, #tpu.memory_space<semaphore_mem>>) {add = true}
        %add3A_126 = arith.constant 2 : i32
        %add3A_127 = arith.addi %add3A_111, %add3A_126 : i32
        %lt3A_128 = arith.constant 160 : i32
        %lt3A_129 = arith.cmpi slt, %add3A_127, %lt3A_128 : i32
        %convert_element_type3A_130 = arith.extui %lt3A_129 : i1 to i32
        %cond3A_131 = arith.constant 0 : i32
        %cond3A_132 = arith.cmpi ne, %convert_element_type3A_130, %cond3A_131 : i32
        scf.if %cond3A_132 {
          %add3A_140 = arith.constant 2 : i32
          %add3A_141 = arith.addi %add3A_111, %add3A_140 : i32
          %mul3A_142 = arith.constant 1 : i32
          %mul3A_143 = arith.muli %mul3A_142, %add3A_141 : i32
          %add3A_144 = arith.addi %mul3A_21, %mul3A_143 : i32
          %dma_start3A_145 = arith.constant 0 : i32
          %dma_start3A_146 = arith.constant 0 : i32
          %dma_start3A_147 = tpu.memref_slice %arg4[%add3A_144, %dma_start3A_145, %dma_start3A_146] : memref<2560x2x128xi32, #tpu.memory_space<hbm>> -> memref<1x2x128xi32, #tpu.memory_space<hbm>>
          %dma_start3A_148 = tpu.memref_squeeze %dma_start3A_147 : memref<1x2x128xi32, #tpu.memory_space<hbm>> -> memref<2x128xi32, #tpu.memory_space<hbm>>
          %dma_start3A_149 = arith.constant 0 : i32
          %dma_start3A_150 = arith.constant 0 : i32
          %dma_start3A_151 = tpu.memref_slice %arg4[%add3A_144, %dma_start3A_149, %dma_start3A_150] : memref<2560x2x128xi32, #tpu.memory_space<hbm>> -> memref<1x2x128xi32, #tpu.memory_space<hbm>>
          %dma_start3A_152 = tpu.memref_squeeze %dma_start3A_151 : memref<1x2x128xi32, #tpu.memory_space<hbm>> -> memref<2x128xi32, #tpu.memory_space<hbm>>
          tpu.enqueue_dma source(%dma_start3A_152 : memref<2x128xi32, #tpu.memory_space<hbm>>) target(%arg8 : memref<2x128xi32, #tpu.memory_space<vmem>>) target_semaphore(%arg17 : memref<!tpu.dma_semaphore, #tpu.memory_space<semaphore_mem>>)
        } else {
        }
        %add3A_133 = arith.constant 1 : i32
        %add3A_134 = arith.addi %add3A_111, %add3A_133 : i32
        %lt3A_135 = arith.constant 160 : i32
        %lt3A_136 = arith.cmpi slt, %add3A_134, %lt3A_135 : i32
        %convert_element_type3A_137 = arith.extui %lt3A_136 : i1 to i32
        %cond3A_138 = arith.constant 0 : i32
        %cond3A_139 = arith.cmpi ne, %convert_element_type3A_137, %cond3A_138 : i32
        scf.if %cond3A_139 {
          %ge3A = arith.constant 1 : i32
          %ge3A_140 = arith.cmpi sge, %add3A_111, %ge3A : i32
          %convert_element_type3A_141 = arith.extui %ge3A_140 : i1 to i32
          %cond3A_142 = arith.constant 0 : i32
          %cond3A_143 = arith.cmpi ne, %convert_element_type3A_141, %cond3A_142 : i32
          scf.if %cond3A_143 {
            %dma_wait3A_163 = arith.constant 1 : i32
            %dma_wait3A_164 = arith.constant 0 : i32
            %dma_wait3A_165 = tpu.memref_slice %arg7[%dma_wait3A_163, %dma_wait3A_164] : memref<2x128xi32, #tpu.memory_space<vmem>> -> memref<1x128xi32, #tpu.memory_space<vmem>>
            %dma_wait3A_166 = tpu.memref_squeeze %dma_wait3A_165 : memref<1x128xi32, #tpu.memory_space<vmem>> -> memref<128xi32, #tpu.memory_space<vmem>>
            %dma_wait3A_167 = arith.constant 0 : i32
            %dma_wait3A_168 = arith.constant 0 : i32
            %dma_wait3A_169 = tpu.memref_slice %arg11[%dma_wait3A_167, %dma_wait3A_168] : memref<10240x128xf32, #tpu.memory_space<vmem_shared>> -> memref<10240x128xf32, #tpu.memory_space<vmem_shared>>
            tpu.wait_indirect_dma semaphore(%arg14 : memref<!tpu.dma_semaphore, #tpu.memory_space<semaphore_mem>>) src(%arg9 : memref<128x128xf32, #tpu.memory_space<vmem>>) dst(%dma_wait3A_169 : memref<10240x128xf32, #tpu.memory_space<vmem_shared>>)
          } else {
          }
          %add3A_144 = arith.constant 0 : i32
          %add3A_145 = arith.addi %mul3A_21, %add3A_144 : i32
          %dma_wait3A_146 = arith.constant 0 : i32
          %dma_wait3A_147 = arith.constant 0 : i32
          %dma_wait3A_148 = tpu.memref_slice %arg4[%add3A_145, %dma_wait3A_146, %dma_wait3A_147] : memref<2560x2x128xi32, #tpu.memory_space<hbm>> -> memref<1x2x128xi32, #tpu.memory_space<hbm>>
          %dma_wait3A_149 = tpu.memref_squeeze %dma_wait3A_148 : memref<1x2x128xi32, #tpu.memory_space<hbm>> -> memref<2x128xi32, #tpu.memory_space<hbm>>
          %dma_wait3A_150 = arith.constant 0 : i32
          %dma_wait3A_151 = arith.constant 0 : i32
          %dma_wait3A_152 = tpu.memref_slice %arg4[%add3A_145, %dma_wait3A_150, %dma_wait3A_151] : memref<2560x2x128xi32, #tpu.memory_space<hbm>> -> memref<1x2x128xi32, #tpu.memory_space<hbm>>
          %dma_wait3A_153 = tpu.memref_squeeze %dma_wait3A_152 : memref<1x2x128xi32, #tpu.memory_space<hbm>> -> memref<2x128xi32, #tpu.memory_space<hbm>>
          tpu.wait_dma2 semaphore(%arg16 : memref<!tpu.dma_semaphore, #tpu.memory_space<semaphore_mem>>) src(%dma_wait3A_153 : memref<2x128xi32, #tpu.memory_space<hbm>>) dst(%arg7 : memref<2x128xi32, #tpu.memory_space<vmem>>)
          %add3A_154 = arith.constant 1 : i32
          %add3A_155 = arith.addi %add3A_111, %add3A_154 : i32
          %dma_start3A_156 = arith.constant 0 : i32
          %dma_start3A_157 = arith.constant 0 : i32
          %dma_start3A_158 = tpu.memref_slice %arg7[%dma_start3A_156, %dma_start3A_157] : memref<2x128xi32, #tpu.memory_space<vmem>> -> memref<1x128xi32, #tpu.memory_space<vmem>>
          %dma_start3A_159 = tpu.memref_squeeze %dma_start3A_158 : memref<1x128xi32, #tpu.memory_space<vmem>> -> memref<128xi32, #tpu.memory_space<vmem>>
          %dma_start3A_160 = arith.constant 0 : i32
          %dma_start3A_161 = arith.constant 0 : i32
          %dma_start3A_162 = tpu.memref_slice %arg3[%dma_start3A_160, %dma_start3A_161] : memref<10240x128xf32, #tpu.memory_space<hbm>> -> memref<10240x128xf32, #tpu.memory_space<hbm>>
          tpu.enqueue_indirect_dma source(%dma_start3A_162 : memref<10240x128xf32, #tpu.memory_space<hbm>>) target(%arg9 : memref<128x128xf32, #tpu.memory_space<vmem>>) offsets(%dma_start3A_159 : memref<128xi32, #tpu.memory_space<vmem>>) semaphore(%arg12 : memref<!tpu.dma_semaphore, #tpu.memory_space<semaphore_mem>>)
        } else {
        }
      }
      %scan3A_60 = arith.constant 80 : i32
      %dma_wait3A_61 = arith.constant 1 : i32
      %dma_wait3A_62 = arith.constant 0 : i32
      %dma_wait3A_63 = tpu.memref_slice %arg7[%dma_wait3A_61, %dma_wait3A_62] : memref<2x128xi32, #tpu.memory_space<vmem>> -> memref<1x128xi32, #tpu.memory_space<vmem>>
      %dma_wait3A_64 = tpu.memref_squeeze %dma_wait3A_63 : memref<1x128xi32, #tpu.memory_space<vmem>> -> memref<128xi32, #tpu.memory_space<vmem>>
      %dma_wait3A_65 = arith.constant 0 : i32
      %dma_wait3A_66 = arith.constant 0 : i32
      %dma_wait3A_67 = tpu.memref_slice %arg11[%dma_wait3A_65, %dma_wait3A_66] : memref<10240x128xf32, #tpu.memory_space<vmem_shared>> -> memref<10240x128xf32, #tpu.memory_space<vmem_shared>>
      tpu.wait_indirect_dma semaphore(%arg14 : memref<!tpu.dma_semaphore, #tpu.memory_space<semaphore_mem>>) src(%arg9 : memref<128x128xf32, #tpu.memory_space<vmem>>) dst(%dma_wait3A_67 : memref<10240x128xf32, #tpu.memory_space<vmem_shared>>)
      %dma_wait3A_68 = arith.constant 1 : i32
      %dma_wait3A_69 = arith.constant 0 : i32
      %dma_wait3A_70 = tpu.memref_slice %arg8[%dma_wait3A_68, %dma_wait3A_69] : memref<2x128xi32, #tpu.memory_space<vmem>> -> memref<1x128xi32, #tpu.memory_space<vmem>>
      %dma_wait3A_71 = tpu.memref_squeeze %dma_wait3A_70 : memref<1x128xi32, #tpu.memory_space<vmem>> -> memref<128xi32, #tpu.memory_space<vmem>>
      %dma_wait3A_72 = arith.constant 0 : i32
      %dma_wait3A_73 = arith.constant 0 : i32
      %dma_wait3A_74 = tpu.memref_slice %arg11[%dma_wait3A_72, %dma_wait3A_73] : memref<10240x128xf32, #tpu.memory_space<vmem_shared>> -> memref<10240x128xf32, #tpu.memory_space<vmem_shared>>
      tpu.wait_indirect_dma semaphore(%arg15 : memref<!tpu.dma_semaphore, #tpu.memory_space<semaphore_mem>>) src(%arg10 : memref<128x128xf32, #tpu.memory_space<vmem>>) dst(%dma_wait3A_74 : memref<10240x128xf32, #tpu.memory_space<vmem_shared>>)
      %barrier3A_75 = arith.constant 0 : index
      tpu.barrier barrier_id(%barrier3A_75)
    } else {
    }
    %eq3A_7 = arith.constant 0 : i32
    %eq3A_8 = arith.cmpi eq, %arg0, %eq3A_7 : i32
    %convert_element_type3A_9 = arith.extui %eq3A_8 : i1 to i32
    %cond3A_10 = arith.constant 0 : i32
    %cond3A_11 = arith.cmpi ne, %convert_element_type3A_9, %cond3A_10 : i32
    scf.if %cond3A_11 {
      %mul3A = arith.constant 640 : i32
      %mul3A_17 = arith.muli %arg1, %mul3A : i32
      %mul3A_18 = arith.constant 640 : i32
      %mul3A_19 = arith.muli %arg1, %mul3A_18 : i32
      "tpu.region"() ({
        %run_scoped3A = tpu.sem_alloc : memref<!tpu.dma_semaphore, #tpu.memory_space<semaphore_mem>>
        %dma_start3A = arith.constant 0 : i32
        %dma_start3A_20 = tpu.memref_slice %arg5[%mul3A_19, %dma_start3A] : memref<10240x128xf32, #tpu.memory_space<hbm>> -> memref<640x128xf32, #tpu.memory_space<hbm>>
        %dma_start3A_21 = arith.constant 0 : i32
        %dma_start3A_22 = tpu.memref_slice %arg11[%mul3A_17, %dma_start3A_21] : memref<10240x128xf32, #tpu.memory_space<vmem_shared>> -> memref<640x128xf32, #tpu.memory_space<vmem_shared>>
        tpu.enqueue_dma source(%dma_start3A_22 : memref<640x128xf32, #tpu.memory_space<vmem_shared>>) target(%dma_start3A_20 : memref<640x128xf32, #tpu.memory_space<hbm>>) target_semaphore(%run_scoped3A : memref<!tpu.dma_semaphore, #tpu.memory_space<semaphore_mem>>)
        %dma_wait3A = arith.constant 0 : i32
        %dma_wait3A_23 = tpu.memref_slice %arg5[%mul3A_19, %dma_wait3A] : memref<10240x128xf32, #tpu.memory_space<hbm>> -> memref<640x128xf32, #tpu.memory_space<hbm>>
        %dma_wait3A_24 = arith.constant 0 : i32
        %dma_wait3A_25 = tpu.memref_slice %arg11[%mul3A_17, %dma_wait3A_24] : memref<10240x128xf32, #tpu.memory_space<vmem_shared>> -> memref<640x128xf32, #tpu.memory_space<vmem_shared>>
        tpu.wait_dma2 semaphore(%run_scoped3A : memref<!tpu.dma_semaphore, #tpu.memory_space<semaphore_mem>>) src(%dma_wait3A_25 : memref<640x128xf32, #tpu.memory_space<vmem_shared>>) dst(%dma_wait3A_23 : memref<640x128xf32, #tpu.memory_space<hbm>>)
        tpu.yield
      }) : () -> ()
    } else {
    }
    %eq3A_12 = arith.constant 1 : i32
    %eq3A_13 = arith.cmpi eq, %arg0, %eq3A_12 : i32
    %convert_element_type3A_14 = arith.extui %eq3A_13 : i1 to i32
    %cond3A_15 = arith.constant 0 : i32
    %cond3A_16 = arith.cmpi ne, %convert_element_type3A_14, %cond3A_15 : i32
    scf.if %cond3A_16 {
      %mul3A = arith.constant 640 : i32
      %mul3A_17 = arith.muli %arg1, %mul3A : i32
      %mul3A_18 = arith.constant 640 : i32
      %mul3A_19 = arith.muli %arg1, %mul3A_18 : i32
      "tpu.region"() ({
        %run_scoped3A = tpu.sem_alloc : memref<!tpu.dma_semaphore, #tpu.memory_space<semaphore_mem>>
        %dma_start3A = arith.constant 0 : i32
        %dma_start3A_20 = tpu.memref_slice %arg6[%mul3A_19, %dma_start3A] : memref<10240x128xf32, #tpu.memory_space<hbm>> -> memref<640x128xf32, #tpu.memory_space<hbm>>
        %dma_start3A_21 = arith.constant 0 : i32
        %dma_start3A_22 = tpu.memref_slice %arg11[%mul3A_17, %dma_start3A_21] : memref<10240x128xf32, #tpu.memory_space<vmem_shared>> -> memref<640x128xf32, #tpu.memory_space<vmem_shared>>
        tpu.enqueue_dma source(%dma_start3A_22 : memref<640x128xf32, #tpu.memory_space<vmem_shared>>) target(%dma_start3A_20 : memref<640x128xf32, #tpu.memory_space<hbm>>) target_semaphore(%run_scoped3A : memref<!tpu.dma_semaphore, #tpu.memory_space<semaphore_mem>>)
        %dma_wait3A = arith.constant 0 : i32
        %dma_wait3A_23 = tpu.memref_slice %arg6[%mul3A_19, %dma_wait3A] : memref<10240x128xf32, #tpu.memory_space<hbm>> -> memref<640x128xf32, #tpu.memory_space<hbm>>
        %dma_wait3A_24 = arith.constant 0 : i32
        %dma_wait3A_25 = tpu.memref_slice %arg11[%mul3A_17, %dma_wait3A_24] : memref<10240x128xf32, #tpu.memory_space<vmem_shared>> -> memref<640x128xf32, #tpu.memory_space<vmem_shared>>
        tpu.wait_dma2 semaphore(%run_scoped3A : memref<!tpu.dma_semaphore, #tpu.memory_space<semaphore_mem>>) src(%dma_wait3A_25 : memref<640x128xf32, #tpu.memory_space<vmem_shared>>) dst(%dma_wait3A_23 : memref<640x128xf32, #tpu.memory_space<hbm>>)
        tpu.yield
      }) : () -> ()
    } else {
    }
    return
  }
}

#map = affine_map<(d0, d1) -> (0, 0, 0)>
#map1 = affine_map<(d0, d1) -> (0)>
module attributes {stable_mosaic.version = 14 : i64} {
  func.func @_deg_body(%arg0: i32, %arg1: i32, %arg2: memref<2560x1x128xi32, #tpu.memory_space<hbm>>, %arg3: memref<10240xf32, #tpu.memory_space<hbm>>, %arg4: memref<10240xf32, #tpu.memory_space<hbm>>, %arg5: memref<160x1x128xi32, #tpu.memory_space<vmem>>, %arg6: memref<128xf32, #tpu.memory_space<vmem>>, %arg7: memref<10240xf32, #tpu.memory_space<vmem_shared>>, %arg8: memref<!tpu.dma_semaphore, #tpu.memory_space<semaphore_mem>>, %arg9: memref<!tpu.dma_semaphore, #tpu.memory_space<semaphore_mem>>, %arg10: memref<!tpu.dma_semaphore, #tpu.memory_space<semaphore_mem>>, %arg11: memref<!tpu.dma_semaphore, #tpu.memory_space<semaphore_mem>>) attributes {dimension_semantics = [#tpu.dimension_semantics<core_parallel>, #tpu.dimension_semantics<subcore_parallel>], iteration_bounds = array<i64: 2, 16>, scalar_prefetch = 0 : i64, scratch_operands = 7 : i64, tpu.core_type = #tpu.core_type<sc_vector_subcore>, window_params = [{transform_indices = #map}, {transform_indices = #map1}, {transform_indices = #map1}]} {
    %eq3A = arith.constant 0 : i32
    %eq3A_0 = arith.cmpi eq, %arg0, %eq3A : i32
    %convert_element_type3A = arith.extui %eq3A_0 : i1 to i32
    %cond3A = arith.constant 0 : i32
    %cond3A_1 = arith.cmpi ne, %convert_element_type3A, %cond3A : i32
    scf.if %cond3A_1 {
      %broadcast_in_dim3A = arith.constant 1.000000e+00 : f32
      %broadcast_in_dim3A_2 = vector.broadcast %broadcast_in_dim3A : f32 to vector<16xf32>
      %swap3A = arith.constant 0 : index
      %swap3A_3 = tpu.vector_load %arg6[%swap3A] {strides = array<i32>} : memref<128xf32, #tpu.memory_space<vmem>>, vector<16xf32>,
      %swap3A_4 = vector.shape_cast %swap3A_3 : vector<16xf32> to vector<16xf32>
      %swap3A_5 = vector.shape_cast %broadcast_in_dim3A_2 : vector<16xf32> to vector<16xf32>
      tpu.vector_store %arg6[%swap3A], %swap3A_5 {strides = array<i32>} : memref<128xf32, #tpu.memory_space<vmem>>, vector<16xf32>,
      %broadcast_in_dim3A_6 = arith.constant 1.000000e+00 : f32
      %broadcast_in_dim3A_7 = vector.broadcast %broadcast_in_dim3A_6 : f32 to vector<16xf32>
      %swap3A_8 = arith.constant 16 : index
      %swap3A_9 = tpu.vector_load %arg6[%swap3A_8] {strides = array<i32>} : memref<128xf32, #tpu.memory_space<vmem>>, vector<16xf32>,
      %swap3A_10 = vector.shape_cast %swap3A_9 : vector<16xf32> to vector<16xf32>
      %swap3A_11 = vector.shape_cast %broadcast_in_dim3A_7 : vector<16xf32> to vector<16xf32>
      tpu.vector_store %arg6[%swap3A_8], %swap3A_11 {strides = array<i32>} : memref<128xf32, #tpu.memory_space<vmem>>, vector<16xf32>,
      %broadcast_in_dim3A_12 = arith.constant 1.000000e+00 : f32
      %broadcast_in_dim3A_13 = vector.broadcast %broadcast_in_dim3A_12 : f32 to vector<16xf32>
      %swap3A_14 = arith.constant 32 : index
      %swap3A_15 = tpu.vector_load %arg6[%swap3A_14] {strides = array<i32>} : memref<128xf32, #tpu.memory_space<vmem>>, vector<16xf32>,
      %swap3A_16 = vector.shape_cast %swap3A_15 : vector<16xf32> to vector<16xf32>
      %swap3A_17 = vector.shape_cast %broadcast_in_dim3A_13 : vector<16xf32> to vector<16xf32>
      tpu.vector_store %arg6[%swap3A_14], %swap3A_17 {strides = array<i32>} : memref<128xf32, #tpu.memory_space<vmem>>, vector<16xf32>,
      %broadcast_in_dim3A_18 = arith.constant 1.000000e+00 : f32
      %broadcast_in_dim3A_19 = vector.broadcast %broadcast_in_dim3A_18 : f32 to vector<16xf32>
      %swap3A_20 = arith.constant 48 : index
      %swap3A_21 = tpu.vector_load %arg6[%swap3A_20] {strides = array<i32>} : memref<128xf32, #tpu.memory_space<vmem>>, vector<16xf32>,
      %swap3A_22 = vector.shape_cast %swap3A_21 : vector<16xf32> to vector<16xf32>
      %swap3A_23 = vector.shape_cast %broadcast_in_dim3A_19 : vector<16xf32> to vector<16xf32>
      tpu.vector_store %arg6[%swap3A_20], %swap3A_23 {strides = array<i32>} : memref<128xf32, #tpu.memory_space<vmem>>, vector<16xf32>,
      %broadcast_in_dim3A_24 = arith.constant 1.000000e+00 : f32
      %broadcast_in_dim3A_25 = vector.broadcast %broadcast_in_dim3A_24 : f32 to vector<16xf32>
      %swap3A_26 = arith.constant 64 : index
      %swap3A_27 = tpu.vector_load %arg6[%swap3A_26] {strides = array<i32>} : memref<128xf32, #tpu.memory_space<vmem>>, vector<16xf32>,
      %swap3A_28 = vector.shape_cast %swap3A_27 : vector<16xf32> to vector<16xf32>
      %swap3A_29 = vector.shape_cast %broadcast_in_dim3A_25 : vector<16xf32> to vector<16xf32>
      tpu.vector_store %arg6[%swap3A_26], %swap3A_29 {strides = array<i32>} : memref<128xf32, #tpu.memory_space<vmem>>, vector<16xf32>,
      %broadcast_in_dim3A_30 = arith.constant 1.000000e+00 : f32
      %broadcast_in_dim3A_31 = vector.broadcast %broadcast_in_dim3A_30 : f32 to vector<16xf32>
      %swap3A_32 = arith.constant 80 : index
      %swap3A_33 = tpu.vector_load %arg6[%swap3A_32] {strides = array<i32>} : memref<128xf32, #tpu.memory_space<vmem>>, vector<16xf32>,
      %swap3A_34 = vector.shape_cast %swap3A_33 : vector<16xf32> to vector<16xf32>
      %swap3A_35 = vector.shape_cast %broadcast_in_dim3A_31 : vector<16xf32> to vector<16xf32>
      tpu.vector_store %arg6[%swap3A_32], %swap3A_35 {strides = array<i32>} : memref<128xf32, #tpu.memory_space<vmem>>, vector<16xf32>,
      %broadcast_in_dim3A_36 = arith.constant 1.000000e+00 : f32
      %broadcast_in_dim3A_37 = vector.broadcast %broadcast_in_dim3A_36 : f32 to vector<16xf32>
      %swap3A_38 = arith.constant 96 : index
      %swap3A_39 = tpu.vector_load %arg6[%swap3A_38] {strides = array<i32>} : memref<128xf32, #tpu.memory_space<vmem>>, vector<16xf32>,
      %swap3A_40 = vector.shape_cast %swap3A_39 : vector<16xf32> to vector<16xf32>
      %swap3A_41 = vector.shape_cast %broadcast_in_dim3A_37 : vector<16xf32> to vector<16xf32>
      tpu.vector_store %arg6[%swap3A_38], %swap3A_41 {strides = array<i32>} : memref<128xf32, #tpu.memory_space<vmem>>, vector<16xf32>,
      %broadcast_in_dim3A_42 = arith.constant 1.000000e+00 : f32
      %broadcast_in_dim3A_43 = vector.broadcast %broadcast_in_dim3A_42 : f32 to vector<16xf32>
      %swap3A_44 = arith.constant 112 : index
      %swap3A_45 = tpu.vector_load %arg6[%swap3A_44] {strides = array<i32>} : memref<128xf32, #tpu.memory_space<vmem>>, vector<16xf32>,
      %swap3A_46 = vector.shape_cast %swap3A_45 : vector<16xf32> to vector<16xf32>
      %swap3A_47 = vector.shape_cast %broadcast_in_dim3A_43 : vector<16xf32> to vector<16xf32>
      tpu.vector_store %arg6[%swap3A_44], %swap3A_47 {strides = array<i32>} : memref<128xf32, #tpu.memory_space<vmem>>, vector<16xf32>,
      %mul3A = arith.constant 640 : i32
      %mul3A_48 = arith.muli %arg1, %mul3A : i32
      %mul3A_49 = arith.constant 640 : i32
      %mul3A_50 = arith.muli %arg1, %mul3A_49 : i32
      "tpu.region"() ({
        %run_scoped3A = tpu.sem_alloc : memref<!tpu.dma_semaphore, #tpu.memory_space<semaphore_mem>>
        %dma_start3A = tpu.memref_slice %arg7[%mul3A_50] : memref<10240xf32, #tpu.memory_space<vmem_shared>> -> memref<640xf32, #tpu.memory_space<vmem_shared>>
        %dma_start3A_63 = tpu.memref_slice %arg3[%mul3A_48] : memref<10240xf32, #tpu.memory_space<hbm>> -> memref<640xf32, #tpu.memory_space<hbm>>
        tpu.enqueue_dma source(%dma_start3A_63 : memref<640xf32, #tpu.memory_space<hbm>>) target(%dma_start3A : memref<640xf32, #tpu.memory_space<vmem_shared>>) target_semaphore(%run_scoped3A : memref<!tpu.dma_semaphore, #tpu.memory_space<semaphore_mem>>)
        %dma_wait3A = tpu.memref_slice %arg7[%mul3A_50] : memref<10240xf32, #tpu.memory_space<vmem_shared>> -> memref<640xf32, #tpu.memory_space<vmem_shared>>
        %dma_wait3A_64 = tpu.memref_slice %arg3[%mul3A_48] : memref<10240xf32, #tpu.memory_space<hbm>> -> memref<640xf32, #tpu.memory_space<hbm>>
        tpu.wait_dma2 semaphore(%run_scoped3A : memref<!tpu.dma_semaphore, #tpu.memory_space<semaphore_mem>>) src(%dma_wait3A_64 : memref<640xf32, #tpu.memory_space<hbm>>) dst(%dma_wait3A : memref<640xf32, #tpu.memory_space<vmem_shared>>)
        tpu.yield
      }) : () -> ()
      %mul3A_51 = arith.constant 160 : i32
      %mul3A_52 = arith.muli %arg1, %mul3A_51 : i32
      "tpu.region"() ({
        %run_scoped3A = tpu.sem_alloc : memref<!tpu.dma_semaphore, #tpu.memory_space<semaphore_mem>>
        %dma_start3A = arith.constant 0 : i32
        %dma_start3A_63 = arith.constant 0 : i32
        %dma_start3A_64 = tpu.memref_slice %arg2[%mul3A_52, %dma_start3A, %dma_start3A_63] : memref<2560x1x128xi32, #tpu.memory_space<hbm>> -> memref<160x1x128xi32, #tpu.memory_space<hbm>>
        %dma_start3A_65 = arith.constant 0 : i32
        %dma_start3A_66 = arith.constant 0 : i32
        %dma_start3A_67 = tpu.memref_slice %arg2[%mul3A_52, %dma_start3A_65, %dma_start3A_66] : memref<2560x1x128xi32, #tpu.memory_space<hbm>> -> memref<160x1x128xi32, #tpu.memory_space<hbm>>
        tpu.enqueue_dma source(%dma_start3A_67 : memref<160x1x128xi32, #tpu.memory_space<hbm>>) target(%arg5 : memref<160x1x128xi32, #tpu.memory_space<vmem>>) target_semaphore(%run_scoped3A : memref<!tpu.dma_semaphore, #tpu.memory_space<semaphore_mem>>)
        %dma_wait3A = arith.constant 0 : i32
        %dma_wait3A_68 = arith.constant 0 : i32
        %dma_wait3A_69 = tpu.memref_slice %arg2[%mul3A_52, %dma_wait3A, %dma_wait3A_68] : memref<2560x1x128xi32, #tpu.memory_space<hbm>> -> memref<160x1x128xi32, #tpu.memory_space<hbm>>
        %dma_wait3A_70 = arith.constant 0 : i32
        %dma_wait3A_71 = arith.constant 0 : i32
        %dma_wait3A_72 = tpu.memref_slice %arg2[%mul3A_52, %dma_wait3A_70, %dma_wait3A_71] : memref<2560x1x128xi32, #tpu.memory_space<hbm>> -> memref<160x1x128xi32, #tpu.memory_space<hbm>>
        tpu.wait_dma2 semaphore(%run_scoped3A : memref<!tpu.dma_semaphore, #tpu.memory_space<semaphore_mem>>) src(%dma_wait3A_72 : memref<160x1x128xi32, #tpu.memory_space<hbm>>) dst(%arg5 : memref<160x1x128xi32, #tpu.memory_space<vmem>>)
        tpu.yield
      }) : () -> ()
      %barrier3A = arith.constant 0 : index
      tpu.barrier barrier_id(%barrier3A)
      %scan3A = arith.constant 0 : i32
      %scan3A_53 = arith.constant 0 : i32
      %scan3A_54 = arith.constant 40 : i32
      %scan3A_55 = arith.addi %scan3A_53, %scan3A_54 : i32
      %scan3A_56 = arith.constant 1 : i32
      scf.for %scan3A_63 = %scan3A_53 to %scan3A_55 step %scan3A_56  : i32 {
        %mul3A_64 = arith.constant 4 : i32
        %mul3A_65 = arith.muli %scan3A_63, %mul3A_64 : i32
        %add3A = arith.constant 0 : i32
        %add3A_66 = arith.addi %mul3A_65, %add3A : i32
        %dma_start3A = arith.constant 0 : i32
        %dma_start3A_67 = arith.constant 0 : i32
        %dma_start3A_68 = tpu.memref_slice %arg5[%add3A_66, %dma_start3A, %dma_start3A_67] : memref<160x1x128xi32, #tpu.memory_space<vmem>> -> memref<1x1x128xi32, #tpu.memory_space<vmem>>
        %dma_start3A_69 = tpu.memref_squeeze %dma_start3A_68 : memref<1x1x128xi32, #tpu.memory_space<vmem>> -> memref<128xi32, #tpu.memory_space<vmem>>
        %dma_start3A_70 = arith.constant 0 : i32
        %dma_start3A_71 = tpu.memref_slice %arg7[%dma_start3A_70] : memref<10240xf32, #tpu.memory_space<vmem_shared>> -> memref<10240xf32, #tpu.memory_space<vmem_shared>>
        tpu.enqueue_indirect_dma source(%arg6 : memref<128xf32, #tpu.memory_space<vmem>>) target(%dma_start3A_71 : memref<10240xf32, #tpu.memory_space<vmem_shared>>) offsets(%dma_start3A_69 : memref<128xi32, #tpu.memory_space<vmem>>) semaphore(%arg8 : memref<!tpu.dma_semaphore, #tpu.memory_space<semaphore_mem>>) {add = true}
        %mul3A_72 = arith.constant 4 : i32
        %mul3A_73 = arith.muli %scan3A_63, %mul3A_72 : i32
        %add3A_74 = arith.constant 1 : i32
        %add3A_75 = arith.addi %mul3A_73, %add3A_74 : i32
        %dma_start3A_76 = arith.constant 0 : i32
        %dma_start3A_77 = arith.constant 0 : i32
        %dma_start3A_78 = tpu.memref_slice %arg5[%add3A_75, %dma_start3A_76, %dma_start3A_77] : memref<160x1x128xi32, #tpu.memory_space<vmem>> -> memref<1x1x128xi32, #tpu.memory_space<vmem>>
        %dma_start3A_79 = tpu.memref_squeeze %dma_start3A_78 : memref<1x1x128xi32, #tpu.memory_space<vmem>> -> memref<128xi32, #tpu.memory_space<vmem>>
        %dma_start3A_80 = arith.constant 0 : i32
        %dma_start3A_81 = tpu.memref_slice %arg7[%dma_start3A_80] : memref<10240xf32, #tpu.memory_space<vmem_shared>> -> memref<10240xf32, #tpu.memory_space<vmem_shared>>
        tpu.enqueue_indirect_dma source(%arg6 : memref<128xf32, #tpu.memory_space<vmem>>) target(%dma_start3A_81 : memref<10240xf32, #tpu.memory_space<vmem_shared>>) offsets(%dma_start3A_79 : memref<128xi32, #tpu.memory_space<vmem>>) semaphore(%arg9 : memref<!tpu.dma_semaphore, #tpu.memory_space<semaphore_mem>>) {add = true}
        %mul3A_82 = arith.constant 4 : i32
        %mul3A_83 = arith.muli %scan3A_63, %mul3A_82 : i32
        %add3A_84 = arith.constant 2 : i32
        %add3A_85 = arith.addi %mul3A_83, %add3A_84 : i32
        %dma_start3A_86 = arith.constant 0 : i32
        %dma_start3A_87 = arith.constant 0 : i32
        %dma_start3A_88 = tpu.memref_slice %arg5[%add3A_85, %dma_start3A_86, %dma_start3A_87] : memref<160x1x128xi32, #tpu.memory_space<vmem>> -> memref<1x1x128xi32, #tpu.memory_space<vmem>>
        %dma_start3A_89 = tpu.memref_squeeze %dma_start3A_88 : memref<1x1x128xi32, #tpu.memory_space<vmem>> -> memref<128xi32, #tpu.memory_space<vmem>>
        %dma_start3A_90 = arith.constant 0 : i32
        %dma_start3A_91 = tpu.memref_slice %arg7[%dma_start3A_90] : memref<10240xf32, #tpu.memory_space<vmem_shared>> -> memref<10240xf32, #tpu.memory_space<vmem_shared>>
        tpu.enqueue_indirect_dma source(%arg6 : memref<128xf32, #tpu.memory_space<vmem>>) target(%dma_start3A_91 : memref<10240xf32, #tpu.memory_space<vmem_shared>>) offsets(%dma_start3A_89 : memref<128xi32, #tpu.memory_space<vmem>>) semaphore(%arg10 : memref<!tpu.dma_semaphore, #tpu.memory_space<semaphore_mem>>) {add = true}
        %mul3A_92 = arith.constant 4 : i32
        %mul3A_93 = arith.muli %scan3A_63, %mul3A_92 : i32
        %add3A_94 = arith.constant 3 : i32
        %add3A_95 = arith.addi %mul3A_93, %add3A_94 : i32
        %dma_start3A_96 = arith.constant 0 : i32
        %dma_start3A_97 = arith.constant 0 : i32
        %dma_start3A_98 = tpu.memref_slice %arg5[%add3A_95, %dma_start3A_96, %dma_start3A_97] : memref<160x1x128xi32, #tpu.memory_space<vmem>> -> memref<1x1x128xi32, #tpu.memory_space<vmem>>
        %dma_start3A_99 = tpu.memref_squeeze %dma_start3A_98 : memref<1x1x128xi32, #tpu.memory_space<vmem>> -> memref<128xi32, #tpu.memory_space<vmem>>
        %dma_start3A_100 = arith.constant 0 : i32
        %dma_start3A_101 = tpu.memref_slice %arg7[%dma_start3A_100] : memref<10240xf32, #tpu.memory_space<vmem_shared>> -> memref<10240xf32, #tpu.memory_space<vmem_shared>>
        tpu.enqueue_indirect_dma source(%arg6 : memref<128xf32, #tpu.memory_space<vmem>>) target(%dma_start3A_101 : memref<10240xf32, #tpu.memory_space<vmem_shared>>) offsets(%dma_start3A_99 : memref<128xi32, #tpu.memory_space<vmem>>) semaphore(%arg11 : memref<!tpu.dma_semaphore, #tpu.memory_space<semaphore_mem>>) {add = true}
        %dma_wait3A = arith.constant 0 : i32
        %dma_wait3A_102 = arith.constant 0 : i32
        %dma_wait3A_103 = arith.constant 0 : i32
        %dma_wait3A_104 = tpu.memref_slice %arg5[%dma_wait3A, %dma_wait3A_102, %dma_wait3A_103] : memref<160x1x128xi32, #tpu.memory_space<vmem>> -> memref<1x1x128xi32, #tpu.memory_space<vmem>>
        %dma_wait3A_105 = tpu.memref_squeeze %dma_wait3A_104 : memref<1x1x128xi32, #tpu.memory_space<vmem>> -> memref<128xi32, #tpu.memory_space<vmem>>
        %dma_wait3A_106 = arith.constant 0 : i32
        %dma_wait3A_107 = tpu.memref_slice %arg7[%dma_wait3A_106] : memref<10240xf32, #tpu.memory_space<vmem_shared>> -> memref<10240xf32, #tpu.memory_space<vmem_shared>>
        tpu.wait_indirect_dma semaphore(%arg8 : memref<!tpu.dma_semaphore, #tpu.memory_space<semaphore_mem>>) src(%arg6 : memref<128xf32, #tpu.memory_space<vmem>>) dst(%dma_wait3A_107 : memref<10240xf32, #tpu.memory_space<vmem_shared>>)
        %dma_wait3A_108 = arith.constant 0 : i32
        %dma_wait3A_109 = arith.constant 0 : i32
        %dma_wait3A_110 = arith.constant 0 : i32
        %dma_wait3A_111 = tpu.memref_slice %arg5[%dma_wait3A_108, %dma_wait3A_109, %dma_wait3A_110] : memref<160x1x128xi32, #tpu.memory_space<vmem>> -> memref<1x1x128xi32, #tpu.memory_space<vmem>>
        %dma_wait3A_112 = tpu.memref_squeeze %dma_wait3A_111 : memref<1x1x128xi32, #tpu.memory_space<vmem>> -> memref<128xi32, #tpu.memory_space<vmem>>
        %dma_wait3A_113 = arith.constant 0 : i32
        %dma_wait3A_114 = tpu.memref_slice %arg7[%dma_wait3A_113] : memref<10240xf32, #tpu.memory_space<vmem_shared>> -> memref<10240xf32, #tpu.memory_space<vmem_shared>>
        tpu.wait_indirect_dma semaphore(%arg9 : memref<!tpu.dma_semaphore, #tpu.memory_space<semaphore_mem>>) src(%arg6 : memref<128xf32, #tpu.memory_space<vmem>>) dst(%dma_wait3A_114 : memref<10240xf32, #tpu.memory_space<vmem_shared>>)
        %dma_wait3A_115 = arith.constant 0 : i32
        %dma_wait3A_116 = arith.constant 0 : i32
        %dma_wait3A_117 = arith.constant 0 : i32
        %dma_wait3A_118 = tpu.memref_slice %arg5[%dma_wait3A_115, %dma_wait3A_116, %dma_wait3A_117] : memref<160x1x128xi32, #tpu.memory_space<vmem>> -> memref<1x1x128xi32, #tpu.memory_space<vmem>>
        %dma_wait3A_119 = tpu.memref_squeeze %dma_wait3A_118 : memref<1x1x128xi32, #tpu.memory_space<vmem>> -> memref<128xi32, #tpu.memory_space<vmem>>
        %dma_wait3A_120 = arith.constant 0 : i32
        %dma_wait3A_121 = tpu.memref_slice %arg7[%dma_wait3A_120] : memref<10240xf32, #tpu.memory_space<vmem_shared>> -> memref<10240xf32, #tpu.memory_space<vmem_shared>>
        tpu.wait_indirect_dma semaphore(%arg10 : memref<!tpu.dma_semaphore, #tpu.memory_space<semaphore_mem>>) src(%arg6 : memref<128xf32, #tpu.memory_space<vmem>>) dst(%dma_wait3A_121 : memref<10240xf32, #tpu.memory_space<vmem_shared>>)
        %dma_wait3A_122 = arith.constant 0 : i32
        %dma_wait3A_123 = arith.constant 0 : i32
        %dma_wait3A_124 = arith.constant 0 : i32
        %dma_wait3A_125 = tpu.memref_slice %arg5[%dma_wait3A_122, %dma_wait3A_123, %dma_wait3A_124] : memref<160x1x128xi32, #tpu.memory_space<vmem>> -> memref<1x1x128xi32, #tpu.memory_space<vmem>>
        %dma_wait3A_126 = tpu.memref_squeeze %dma_wait3A_125 : memref<1x1x128xi32, #tpu.memory_space<vmem>> -> memref<128xi32, #tpu.memory_space<vmem>>
        %dma_wait3A_127 = arith.constant 0 : i32
        %dma_wait3A_128 = tpu.memref_slice %arg7[%dma_wait3A_127] : memref<10240xf32, #tpu.memory_space<vmem_shared>> -> memref<10240xf32, #tpu.memory_space<vmem_shared>>
        tpu.wait_indirect_dma semaphore(%arg11 : memref<!tpu.dma_semaphore, #tpu.memory_space<semaphore_mem>>) src(%arg6 : memref<128xf32, #tpu.memory_space<vmem>>) dst(%dma_wait3A_128 : memref<10240xf32, #tpu.memory_space<vmem_shared>>)
      }
      %scan3A_57 = arith.constant 40 : i32
      %barrier3A_58 = arith.constant 0 : index
      tpu.barrier barrier_id(%barrier3A_58)
      %mul3A_59 = arith.constant 640 : i32
      %mul3A_60 = arith.muli %arg1, %mul3A_59 : i32
      %mul3A_61 = arith.constant 640 : i32
      %mul3A_62 = arith.muli %arg1, %mul3A_61 : i32
      "tpu.region"() ({
        %run_scoped3A = tpu.sem_alloc : memref<!tpu.dma_semaphore, #tpu.memory_space<semaphore_mem>>
        %dma_start3A = tpu.memref_slice %arg4[%mul3A_62] : memref<10240xf32, #tpu.memory_space<hbm>> -> memref<640xf32, #tpu.memory_space<hbm>>
        %dma_start3A_63 = tpu.memref_slice %arg7[%mul3A_60] : memref<10240xf32, #tpu.memory_space<vmem_shared>> -> memref<640xf32, #tpu.memory_space<vmem_shared>>
        tpu.enqueue_dma source(%dma_start3A_63 : memref<640xf32, #tpu.memory_space<vmem_shared>>) target(%dma_start3A : memref<640xf32, #tpu.memory_space<hbm>>) target_semaphore(%run_scoped3A : memref<!tpu.dma_semaphore, #tpu.memory_space<semaphore_mem>>)
        %dma_wait3A = tpu.memref_slice %arg4[%mul3A_62] : memref<10240xf32, #tpu.memory_space<hbm>> -> memref<640xf32, #tpu.memory_space<hbm>>
        %dma_wait3A_64 = tpu.memref_slice %arg7[%mul3A_60] : memref<10240xf32, #tpu.memory_space<vmem_shared>> -> memref<640xf32, #tpu.memory_space<vmem_shared>>
        tpu.wait_dma2 semaphore(%run_scoped3A : memref<!tpu.dma_semaphore, #tpu.memory_space<semaphore_mem>>) src(%dma_wait3A_64 : memref<640xf32, #tpu.memory_space<vmem_shared>>) dst(%dma_wait3A : memref<640xf32, #tpu.memory_space<hbm>>)
        tpu.yield
      }) : () -> ()
    } else {
    }
    return
  }
}

#map = affine_map<(d0, d1) -> (0, 0)>
#map1 = affine_map<(d0, d1) -> (0, 0, 0)>
module attributes {stable_mosaic.version = 14 : i64} {
  func.func @_mp_edge_body(%arg0: i32, %arg1: i32, %arg2: memref<10240x128xf32, #tpu.memory_space<hbm>>, %arg3: memref<10240x128xf32, #tpu.memory_space<hbm>>, %arg4: memref<2560x2x128xi32, #tpu.memory_space<hbm>>, %arg5: memref<10240x128xf32, #tpu.memory_space<hbm>>, %arg6: memref<10240x128xf32, #tpu.memory_space<hbm>>, %arg7: memref<10240x128xf32, #tpu.memory_space<hbm>>, %arg8: memref<2x128xi32, #tpu.memory_space<vmem>>, %arg9: memref<2x128xi32, #tpu.memory_space<vmem>>, %arg10: memref<128x128xf32, #tpu.memory_space<vmem>>, %arg11: memref<128x128xf32, #tpu.memory_space<vmem>>, %arg12: memref<10240x128xf32, #tpu.memory_space<vmem_shared>>, %arg13: memref<!tpu.dma_semaphore, #tpu.memory_space<semaphore_mem>>, %arg14: memref<!tpu.dma_semaphore, #tpu.memory_space<semaphore_mem>>, %arg15: memref<!tpu.dma_semaphore, #tpu.memory_space<semaphore_mem>>, %arg16: memref<!tpu.dma_semaphore, #tpu.memory_space<semaphore_mem>>, %arg17: memref<!tpu.dma_semaphore, #tpu.memory_space<semaphore_mem>>, %arg18: memref<!tpu.dma_semaphore, #tpu.memory_space<semaphore_mem>>) attributes {dimension_semantics = [#tpu.dimension_semantics<core_parallel>, #tpu.dimension_semantics<subcore_parallel>], iteration_bounds = array<i64: 2, 16>, scalar_prefetch = 0 : i64, scratch_operands = 11 : i64, tpu.core_type = #tpu.core_type<sc_vector_subcore>, window_params = [{transform_indices = #map}, {transform_indices = #map}, {transform_indices = #map1}, {transform_indices = #map}, {transform_indices = #map}, {transform_indices = #map}]} {
    %eq3A = arith.constant 0 : i32
    %eq3A_0 = arith.cmpi eq, %arg0, %eq3A : i32
    %convert_element_type3A = arith.extui %eq3A_0 : i1 to i32
    %cond3A = arith.constant 0 : i32
    %cond3A_1 = arith.cmpi ne, %convert_element_type3A, %cond3A : i32
    scf.if %cond3A_1 {
      %mul3A = arith.constant 640 : i32
      %mul3A_17 = arith.muli %arg1, %mul3A : i32
      %mul3A_18 = arith.constant 640 : i32
      %mul3A_19 = arith.muli %arg1, %mul3A_18 : i32
      "tpu.region"() ({
        %run_scoped3A = tpu.sem_alloc : memref<!tpu.dma_semaphore, #tpu.memory_space<semaphore_mem>>
        %dma_start3A_78 = arith.constant 0 : i32
        %dma_start3A_79 = tpu.memref_slice %arg12[%mul3A_19, %dma_start3A_78] : memref<10240x128xf32, #tpu.memory_space<vmem_shared>> -> memref<640x128xf32, #tpu.memory_space<vmem_shared>>
        %dma_start3A_80 = arith.constant 0 : i32
        %dma_start3A_81 = tpu.memref_slice %arg2[%mul3A_17, %dma_start3A_80] : memref<10240x128xf32, #tpu.memory_space<hbm>> -> memref<640x128xf32, #tpu.memory_space<hbm>>
        tpu.enqueue_dma source(%dma_start3A_81 : memref<640x128xf32, #tpu.memory_space<hbm>>) target(%dma_start3A_79 : memref<640x128xf32, #tpu.memory_space<vmem_shared>>) target_semaphore(%run_scoped3A : memref<!tpu.dma_semaphore, #tpu.memory_space<semaphore_mem>>)
        %dma_wait3A_82 = arith.constant 0 : i32
        %dma_wait3A_83 = tpu.memref_slice %arg12[%mul3A_19, %dma_wait3A_82] : memref<10240x128xf32, #tpu.memory_space<vmem_shared>> -> memref<640x128xf32, #tpu.memory_space<vmem_shared>>
        %dma_wait3A_84 = arith.constant 0 : i32
        %dma_wait3A_85 = tpu.memref_slice %arg2[%mul3A_17, %dma_wait3A_84] : memref<10240x128xf32, #tpu.memory_space<hbm>> -> memref<640x128xf32, #tpu.memory_space<hbm>>
        tpu.wait_dma2 semaphore(%run_scoped3A : memref<!tpu.dma_semaphore, #tpu.memory_space<semaphore_mem>>) src(%dma_wait3A_85 : memref<640x128xf32, #tpu.memory_space<hbm>>) dst(%dma_wait3A_83 : memref<640x128xf32, #tpu.memory_space<vmem_shared>>)
        tpu.yield
      }) : () -> ()
      %mul3A_20 = arith.constant 2 : i32
      %mul3A_21 = arith.muli %mul3A_20, %arg1 : i32
      %mul3A_22 = arith.constant 80 : i32
      %mul3A_23 = arith.muli %mul3A_21, %mul3A_22 : i32
      %barrier3A = arith.constant 0 : index
      tpu.barrier barrier_id(%barrier3A)
      %add3A = arith.constant 0 : i32
      %add3A_24 = arith.addi %mul3A_23, %add3A : i32
      %dma_start3A = arith.constant 0 : i32
      %dma_start3A_25 = arith.constant 0 : i32
      %dma_start3A_26 = tpu.memref_slice %arg4[%add3A_24, %dma_start3A, %dma_start3A_25] : memref<2560x2x128xi32, #tpu.memory_space<hbm>> -> memref<1x2x128xi32, #tpu.memory_space<hbm>>
      %dma_start3A_27 = tpu.memref_squeeze %dma_start3A_26 : memref<1x2x128xi32, #tpu.memory_space<hbm>> -> memref<2x128xi32, #tpu.memory_space<hbm>>
      %dma_start3A_28 = arith.constant 0 : i32
      %dma_start3A_29 = arith.constant 0 : i32
      %dma_start3A_30 = tpu.memref_slice %arg4[%add3A_24, %dma_start3A_28, %dma_start3A_29] : memref<2560x2x128xi32, #tpu.memory_space<hbm>> -> memref<1x2x128xi32, #tpu.memory_space<hbm>>
      %dma_start3A_31 = tpu.memref_squeeze %dma_start3A_30 : memref<1x2x128xi32, #tpu.memory_space<hbm>> -> memref<2x128xi32, #tpu.memory_space<hbm>>
      tpu.enqueue_dma source(%dma_start3A_31 : memref<2x128xi32, #tpu.memory_space<hbm>>) target(%arg8 : memref<2x128xi32, #tpu.memory_space<vmem>>) target_semaphore(%arg17 : memref<!tpu.dma_semaphore, #tpu.memory_space<semaphore_mem>>)
      %add3A_32 = arith.constant 2 : i32
      %add3A_33 = arith.addi %mul3A_23, %add3A_32 : i32
      %dma_start3A_34 = arith.constant 0 : i32
      %dma_start3A_35 = arith.constant 0 : i32
      %dma_start3A_36 = tpu.memref_slice %arg4[%add3A_33, %dma_start3A_34, %dma_start3A_35] : memref<2560x2x128xi32, #tpu.memory_space<hbm>> -> memref<1x2x128xi32, #tpu.memory_space<hbm>>
      %dma_start3A_37 = tpu.memref_squeeze %dma_start3A_36 : memref<1x2x128xi32, #tpu.memory_space<hbm>> -> memref<2x128xi32, #tpu.memory_space<hbm>>
      %dma_start3A_38 = arith.constant 0 : i32
      %dma_start3A_39 = arith.constant 0 : i32
      %dma_start3A_40 = tpu.memref_slice %arg4[%add3A_33, %dma_start3A_38, %dma_start3A_39] : memref<2560x2x128xi32, #tpu.memory_space<hbm>> -> memref<1x2x128xi32, #tpu.memory_space<hbm>>
      %dma_start3A_41 = tpu.memref_squeeze %dma_start3A_40 : memref<1x2x128xi32, #tpu.memory_space<hbm>> -> memref<2x128xi32, #tpu.memory_space<hbm>>
      tpu.enqueue_dma source(%dma_start3A_41 : memref<2x128xi32, #tpu.memory_space<hbm>>) target(%arg9 : memref<2x128xi32, #tpu.memory_space<vmem>>) target_semaphore(%arg18 : memref<!tpu.dma_semaphore, #tpu.memory_space<semaphore_mem>>)
      %add3A_42 = arith.constant 0 : i32
      %add3A_43 = arith.addi %mul3A_23, %add3A_42 : i32
      %dma_wait3A = arith.constant 0 : i32
      %dma_wait3A_44 = arith.constant 0 : i32
      %dma_wait3A_45 = tpu.memref_slice %arg4[%add3A_43, %dma_wait3A, %dma_wait3A_44] : memref<2560x2x128xi32, #tpu.memory_space<hbm>> -> memref<1x2x128xi32, #tpu.memory_space<hbm>>
      %dma_wait3A_46 = tpu.memref_squeeze %dma_wait3A_45 : memref<1x2x128xi32, #tpu.memory_space<hbm>> -> memref<2x128xi32, #tpu.memory_space<hbm>>
      %dma_wait3A_47 = arith.constant 0 : i32
      %dma_wait3A_48 = arith.constant 0 : i32
      %dma_wait3A_49 = tpu.memref_slice %arg4[%add3A_43, %dma_wait3A_47, %dma_wait3A_48] : memref<2560x2x128xi32, #tpu.memory_space<hbm>> -> memref<1x2x128xi32, #tpu.memory_space<hbm>>
      %dma_wait3A_50 = tpu.memref_squeeze %dma_wait3A_49 : memref<1x2x128xi32, #tpu.memory_space<hbm>> -> memref<2x128xi32, #tpu.memory_space<hbm>>
      tpu.wait_dma2 semaphore(%arg17 : memref<!tpu.dma_semaphore, #tpu.memory_space<semaphore_mem>>) src(%dma_wait3A_50 : memref<2x128xi32, #tpu.memory_space<hbm>>) dst(%arg8 : memref<2x128xi32, #tpu.memory_space<vmem>>)
      %dma_start3A_51 = arith.constant 0 : i32
      %dma_start3A_52 = arith.constant 0 : i32
      %dma_start3A_53 = tpu.memref_slice %arg8[%dma_start3A_51, %dma_start3A_52] : memref<2x128xi32, #tpu.memory_space<vmem>> -> memref<1x128xi32, #tpu.memory_space<vmem>>
      %dma_start3A_54 = tpu.memref_squeeze %dma_start3A_53 : memref<1x128xi32, #tpu.memory_space<vmem>> -> memref<128xi32, #tpu.memory_space<vmem>>
      %dma_start3A_55 = arith.constant 0 : i32
      %dma_start3A_56 = arith.constant 0 : i32
      %dma_start3A_57 = tpu.memref_slice %arg2[%dma_start3A_55, %dma_start3A_56] : memref<10240x128xf32, #tpu.memory_space<hbm>> -> memref<10240x128xf32, #tpu.memory_space<hbm>>
      tpu.enqueue_indirect_dma source(%dma_start3A_57 : memref<10240x128xf32, #tpu.memory_space<hbm>>) target(%arg10 : memref<128x128xf32, #tpu.memory_space<vmem>>) offsets(%dma_start3A_54 : memref<128xi32, #tpu.memory_space<vmem>>) semaphore(%arg13 : memref<!tpu.dma_semaphore, #tpu.memory_space<semaphore_mem>>)
      %scan3A = arith.constant 0 : i32
      %scan3A_58 = arith.constant 0 : i32
      %scan3A_59 = arith.constant 40 : i32
      %scan3A_60 = arith.addi %scan3A_58, %scan3A_59 : i32
      %scan3A_61 = arith.constant 1 : i32
      scf.for %scan3A_78 = %scan3A_58 to %scan3A_60 step %scan3A_61  : i32 {
        %mul3A_79 = arith.constant 2 : i32
        %mul3A_80 = arith.muli %mul3A_79, %scan3A_78 : i32
        %add3A_81 = arith.constant 0 : i32
        %add3A_82 = arith.addi %mul3A_80, %add3A_81 : i32
        %dma_wait3A_83 = arith.constant 0 : i32
        %dma_wait3A_84 = arith.constant 0 : i32
        %dma_wait3A_85 = tpu.memref_slice %arg8[%dma_wait3A_83, %dma_wait3A_84] : memref<2x128xi32, #tpu.memory_space<vmem>> -> memref<1x128xi32, #tpu.memory_space<vmem>>
        %dma_wait3A_86 = tpu.memref_squeeze %dma_wait3A_85 : memref<1x128xi32, #tpu.memory_space<vmem>> -> memref<128xi32, #tpu.memory_space<vmem>>
        %dma_wait3A_87 = arith.constant 0 : i32
        %dma_wait3A_88 = arith.constant 0 : i32
        %dma_wait3A_89 = tpu.memref_slice %arg2[%dma_wait3A_87, %dma_wait3A_88] : memref<10240x128xf32, #tpu.memory_space<hbm>> -> memref<10240x128xf32, #tpu.memory_space<hbm>>
        tpu.wait_indirect_dma semaphore(%arg13 : memref<!tpu.dma_semaphore, #tpu.memory_space<semaphore_mem>>) src(%dma_wait3A_89 : memref<10240x128xf32, #tpu.memory_space<hbm>>) dst(%arg10 : memref<128x128xf32, #tpu.memory_space<vmem>>)
        %dma_start3A_90 = arith.constant 1 : i32
        %dma_start3A_91 = arith.constant 0 : i32
        %dma_start3A_92 = tpu.memref_slice %arg8[%dma_start3A_90, %dma_start3A_91] : memref<2x128xi32, #tpu.memory_space<vmem>> -> memref<1x128xi32, #tpu.memory_space<vmem>>
        %dma_start3A_93 = tpu.memref_squeeze %dma_start3A_92 : memref<1x128xi32, #tpu.memory_space<vmem>> -> memref<128xi32, #tpu.memory_space<vmem>>
        %dma_start3A_94 = arith.constant 0 : i32
        %dma_start3A_95 = arith.constant 0 : i32
        %dma_start3A_96 = tpu.memref_slice %arg12[%dma_start3A_94, %dma_start3A_95] : memref<10240x128xf32, #tpu.memory_space<vmem_shared>> -> memref<10240x128xf32, #tpu.memory_space<vmem_shared>>
        tpu.enqueue_indirect_dma source(%arg10 : memref<128x128xf32, #tpu.memory_space<vmem>>) target(%dma_start3A_96 : memref<10240x128xf32, #tpu.memory_space<vmem_shared>>) offsets(%dma_start3A_93 : memref<128xi32, #tpu.memory_space<vmem>>) semaphore(%arg15 : memref<!tpu.dma_semaphore, #tpu.memory_space<semaphore_mem>>) {add = true}
        %add3A_97 = arith.constant 2 : i32
        %add3A_98 = arith.addi %add3A_82, %add3A_97 : i32
        %lt3A = arith.constant 80 : i32
        %lt3A_99 = arith.cmpi slt, %add3A_98, %lt3A : i32
        %convert_element_type3A_100 = arith.extui %lt3A_99 : i1 to i32
        %cond3A_101 = arith.constant 0 : i32
        %cond3A_102 = arith.cmpi ne, %convert_element_type3A_100, %cond3A_101 : i32
        scf.if %cond3A_102 {
          %add3A_142 = arith.constant 2 : i32
          %add3A_143 = arith.addi %add3A_82, %add3A_142 : i32
          %mul3A_144 = arith.constant 2 : i32
          %mul3A_145 = arith.muli %mul3A_144, %add3A_143 : i32
          %add3A_146 = arith.addi %mul3A_23, %mul3A_145 : i32
          %dma_start3A_147 = arith.constant 0 : i32
          %dma_start3A_148 = arith.constant 0 : i32
          %dma_start3A_149 = tpu.memref_slice %arg4[%add3A_146, %dma_start3A_147, %dma_start3A_148] : memref<2560x2x128xi32, #tpu.memory_space<hbm>> -> memref<1x2x128xi32, #tpu.memory_space<hbm>>
          %dma_start3A_150 = tpu.memref_squeeze %dma_start3A_149 : memref<1x2x128xi32, #tpu.memory_space<hbm>> -> memref<2x128xi32, #tpu.memory_space<hbm>>
          %dma_start3A_151 = arith.constant 0 : i32
          %dma_start3A_152 = arith.constant 0 : i32
          %dma_start3A_153 = tpu.memref_slice %arg4[%add3A_146, %dma_start3A_151, %dma_start3A_152] : memref<2560x2x128xi32, #tpu.memory_space<hbm>> -> memref<1x2x128xi32, #tpu.memory_space<hbm>>
          %dma_start3A_154 = tpu.memref_squeeze %dma_start3A_153 : memref<1x2x128xi32, #tpu.memory_space<hbm>> -> memref<2x128xi32, #tpu.memory_space<hbm>>
          tpu.enqueue_dma source(%dma_start3A_154 : memref<2x128xi32, #tpu.memory_space<hbm>>) target(%arg8 : memref<2x128xi32, #tpu.memory_space<vmem>>) target_semaphore(%arg17 : memref<!tpu.dma_semaphore, #tpu.memory_space<semaphore_mem>>)
        } else {
        }
        %add3A_103 = arith.constant 1 : i32
        %add3A_104 = arith.addi %add3A_82, %add3A_103 : i32
        %lt3A_105 = arith.constant 80 : i32
        %lt3A_106 = arith.cmpi slt, %add3A_104, %lt3A_105 : i32
        %convert_element_type3A_107 = arith.extui %lt3A_106 : i1 to i32
        %cond3A_108 = arith.constant 0 : i32
        %cond3A_109 = arith.cmpi ne, %convert_element_type3A_107, %cond3A_108 : i32
        scf.if %cond3A_109 {
          %ge3A = arith.constant 1 : i32
          %ge3A_142 = arith.cmpi sge, %add3A_82, %ge3A : i32
          %convert_element_type3A_143 = arith.extui %ge3A_142 : i1 to i32
          %cond3A_144 = arith.constant 0 : i32
          %cond3A_145 = arith.cmpi ne, %convert_element_type3A_143, %cond3A_144 : i32
          scf.if %cond3A_145 {
            %dma_wait3A_165 = arith.constant 1 : i32
            %dma_wait3A_166 = arith.constant 0 : i32
            %dma_wait3A_167 = tpu.memref_slice %arg9[%dma_wait3A_165, %dma_wait3A_166] : memref<2x128xi32, #tpu.memory_space<vmem>> -> memref<1x128xi32, #tpu.memory_space<vmem>>
            %dma_wait3A_168 = tpu.memref_squeeze %dma_wait3A_167 : memref<1x128xi32, #tpu.memory_space<vmem>> -> memref<128xi32, #tpu.memory_space<vmem>>
            %dma_wait3A_169 = arith.constant 0 : i32
            %dma_wait3A_170 = arith.constant 0 : i32
            %dma_wait3A_171 = tpu.memref_slice %arg12[%dma_wait3A_169, %dma_wait3A_170] : memref<10240x128xf32, #tpu.memory_space<vmem_shared>> -> memref<10240x128xf32, #tpu.memory_space<vmem_shared>>
            tpu.wait_indirect_dma semaphore(%arg16 : memref<!tpu.dma_semaphore, #tpu.memory_space<semaphore_mem>>) src(%arg11 : memref<128x128xf32, #tpu.memory_space<vmem>>) dst(%dma_wait3A_171 : memref<10240x128xf32, #tpu.memory_space<vmem_shared>>)
          } else {
          }
          %add3A_146 = arith.constant 0 : i32
          %add3A_147 = arith.addi %mul3A_23, %add3A_146 : i32
          %dma_wait3A_148 = arith.constant 0 : i32
          %dma_wait3A_149 = arith.constant 0 : i32
          %dma_wait3A_150 = tpu.memref_slice %arg4[%add3A_147, %dma_wait3A_148, %dma_wait3A_149] : memref<2560x2x128xi32, #tpu.memory_space<hbm>> -> memref<1x2x128xi32, #tpu.memory_space<hbm>>
          %dma_wait3A_151 = tpu.memref_squeeze %dma_wait3A_150 : memref<1x2x128xi32, #tpu.memory_space<hbm>> -> memref<2x128xi32, #tpu.memory_space<hbm>>
          %dma_wait3A_152 = arith.constant 0 : i32
          %dma_wait3A_153 = arith.constant 0 : i32
          %dma_wait3A_154 = tpu.memref_slice %arg4[%add3A_147, %dma_wait3A_152, %dma_wait3A_153] : memref<2560x2x128xi32, #tpu.memory_space<hbm>> -> memref<1x2x128xi32, #tpu.memory_space<hbm>>
          %dma_wait3A_155 = tpu.memref_squeeze %dma_wait3A_154 : memref<1x2x128xi32, #tpu.memory_space<hbm>> -> memref<2x128xi32, #tpu.memory_space<hbm>>
          tpu.wait_dma2 semaphore(%arg18 : memref<!tpu.dma_semaphore, #tpu.memory_space<semaphore_mem>>) src(%dma_wait3A_155 : memref<2x128xi32, #tpu.memory_space<hbm>>) dst(%arg9 : memref<2x128xi32, #tpu.memory_space<vmem>>)
          %add3A_156 = arith.constant 1 : i32
          %add3A_157 = arith.addi %add3A_82, %add3A_156 : i32
          %dma_start3A_158 = arith.constant 0 : i32
          %dma_start3A_159 = arith.constant 0 : i32
          %dma_start3A_160 = tpu.memref_slice %arg9[%dma_start3A_158, %dma_start3A_159] : memref<2x128xi32, #tpu.memory_space<vmem>> -> memref<1x128xi32, #tpu.memory_space<vmem>>
          %dma_start3A_161 = tpu.memref_squeeze %dma_start3A_160 : memref<1x128xi32, #tpu.memory_space<vmem>> -> memref<128xi32, #tpu.memory_space<vmem>>
          %dma_start3A_162 = arith.constant 0 : i32
          %dma_start3A_163 = arith.constant 0 : i32
          %dma_start3A_164 = tpu.memref_slice %arg2[%dma_start3A_162, %dma_start3A_163] : memref<10240x128xf32, #tpu.memory_space<hbm>> -> memref<10240x128xf32, #tpu.memory_space<hbm>>
          tpu.enqueue_indirect_dma source(%dma_start3A_164 : memref<10240x128xf32, #tpu.memory_space<hbm>>) target(%arg11 : memref<128x128xf32, #tpu.memory_space<vmem>>) offsets(%dma_start3A_161 : memref<128xi32, #tpu.memory_space<vmem>>) semaphore(%arg14 : memref<!tpu.dma_semaphore, #tpu.memory_space<semaphore_mem>>)
        } else {
        }
        %mul3A_110 = arith.constant 2 : i32
        %mul3A_111 = arith.muli %mul3A_110, %scan3A_78 : i32
        %add3A_112 = arith.constant 1 : i32
        %add3A_113 = arith.addi %mul3A_111, %add3A_112 : i32
        %dma_wait3A_114 = arith.constant 0 : i32
        %dma_wait3A_115 = arith.constant 0 : i32
        %dma_wait3A_116 = tpu.memref_slice %arg9[%dma_wait3A_114, %dma_wait3A_115] : memref<2x128xi32, #tpu.memory_space<vmem>> -> memref<1x128xi32, #tpu.memory_space<vmem>>
        %dma_wait3A_117 = tpu.memref_squeeze %dma_wait3A_116 : memref<1x128xi32, #tpu.memory_space<vmem>> -> memref<128xi32, #tpu.memory_space<vmem>>
        %dma_wait3A_118 = arith.constant 0 : i32
        %dma_wait3A_119 = arith.constant 0 : i32
        %dma_wait3A_120 = tpu.memref_slice %arg2[%dma_wait3A_118, %dma_wait3A_119] : memref<10240x128xf32, #tpu.memory_space<hbm>> -> memref<10240x128xf32, #tpu.memory_space<hbm>>
        tpu.wait_indirect_dma semaphore(%arg14 : memref<!tpu.dma_semaphore, #tpu.memory_space<semaphore_mem>>) src(%dma_wait3A_120 : memref<10240x128xf32, #tpu.memory_space<hbm>>) dst(%arg11 : memref<128x128xf32, #tpu.memory_space<vmem>>)
        %dma_start3A_121 = arith.constant 1 : i32
        %dma_start3A_122 = arith.constant 0 : i32
        %dma_start3A_123 = tpu.memref_slice %arg9[%dma_start3A_121, %dma_start3A_122] : memref<2x128xi32, #tpu.memory_space<vmem>> -> memref<1x128xi32, #tpu.memory_space<vmem>>
        %dma_start3A_124 = tpu.memref_squeeze %dma_start3A_123 : memref<1x128xi32, #tpu.memory_space<vmem>> -> memref<128xi32, #tpu.memory_space<vmem>>
        %dma_start3A_125 = arith.constant 0 : i32
        %dma_start3A_126 = arith.constant 0 : i32
        %dma_start3A_127 = tpu.memref_slice %arg12[%dma_start3A_125, %dma_start3A_126] : memref<10240x128xf32, #tpu.memory_space<vmem_shared>> -> memref<10240x128xf32, #tpu.memory_space<vmem_shared>>
        tpu.enqueue_indirect_dma source(%arg11 : memref<128x128xf32, #tpu.memory_space<vmem>>) target(%dma_start3A_127 : memref<10240x128xf32, #tpu.memory_space<vmem_shared>>) offsets(%dma_start3A_124 : memref<128xi32, #tpu.memory_space<vmem>>) semaphore(%arg16 : memref<!tpu.dma_semaphore, #tpu.memory_space<semaphore_mem>>) {add = true}
        %add3A_128 = arith.constant 2 : i32
        %add3A_129 = arith.addi %add3A_113, %add3A_128 : i32
        %lt3A_130 = arith.constant 80 : i32
        %lt3A_131 = arith.cmpi slt, %add3A_129, %lt3A_130 : i32
        %convert_element_type3A_132 = arith.extui %lt3A_131 : i1 to i32
        %cond3A_133 = arith.constant 0 : i32
        %cond3A_134 = arith.cmpi ne, %convert_element_type3A_132, %cond3A_133 : i32
        scf.if %cond3A_134 {
          %add3A_142 = arith.constant 2 : i32
          %add3A_143 = arith.addi %add3A_113, %add3A_142 : i32
          %mul3A_144 = arith.constant 2 : i32
          %mul3A_145 = arith.muli %mul3A_144, %add3A_143 : i32
          %add3A_146 = arith.addi %mul3A_23, %mul3A_145 : i32
          %dma_start3A_147 = arith.constant 0 : i32
          %dma_start3A_148 = arith.constant 0 : i32
          %dma_start3A_149 = tpu.memref_slice %arg4[%add3A_146, %dma_start3A_147, %dma_start3A_148] : memref<2560x2x128xi32, #tpu.memory_space<hbm>> -> memref<1x2x128xi32, #tpu.memory_space<hbm>>
          %dma_start3A_150 = tpu.memref_squeeze %dma_start3A_149 : memref<1x2x128xi32, #tpu.memory_space<hbm>> -> memref<2x128xi32, #tpu.memory_space<hbm>>
          %dma_start3A_151 = arith.constant 0 : i32
          %dma_start3A_152 = arith.constant 0 : i32
          %dma_start3A_153 = tpu.memref_slice %arg4[%add3A_146, %dma_start3A_151, %dma_start3A_152] : memref<2560x2x128xi32, #tpu.memory_space<hbm>> -> memref<1x2x128xi32, #tpu.memory_space<hbm>>
          %dma_start3A_154 = tpu.memref_squeeze %dma_start3A_153 : memref<1x2x128xi32, #tpu.memory_space<hbm>> -> memref<2x128xi32, #tpu.memory_space<hbm>>
          tpu.enqueue_dma source(%dma_start3A_154 : memref<2x128xi32, #tpu.memory_space<hbm>>) target(%arg9 : memref<2x128xi32, #tpu.memory_space<vmem>>) target_semaphore(%arg18 : memref<!tpu.dma_semaphore, #tpu.memory_space<semaphore_mem>>)
        } else {
        }
        %add3A_135 = arith.constant 1 : i32
        %add3A_136 = arith.addi %add3A_113, %add3A_135 : i32
        %lt3A_137 = arith.constant 80 : i32
        %lt3A_138 = arith.cmpi slt, %add3A_136, %lt3A_137 : i32
        %convert_element_type3A_139 = arith.extui %lt3A_138 : i1 to i32
        %cond3A_140 = arith.constant 0 : i32
        %cond3A_141 = arith.cmpi ne, %convert_element_type3A_139, %cond3A_140 : i32
        scf.if %cond3A_141 {
          %ge3A = arith.constant 1 : i32
          %ge3A_142 = arith.cmpi sge, %add3A_113, %ge3A : i32
          %convert_element_type3A_143 = arith.extui %ge3A_142 : i1 to i32
          %cond3A_144 = arith.constant 0 : i32
          %cond3A_145 = arith.cmpi ne, %convert_element_type3A_143, %cond3A_144 : i32
          scf.if %cond3A_145 {
            %dma_wait3A_165 = arith.constant 1 : i32
            %dma_wait3A_166 = arith.constant 0 : i32
            %dma_wait3A_167 = tpu.memref_slice %arg8[%dma_wait3A_165, %dma_wait3A_166] : memref<2x128xi32, #tpu.memory_space<vmem>> -> memref<1x128xi32, #tpu.memory_space<vmem>>
            %dma_wait3A_168 = tpu.memref_squeeze %dma_wait3A_167 : memref<1x128xi32, #tpu.memory_space<vmem>> -> memref<128xi32, #tpu.memory_space<vmem>>
            %dma_wait3A_169 = arith.constant 0 : i32
            %dma_wait3A_170 = arith.constant 0 : i32
            %dma_wait3A_171 = tpu.memref_slice %arg12[%dma_wait3A_169, %dma_wait3A_170] : memref<10240x128xf32, #tpu.memory_space<vmem_shared>> -> memref<10240x128xf32, #tpu.memory_space<vmem_shared>>
            tpu.wait_indirect_dma semaphore(%arg15 : memref<!tpu.dma_semaphore, #tpu.memory_space<semaphore_mem>>) src(%arg10 : memref<128x128xf32, #tpu.memory_space<vmem>>) dst(%dma_wait3A_171 : memref<10240x128xf32, #tpu.memory_space<vmem_shared>>)
          } else {
          }
          %add3A_146 = arith.constant 0 : i32
          %add3A_147 = arith.addi %mul3A_23, %add3A_146 : i32
          %dma_wait3A_148 = arith.constant 0 : i32
          %dma_wait3A_149 = arith.constant 0 : i32
          %dma_wait3A_150 = tpu.memref_slice %arg4[%add3A_147, %dma_wait3A_148, %dma_wait3A_149] : memref<2560x2x128xi32, #tpu.memory_space<hbm>> -> memref<1x2x128xi32, #tpu.memory_space<hbm>>
          %dma_wait3A_151 = tpu.memref_squeeze %dma_wait3A_150 : memref<1x2x128xi32, #tpu.memory_space<hbm>> -> memref<2x128xi32, #tpu.memory_space<hbm>>
          %dma_wait3A_152 = arith.constant 0 : i32
          %dma_wait3A_153 = arith.constant 0 : i32
          %dma_wait3A_154 = tpu.memref_slice %arg4[%add3A_147, %dma_wait3A_152, %dma_wait3A_153] : memref<2560x2x128xi32, #tpu.memory_space<hbm>> -> memref<1x2x128xi32, #tpu.memory_space<hbm>>
          %dma_wait3A_155 = tpu.memref_squeeze %dma_wait3A_154 : memref<1x2x128xi32, #tpu.memory_space<hbm>> -> memref<2x128xi32, #tpu.memory_space<hbm>>
          tpu.wait_dma2 semaphore(%arg17 : memref<!tpu.dma_semaphore, #tpu.memory_space<semaphore_mem>>) src(%dma_wait3A_155 : memref<2x128xi32, #tpu.memory_space<hbm>>) dst(%arg8 : memref<2x128xi32, #tpu.memory_space<vmem>>)
          %add3A_156 = arith.constant 1 : i32
          %add3A_157 = arith.addi %add3A_113, %add3A_156 : i32
          %dma_start3A_158 = arith.constant 0 : i32
          %dma_start3A_159 = arith.constant 0 : i32
          %dma_start3A_160 = tpu.memref_slice %arg8[%dma_start3A_158, %dma_start3A_159] : memref<2x128xi32, #tpu.memory_space<vmem>> -> memref<1x128xi32, #tpu.memory_space<vmem>>
          %dma_start3A_161 = tpu.memref_squeeze %dma_start3A_160 : memref<1x128xi32, #tpu.memory_space<vmem>> -> memref<128xi32, #tpu.memory_space<vmem>>
          %dma_start3A_162 = arith.constant 0 : i32
          %dma_start3A_163 = arith.constant 0 : i32
          %dma_start3A_164 = tpu.memref_slice %arg2[%dma_start3A_162, %dma_start3A_163] : memref<10240x128xf32, #tpu.memory_space<hbm>> -> memref<10240x128xf32, #tpu.memory_space<hbm>>
          tpu.enqueue_indirect_dma source(%dma_start3A_164 : memref<10240x128xf32, #tpu.memory_space<hbm>>) target(%arg10 : memref<128x128xf32, #tpu.memory_space<vmem>>) offsets(%dma_start3A_161 : memref<128xi32, #tpu.memory_space<vmem>>) semaphore(%arg13 : memref<!tpu.dma_semaphore, #tpu.memory_space<semaphore_mem>>)
        } else {
        }
      }
      %scan3A_62 = arith.constant 40 : i32
      %dma_wait3A_63 = arith.constant 1 : i32
      %dma_wait3A_64 = arith.constant 0 : i32
      %dma_wait3A_65 = tpu.memref_slice %arg8[%dma_wait3A_63, %dma_wait3A_64] : memref<2x128xi32, #tpu.memory_space<vmem>> -> memref<1x128xi32, #tpu.memory_space<vmem>>
      %dma_wait3A_66 = tpu.memref_squeeze %dma_wait3A_65 : memref<1x128xi32, #tpu.memory_space<vmem>> -> memref<128xi32, #tpu.memory_space<vmem>>
      %dma_wait3A_67 = arith.constant 0 : i32
      %dma_wait3A_68 = arith.constant 0 : i32
      %dma_wait3A_69 = tpu.memref_slice %arg12[%dma_wait3A_67, %dma_wait3A_68] : memref<10240x128xf32, #tpu.memory_space<vmem_shared>> -> memref<10240x128xf32, #tpu.memory_space<vmem_shared>>
      tpu.wait_indirect_dma semaphore(%arg15 : memref<!tpu.dma_semaphore, #tpu.memory_space<semaphore_mem>>) src(%arg10 : memref<128x128xf32, #tpu.memory_space<vmem>>) dst(%dma_wait3A_69 : memref<10240x128xf32, #tpu.memory_space<vmem_shared>>)
      %dma_wait3A_70 = arith.constant 1 : i32
      %dma_wait3A_71 = arith.constant 0 : i32
      %dma_wait3A_72 = tpu.memref_slice %arg9[%dma_wait3A_70, %dma_wait3A_71] : memref<2x128xi32, #tpu.memory_space<vmem>> -> memref<1x128xi32, #tpu.memory_space<vmem>>
      %dma_wait3A_73 = tpu.memref_squeeze %dma_wait3A_72 : memref<1x128xi32, #tpu.memory_space<vmem>> -> memref<128xi32, #tpu.memory_space<vmem>>
      %dma_wait3A_74 = arith.constant 0 : i32
      %dma_wait3A_75 = arith.constant 0 : i32
      %dma_wait3A_76 = tpu.memref_slice %arg12[%dma_wait3A_74, %dma_wait3A_75] : memref<10240x128xf32, #tpu.memory_space<vmem_shared>> -> memref<10240x128xf32, #tpu.memory_space<vmem_shared>>
      tpu.wait_indirect_dma semaphore(%arg16 : memref<!tpu.dma_semaphore, #tpu.memory_space<semaphore_mem>>) src(%arg11 : memref<128x128xf32, #tpu.memory_space<vmem>>) dst(%dma_wait3A_76 : memref<10240x128xf32, #tpu.memory_space<vmem_shared>>)
      %barrier3A_77 = arith.constant 0 : index
      tpu.barrier barrier_id(%barrier3A_77)
    } else {
    }
    %eq3A_2 = arith.constant 1 : i32
    %eq3A_3 = arith.cmpi eq, %arg0, %eq3A_2 : i32
    %convert_element_type3A_4 = arith.extui %eq3A_3 : i1 to i32
    %cond3A_5 = arith.constant 0 : i32
    %cond3A_6 = arith.cmpi ne, %convert_element_type3A_4, %cond3A_5 : i32
    scf.if %cond3A_6 {
      %mul3A = arith.constant 640 : i32
      %mul3A_17 = arith.muli %arg1, %mul3A : i32
      %mul3A_18 = arith.constant 640 : i32
      %mul3A_19 = arith.muli %arg1, %mul3A_18 : i32
      "tpu.region"() ({
        %run_scoped3A = tpu.sem_alloc : memref<!tpu.dma_semaphore, #tpu.memory_space<semaphore_mem>>
        %dma_start3A_80 = arith.constant 0 : i32
        %dma_start3A_81 = tpu.memref_slice %arg12[%mul3A_19, %dma_start3A_80] : memref<10240x128xf32, #tpu.memory_space<vmem_shared>> -> memref<640x128xf32, #tpu.memory_space<vmem_shared>>
        %dma_start3A_82 = arith.constant 0 : i32
        %dma_start3A_83 = tpu.memref_slice %arg5[%mul3A_17, %dma_start3A_82] : memref<10240x128xf32, #tpu.memory_space<hbm>> -> memref<640x128xf32, #tpu.memory_space<hbm>>
        tpu.enqueue_dma source(%dma_start3A_83 : memref<640x128xf32, #tpu.memory_space<hbm>>) target(%dma_start3A_81 : memref<640x128xf32, #tpu.memory_space<vmem_shared>>) target_semaphore(%run_scoped3A : memref<!tpu.dma_semaphore, #tpu.memory_space<semaphore_mem>>)
        %dma_wait3A_84 = arith.constant 0 : i32
        %dma_wait3A_85 = tpu.memref_slice %arg12[%mul3A_19, %dma_wait3A_84] : memref<10240x128xf32, #tpu.memory_space<vmem_shared>> -> memref<640x128xf32, #tpu.memory_space<vmem_shared>>
        %dma_wait3A_86 = arith.constant 0 : i32
        %dma_wait3A_87 = tpu.memref_slice %arg5[%mul3A_17, %dma_wait3A_86] : memref<10240x128xf32, #tpu.memory_space<hbm>> -> memref<640x128xf32, #tpu.memory_space<hbm>>
        tpu.wait_dma2 semaphore(%run_scoped3A : memref<!tpu.dma_semaphore, #tpu.memory_space<semaphore_mem>>) src(%dma_wait3A_87 : memref<640x128xf32, #tpu.memory_space<hbm>>) dst(%dma_wait3A_85 : memref<640x128xf32, #tpu.memory_space<vmem_shared>>)
        tpu.yield
      }) : () -> ()
      %mul3A_20 = arith.constant 2 : i32
      %mul3A_21 = arith.muli %mul3A_20, %arg1 : i32
      %mul3A_22 = arith.constant 80 : i32
      %mul3A_23 = arith.muli %mul3A_21, %mul3A_22 : i32
      %add3A = arith.constant 1 : i32
      %add3A_24 = arith.addi %mul3A_23, %add3A : i32
      %barrier3A = arith.constant 0 : index
      tpu.barrier barrier_id(%barrier3A)
      %add3A_25 = arith.constant 0 : i32
      %add3A_26 = arith.addi %add3A_24, %add3A_25 : i32
      %dma_start3A = arith.constant 0 : i32
      %dma_start3A_27 = arith.constant 0 : i32
      %dma_start3A_28 = tpu.memref_slice %arg4[%add3A_26, %dma_start3A, %dma_start3A_27] : memref<2560x2x128xi32, #tpu.memory_space<hbm>> -> memref<1x2x128xi32, #tpu.memory_space<hbm>>
      %dma_start3A_29 = tpu.memref_squeeze %dma_start3A_28 : memref<1x2x128xi32, #tpu.memory_space<hbm>> -> memref<2x128xi32, #tpu.memory_space<hbm>>
      %dma_start3A_30 = arith.constant 0 : i32
      %dma_start3A_31 = arith.constant 0 : i32
      %dma_start3A_32 = tpu.memref_slice %arg4[%add3A_26, %dma_start3A_30, %dma_start3A_31] : memref<2560x2x128xi32, #tpu.memory_space<hbm>> -> memref<1x2x128xi32, #tpu.memory_space<hbm>>
      %dma_start3A_33 = tpu.memref_squeeze %dma_start3A_32 : memref<1x2x128xi32, #tpu.memory_space<hbm>> -> memref<2x128xi32, #tpu.memory_space<hbm>>
      tpu.enqueue_dma source(%dma_start3A_33 : memref<2x128xi32, #tpu.memory_space<hbm>>) target(%arg8 : memref<2x128xi32, #tpu.memory_space<vmem>>) target_semaphore(%arg17 : memref<!tpu.dma_semaphore, #tpu.memory_space<semaphore_mem>>)
      %add3A_34 = arith.constant 2 : i32
      %add3A_35 = arith.addi %add3A_24, %add3A_34 : i32
      %dma_start3A_36 = arith.constant 0 : i32
      %dma_start3A_37 = arith.constant 0 : i32
      %dma_start3A_38 = tpu.memref_slice %arg4[%add3A_35, %dma_start3A_36, %dma_start3A_37] : memref<2560x2x128xi32, #tpu.memory_space<hbm>> -> memref<1x2x128xi32, #tpu.memory_space<hbm>>
      %dma_start3A_39 = tpu.memref_squeeze %dma_start3A_38 : memref<1x2x128xi32, #tpu.memory_space<hbm>> -> memref<2x128xi32, #tpu.memory_space<hbm>>
      %dma_start3A_40 = arith.constant 0 : i32
      %dma_start3A_41 = arith.constant 0 : i32
      %dma_start3A_42 = tpu.memref_slice %arg4[%add3A_35, %dma_start3A_40, %dma_start3A_41] : memref<2560x2x128xi32, #tpu.memory_space<hbm>> -> memref<1x2x128xi32, #tpu.memory_space<hbm>>
      %dma_start3A_43 = tpu.memref_squeeze %dma_start3A_42 : memref<1x2x128xi32, #tpu.memory_space<hbm>> -> memref<2x128xi32, #tpu.memory_space<hbm>>
      tpu.enqueue_dma source(%dma_start3A_43 : memref<2x128xi32, #tpu.memory_space<hbm>>) target(%arg9 : memref<2x128xi32, #tpu.memory_space<vmem>>) target_semaphore(%arg18 : memref<!tpu.dma_semaphore, #tpu.memory_space<semaphore_mem>>)
      %add3A_44 = arith.constant 0 : i32
      %add3A_45 = arith.addi %add3A_24, %add3A_44 : i32
      %dma_wait3A = arith.constant 0 : i32
      %dma_wait3A_46 = arith.constant 0 : i32
      %dma_wait3A_47 = tpu.memref_slice %arg4[%add3A_45, %dma_wait3A, %dma_wait3A_46] : memref<2560x2x128xi32, #tpu.memory_space<hbm>> -> memref<1x2x128xi32, #tpu.memory_space<hbm>>
      %dma_wait3A_48 = tpu.memref_squeeze %dma_wait3A_47 : memref<1x2x128xi32, #tpu.memory_space<hbm>> -> memref<2x128xi32, #tpu.memory_space<hbm>>
      %dma_wait3A_49 = arith.constant 0 : i32
      %dma_wait3A_50 = arith.constant 0 : i32
      %dma_wait3A_51 = tpu.memref_slice %arg4[%add3A_45, %dma_wait3A_49, %dma_wait3A_50] : memref<2560x2x128xi32, #tpu.memory_space<hbm>> -> memref<1x2x128xi32, #tpu.memory_space<hbm>>
      %dma_wait3A_52 = tpu.memref_squeeze %dma_wait3A_51 : memref<1x2x128xi32, #tpu.memory_space<hbm>> -> memref<2x128xi32, #tpu.memory_space<hbm>>
      tpu.wait_dma2 semaphore(%arg17 : memref<!tpu.dma_semaphore, #tpu.memory_space<semaphore_mem>>) src(%dma_wait3A_52 : memref<2x128xi32, #tpu.memory_space<hbm>>) dst(%arg8 : memref<2x128xi32, #tpu.memory_space<vmem>>)
      %dma_start3A_53 = arith.constant 0 : i32
      %dma_start3A_54 = arith.constant 0 : i32
      %dma_start3A_55 = tpu.memref_slice %arg8[%dma_start3A_53, %dma_start3A_54] : memref<2x128xi32, #tpu.memory_space<vmem>> -> memref<1x128xi32, #tpu.memory_space<vmem>>
      %dma_start3A_56 = tpu.memref_squeeze %dma_start3A_55 : memref<1x128xi32, #tpu.memory_space<vmem>> -> memref<128xi32, #tpu.memory_space<vmem>>
      %dma_start3A_57 = arith.constant 0 : i32
      %dma_start3A_58 = arith.constant 0 : i32
      %dma_start3A_59 = tpu.memref_slice %arg3[%dma_start3A_57, %dma_start3A_58] : memref<10240x128xf32, #tpu.memory_space<hbm>> -> memref<10240x128xf32, #tpu.memory_space<hbm>>
      tpu.enqueue_indirect_dma source(%dma_start3A_59 : memref<10240x128xf32, #tpu.memory_space<hbm>>) target(%arg10 : memref<128x128xf32, #tpu.memory_space<vmem>>) offsets(%dma_start3A_56 : memref<128xi32, #tpu.memory_space<vmem>>) semaphore(%arg13 : memref<!tpu.dma_semaphore, #tpu.memory_space<semaphore_mem>>)
      %scan3A = arith.constant 0 : i32
      %scan3A_60 = arith.constant 0 : i32
      %scan3A_61 = arith.constant 40 : i32
      %scan3A_62 = arith.addi %scan3A_60, %scan3A_61 : i32
      %scan3A_63 = arith.constant 1 : i32
      scf.for %scan3A_80 = %scan3A_60 to %scan3A_62 step %scan3A_63  : i32 {
        %mul3A_81 = arith.constant 2 : i32
        %mul3A_82 = arith.muli %mul3A_81, %scan3A_80 : i32
        %add3A_83 = arith.constant 0 : i32
        %add3A_84 = arith.addi %mul3A_82, %add3A_83 : i32
        %dma_wait3A_85 = arith.constant 0 : i32
        %dma_wait3A_86 = arith.constant 0 : i32
        %dma_wait3A_87 = tpu.memref_slice %arg8[%dma_wait3A_85, %dma_wait3A_86] : memref<2x128xi32, #tpu.memory_space<vmem>> -> memref<1x128xi32, #tpu.memory_space<vmem>>
        %dma_wait3A_88 = tpu.memref_squeeze %dma_wait3A_87 : memref<1x128xi32, #tpu.memory_space<vmem>> -> memref<128xi32, #tpu.memory_space<vmem>>
        %dma_wait3A_89 = arith.constant 0 : i32
        %dma_wait3A_90 = arith.constant 0 : i32
        %dma_wait3A_91 = tpu.memref_slice %arg3[%dma_wait3A_89, %dma_wait3A_90] : memref<10240x128xf32, #tpu.memory_space<hbm>> -> memref<10240x128xf32, #tpu.memory_space<hbm>>
        tpu.wait_indirect_dma semaphore(%arg13 : memref<!tpu.dma_semaphore, #tpu.memory_space<semaphore_mem>>) src(%dma_wait3A_91 : memref<10240x128xf32, #tpu.memory_space<hbm>>) dst(%arg10 : memref<128x128xf32, #tpu.memory_space<vmem>>)
        %dma_start3A_92 = arith.constant 1 : i32
        %dma_start3A_93 = arith.constant 0 : i32
        %dma_start3A_94 = tpu.memref_slice %arg8[%dma_start3A_92, %dma_start3A_93] : memref<2x128xi32, #tpu.memory_space<vmem>> -> memref<1x128xi32, #tpu.memory_space<vmem>>
        %dma_start3A_95 = tpu.memref_squeeze %dma_start3A_94 : memref<1x128xi32, #tpu.memory_space<vmem>> -> memref<128xi32, #tpu.memory_space<vmem>>
        %dma_start3A_96 = arith.constant 0 : i32
        %dma_start3A_97 = arith.constant 0 : i32
        %dma_start3A_98 = tpu.memref_slice %arg12[%dma_start3A_96, %dma_start3A_97] : memref<10240x128xf32, #tpu.memory_space<vmem_shared>> -> memref<10240x128xf32, #tpu.memory_space<vmem_shared>>
        tpu.enqueue_indirect_dma source(%arg10 : memref<128x128xf32, #tpu.memory_space<vmem>>) target(%dma_start3A_98 : memref<10240x128xf32, #tpu.memory_space<vmem_shared>>) offsets(%dma_start3A_95 : memref<128xi32, #tpu.memory_space<vmem>>) semaphore(%arg15 : memref<!tpu.dma_semaphore, #tpu.memory_space<semaphore_mem>>) {add = true}
        %add3A_99 = arith.constant 2 : i32
        %add3A_100 = arith.addi %add3A_84, %add3A_99 : i32
        %lt3A = arith.constant 80 : i32
        %lt3A_101 = arith.cmpi slt, %add3A_100, %lt3A : i32
        %convert_element_type3A_102 = arith.extui %lt3A_101 : i1 to i32
        %cond3A_103 = arith.constant 0 : i32
        %cond3A_104 = arith.cmpi ne, %convert_element_type3A_102, %cond3A_103 : i32
        scf.if %cond3A_104 {
          %add3A_144 = arith.constant 2 : i32
          %add3A_145 = arith.addi %add3A_84, %add3A_144 : i32
          %mul3A_146 = arith.constant 2 : i32
          %mul3A_147 = arith.muli %mul3A_146, %add3A_145 : i32
          %add3A_148 = arith.addi %add3A_24, %mul3A_147 : i32
          %dma_start3A_149 = arith.constant 0 : i32
          %dma_start3A_150 = arith.constant 0 : i32
          %dma_start3A_151 = tpu.memref_slice %arg4[%add3A_148, %dma_start3A_149, %dma_start3A_150] : memref<2560x2x128xi32, #tpu.memory_space<hbm>> -> memref<1x2x128xi32, #tpu.memory_space<hbm>>
          %dma_start3A_152 = tpu.memref_squeeze %dma_start3A_151 : memref<1x2x128xi32, #tpu.memory_space<hbm>> -> memref<2x128xi32, #tpu.memory_space<hbm>>
          %dma_start3A_153 = arith.constant 0 : i32
          %dma_start3A_154 = arith.constant 0 : i32
          %dma_start3A_155 = tpu.memref_slice %arg4[%add3A_148, %dma_start3A_153, %dma_start3A_154] : memref<2560x2x128xi32, #tpu.memory_space<hbm>> -> memref<1x2x128xi32, #tpu.memory_space<hbm>>
          %dma_start3A_156 = tpu.memref_squeeze %dma_start3A_155 : memref<1x2x128xi32, #tpu.memory_space<hbm>> -> memref<2x128xi32, #tpu.memory_space<hbm>>
          tpu.enqueue_dma source(%dma_start3A_156 : memref<2x128xi32, #tpu.memory_space<hbm>>) target(%arg8 : memref<2x128xi32, #tpu.memory_space<vmem>>) target_semaphore(%arg17 : memref<!tpu.dma_semaphore, #tpu.memory_space<semaphore_mem>>)
        } else {
        }
        %add3A_105 = arith.constant 1 : i32
        %add3A_106 = arith.addi %add3A_84, %add3A_105 : i32
        %lt3A_107 = arith.constant 80 : i32
        %lt3A_108 = arith.cmpi slt, %add3A_106, %lt3A_107 : i32
        %convert_element_type3A_109 = arith.extui %lt3A_108 : i1 to i32
        %cond3A_110 = arith.constant 0 : i32
        %cond3A_111 = arith.cmpi ne, %convert_element_type3A_109, %cond3A_110 : i32
        scf.if %cond3A_111 {
          %ge3A = arith.constant 1 : i32
          %ge3A_144 = arith.cmpi sge, %add3A_84, %ge3A : i32
          %convert_element_type3A_145 = arith.extui %ge3A_144 : i1 to i32
          %cond3A_146 = arith.constant 0 : i32
          %cond3A_147 = arith.cmpi ne, %convert_element_type3A_145, %cond3A_146 : i32
          scf.if %cond3A_147 {
            %dma_wait3A_167 = arith.constant 1 : i32
            %dma_wait3A_168 = arith.constant 0 : i32
            %dma_wait3A_169 = tpu.memref_slice %arg9[%dma_wait3A_167, %dma_wait3A_168] : memref<2x128xi32, #tpu.memory_space<vmem>> -> memref<1x128xi32, #tpu.memory_space<vmem>>
            %dma_wait3A_170 = tpu.memref_squeeze %dma_wait3A_169 : memref<1x128xi32, #tpu.memory_space<vmem>> -> memref<128xi32, #tpu.memory_space<vmem>>
            %dma_wait3A_171 = arith.constant 0 : i32
            %dma_wait3A_172 = arith.constant 0 : i32
            %dma_wait3A_173 = tpu.memref_slice %arg12[%dma_wait3A_171, %dma_wait3A_172] : memref<10240x128xf32, #tpu.memory_space<vmem_shared>> -> memref<10240x128xf32, #tpu.memory_space<vmem_shared>>
            tpu.wait_indirect_dma semaphore(%arg16 : memref<!tpu.dma_semaphore, #tpu.memory_space<semaphore_mem>>) src(%arg11 : memref<128x128xf32, #tpu.memory_space<vmem>>) dst(%dma_wait3A_173 : memref<10240x128xf32, #tpu.memory_space<vmem_shared>>)
          } else {
          }
          %add3A_148 = arith.constant 0 : i32
          %add3A_149 = arith.addi %add3A_24, %add3A_148 : i32
          %dma_wait3A_150 = arith.constant 0 : i32
          %dma_wait3A_151 = arith.constant 0 : i32
          %dma_wait3A_152 = tpu.memref_slice %arg4[%add3A_149, %dma_wait3A_150, %dma_wait3A_151] : memref<2560x2x128xi32, #tpu.memory_space<hbm>> -> memref<1x2x128xi32, #tpu.memory_space<hbm>>
          %dma_wait3A_153 = tpu.memref_squeeze %dma_wait3A_152 : memref<1x2x128xi32, #tpu.memory_space<hbm>> -> memref<2x128xi32, #tpu.memory_space<hbm>>
          %dma_wait3A_154 = arith.constant 0 : i32
          %dma_wait3A_155 = arith.constant 0 : i32
          %dma_wait3A_156 = tpu.memref_slice %arg4[%add3A_149, %dma_wait3A_154, %dma_wait3A_155] : memref<2560x2x128xi32, #tpu.memory_space<hbm>> -> memref<1x2x128xi32, #tpu.memory_space<hbm>>
          %dma_wait3A_157 = tpu.memref_squeeze %dma_wait3A_156 : memref<1x2x128xi32, #tpu.memory_space<hbm>> -> memref<2x128xi32, #tpu.memory_space<hbm>>
          tpu.wait_dma2 semaphore(%arg18 : memref<!tpu.dma_semaphore, #tpu.memory_space<semaphore_mem>>) src(%dma_wait3A_157 : memref<2x128xi32, #tpu.memory_space<hbm>>) dst(%arg9 : memref<2x128xi32, #tpu.memory_space<vmem>>)
          %add3A_158 = arith.constant 1 : i32
          %add3A_159 = arith.addi %add3A_84, %add3A_158 : i32
          %dma_start3A_160 = arith.constant 0 : i32
          %dma_start3A_161 = arith.constant 0 : i32
          %dma_start3A_162 = tpu.memref_slice %arg9[%dma_start3A_160, %dma_start3A_161] : memref<2x128xi32, #tpu.memory_space<vmem>> -> memref<1x128xi32, #tpu.memory_space<vmem>>
          %dma_start3A_163 = tpu.memref_squeeze %dma_start3A_162 : memref<1x128xi32, #tpu.memory_space<vmem>> -> memref<128xi32, #tpu.memory_space<vmem>>
          %dma_start3A_164 = arith.constant 0 : i32
          %dma_start3A_165 = arith.constant 0 : i32
          %dma_start3A_166 = tpu.memref_slice %arg3[%dma_start3A_164, %dma_start3A_165] : memref<10240x128xf32, #tpu.memory_space<hbm>> -> memref<10240x128xf32, #tpu.memory_space<hbm>>
          tpu.enqueue_indirect_dma source(%dma_start3A_166 : memref<10240x128xf32, #tpu.memory_space<hbm>>) target(%arg11 : memref<128x128xf32, #tpu.memory_space<vmem>>) offsets(%dma_start3A_163 : memref<128xi32, #tpu.memory_space<vmem>>) semaphore(%arg14 : memref<!tpu.dma_semaphore, #tpu.memory_space<semaphore_mem>>)
        } else {
        }
        %mul3A_112 = arith.constant 2 : i32
        %mul3A_113 = arith.muli %mul3A_112, %scan3A_80 : i32
        %add3A_114 = arith.constant 1 : i32
        %add3A_115 = arith.addi %mul3A_113, %add3A_114 : i32
        %dma_wait3A_116 = arith.constant 0 : i32
        %dma_wait3A_117 = arith.constant 0 : i32
        %dma_wait3A_118 = tpu.memref_slice %arg9[%dma_wait3A_116, %dma_wait3A_117] : memref<2x128xi32, #tpu.memory_space<vmem>> -> memref<1x128xi32, #tpu.memory_space<vmem>>
        %dma_wait3A_119 = tpu.memref_squeeze %dma_wait3A_118 : memref<1x128xi32, #tpu.memory_space<vmem>> -> memref<128xi32, #tpu.memory_space<vmem>>
        %dma_wait3A_120 = arith.constant 0 : i32
        %dma_wait3A_121 = arith.constant 0 : i32
        %dma_wait3A_122 = tpu.memref_slice %arg3[%dma_wait3A_120, %dma_wait3A_121] : memref<10240x128xf32, #tpu.memory_space<hbm>> -> memref<10240x128xf32, #tpu.memory_space<hbm>>
        tpu.wait_indirect_dma semaphore(%arg14 : memref<!tpu.dma_semaphore, #tpu.memory_space<semaphore_mem>>) src(%dma_wait3A_122 : memref<10240x128xf32, #tpu.memory_space<hbm>>) dst(%arg11 : memref<128x128xf32, #tpu.memory_space<vmem>>)
        %dma_start3A_123 = arith.constant 1 : i32
        %dma_start3A_124 = arith.constant 0 : i32
        %dma_start3A_125 = tpu.memref_slice %arg9[%dma_start3A_123, %dma_start3A_124] : memref<2x128xi32, #tpu.memory_space<vmem>> -> memref<1x128xi32, #tpu.memory_space<vmem>>
        %dma_start3A_126 = tpu.memref_squeeze %dma_start3A_125 : memref<1x128xi32, #tpu.memory_space<vmem>> -> memref<128xi32, #tpu.memory_space<vmem>>
        %dma_start3A_127 = arith.constant 0 : i32
        %dma_start3A_128 = arith.constant 0 : i32
        %dma_start3A_129 = tpu.memref_slice %arg12[%dma_start3A_127, %dma_start3A_128] : memref<10240x128xf32, #tpu.memory_space<vmem_shared>> -> memref<10240x128xf32, #tpu.memory_space<vmem_shared>>
        tpu.enqueue_indirect_dma source(%arg11 : memref<128x128xf32, #tpu.memory_space<vmem>>) target(%dma_start3A_129 : memref<10240x128xf32, #tpu.memory_space<vmem_shared>>) offsets(%dma_start3A_126 : memref<128xi32, #tpu.memory_space<vmem>>) semaphore(%arg16 : memref<!tpu.dma_semaphore, #tpu.memory_space<semaphore_mem>>) {add = true}
        %add3A_130 = arith.constant 2 : i32
        %add3A_131 = arith.addi %add3A_115, %add3A_130 : i32
        %lt3A_132 = arith.constant 80 : i32
        %lt3A_133 = arith.cmpi slt, %add3A_131, %lt3A_132 : i32
        %convert_element_type3A_134 = arith.extui %lt3A_133 : i1 to i32
        %cond3A_135 = arith.constant 0 : i32
        %cond3A_136 = arith.cmpi ne, %convert_element_type3A_134, %cond3A_135 : i32
        scf.if %cond3A_136 {
          %add3A_144 = arith.constant 2 : i32
          %add3A_145 = arith.addi %add3A_115, %add3A_144 : i32
          %mul3A_146 = arith.constant 2 : i32
          %mul3A_147 = arith.muli %mul3A_146, %add3A_145 : i32
          %add3A_148 = arith.addi %add3A_24, %mul3A_147 : i32
          %dma_start3A_149 = arith.constant 0 : i32
          %dma_start3A_150 = arith.constant 0 : i32
          %dma_start3A_151 = tpu.memref_slice %arg4[%add3A_148, %dma_start3A_149, %dma_start3A_150] : memref<2560x2x128xi32, #tpu.memory_space<hbm>> -> memref<1x2x128xi32, #tpu.memory_space<hbm>>
          %dma_start3A_152 = tpu.memref_squeeze %dma_start3A_151 : memref<1x2x128xi32, #tpu.memory_space<hbm>> -> memref<2x128xi32, #tpu.memory_space<hbm>>
          %dma_start3A_153 = arith.constant 0 : i32
          %dma_start3A_154 = arith.constant 0 : i32
          %dma_start3A_155 = tpu.memref_slice %arg4[%add3A_148, %dma_start3A_153, %dma_start3A_154] : memref<2560x2x128xi32, #tpu.memory_space<hbm>> -> memref<1x2x128xi32, #tpu.memory_space<hbm>>
          %dma_start3A_156 = tpu.memref_squeeze %dma_start3A_155 : memref<1x2x128xi32, #tpu.memory_space<hbm>> -> memref<2x128xi32, #tpu.memory_space<hbm>>
          tpu.enqueue_dma source(%dma_start3A_156 : memref<2x128xi32, #tpu.memory_space<hbm>>) target(%arg9 : memref<2x128xi32, #tpu.memory_space<vmem>>) target_semaphore(%arg18 : memref<!tpu.dma_semaphore, #tpu.memory_space<semaphore_mem>>)
        } else {
        }
        %add3A_137 = arith.constant 1 : i32
        %add3A_138 = arith.addi %add3A_115, %add3A_137 : i32
        %lt3A_139 = arith.constant 80 : i32
        %lt3A_140 = arith.cmpi slt, %add3A_138, %lt3A_139 : i32
        %convert_element_type3A_141 = arith.extui %lt3A_140 : i1 to i32
        %cond3A_142 = arith.constant 0 : i32
        %cond3A_143 = arith.cmpi ne, %convert_element_type3A_141, %cond3A_142 : i32
        scf.if %cond3A_143 {
          %ge3A = arith.constant 1 : i32
          %ge3A_144 = arith.cmpi sge, %add3A_115, %ge3A : i32
          %convert_element_type3A_145 = arith.extui %ge3A_144 : i1 to i32
          %cond3A_146 = arith.constant 0 : i32
          %cond3A_147 = arith.cmpi ne, %convert_element_type3A_145, %cond3A_146 : i32
          scf.if %cond3A_147 {
            %dma_wait3A_167 = arith.constant 1 : i32
            %dma_wait3A_168 = arith.constant 0 : i32
            %dma_wait3A_169 = tpu.memref_slice %arg8[%dma_wait3A_167, %dma_wait3A_168] : memref<2x128xi32, #tpu.memory_space<vmem>> -> memref<1x128xi32, #tpu.memory_space<vmem>>
            %dma_wait3A_170 = tpu.memref_squeeze %dma_wait3A_169 : memref<1x128xi32, #tpu.memory_space<vmem>> -> memref<128xi32, #tpu.memory_space<vmem>>
            %dma_wait3A_171 = arith.constant 0 : i32
            %dma_wait3A_172 = arith.constant 0 : i32
            %dma_wait3A_173 = tpu.memref_slice %arg12[%dma_wait3A_171, %dma_wait3A_172] : memref<10240x128xf32, #tpu.memory_space<vmem_shared>> -> memref<10240x128xf32, #tpu.memory_space<vmem_shared>>
            tpu.wait_indirect_dma semaphore(%arg15 : memref<!tpu.dma_semaphore, #tpu.memory_space<semaphore_mem>>) src(%arg10 : memref<128x128xf32, #tpu.memory_space<vmem>>) dst(%dma_wait3A_173 : memref<10240x128xf32, #tpu.memory_space<vmem_shared>>)
          } else {
          }
          %add3A_148 = arith.constant 0 : i32
          %add3A_149 = arith.addi %add3A_24, %add3A_148 : i32
          %dma_wait3A_150 = arith.constant 0 : i32
          %dma_wait3A_151 = arith.constant 0 : i32
          %dma_wait3A_152 = tpu.memref_slice %arg4[%add3A_149, %dma_wait3A_150, %dma_wait3A_151] : memref<2560x2x128xi32, #tpu.memory_space<hbm>> -> memref<1x2x128xi32, #tpu.memory_space<hbm>>
          %dma_wait3A_153 = tpu.memref_squeeze %dma_wait3A_152 : memref<1x2x128xi32, #tpu.memory_space<hbm>> -> memref<2x128xi32, #tpu.memory_space<hbm>>
          %dma_wait3A_154 = arith.constant 0 : i32
          %dma_wait3A_155 = arith.constant 0 : i32
          %dma_wait3A_156 = tpu.memref_slice %arg4[%add3A_149, %dma_wait3A_154, %dma_wait3A_155] : memref<2560x2x128xi32, #tpu.memory_space<hbm>> -> memref<1x2x128xi32, #tpu.memory_space<hbm>>
          %dma_wait3A_157 = tpu.memref_squeeze %dma_wait3A_156 : memref<1x2x128xi32, #tpu.memory_space<hbm>> -> memref<2x128xi32, #tpu.memory_space<hbm>>
          tpu.wait_dma2 semaphore(%arg17 : memref<!tpu.dma_semaphore, #tpu.memory_space<semaphore_mem>>) src(%dma_wait3A_157 : memref<2x128xi32, #tpu.memory_space<hbm>>) dst(%arg8 : memref<2x128xi32, #tpu.memory_space<vmem>>)
          %add3A_158 = arith.constant 1 : i32
          %add3A_159 = arith.addi %add3A_115, %add3A_158 : i32
          %dma_start3A_160 = arith.constant 0 : i32
          %dma_start3A_161 = arith.constant 0 : i32
          %dma_start3A_162 = tpu.memref_slice %arg8[%dma_start3A_160, %dma_start3A_161] : memref<2x128xi32, #tpu.memory_space<vmem>> -> memref<1x128xi32, #tpu.memory_space<vmem>>
          %dma_start3A_163 = tpu.memref_squeeze %dma_start3A_162 : memref<1x128xi32, #tpu.memory_space<vmem>> -> memref<128xi32, #tpu.memory_space<vmem>>
          %dma_start3A_164 = arith.constant 0 : i32
          %dma_start3A_165 = arith.constant 0 : i32
          %dma_start3A_166 = tpu.memref_slice %arg3[%dma_start3A_164, %dma_start3A_165] : memref<10240x128xf32, #tpu.memory_space<hbm>> -> memref<10240x128xf32, #tpu.memory_space<hbm>>
          tpu.enqueue_indirect_dma source(%dma_start3A_166 : memref<10240x128xf32, #tpu.memory_space<hbm>>) target(%arg10 : memref<128x128xf32, #tpu.memory_space<vmem>>) offsets(%dma_start3A_163 : memref<128xi32, #tpu.memory_space<vmem>>) semaphore(%arg13 : memref<!tpu.dma_semaphore, #tpu.memory_space<semaphore_mem>>)
        } else {
        }
      }
      %scan3A_64 = arith.constant 40 : i32
      %dma_wait3A_65 = arith.constant 1 : i32
      %dma_wait3A_66 = arith.constant 0 : i32
      %dma_wait3A_67 = tpu.memref_slice %arg8[%dma_wait3A_65, %dma_wait3A_66] : memref<2x128xi32, #tpu.memory_space<vmem>> -> memref<1x128xi32, #tpu.memory_space<vmem>>
      %dma_wait3A_68 = tpu.memref_squeeze %dma_wait3A_67 : memref<1x128xi32, #tpu.memory_space<vmem>> -> memref<128xi32, #tpu.memory_space<vmem>>
      %dma_wait3A_69 = arith.constant 0 : i32
      %dma_wait3A_70 = arith.constant 0 : i32
      %dma_wait3A_71 = tpu.memref_slice %arg12[%dma_wait3A_69, %dma_wait3A_70] : memref<10240x128xf32, #tpu.memory_space<vmem_shared>> -> memref<10240x128xf32, #tpu.memory_space<vmem_shared>>
      tpu.wait_indirect_dma semaphore(%arg15 : memref<!tpu.dma_semaphore, #tpu.memory_space<semaphore_mem>>) src(%arg10 : memref<128x128xf32, #tpu.memory_space<vmem>>) dst(%dma_wait3A_71 : memref<10240x128xf32, #tpu.memory_space<vmem_shared>>)
      %dma_wait3A_72 = arith.constant 1 : i32
      %dma_wait3A_73 = arith.constant 0 : i32
      %dma_wait3A_74 = tpu.memref_slice %arg9[%dma_wait3A_72, %dma_wait3A_73] : memref<2x128xi32, #tpu.memory_space<vmem>> -> memref<1x128xi32, #tpu.memory_space<vmem>>
      %dma_wait3A_75 = tpu.memref_squeeze %dma_wait3A_74 : memref<1x128xi32, #tpu.memory_space<vmem>> -> memref<128xi32, #tpu.memory_space<vmem>>
      %dma_wait3A_76 = arith.constant 0 : i32
      %dma_wait3A_77 = arith.constant 0 : i32
      %dma_wait3A_78 = tpu.memref_slice %arg12[%dma_wait3A_76, %dma_wait3A_77] : memref<10240x128xf32, #tpu.memory_space<vmem_shared>> -> memref<10240x128xf32, #tpu.memory_space<vmem_shared>>
      tpu.wait_indirect_dma semaphore(%arg16 : memref<!tpu.dma_semaphore, #tpu.memory_space<semaphore_mem>>) src(%arg11 : memref<128x128xf32, #tpu.memory_space<vmem>>) dst(%dma_wait3A_78 : memref<10240x128xf32, #tpu.memory_space<vmem_shared>>)
      %barrier3A_79 = arith.constant 0 : index
      tpu.barrier barrier_id(%barrier3A_79)
    } else {
    }
    %eq3A_7 = arith.constant 0 : i32
    %eq3A_8 = arith.cmpi eq, %arg0, %eq3A_7 : i32
    %convert_element_type3A_9 = arith.extui %eq3A_8 : i1 to i32
    %cond3A_10 = arith.constant 0 : i32
    %cond3A_11 = arith.cmpi ne, %convert_element_type3A_9, %cond3A_10 : i32
    scf.if %cond3A_11 {
      %mul3A = arith.constant 640 : i32
      %mul3A_17 = arith.muli %arg1, %mul3A : i32
      %mul3A_18 = arith.constant 640 : i32
      %mul3A_19 = arith.muli %arg1, %mul3A_18 : i32
      "tpu.region"() ({
        %run_scoped3A = tpu.sem_alloc : memref<!tpu.dma_semaphore, #tpu.memory_space<semaphore_mem>>
        %dma_start3A = arith.constant 0 : i32
        %dma_start3A_20 = tpu.memref_slice %arg6[%mul3A_19, %dma_start3A] : memref<10240x128xf32, #tpu.memory_space<hbm>> -> memref<640x128xf32, #tpu.memory_space<hbm>>
        %dma_start3A_21 = arith.constant 0 : i32
        %dma_start3A_22 = tpu.memref_slice %arg12[%mul3A_17, %dma_start3A_21] : memref<10240x128xf32, #tpu.memory_space<vmem_shared>> -> memref<640x128xf32, #tpu.memory_space<vmem_shared>>
        tpu.enqueue_dma source(%dma_start3A_22 : memref<640x128xf32, #tpu.memory_space<vmem_shared>>) target(%dma_start3A_20 : memref<640x128xf32, #tpu.memory_space<hbm>>) target_semaphore(%run_scoped3A : memref<!tpu.dma_semaphore, #tpu.memory_space<semaphore_mem>>)
        %dma_wait3A = arith.constant 0 : i32
        %dma_wait3A_23 = tpu.memref_slice %arg6[%mul3A_19, %dma_wait3A] : memref<10240x128xf32, #tpu.memory_space<hbm>> -> memref<640x128xf32, #tpu.memory_space<hbm>>
        %dma_wait3A_24 = arith.constant 0 : i32
        %dma_wait3A_25 = tpu.memref_slice %arg12[%mul3A_17, %dma_wait3A_24] : memref<10240x128xf32, #tpu.memory_space<vmem_shared>> -> memref<640x128xf32, #tpu.memory_space<vmem_shared>>
        tpu.wait_dma2 semaphore(%run_scoped3A : memref<!tpu.dma_semaphore, #tpu.memory_space<semaphore_mem>>) src(%dma_wait3A_25 : memref<640x128xf32, #tpu.memory_space<vmem_shared>>) dst(%dma_wait3A_23 : memref<640x128xf32, #tpu.memory_space<hbm>>)
        tpu.yield
      }) : () -> ()
    } else {
    }
    %eq3A_12 = arith.constant 1 : i32
    %eq3A_13 = arith.cmpi eq, %arg0, %eq3A_12 : i32
    %convert_element_type3A_14 = arith.extui %eq3A_13 : i1 to i32
    %cond3A_15 = arith.constant 0 : i32
    %cond3A_16 = arith.cmpi ne, %convert_element_type3A_14, %cond3A_15 : i32
    scf.if %cond3A_16 {
      %mul3A = arith.constant 640 : i32
      %mul3A_17 = arith.muli %arg1, %mul3A : i32
      %mul3A_18 = arith.constant 640 : i32
      %mul3A_19 = arith.muli %arg1, %mul3A_18 : i32
      "tpu.region"() ({
        %run_scoped3A = tpu.sem_alloc : memref<!tpu.dma_semaphore, #tpu.memory_space<semaphore_mem>>
        %dma_start3A = arith.constant 0 : i32
        %dma_start3A_20 = tpu.memref_slice %arg7[%mul3A_19, %dma_start3A] : memref<10240x128xf32, #tpu.memory_space<hbm>> -> memref<640x128xf32, #tpu.memory_space<hbm>>
        %dma_start3A_21 = arith.constant 0 : i32
        %dma_start3A_22 = tpu.memref_slice %arg12[%mul3A_17, %dma_start3A_21] : memref<10240x128xf32, #tpu.memory_space<vmem_shared>> -> memref<640x128xf32, #tpu.memory_space<vmem_shared>>
        tpu.enqueue_dma source(%dma_start3A_22 : memref<640x128xf32, #tpu.memory_space<vmem_shared>>) target(%dma_start3A_20 : memref<640x128xf32, #tpu.memory_space<hbm>>) target_semaphore(%run_scoped3A : memref<!tpu.dma_semaphore, #tpu.memory_space<semaphore_mem>>)
        %dma_wait3A = arith.constant 0 : i32
        %dma_wait3A_23 = tpu.memref_slice %arg7[%mul3A_19, %dma_wait3A] : memref<10240x128xf32, #tpu.memory_space<hbm>> -> memref<640x128xf32, #tpu.memory_space<hbm>>
        %dma_wait3A_24 = arith.constant 0 : i32
        %dma_wait3A_25 = tpu.memref_slice %arg12[%mul3A_17, %dma_wait3A_24] : memref<10240x128xf32, #tpu.memory_space<vmem_shared>> -> memref<640x128xf32, #tpu.memory_space<vmem_shared>>
        tpu.wait_dma2 semaphore(%run_scoped3A : memref<!tpu.dma_semaphore, #tpu.memory_space<semaphore_mem>>) src(%dma_wait3A_25 : memref<640x128xf32, #tpu.memory_space<vmem_shared>>) dst(%dma_wait3A_23 : memref<640x128xf32, #tpu.memory_space<hbm>>)
        tpu.yield
      }) : () -> ()
    } else {
    }
    return
  }
}

#map = affine_map<(d0, d1) -> (0, 0)>
#map1 = affine_map<(d0, d1) -> (0, 0, 0)>
module attributes {stable_mosaic.version = 14 : i64} {
  func.func @_mp_body(%arg0: i32, %arg1: i32, %arg2: memref<10240x128xf32, #tpu.memory_space<hbm>>, %arg3: memref<10240x128xf32, #tpu.memory_space<hbm>>, %arg4: memref<2560x2x128xi32, #tpu.memory_space<hbm>>, %arg5: memref<10240x128xf32, #tpu.memory_space<hbm>>, %arg6: memref<10240x128xf32, #tpu.memory_space<hbm>>, %arg7: memref<2x128xi32, #tpu.memory_space<vmem>>, %arg8: memref<2x128xi32, #tpu.memory_space<vmem>>, %arg9: memref<128x128xf32, #tpu.memory_space<vmem>>, %arg10: memref<128x128xf32, #tpu.memory_space<vmem>>, %arg11: memref<10240x128xf32, #tpu.memory_space<vmem_shared>>, %arg12: memref<!tpu.dma_semaphore, #tpu.memory_space<semaphore_mem>>, %arg13: memref<!tpu.dma_semaphore, #tpu.memory_space<semaphore_mem>>, %arg14: memref<!tpu.dma_semaphore, #tpu.memory_space<semaphore_mem>>, %arg15: memref<!tpu.dma_semaphore, #tpu.memory_space<semaphore_mem>>, %arg16: memref<!tpu.dma_semaphore, #tpu.memory_space<semaphore_mem>>, %arg17: memref<!tpu.dma_semaphore, #tpu.memory_space<semaphore_mem>>) attributes {dimension_semantics = [#tpu.dimension_semantics<core_parallel>, #tpu.dimension_semantics<subcore_parallel>], iteration_bounds = array<i64: 2, 16>, scalar_prefetch = 0 : i64, scratch_operands = 11 : i64, tpu.core_type = #tpu.core_type<sc_vector_subcore>, window_params = [{transform_indices = #map}, {transform_indices = #map}, {transform_indices = #map1}, {transform_indices = #map}, {transform_indices = #map}]} {
    %eq3A = arith.constant 0 : i32
    %eq3A_0 = arith.cmpi eq, %arg0, %eq3A : i32
    %convert_element_type3A = arith.extui %eq3A_0 : i1 to i32
    %cond3A = arith.constant 0 : i32
    %cond3A_1 = arith.cmpi ne, %convert_element_type3A, %cond3A : i32
    scf.if %cond3A_1 {
      %mul3A = arith.constant 640 : i32
      %mul3A_17 = arith.muli %arg1, %mul3A : i32
      %mul3A_18 = arith.constant 640 : i32
      %mul3A_19 = arith.muli %arg1, %mul3A_18 : i32
      "tpu.region"() ({
        %run_scoped3A = tpu.sem_alloc : memref<!tpu.dma_semaphore, #tpu.memory_space<semaphore_mem>>
        %dma_start3A_76 = arith.constant 0 : i32
        %dma_start3A_77 = tpu.memref_slice %arg11[%mul3A_19, %dma_start3A_76] : memref<10240x128xf32, #tpu.memory_space<vmem_shared>> -> memref<640x128xf32, #tpu.memory_space<vmem_shared>>
        %dma_start3A_78 = arith.constant 0 : i32
        %dma_start3A_79 = tpu.memref_slice %arg2[%mul3A_17, %dma_start3A_78] : memref<10240x128xf32, #tpu.memory_space<hbm>> -> memref<640x128xf32, #tpu.memory_space<hbm>>
        tpu.enqueue_dma source(%dma_start3A_79 : memref<640x128xf32, #tpu.memory_space<hbm>>) target(%dma_start3A_77 : memref<640x128xf32, #tpu.memory_space<vmem_shared>>) target_semaphore(%run_scoped3A : memref<!tpu.dma_semaphore, #tpu.memory_space<semaphore_mem>>)
        %dma_wait3A_80 = arith.constant 0 : i32
        %dma_wait3A_81 = tpu.memref_slice %arg11[%mul3A_19, %dma_wait3A_80] : memref<10240x128xf32, #tpu.memory_space<vmem_shared>> -> memref<640x128xf32, #tpu.memory_space<vmem_shared>>
        %dma_wait3A_82 = arith.constant 0 : i32
        %dma_wait3A_83 = tpu.memref_slice %arg2[%mul3A_17, %dma_wait3A_82] : memref<10240x128xf32, #tpu.memory_space<hbm>> -> memref<640x128xf32, #tpu.memory_space<hbm>>
        tpu.wait_dma2 semaphore(%run_scoped3A : memref<!tpu.dma_semaphore, #tpu.memory_space<semaphore_mem>>) src(%dma_wait3A_83 : memref<640x128xf32, #tpu.memory_space<hbm>>) dst(%dma_wait3A_81 : memref<640x128xf32, #tpu.memory_space<vmem_shared>>)
        tpu.yield
      }) : () -> ()
      %mul3A_20 = arith.constant 160 : i32
      %mul3A_21 = arith.muli %arg1, %mul3A_20 : i32
      %barrier3A = arith.constant 0 : index
      tpu.barrier barrier_id(%barrier3A)
      %add3A = arith.constant 0 : i32
      %add3A_22 = arith.addi %mul3A_21, %add3A : i32
      %dma_start3A = arith.constant 0 : i32
      %dma_start3A_23 = arith.constant 0 : i32
      %dma_start3A_24 = tpu.memref_slice %arg4[%add3A_22, %dma_start3A, %dma_start3A_23] : memref<2560x2x128xi32, #tpu.memory_space<hbm>> -> memref<1x2x128xi32, #tpu.memory_space<hbm>>
      %dma_start3A_25 = tpu.memref_squeeze %dma_start3A_24 : memref<1x2x128xi32, #tpu.memory_space<hbm>> -> memref<2x128xi32, #tpu.memory_space<hbm>>
      %dma_start3A_26 = arith.constant 0 : i32
      %dma_start3A_27 = arith.constant 0 : i32
      %dma_start3A_28 = tpu.memref_slice %arg4[%add3A_22, %dma_start3A_26, %dma_start3A_27] : memref<2560x2x128xi32, #tpu.memory_space<hbm>> -> memref<1x2x128xi32, #tpu.memory_space<hbm>>
      %dma_start3A_29 = tpu.memref_squeeze %dma_start3A_28 : memref<1x2x128xi32, #tpu.memory_space<hbm>> -> memref<2x128xi32, #tpu.memory_space<hbm>>
      tpu.enqueue_dma source(%dma_start3A_29 : memref<2x128xi32, #tpu.memory_space<hbm>>) target(%arg7 : memref<2x128xi32, #tpu.memory_space<vmem>>) target_semaphore(%arg16 : memref<!tpu.dma_semaphore, #tpu.memory_space<semaphore_mem>>)
      %add3A_30 = arith.constant 1 : i32
      %add3A_31 = arith.addi %mul3A_21, %add3A_30 : i32
      %dma_start3A_32 = arith.constant 0 : i32
      %dma_start3A_33 = arith.constant 0 : i32
      %dma_start3A_34 = tpu.memref_slice %arg4[%add3A_31, %dma_start3A_32, %dma_start3A_33] : memref<2560x2x128xi32, #tpu.memory_space<hbm>> -> memref<1x2x128xi32, #tpu.memory_space<hbm>>
      %dma_start3A_35 = tpu.memref_squeeze %dma_start3A_34 : memref<1x2x128xi32, #tpu.memory_space<hbm>> -> memref<2x128xi32, #tpu.memory_space<hbm>>
      %dma_start3A_36 = arith.constant 0 : i32
      %dma_start3A_37 = arith.constant 0 : i32
      %dma_start3A_38 = tpu.memref_slice %arg4[%add3A_31, %dma_start3A_36, %dma_start3A_37] : memref<2560x2x128xi32, #tpu.memory_space<hbm>> -> memref<1x2x128xi32, #tpu.memory_space<hbm>>
      %dma_start3A_39 = tpu.memref_squeeze %dma_start3A_38 : memref<1x2x128xi32, #tpu.memory_space<hbm>> -> memref<2x128xi32, #tpu.memory_space<hbm>>
      tpu.enqueue_dma source(%dma_start3A_39 : memref<2x128xi32, #tpu.memory_space<hbm>>) target(%arg8 : memref<2x128xi32, #tpu.memory_space<vmem>>) target_semaphore(%arg17 : memref<!tpu.dma_semaphore, #tpu.memory_space<semaphore_mem>>)
      %add3A_40 = arith.constant 0 : i32
      %add3A_41 = arith.addi %mul3A_21, %add3A_40 : i32
      %dma_wait3A = arith.constant 0 : i32
      %dma_wait3A_42 = arith.constant 0 : i32
      %dma_wait3A_43 = tpu.memref_slice %arg4[%add3A_41, %dma_wait3A, %dma_wait3A_42] : memref<2560x2x128xi32, #tpu.memory_space<hbm>> -> memref<1x2x128xi32, #tpu.memory_space<hbm>>
      %dma_wait3A_44 = tpu.memref_squeeze %dma_wait3A_43 : memref<1x2x128xi32, #tpu.memory_space<hbm>> -> memref<2x128xi32, #tpu.memory_space<hbm>>
      %dma_wait3A_45 = arith.constant 0 : i32
      %dma_wait3A_46 = arith.constant 0 : i32
      %dma_wait3A_47 = tpu.memref_slice %arg4[%add3A_41, %dma_wait3A_45, %dma_wait3A_46] : memref<2560x2x128xi32, #tpu.memory_space<hbm>> -> memref<1x2x128xi32, #tpu.memory_space<hbm>>
      %dma_wait3A_48 = tpu.memref_squeeze %dma_wait3A_47 : memref<1x2x128xi32, #tpu.memory_space<hbm>> -> memref<2x128xi32, #tpu.memory_space<hbm>>
      tpu.wait_dma2 semaphore(%arg16 : memref<!tpu.dma_semaphore, #tpu.memory_space<semaphore_mem>>) src(%dma_wait3A_48 : memref<2x128xi32, #tpu.memory_space<hbm>>) dst(%arg7 : memref<2x128xi32, #tpu.memory_space<vmem>>)
      %dma_start3A_49 = arith.constant 0 : i32
      %dma_start3A_50 = arith.constant 0 : i32
      %dma_start3A_51 = tpu.memref_slice %arg7[%dma_start3A_49, %dma_start3A_50] : memref<2x128xi32, #tpu.memory_space<vmem>> -> memref<1x128xi32, #tpu.memory_space<vmem>>
      %dma_start3A_52 = tpu.memref_squeeze %dma_start3A_51 : memref<1x128xi32, #tpu.memory_space<vmem>> -> memref<128xi32, #tpu.memory_space<vmem>>
      %dma_start3A_53 = arith.constant 0 : i32
      %dma_start3A_54 = arith.constant 0 : i32
      %dma_start3A_55 = tpu.memref_slice %arg2[%dma_start3A_53, %dma_start3A_54] : memref<10240x128xf32, #tpu.memory_space<hbm>> -> memref<10240x128xf32, #tpu.memory_space<hbm>>
      tpu.enqueue_indirect_dma source(%dma_start3A_55 : memref<10240x128xf32, #tpu.memory_space<hbm>>) target(%arg9 : memref<128x128xf32, #tpu.memory_space<vmem>>) offsets(%dma_start3A_52 : memref<128xi32, #tpu.memory_space<vmem>>) semaphore(%arg12 : memref<!tpu.dma_semaphore, #tpu.memory_space<semaphore_mem>>)
      %scan3A = arith.constant 0 : i32
      %scan3A_56 = arith.constant 0 : i32
      %scan3A_57 = arith.constant 80 : i32
      %scan3A_58 = arith.addi %scan3A_56, %scan3A_57 : i32
      %scan3A_59 = arith.constant 1 : i32
      scf.for %scan3A_76 = %scan3A_56 to %scan3A_58 step %scan3A_59  : i32 {
        %mul3A_77 = arith.constant 2 : i32
        %mul3A_78 = arith.muli %mul3A_77, %scan3A_76 : i32
        %add3A_79 = arith.constant 0 : i32
        %add3A_80 = arith.addi %mul3A_78, %add3A_79 : i32
        %dma_wait3A_81 = arith.constant 0 : i32
        %dma_wait3A_82 = arith.constant 0 : i32
        %dma_wait3A_83 = tpu.memref_slice %arg7[%dma_wait3A_81, %dma_wait3A_82] : memref<2x128xi32, #tpu.memory_space<vmem>> -> memref<1x128xi32, #tpu.memory_space<vmem>>
        %dma_wait3A_84 = tpu.memref_squeeze %dma_wait3A_83 : memref<1x128xi32, #tpu.memory_space<vmem>> -> memref<128xi32, #tpu.memory_space<vmem>>
        %dma_wait3A_85 = arith.constant 0 : i32
        %dma_wait3A_86 = arith.constant 0 : i32
        %dma_wait3A_87 = tpu.memref_slice %arg2[%dma_wait3A_85, %dma_wait3A_86] : memref<10240x128xf32, #tpu.memory_space<hbm>> -> memref<10240x128xf32, #tpu.memory_space<hbm>>
        tpu.wait_indirect_dma semaphore(%arg12 : memref<!tpu.dma_semaphore, #tpu.memory_space<semaphore_mem>>) src(%dma_wait3A_87 : memref<10240x128xf32, #tpu.memory_space<hbm>>) dst(%arg9 : memref<128x128xf32, #tpu.memory_space<vmem>>)
        %dma_start3A_88 = arith.constant 1 : i32
        %dma_start3A_89 = arith.constant 0 : i32
        %dma_start3A_90 = tpu.memref_slice %arg7[%dma_start3A_88, %dma_start3A_89] : memref<2x128xi32, #tpu.memory_space<vmem>> -> memref<1x128xi32, #tpu.memory_space<vmem>>
        %dma_start3A_91 = tpu.memref_squeeze %dma_start3A_90 : memref<1x128xi32, #tpu.memory_space<vmem>> -> memref<128xi32, #tpu.memory_space<vmem>>
        %dma_start3A_92 = arith.constant 0 : i32
        %dma_start3A_93 = arith.constant 0 : i32
        %dma_start3A_94 = tpu.memref_slice %arg11[%dma_start3A_92, %dma_start3A_93] : memref<10240x128xf32, #tpu.memory_space<vmem_shared>> -> memref<10240x128xf32, #tpu.memory_space<vmem_shared>>
        tpu.enqueue_indirect_dma source(%arg9 : memref<128x128xf32, #tpu.memory_space<vmem>>) target(%dma_start3A_94 : memref<10240x128xf32, #tpu.memory_space<vmem_shared>>) offsets(%dma_start3A_91 : memref<128xi32, #tpu.memory_space<vmem>>) semaphore(%arg14 : memref<!tpu.dma_semaphore, #tpu.memory_space<semaphore_mem>>) {add = true}
        %add3A_95 = arith.constant 2 : i32
        %add3A_96 = arith.addi %add3A_80, %add3A_95 : i32
        %lt3A = arith.constant 160 : i32
        %lt3A_97 = arith.cmpi slt, %add3A_96, %lt3A : i32
        %convert_element_type3A_98 = arith.extui %lt3A_97 : i1 to i32
        %cond3A_99 = arith.constant 0 : i32
        %cond3A_100 = arith.cmpi ne, %convert_element_type3A_98, %cond3A_99 : i32
        scf.if %cond3A_100 {
          %add3A_140 = arith.constant 2 : i32
          %add3A_141 = arith.addi %add3A_80, %add3A_140 : i32
          %mul3A_142 = arith.constant 1 : i32
          %mul3A_143 = arith.muli %mul3A_142, %add3A_141 : i32
          %add3A_144 = arith.addi %mul3A_21, %mul3A_143 : i32
          %dma_start3A_145 = arith.constant 0 : i32
          %dma_start3A_146 = arith.constant 0 : i32
          %dma_start3A_147 = tpu.memref_slice %arg4[%add3A_144, %dma_start3A_145, %dma_start3A_146] : memref<2560x2x128xi32, #tpu.memory_space<hbm>> -> memref<1x2x128xi32, #tpu.memory_space<hbm>>
          %dma_start3A_148 = tpu.memref_squeeze %dma_start3A_147 : memref<1x2x128xi32, #tpu.memory_space<hbm>> -> memref<2x128xi32, #tpu.memory_space<hbm>>
          %dma_start3A_149 = arith.constant 0 : i32
          %dma_start3A_150 = arith.constant 0 : i32
          %dma_start3A_151 = tpu.memref_slice %arg4[%add3A_144, %dma_start3A_149, %dma_start3A_150] : memref<2560x2x128xi32, #tpu.memory_space<hbm>> -> memref<1x2x128xi32, #tpu.memory_space<hbm>>
          %dma_start3A_152 = tpu.memref_squeeze %dma_start3A_151 : memref<1x2x128xi32, #tpu.memory_space<hbm>> -> memref<2x128xi32, #tpu.memory_space<hbm>>
          tpu.enqueue_dma source(%dma_start3A_152 : memref<2x128xi32, #tpu.memory_space<hbm>>) target(%arg7 : memref<2x128xi32, #tpu.memory_space<vmem>>) target_semaphore(%arg16 : memref<!tpu.dma_semaphore, #tpu.memory_space<semaphore_mem>>)
        } else {
        }
        %add3A_101 = arith.constant 1 : i32
        %add3A_102 = arith.addi %add3A_80, %add3A_101 : i32
        %lt3A_103 = arith.constant 160 : i32
        %lt3A_104 = arith.cmpi slt, %add3A_102, %lt3A_103 : i32
        %convert_element_type3A_105 = arith.extui %lt3A_104 : i1 to i32
        %cond3A_106 = arith.constant 0 : i32
        %cond3A_107 = arith.cmpi ne, %convert_element_type3A_105, %cond3A_106 : i32
        scf.if %cond3A_107 {
          %ge3A = arith.constant 1 : i32
          %ge3A_140 = arith.cmpi sge, %add3A_80, %ge3A : i32
          %convert_element_type3A_141 = arith.extui %ge3A_140 : i1 to i32
          %cond3A_142 = arith.constant 0 : i32
          %cond3A_143 = arith.cmpi ne, %convert_element_type3A_141, %cond3A_142 : i32
          scf.if %cond3A_143 {
            %dma_wait3A_163 = arith.constant 1 : i32
            %dma_wait3A_164 = arith.constant 0 : i32
            %dma_wait3A_165 = tpu.memref_slice %arg8[%dma_wait3A_163, %dma_wait3A_164] : memref<2x128xi32, #tpu.memory_space<vmem>> -> memref<1x128xi32, #tpu.memory_space<vmem>>
            %dma_wait3A_166 = tpu.memref_squeeze %dma_wait3A_165 : memref<1x128xi32, #tpu.memory_space<vmem>> -> memref<128xi32, #tpu.memory_space<vmem>>
            %dma_wait3A_167 = arith.constant 0 : i32
            %dma_wait3A_168 = arith.constant 0 : i32
            %dma_wait3A_169 = tpu.memref_slice %arg11[%dma_wait3A_167, %dma_wait3A_168] : memref<10240x128xf32, #tpu.memory_space<vmem_shared>> -> memref<10240x128xf32, #tpu.memory_space<vmem_shared>>
            tpu.wait_indirect_dma semaphore(%arg15 : memref<!tpu.dma_semaphore, #tpu.memory_space<semaphore_mem>>) src(%arg10 : memref<128x128xf32, #tpu.memory_space<vmem>>) dst(%dma_wait3A_169 : memref<10240x128xf32, #tpu.memory_space<vmem_shared>>)
          } else {
          }
          %add3A_144 = arith.constant 0 : i32
          %add3A_145 = arith.addi %mul3A_21, %add3A_144 : i32
          %dma_wait3A_146 = arith.constant 0 : i32
          %dma_wait3A_147 = arith.constant 0 : i32
          %dma_wait3A_148 = tpu.memref_slice %arg4[%add3A_145, %dma_wait3A_146, %dma_wait3A_147] : memref<2560x2x128xi32, #tpu.memory_space<hbm>> -> memref<1x2x128xi32, #tpu.memory_space<hbm>>
          %dma_wait3A_149 = tpu.memref_squeeze %dma_wait3A_148 : memref<1x2x128xi32, #tpu.memory_space<hbm>> -> memref<2x128xi32, #tpu.memory_space<hbm>>
          %dma_wait3A_150 = arith.constant 0 : i32
          %dma_wait3A_151 = arith.constant 0 : i32
          %dma_wait3A_152 = tpu.memref_slice %arg4[%add3A_145, %dma_wait3A_150, %dma_wait3A_151] : memref<2560x2x128xi32, #tpu.memory_space<hbm>> -> memref<1x2x128xi32, #tpu.memory_space<hbm>>
          %dma_wait3A_153 = tpu.memref_squeeze %dma_wait3A_152 : memref<1x2x128xi32, #tpu.memory_space<hbm>> -> memref<2x128xi32, #tpu.memory_space<hbm>>
          tpu.wait_dma2 semaphore(%arg17 : memref<!tpu.dma_semaphore, #tpu.memory_space<semaphore_mem>>) src(%dma_wait3A_153 : memref<2x128xi32, #tpu.memory_space<hbm>>) dst(%arg8 : memref<2x128xi32, #tpu.memory_space<vmem>>)
          %add3A_154 = arith.constant 1 : i32
          %add3A_155 = arith.addi %add3A_80, %add3A_154 : i32
          %dma_start3A_156 = arith.constant 0 : i32
          %dma_start3A_157 = arith.constant 0 : i32
          %dma_start3A_158 = tpu.memref_slice %arg8[%dma_start3A_156, %dma_start3A_157] : memref<2x128xi32, #tpu.memory_space<vmem>> -> memref<1x128xi32, #tpu.memory_space<vmem>>
          %dma_start3A_159 = tpu.memref_squeeze %dma_start3A_158 : memref<1x128xi32, #tpu.memory_space<vmem>> -> memref<128xi32, #tpu.memory_space<vmem>>
          %dma_start3A_160 = arith.constant 0 : i32
          %dma_start3A_161 = arith.constant 0 : i32
          %dma_start3A_162 = tpu.memref_slice %arg2[%dma_start3A_160, %dma_start3A_161] : memref<10240x128xf32, #tpu.memory_space<hbm>> -> memref<10240x128xf32, #tpu.memory_space<hbm>>
          tpu.enqueue_indirect_dma source(%dma_start3A_162 : memref<10240x128xf32, #tpu.memory_space<hbm>>) target(%arg10 : memref<128x128xf32, #tpu.memory_space<vmem>>) offsets(%dma_start3A_159 : memref<128xi32, #tpu.memory_space<vmem>>) semaphore(%arg13 : memref<!tpu.dma_semaphore, #tpu.memory_space<semaphore_mem>>)
        } else {
        }
        %mul3A_108 = arith.constant 2 : i32
        %mul3A_109 = arith.muli %mul3A_108, %scan3A_76 : i32
        %add3A_110 = arith.constant 1 : i32
        %add3A_111 = arith.addi %mul3A_109, %add3A_110 : i32
        %dma_wait3A_112 = arith.constant 0 : i32
        %dma_wait3A_113 = arith.constant 0 : i32
        %dma_wait3A_114 = tpu.memref_slice %arg8[%dma_wait3A_112, %dma_wait3A_113] : memref<2x128xi32, #tpu.memory_space<vmem>> -> memref<1x128xi32, #tpu.memory_space<vmem>>
        %dma_wait3A_115 = tpu.memref_squeeze %dma_wait3A_114 : memref<1x128xi32, #tpu.memory_space<vmem>> -> memref<128xi32, #tpu.memory_space<vmem>>
        %dma_wait3A_116 = arith.constant 0 : i32
        %dma_wait3A_117 = arith.constant 0 : i32
        %dma_wait3A_118 = tpu.memref_slice %arg2[%dma_wait3A_116, %dma_wait3A_117] : memref<10240x128xf32, #tpu.memory_space<hbm>> -> memref<10240x128xf32, #tpu.memory_space<hbm>>
        tpu.wait_indirect_dma semaphore(%arg13 : memref<!tpu.dma_semaphore, #tpu.memory_space<semaphore_mem>>) src(%dma_wait3A_118 : memref<10240x128xf32, #tpu.memory_space<hbm>>) dst(%arg10 : memref<128x128xf32, #tpu.memory_space<vmem>>)
        %dma_start3A_119 = arith.constant 1 : i32
        %dma_start3A_120 = arith.constant 0 : i32
        %dma_start3A_121 = tpu.memref_slice %arg8[%dma_start3A_119, %dma_start3A_120] : memref<2x128xi32, #tpu.memory_space<vmem>> -> memref<1x128xi32, #tpu.memory_space<vmem>>
        %dma_start3A_122 = tpu.memref_squeeze %dma_start3A_121 : memref<1x128xi32, #tpu.memory_space<vmem>> -> memref<128xi32, #tpu.memory_space<vmem>>
        %dma_start3A_123 = arith.constant 0 : i32
        %dma_start3A_124 = arith.constant 0 : i32
        %dma_start3A_125 = tpu.memref_slice %arg11[%dma_start3A_123, %dma_start3A_124] : memref<10240x128xf32, #tpu.memory_space<vmem_shared>> -> memref<10240x128xf32, #tpu.memory_space<vmem_shared>>
        tpu.enqueue_indirect_dma source(%arg10 : memref<128x128xf32, #tpu.memory_space<vmem>>) target(%dma_start3A_125 : memref<10240x128xf32, #tpu.memory_space<vmem_shared>>) offsets(%dma_start3A_122 : memref<128xi32, #tpu.memory_space<vmem>>) semaphore(%arg15 : memref<!tpu.dma_semaphore, #tpu.memory_space<semaphore_mem>>) {add = true}
        %add3A_126 = arith.constant 2 : i32
        %add3A_127 = arith.addi %add3A_111, %add3A_126 : i32
        %lt3A_128 = arith.constant 160 : i32
        %lt3A_129 = arith.cmpi slt, %add3A_127, %lt3A_128 : i32
        %convert_element_type3A_130 = arith.extui %lt3A_129 : i1 to i32
        %cond3A_131 = arith.constant 0 : i32
        %cond3A_132 = arith.cmpi ne, %convert_element_type3A_130, %cond3A_131 : i32
        scf.if %cond3A_132 {
          %add3A_140 = arith.constant 2 : i32
          %add3A_141 = arith.addi %add3A_111, %add3A_140 : i32
          %mul3A_142 = arith.constant 1 : i32
          %mul3A_143 = arith.muli %mul3A_142, %add3A_141 : i32
          %add3A_144 = arith.addi %mul3A_21, %mul3A_143 : i32
          %dma_start3A_145 = arith.constant 0 : i32
          %dma_start3A_146 = arith.constant 0 : i32
          %dma_start3A_147 = tpu.memref_slice %arg4[%add3A_144, %dma_start3A_145, %dma_start3A_146] : memref<2560x2x128xi32, #tpu.memory_space<hbm>> -> memref<1x2x128xi32, #tpu.memory_space<hbm>>
          %dma_start3A_148 = tpu.memref_squeeze %dma_start3A_147 : memref<1x2x128xi32, #tpu.memory_space<hbm>> -> memref<2x128xi32, #tpu.memory_space<hbm>>
          %dma_start3A_149 = arith.constant 0 : i32
          %dma_start3A_150 = arith.constant 0 : i32
          %dma_start3A_151 = tpu.memref_slice %arg4[%add3A_144, %dma_start3A_149, %dma_start3A_150] : memref<2560x2x128xi32, #tpu.memory_space<hbm>> -> memref<1x2x128xi32, #tpu.memory_space<hbm>>
          %dma_start3A_152 = tpu.memref_squeeze %dma_start3A_151 : memref<1x2x128xi32, #tpu.memory_space<hbm>> -> memref<2x128xi32, #tpu.memory_space<hbm>>
          tpu.enqueue_dma source(%dma_start3A_152 : memref<2x128xi32, #tpu.memory_space<hbm>>) target(%arg8 : memref<2x128xi32, #tpu.memory_space<vmem>>) target_semaphore(%arg17 : memref<!tpu.dma_semaphore, #tpu.memory_space<semaphore_mem>>)
        } else {
        }
        %add3A_133 = arith.constant 1 : i32
        %add3A_134 = arith.addi %add3A_111, %add3A_133 : i32
        %lt3A_135 = arith.constant 160 : i32
        %lt3A_136 = arith.cmpi slt, %add3A_134, %lt3A_135 : i32
        %convert_element_type3A_137 = arith.extui %lt3A_136 : i1 to i32
        %cond3A_138 = arith.constant 0 : i32
        %cond3A_139 = arith.cmpi ne, %convert_element_type3A_137, %cond3A_138 : i32
        scf.if %cond3A_139 {
          %ge3A = arith.constant 1 : i32
          %ge3A_140 = arith.cmpi sge, %add3A_111, %ge3A : i32
          %convert_element_type3A_141 = arith.extui %ge3A_140 : i1 to i32
          %cond3A_142 = arith.constant 0 : i32
          %cond3A_143 = arith.cmpi ne, %convert_element_type3A_141, %cond3A_142 : i32
          scf.if %cond3A_143 {
            %dma_wait3A_163 = arith.constant 1 : i32
            %dma_wait3A_164 = arith.constant 0 : i32
            %dma_wait3A_165 = tpu.memref_slice %arg7[%dma_wait3A_163, %dma_wait3A_164] : memref<2x128xi32, #tpu.memory_space<vmem>> -> memref<1x128xi32, #tpu.memory_space<vmem>>
            %dma_wait3A_166 = tpu.memref_squeeze %dma_wait3A_165 : memref<1x128xi32, #tpu.memory_space<vmem>> -> memref<128xi32, #tpu.memory_space<vmem>>
            %dma_wait3A_167 = arith.constant 0 : i32
            %dma_wait3A_168 = arith.constant 0 : i32
            %dma_wait3A_169 = tpu.memref_slice %arg11[%dma_wait3A_167, %dma_wait3A_168] : memref<10240x128xf32, #tpu.memory_space<vmem_shared>> -> memref<10240x128xf32, #tpu.memory_space<vmem_shared>>
            tpu.wait_indirect_dma semaphore(%arg14 : memref<!tpu.dma_semaphore, #tpu.memory_space<semaphore_mem>>) src(%arg9 : memref<128x128xf32, #tpu.memory_space<vmem>>) dst(%dma_wait3A_169 : memref<10240x128xf32, #tpu.memory_space<vmem_shared>>)
          } else {
          }
          %add3A_144 = arith.constant 0 : i32
          %add3A_145 = arith.addi %mul3A_21, %add3A_144 : i32
          %dma_wait3A_146 = arith.constant 0 : i32
          %dma_wait3A_147 = arith.constant 0 : i32
          %dma_wait3A_148 = tpu.memref_slice %arg4[%add3A_145, %dma_wait3A_146, %dma_wait3A_147] : memref<2560x2x128xi32, #tpu.memory_space<hbm>> -> memref<1x2x128xi32, #tpu.memory_space<hbm>>
          %dma_wait3A_149 = tpu.memref_squeeze %dma_wait3A_148 : memref<1x2x128xi32, #tpu.memory_space<hbm>> -> memref<2x128xi32, #tpu.memory_space<hbm>>
          %dma_wait3A_150 = arith.constant 0 : i32
          %dma_wait3A_151 = arith.constant 0 : i32
          %dma_wait3A_152 = tpu.memref_slice %arg4[%add3A_145, %dma_wait3A_150, %dma_wait3A_151] : memref<2560x2x128xi32, #tpu.memory_space<hbm>> -> memref<1x2x128xi32, #tpu.memory_space<hbm>>
          %dma_wait3A_153 = tpu.memref_squeeze %dma_wait3A_152 : memref<1x2x128xi32, #tpu.memory_space<hbm>> -> memref<2x128xi32, #tpu.memory_space<hbm>>
          tpu.wait_dma2 semaphore(%arg16 : memref<!tpu.dma_semaphore, #tpu.memory_space<semaphore_mem>>) src(%dma_wait3A_153 : memref<2x128xi32, #tpu.memory_space<hbm>>) dst(%arg7 : memref<2x128xi32, #tpu.memory_space<vmem>>)
          %add3A_154 = arith.constant 1 : i32
          %add3A_155 = arith.addi %add3A_111, %add3A_154 : i32
          %dma_start3A_156 = arith.constant 0 : i32
          %dma_start3A_157 = arith.constant 0 : i32
          %dma_start3A_158 = tpu.memref_slice %arg7[%dma_start3A_156, %dma_start3A_157] : memref<2x128xi32, #tpu.memory_space<vmem>> -> memref<1x128xi32, #tpu.memory_space<vmem>>
          %dma_start3A_159 = tpu.memref_squeeze %dma_start3A_158 : memref<1x128xi32, #tpu.memory_space<vmem>> -> memref<128xi32, #tpu.memory_space<vmem>>
          %dma_start3A_160 = arith.constant 0 : i32
          %dma_start3A_161 = arith.constant 0 : i32
          %dma_start3A_162 = tpu.memref_slice %arg2[%dma_start3A_160, %dma_start3A_161] : memref<10240x128xf32, #tpu.memory_space<hbm>> -> memref<10240x128xf32, #tpu.memory_space<hbm>>
          tpu.enqueue_indirect_dma source(%dma_start3A_162 : memref<10240x128xf32, #tpu.memory_space<hbm>>) target(%arg9 : memref<128x128xf32, #tpu.memory_space<vmem>>) offsets(%dma_start3A_159 : memref<128xi32, #tpu.memory_space<vmem>>) semaphore(%arg12 : memref<!tpu.dma_semaphore, #tpu.memory_space<semaphore_mem>>)
        } else {
        }
      }
      %scan3A_60 = arith.constant 80 : i32
      %dma_wait3A_61 = arith.constant 1 : i32
      %dma_wait3A_62 = arith.constant 0 : i32
      %dma_wait3A_63 = tpu.memref_slice %arg7[%dma_wait3A_61, %dma_wait3A_62] : memref<2x128xi32, #tpu.memory_space<vmem>> -> memref<1x128xi32, #tpu.memory_space<vmem>>
      %dma_wait3A_64 = tpu.memref_squeeze %dma_wait3A_63 : memref<1x128xi32, #tpu.memory_space<vmem>> -> memref<128xi32, #tpu.memory_space<vmem>>
      %dma_wait3A_65 = arith.constant 0 : i32
      %dma_wait3A_66 = arith.constant 0 : i32
      %dma_wait3A_67 = tpu.memref_slice %arg11[%dma_wait3A_65, %dma_wait3A_66] : memref<10240x128xf32, #tpu.memory_space<vmem_shared>> -> memref<10240x128xf32, #tpu.memory_space<vmem_shared>>
      tpu.wait_indirect_dma semaphore(%arg14 : memref<!tpu.dma_semaphore, #tpu.memory_space<semaphore_mem>>) src(%arg9 : memref<128x128xf32, #tpu.memory_space<vmem>>) dst(%dma_wait3A_67 : memref<10240x128xf32, #tpu.memory_space<vmem_shared>>)
      %dma_wait3A_68 = arith.constant 1 : i32
      %dma_wait3A_69 = arith.constant 0 : i32
      %dma_wait3A_70 = tpu.memref_slice %arg8[%dma_wait3A_68, %dma_wait3A_69] : memref<2x128xi32, #tpu.memory_space<vmem>> -> memref<1x128xi32, #tpu.memory_space<vmem>>
      %dma_wait3A_71 = tpu.memref_squeeze %dma_wait3A_70 : memref<1x128xi32, #tpu.memory_space<vmem>> -> memref<128xi32, #tpu.memory_space<vmem>>
      %dma_wait3A_72 = arith.constant 0 : i32
      %dma_wait3A_73 = arith.constant 0 : i32
      %dma_wait3A_74 = tpu.memref_slice %arg11[%dma_wait3A_72, %dma_wait3A_73] : memref<10240x128xf32, #tpu.memory_space<vmem_shared>> -> memref<10240x128xf32, #tpu.memory_space<vmem_shared>>
      tpu.wait_indirect_dma semaphore(%arg15 : memref<!tpu.dma_semaphore, #tpu.memory_space<semaphore_mem>>) src(%arg10 : memref<128x128xf32, #tpu.memory_space<vmem>>) dst(%dma_wait3A_74 : memref<10240x128xf32, #tpu.memory_space<vmem_shared>>)
      %barrier3A_75 = arith.constant 0 : index
      tpu.barrier barrier_id(%barrier3A_75)
    } else {
    }
    %eq3A_2 = arith.constant 1 : i32
    %eq3A_3 = arith.cmpi eq, %arg0, %eq3A_2 : i32
    %convert_element_type3A_4 = arith.extui %eq3A_3 : i1 to i32
    %cond3A_5 = arith.constant 0 : i32
    %cond3A_6 = arith.cmpi ne, %convert_element_type3A_4, %cond3A_5 : i32
    scf.if %cond3A_6 {
      %mul3A = arith.constant 640 : i32
      %mul3A_17 = arith.muli %arg1, %mul3A : i32
      %mul3A_18 = arith.constant 640 : i32
      %mul3A_19 = arith.muli %arg1, %mul3A_18 : i32
      "tpu.region"() ({
        %run_scoped3A = tpu.sem_alloc : memref<!tpu.dma_semaphore, #tpu.memory_space<semaphore_mem>>
        %dma_start3A_76 = arith.constant 0 : i32
        %dma_start3A_77 = tpu.memref_slice %arg11[%mul3A_19, %dma_start3A_76] : memref<10240x128xf32, #tpu.memory_space<vmem_shared>> -> memref<640x128xf32, #tpu.memory_space<vmem_shared>>
        %dma_start3A_78 = arith.constant 0 : i32
        %dma_start3A_79 = tpu.memref_slice %arg3[%mul3A_17, %dma_start3A_78] : memref<10240x128xf32, #tpu.memory_space<hbm>> -> memref<640x128xf32, #tpu.memory_space<hbm>>
        tpu.enqueue_dma source(%dma_start3A_79 : memref<640x128xf32, #tpu.memory_space<hbm>>) target(%dma_start3A_77 : memref<640x128xf32, #tpu.memory_space<vmem_shared>>) target_semaphore(%run_scoped3A : memref<!tpu.dma_semaphore, #tpu.memory_space<semaphore_mem>>)
        %dma_wait3A_80 = arith.constant 0 : i32
        %dma_wait3A_81 = tpu.memref_slice %arg11[%mul3A_19, %dma_wait3A_80] : memref<10240x128xf32, #tpu.memory_space<vmem_shared>> -> memref<640x128xf32, #tpu.memory_space<vmem_shared>>
        %dma_wait3A_82 = arith.constant 0 : i32
        %dma_wait3A_83 = tpu.memref_slice %arg3[%mul3A_17, %dma_wait3A_82] : memref<10240x128xf32, #tpu.memory_space<hbm>> -> memref<640x128xf32, #tpu.memory_space<hbm>>
        tpu.wait_dma2 semaphore(%run_scoped3A : memref<!tpu.dma_semaphore, #tpu.memory_space<semaphore_mem>>) src(%dma_wait3A_83 : memref<640x128xf32, #tpu.memory_space<hbm>>) dst(%dma_wait3A_81 : memref<640x128xf32, #tpu.memory_space<vmem_shared>>)
        tpu.yield
      }) : () -> ()
      %mul3A_20 = arith.constant 160 : i32
      %mul3A_21 = arith.muli %arg1, %mul3A_20 : i32
      %barrier3A = arith.constant 0 : index
      tpu.barrier barrier_id(%barrier3A)
      %add3A = arith.constant 0 : i32
      %add3A_22 = arith.addi %mul3A_21, %add3A : i32
      %dma_start3A = arith.constant 0 : i32
      %dma_start3A_23 = arith.constant 0 : i32
      %dma_start3A_24 = tpu.memref_slice %arg4[%add3A_22, %dma_start3A, %dma_start3A_23] : memref<2560x2x128xi32, #tpu.memory_space<hbm>> -> memref<1x2x128xi32, #tpu.memory_space<hbm>>
      %dma_start3A_25 = tpu.memref_squeeze %dma_start3A_24 : memref<1x2x128xi32, #tpu.memory_space<hbm>> -> memref<2x128xi32, #tpu.memory_space<hbm>>
      %dma_start3A_26 = arith.constant 0 : i32
      %dma_start3A_27 = arith.constant 0 : i32
      %dma_start3A_28 = tpu.memref_slice %arg4[%add3A_22, %dma_start3A_26, %dma_start3A_27] : memref<2560x2x128xi32, #tpu.memory_space<hbm>> -> memref<1x2x128xi32, #tpu.memory_space<hbm>>
      %dma_start3A_29 = tpu.memref_squeeze %dma_start3A_28 : memref<1x2x128xi32, #tpu.memory_space<hbm>> -> memref<2x128xi32, #tpu.memory_space<hbm>>
      tpu.enqueue_dma source(%dma_start3A_29 : memref<2x128xi32, #tpu.memory_space<hbm>>) target(%arg7 : memref<2x128xi32, #tpu.memory_space<vmem>>) target_semaphore(%arg16 : memref<!tpu.dma_semaphore, #tpu.memory_space<semaphore_mem>>)
      %add3A_30 = arith.constant 1 : i32
      %add3A_31 = arith.addi %mul3A_21, %add3A_30 : i32
      %dma_start3A_32 = arith.constant 0 : i32
      %dma_start3A_33 = arith.constant 0 : i32
      %dma_start3A_34 = tpu.memref_slice %arg4[%add3A_31, %dma_start3A_32, %dma_start3A_33] : memref<2560x2x128xi32, #tpu.memory_space<hbm>> -> memref<1x2x128xi32, #tpu.memory_space<hbm>>
      %dma_start3A_35 = tpu.memref_squeeze %dma_start3A_34 : memref<1x2x128xi32, #tpu.memory_space<hbm>> -> memref<2x128xi32, #tpu.memory_space<hbm>>
      %dma_start3A_36 = arith.constant 0 : i32
      %dma_start3A_37 = arith.constant 0 : i32
      %dma_start3A_38 = tpu.memref_slice %arg4[%add3A_31, %dma_start3A_36, %dma_start3A_37] : memref<2560x2x128xi32, #tpu.memory_space<hbm>> -> memref<1x2x128xi32, #tpu.memory_space<hbm>>
      %dma_start3A_39 = tpu.memref_squeeze %dma_start3A_38 : memref<1x2x128xi32, #tpu.memory_space<hbm>> -> memref<2x128xi32, #tpu.memory_space<hbm>>
      tpu.enqueue_dma source(%dma_start3A_39 : memref<2x128xi32, #tpu.memory_space<hbm>>) target(%arg8 : memref<2x128xi32, #tpu.memory_space<vmem>>) target_semaphore(%arg17 : memref<!tpu.dma_semaphore, #tpu.memory_space<semaphore_mem>>)
      %add3A_40 = arith.constant 0 : i32
      %add3A_41 = arith.addi %mul3A_21, %add3A_40 : i32
      %dma_wait3A = arith.constant 0 : i32
      %dma_wait3A_42 = arith.constant 0 : i32
      %dma_wait3A_43 = tpu.memref_slice %arg4[%add3A_41, %dma_wait3A, %dma_wait3A_42] : memref<2560x2x128xi32, #tpu.memory_space<hbm>> -> memref<1x2x128xi32, #tpu.memory_space<hbm>>
      %dma_wait3A_44 = tpu.memref_squeeze %dma_wait3A_43 : memref<1x2x128xi32, #tpu.memory_space<hbm>> -> memref<2x128xi32, #tpu.memory_space<hbm>>
      %dma_wait3A_45 = arith.constant 0 : i32
      %dma_wait3A_46 = arith.constant 0 : i32
      %dma_wait3A_47 = tpu.memref_slice %arg4[%add3A_41, %dma_wait3A_45, %dma_wait3A_46] : memref<2560x2x128xi32, #tpu.memory_space<hbm>> -> memref<1x2x128xi32, #tpu.memory_space<hbm>>
      %dma_wait3A_48 = tpu.memref_squeeze %dma_wait3A_47 : memref<1x2x128xi32, #tpu.memory_space<hbm>> -> memref<2x128xi32, #tpu.memory_space<hbm>>
      tpu.wait_dma2 semaphore(%arg16 : memref<!tpu.dma_semaphore, #tpu.memory_space<semaphore_mem>>) src(%dma_wait3A_48 : memref<2x128xi32, #tpu.memory_space<hbm>>) dst(%arg7 : memref<2x128xi32, #tpu.memory_space<vmem>>)
      %dma_start3A_49 = arith.constant 0 : i32
      %dma_start3A_50 = arith.constant 0 : i32
      %dma_start3A_51 = tpu.memref_slice %arg7[%dma_start3A_49, %dma_start3A_50] : memref<2x128xi32, #tpu.memory_space<vmem>> -> memref<1x128xi32, #tpu.memory_space<vmem>>
      %dma_start3A_52 = tpu.memref_squeeze %dma_start3A_51 : memref<1x128xi32, #tpu.memory_space<vmem>> -> memref<128xi32, #tpu.memory_space<vmem>>
      %dma_start3A_53 = arith.constant 0 : i32
      %dma_start3A_54 = arith.constant 0 : i32
      %dma_start3A_55 = tpu.memref_slice %arg3[%dma_start3A_53, %dma_start3A_54] : memref<10240x128xf32, #tpu.memory_space<hbm>> -> memref<10240x128xf32, #tpu.memory_space<hbm>>
      tpu.enqueue_indirect_dma source(%dma_start3A_55 : memref<10240x128xf32, #tpu.memory_space<hbm>>) target(%arg9 : memref<128x128xf32, #tpu.memory_space<vmem>>) offsets(%dma_start3A_52 : memref<128xi32, #tpu.memory_space<vmem>>) semaphore(%arg12 : memref<!tpu.dma_semaphore, #tpu.memory_space<semaphore_mem>>)
      %scan3A = arith.constant 0 : i32
      %scan3A_56 = arith.constant 0 : i32
      %scan3A_57 = arith.constant 80 : i32
      %scan3A_58 = arith.addi %scan3A_56, %scan3A_57 : i32
      %scan3A_59 = arith.constant 1 : i32
      scf.for %scan3A_76 = %scan3A_56 to %scan3A_58 step %scan3A_59  : i32 {
        %mul3A_77 = arith.constant 2 : i32
        %mul3A_78 = arith.muli %mul3A_77, %scan3A_76 : i32
        %add3A_79 = arith.constant 0 : i32
        %add3A_80 = arith.addi %mul3A_78, %add3A_79 : i32
        %dma_wait3A_81 = arith.constant 0 : i32
        %dma_wait3A_82 = arith.constant 0 : i32
        %dma_wait3A_83 = tpu.memref_slice %arg7[%dma_wait3A_81, %dma_wait3A_82] : memref<2x128xi32, #tpu.memory_space<vmem>> -> memref<1x128xi32, #tpu.memory_space<vmem>>
        %dma_wait3A_84 = tpu.memref_squeeze %dma_wait3A_83 : memref<1x128xi32, #tpu.memory_space<vmem>> -> memref<128xi32, #tpu.memory_space<vmem>>
        %dma_wait3A_85 = arith.constant 0 : i32
        %dma_wait3A_86 = arith.constant 0 : i32
        %dma_wait3A_87 = tpu.memref_slice %arg3[%dma_wait3A_85, %dma_wait3A_86] : memref<10240x128xf32, #tpu.memory_space<hbm>> -> memref<10240x128xf32, #tpu.memory_space<hbm>>
        tpu.wait_indirect_dma semaphore(%arg12 : memref<!tpu.dma_semaphore, #tpu.memory_space<semaphore_mem>>) src(%dma_wait3A_87 : memref<10240x128xf32, #tpu.memory_space<hbm>>) dst(%arg9 : memref<128x128xf32, #tpu.memory_space<vmem>>)
        %dma_start3A_88 = arith.constant 1 : i32
        %dma_start3A_89 = arith.constant 0 : i32
        %dma_start3A_90 = tpu.memref_slice %arg7[%dma_start3A_88, %dma_start3A_89] : memref<2x128xi32, #tpu.memory_space<vmem>> -> memref<1x128xi32, #tpu.memory_space<vmem>>
        %dma_start3A_91 = tpu.memref_squeeze %dma_start3A_90 : memref<1x128xi32, #tpu.memory_space<vmem>> -> memref<128xi32, #tpu.memory_space<vmem>>
        %dma_start3A_92 = arith.constant 0 : i32
        %dma_start3A_93 = arith.constant 0 : i32
        %dma_start3A_94 = tpu.memref_slice %arg11[%dma_start3A_92, %dma_start3A_93] : memref<10240x128xf32, #tpu.memory_space<vmem_shared>> -> memref<10240x128xf32, #tpu.memory_space<vmem_shared>>
        tpu.enqueue_indirect_dma source(%arg9 : memref<128x128xf32, #tpu.memory_space<vmem>>) target(%dma_start3A_94 : memref<10240x128xf32, #tpu.memory_space<vmem_shared>>) offsets(%dma_start3A_91 : memref<128xi32, #tpu.memory_space<vmem>>) semaphore(%arg14 : memref<!tpu.dma_semaphore, #tpu.memory_space<semaphore_mem>>) {add = true}
        %add3A_95 = arith.constant 2 : i32
        %add3A_96 = arith.addi %add3A_80, %add3A_95 : i32
        %lt3A = arith.constant 160 : i32
        %lt3A_97 = arith.cmpi slt, %add3A_96, %lt3A : i32
        %convert_element_type3A_98 = arith.extui %lt3A_97 : i1 to i32
        %cond3A_99 = arith.constant 0 : i32
        %cond3A_100 = arith.cmpi ne, %convert_element_type3A_98, %cond3A_99 : i32
        scf.if %cond3A_100 {
          %add3A_140 = arith.constant 2 : i32
          %add3A_141 = arith.addi %add3A_80, %add3A_140 : i32
          %mul3A_142 = arith.constant 1 : i32
          %mul3A_143 = arith.muli %mul3A_142, %add3A_141 : i32
          %add3A_144 = arith.addi %mul3A_21, %mul3A_143 : i32
          %dma_start3A_145 = arith.constant 0 : i32
          %dma_start3A_146 = arith.constant 0 : i32
          %dma_start3A_147 = tpu.memref_slice %arg4[%add3A_144, %dma_start3A_145, %dma_start3A_146] : memref<2560x2x128xi32, #tpu.memory_space<hbm>> -> memref<1x2x128xi32, #tpu.memory_space<hbm>>
          %dma_start3A_148 = tpu.memref_squeeze %dma_start3A_147 : memref<1x2x128xi32, #tpu.memory_space<hbm>> -> memref<2x128xi32, #tpu.memory_space<hbm>>
          %dma_start3A_149 = arith.constant 0 : i32
          %dma_start3A_150 = arith.constant 0 : i32
          %dma_start3A_151 = tpu.memref_slice %arg4[%add3A_144, %dma_start3A_149, %dma_start3A_150] : memref<2560x2x128xi32, #tpu.memory_space<hbm>> -> memref<1x2x128xi32, #tpu.memory_space<hbm>>
          %dma_start3A_152 = tpu.memref_squeeze %dma_start3A_151 : memref<1x2x128xi32, #tpu.memory_space<hbm>> -> memref<2x128xi32, #tpu.memory_space<hbm>>
          tpu.enqueue_dma source(%dma_start3A_152 : memref<2x128xi32, #tpu.memory_space<hbm>>) target(%arg7 : memref<2x128xi32, #tpu.memory_space<vmem>>) target_semaphore(%arg16 : memref<!tpu.dma_semaphore, #tpu.memory_space<semaphore_mem>>)
        } else {
        }
        %add3A_101 = arith.constant 1 : i32
        %add3A_102 = arith.addi %add3A_80, %add3A_101 : i32
        %lt3A_103 = arith.constant 160 : i32
        %lt3A_104 = arith.cmpi slt, %add3A_102, %lt3A_103 : i32
        %convert_element_type3A_105 = arith.extui %lt3A_104 : i1 to i32
        %cond3A_106 = arith.constant 0 : i32
        %cond3A_107 = arith.cmpi ne, %convert_element_type3A_105, %cond3A_106 : i32
        scf.if %cond3A_107 {
          %ge3A = arith.constant 1 : i32
          %ge3A_140 = arith.cmpi sge, %add3A_80, %ge3A : i32
          %convert_element_type3A_141 = arith.extui %ge3A_140 : i1 to i32
          %cond3A_142 = arith.constant 0 : i32
          %cond3A_143 = arith.cmpi ne, %convert_element_type3A_141, %cond3A_142 : i32
          scf.if %cond3A_143 {
            %dma_wait3A_163 = arith.constant 1 : i32
            %dma_wait3A_164 = arith.constant 0 : i32
            %dma_wait3A_165 = tpu.memref_slice %arg8[%dma_wait3A_163, %dma_wait3A_164] : memref<2x128xi32, #tpu.memory_space<vmem>> -> memref<1x128xi32, #tpu.memory_space<vmem>>
            %dma_wait3A_166 = tpu.memref_squeeze %dma_wait3A_165 : memref<1x128xi32, #tpu.memory_space<vmem>> -> memref<128xi32, #tpu.memory_space<vmem>>
            %dma_wait3A_167 = arith.constant 0 : i32
            %dma_wait3A_168 = arith.constant 0 : i32
            %dma_wait3A_169 = tpu.memref_slice %arg11[%dma_wait3A_167, %dma_wait3A_168] : memref<10240x128xf32, #tpu.memory_space<vmem_shared>> -> memref<10240x128xf32, #tpu.memory_space<vmem_shared>>
            tpu.wait_indirect_dma semaphore(%arg15 : memref<!tpu.dma_semaphore, #tpu.memory_space<semaphore_mem>>) src(%arg10 : memref<128x128xf32, #tpu.memory_space<vmem>>) dst(%dma_wait3A_169 : memref<10240x128xf32, #tpu.memory_space<vmem_shared>>)
          } else {
          }
          %add3A_144 = arith.constant 0 : i32
          %add3A_145 = arith.addi %mul3A_21, %add3A_144 : i32
          %dma_wait3A_146 = arith.constant 0 : i32
          %dma_wait3A_147 = arith.constant 0 : i32
          %dma_wait3A_148 = tpu.memref_slice %arg4[%add3A_145, %dma_wait3A_146, %dma_wait3A_147] : memref<2560x2x128xi32, #tpu.memory_space<hbm>> -> memref<1x2x128xi32, #tpu.memory_space<hbm>>
          %dma_wait3A_149 = tpu.memref_squeeze %dma_wait3A_148 : memref<1x2x128xi32, #tpu.memory_space<hbm>> -> memref<2x128xi32, #tpu.memory_space<hbm>>
          %dma_wait3A_150 = arith.constant 0 : i32
          %dma_wait3A_151 = arith.constant 0 : i32
          %dma_wait3A_152 = tpu.memref_slice %arg4[%add3A_145, %dma_wait3A_150, %dma_wait3A_151] : memref<2560x2x128xi32, #tpu.memory_space<hbm>> -> memref<1x2x128xi32, #tpu.memory_space<hbm>>
          %dma_wait3A_153 = tpu.memref_squeeze %dma_wait3A_152 : memref<1x2x128xi32, #tpu.memory_space<hbm>> -> memref<2x128xi32, #tpu.memory_space<hbm>>
          tpu.wait_dma2 semaphore(%arg17 : memref<!tpu.dma_semaphore, #tpu.memory_space<semaphore_mem>>) src(%dma_wait3A_153 : memref<2x128xi32, #tpu.memory_space<hbm>>) dst(%arg8 : memref<2x128xi32, #tpu.memory_space<vmem>>)
          %add3A_154 = arith.constant 1 : i32
          %add3A_155 = arith.addi %add3A_80, %add3A_154 : i32
          %dma_start3A_156 = arith.constant 0 : i32
          %dma_start3A_157 = arith.constant 0 : i32
          %dma_start3A_158 = tpu.memref_slice %arg8[%dma_start3A_156, %dma_start3A_157] : memref<2x128xi32, #tpu.memory_space<vmem>> -> memref<1x128xi32, #tpu.memory_space<vmem>>
          %dma_start3A_159 = tpu.memref_squeeze %dma_start3A_158 : memref<1x128xi32, #tpu.memory_space<vmem>> -> memref<128xi32, #tpu.memory_space<vmem>>
          %dma_start3A_160 = arith.constant 0 : i32
          %dma_start3A_161 = arith.constant 0 : i32
          %dma_start3A_162 = tpu.memref_slice %arg3[%dma_start3A_160, %dma_start3A_161] : memref<10240x128xf32, #tpu.memory_space<hbm>> -> memref<10240x128xf32, #tpu.memory_space<hbm>>
          tpu.enqueue_indirect_dma source(%dma_start3A_162 : memref<10240x128xf32, #tpu.memory_space<hbm>>) target(%arg10 : memref<128x128xf32, #tpu.memory_space<vmem>>) offsets(%dma_start3A_159 : memref<128xi32, #tpu.memory_space<vmem>>) semaphore(%arg13 : memref<!tpu.dma_semaphore, #tpu.memory_space<semaphore_mem>>)
        } else {
        }
        %mul3A_108 = arith.constant 2 : i32
        %mul3A_109 = arith.muli %mul3A_108, %scan3A_76 : i32
        %add3A_110 = arith.constant 1 : i32
        %add3A_111 = arith.addi %mul3A_109, %add3A_110 : i32
        %dma_wait3A_112 = arith.constant 0 : i32
        %dma_wait3A_113 = arith.constant 0 : i32
        %dma_wait3A_114 = tpu.memref_slice %arg8[%dma_wait3A_112, %dma_wait3A_113] : memref<2x128xi32, #tpu.memory_space<vmem>> -> memref<1x128xi32, #tpu.memory_space<vmem>>
        %dma_wait3A_115 = tpu.memref_squeeze %dma_wait3A_114 : memref<1x128xi32, #tpu.memory_space<vmem>> -> memref<128xi32, #tpu.memory_space<vmem>>
        %dma_wait3A_116 = arith.constant 0 : i32
        %dma_wait3A_117 = arith.constant 0 : i32
        %dma_wait3A_118 = tpu.memref_slice %arg3[%dma_wait3A_116, %dma_wait3A_117] : memref<10240x128xf32, #tpu.memory_space<hbm>> -> memref<10240x128xf32, #tpu.memory_space<hbm>>
        tpu.wait_indirect_dma semaphore(%arg13 : memref<!tpu.dma_semaphore, #tpu.memory_space<semaphore_mem>>) src(%dma_wait3A_118 : memref<10240x128xf32, #tpu.memory_space<hbm>>) dst(%arg10 : memref<128x128xf32, #tpu.memory_space<vmem>>)
        %dma_start3A_119 = arith.constant 1 : i32
        %dma_start3A_120 = arith.constant 0 : i32
        %dma_start3A_121 = tpu.memref_slice %arg8[%dma_start3A_119, %dma_start3A_120] : memref<2x128xi32, #tpu.memory_space<vmem>> -> memref<1x128xi32, #tpu.memory_space<vmem>>
        %dma_start3A_122 = tpu.memref_squeeze %dma_start3A_121 : memref<1x128xi32, #tpu.memory_space<vmem>> -> memref<128xi32, #tpu.memory_space<vmem>>
        %dma_start3A_123 = arith.constant 0 : i32
        %dma_start3A_124 = arith.constant 0 : i32
        %dma_start3A_125 = tpu.memref_slice %arg11[%dma_start3A_123, %dma_start3A_124] : memref<10240x128xf32, #tpu.memory_space<vmem_shared>> -> memref<10240x128xf32, #tpu.memory_space<vmem_shared>>
        tpu.enqueue_indirect_dma source(%arg10 : memref<128x128xf32, #tpu.memory_space<vmem>>) target(%dma_start3A_125 : memref<10240x128xf32, #tpu.memory_space<vmem_shared>>) offsets(%dma_start3A_122 : memref<128xi32, #tpu.memory_space<vmem>>) semaphore(%arg15 : memref<!tpu.dma_semaphore, #tpu.memory_space<semaphore_mem>>) {add = true}
        %add3A_126 = arith.constant 2 : i32
        %add3A_127 = arith.addi %add3A_111, %add3A_126 : i32
        %lt3A_128 = arith.constant 160 : i32
        %lt3A_129 = arith.cmpi slt, %add3A_127, %lt3A_128 : i32
        %convert_element_type3A_130 = arith.extui %lt3A_129 : i1 to i32
        %cond3A_131 = arith.constant 0 : i32
        %cond3A_132 = arith.cmpi ne, %convert_element_type3A_130, %cond3A_131 : i32
        scf.if %cond3A_132 {
          %add3A_140 = arith.constant 2 : i32
          %add3A_141 = arith.addi %add3A_111, %add3A_140 : i32
          %mul3A_142 = arith.constant 1 : i32
          %mul3A_143 = arith.muli %mul3A_142, %add3A_141 : i32
          %add3A_144 = arith.addi %mul3A_21, %mul3A_143 : i32
          %dma_start3A_145 = arith.constant 0 : i32
          %dma_start3A_146 = arith.constant 0 : i32
          %dma_start3A_147 = tpu.memref_slice %arg4[%add3A_144, %dma_start3A_145, %dma_start3A_146] : memref<2560x2x128xi32, #tpu.memory_space<hbm>> -> memref<1x2x128xi32, #tpu.memory_space<hbm>>
          %dma_start3A_148 = tpu.memref_squeeze %dma_start3A_147 : memref<1x2x128xi32, #tpu.memory_space<hbm>> -> memref<2x128xi32, #tpu.memory_space<hbm>>
          %dma_start3A_149 = arith.constant 0 : i32
          %dma_start3A_150 = arith.constant 0 : i32
          %dma_start3A_151 = tpu.memref_slice %arg4[%add3A_144, %dma_start3A_149, %dma_start3A_150] : memref<2560x2x128xi32, #tpu.memory_space<hbm>> -> memref<1x2x128xi32, #tpu.memory_space<hbm>>
          %dma_start3A_152 = tpu.memref_squeeze %dma_start3A_151 : memref<1x2x128xi32, #tpu.memory_space<hbm>> -> memref<2x128xi32, #tpu.memory_space<hbm>>
          tpu.enqueue_dma source(%dma_start3A_152 : memref<2x128xi32, #tpu.memory_space<hbm>>) target(%arg8 : memref<2x128xi32, #tpu.memory_space<vmem>>) target_semaphore(%arg17 : memref<!tpu.dma_semaphore, #tpu.memory_space<semaphore_mem>>)
        } else {
        }
        %add3A_133 = arith.constant 1 : i32
        %add3A_134 = arith.addi %add3A_111, %add3A_133 : i32
        %lt3A_135 = arith.constant 160 : i32
        %lt3A_136 = arith.cmpi slt, %add3A_134, %lt3A_135 : i32
        %convert_element_type3A_137 = arith.extui %lt3A_136 : i1 to i32
        %cond3A_138 = arith.constant 0 : i32
        %cond3A_139 = arith.cmpi ne, %convert_element_type3A_137, %cond3A_138 : i32
        scf.if %cond3A_139 {
          %ge3A = arith.constant 1 : i32
          %ge3A_140 = arith.cmpi sge, %add3A_111, %ge3A : i32
          %convert_element_type3A_141 = arith.extui %ge3A_140 : i1 to i32
          %cond3A_142 = arith.constant 0 : i32
          %cond3A_143 = arith.cmpi ne, %convert_element_type3A_141, %cond3A_142 : i32
          scf.if %cond3A_143 {
            %dma_wait3A_163 = arith.constant 1 : i32
            %dma_wait3A_164 = arith.constant 0 : i32
            %dma_wait3A_165 = tpu.memref_slice %arg7[%dma_wait3A_163, %dma_wait3A_164] : memref<2x128xi32, #tpu.memory_space<vmem>> -> memref<1x128xi32, #tpu.memory_space<vmem>>
            %dma_wait3A_166 = tpu.memref_squeeze %dma_wait3A_165 : memref<1x128xi32, #tpu.memory_space<vmem>> -> memref<128xi32, #tpu.memory_space<vmem>>
            %dma_wait3A_167 = arith.constant 0 : i32
            %dma_wait3A_168 = arith.constant 0 : i32
            %dma_wait3A_169 = tpu.memref_slice %arg11[%dma_wait3A_167, %dma_wait3A_168] : memref<10240x128xf32, #tpu.memory_space<vmem_shared>> -> memref<10240x128xf32, #tpu.memory_space<vmem_shared>>
            tpu.wait_indirect_dma semaphore(%arg14 : memref<!tpu.dma_semaphore, #tpu.memory_space<semaphore_mem>>) src(%arg9 : memref<128x128xf32, #tpu.memory_space<vmem>>) dst(%dma_wait3A_169 : memref<10240x128xf32, #tpu.memory_space<vmem_shared>>)
          } else {
          }
          %add3A_144 = arith.constant 0 : i32
          %add3A_145 = arith.addi %mul3A_21, %add3A_144 : i32
          %dma_wait3A_146 = arith.constant 0 : i32
          %dma_wait3A_147 = arith.constant 0 : i32
          %dma_wait3A_148 = tpu.memref_slice %arg4[%add3A_145, %dma_wait3A_146, %dma_wait3A_147] : memref<2560x2x128xi32, #tpu.memory_space<hbm>> -> memref<1x2x128xi32, #tpu.memory_space<hbm>>
          %dma_wait3A_149 = tpu.memref_squeeze %dma_wait3A_148 : memref<1x2x128xi32, #tpu.memory_space<hbm>> -> memref<2x128xi32, #tpu.memory_space<hbm>>
          %dma_wait3A_150 = arith.constant 0 : i32
          %dma_wait3A_151 = arith.constant 0 : i32
          %dma_wait3A_152 = tpu.memref_slice %arg4[%add3A_145, %dma_wait3A_150, %dma_wait3A_151] : memref<2560x2x128xi32, #tpu.memory_space<hbm>> -> memref<1x2x128xi32, #tpu.memory_space<hbm>>
          %dma_wait3A_153 = tpu.memref_squeeze %dma_wait3A_152 : memref<1x2x128xi32, #tpu.memory_space<hbm>> -> memref<2x128xi32, #tpu.memory_space<hbm>>
          tpu.wait_dma2 semaphore(%arg16 : memref<!tpu.dma_semaphore, #tpu.memory_space<semaphore_mem>>) src(%dma_wait3A_153 : memref<2x128xi32, #tpu.memory_space<hbm>>) dst(%arg7 : memref<2x128xi32, #tpu.memory_space<vmem>>)
          %add3A_154 = arith.constant 1 : i32
          %add3A_155 = arith.addi %add3A_111, %add3A_154 : i32
          %dma_start3A_156 = arith.constant 0 : i32
          %dma_start3A_157 = arith.constant 0 : i32
          %dma_start3A_158 = tpu.memref_slice %arg7[%dma_start3A_156, %dma_start3A_157] : memref<2x128xi32, #tpu.memory_space<vmem>> -> memref<1x128xi32, #tpu.memory_space<vmem>>
          %dma_start3A_159 = tpu.memref_squeeze %dma_start3A_158 : memref<1x128xi32, #tpu.memory_space<vmem>> -> memref<128xi32, #tpu.memory_space<vmem>>
          %dma_start3A_160 = arith.constant 0 : i32
          %dma_start3A_161 = arith.constant 0 : i32
          %dma_start3A_162 = tpu.memref_slice %arg3[%dma_start3A_160, %dma_start3A_161] : memref<10240x128xf32, #tpu.memory_space<hbm>> -> memref<10240x128xf32, #tpu.memory_space<hbm>>
          tpu.enqueue_indirect_dma source(%dma_start3A_162 : memref<10240x128xf32, #tpu.memory_space<hbm>>) target(%arg9 : memref<128x128xf32, #tpu.memory_space<vmem>>) offsets(%dma_start3A_159 : memref<128xi32, #tpu.memory_space<vmem>>) semaphore(%arg12 : memref<!tpu.dma_semaphore, #tpu.memory_space<semaphore_mem>>)
        } else {
        }
      }
      %scan3A_60 = arith.constant 80 : i32
      %dma_wait3A_61 = arith.constant 1 : i32
      %dma_wait3A_62 = arith.constant 0 : i32
      %dma_wait3A_63 = tpu.memref_slice %arg7[%dma_wait3A_61, %dma_wait3A_62] : memref<2x128xi32, #tpu.memory_space<vmem>> -> memref<1x128xi32, #tpu.memory_space<vmem>>
      %dma_wait3A_64 = tpu.memref_squeeze %dma_wait3A_63 : memref<1x128xi32, #tpu.memory_space<vmem>> -> memref<128xi32, #tpu.memory_space<vmem>>
      %dma_wait3A_65 = arith.constant 0 : i32
      %dma_wait3A_66 = arith.constant 0 : i32
      %dma_wait3A_67 = tpu.memref_slice %arg11[%dma_wait3A_65, %dma_wait3A_66] : memref<10240x128xf32, #tpu.memory_space<vmem_shared>> -> memref<10240x128xf32, #tpu.memory_space<vmem_shared>>
      tpu.wait_indirect_dma semaphore(%arg14 : memref<!tpu.dma_semaphore, #tpu.memory_space<semaphore_mem>>) src(%arg9 : memref<128x128xf32, #tpu.memory_space<vmem>>) dst(%dma_wait3A_67 : memref<10240x128xf32, #tpu.memory_space<vmem_shared>>)
      %dma_wait3A_68 = arith.constant 1 : i32
      %dma_wait3A_69 = arith.constant 0 : i32
      %dma_wait3A_70 = tpu.memref_slice %arg8[%dma_wait3A_68, %dma_wait3A_69] : memref<2x128xi32, #tpu.memory_space<vmem>> -> memref<1x128xi32, #tpu.memory_space<vmem>>
      %dma_wait3A_71 = tpu.memref_squeeze %dma_wait3A_70 : memref<1x128xi32, #tpu.memory_space<vmem>> -> memref<128xi32, #tpu.memory_space<vmem>>
      %dma_wait3A_72 = arith.constant 0 : i32
      %dma_wait3A_73 = arith.constant 0 : i32
      %dma_wait3A_74 = tpu.memref_slice %arg11[%dma_wait3A_72, %dma_wait3A_73] : memref<10240x128xf32, #tpu.memory_space<vmem_shared>> -> memref<10240x128xf32, #tpu.memory_space<vmem_shared>>
      tpu.wait_indirect_dma semaphore(%arg15 : memref<!tpu.dma_semaphore, #tpu.memory_space<semaphore_mem>>) src(%arg10 : memref<128x128xf32, #tpu.memory_space<vmem>>) dst(%dma_wait3A_74 : memref<10240x128xf32, #tpu.memory_space<vmem_shared>>)
      %barrier3A_75 = arith.constant 0 : index
      tpu.barrier barrier_id(%barrier3A_75)
    } else {
    }
    %eq3A_7 = arith.constant 0 : i32
    %eq3A_8 = arith.cmpi eq, %arg0, %eq3A_7 : i32
    %convert_element_type3A_9 = arith.extui %eq3A_8 : i1 to i32
    %cond3A_10 = arith.constant 0 : i32
    %cond3A_11 = arith.cmpi ne, %convert_element_type3A_9, %cond3A_10 : i32
    scf.if %cond3A_11 {
      %mul3A = arith.constant 640 : i32
      %mul3A_17 = arith.muli %arg1, %mul3A : i32
      %mul3A_18 = arith.constant 640 : i32
      %mul3A_19 = arith.muli %arg1, %mul3A_18 : i32
      "tpu.region"() ({
        %run_scoped3A = tpu.sem_alloc : memref<!tpu.dma_semaphore, #tpu.memory_space<semaphore_mem>>
        %dma_start3A = arith.constant 0 : i32
        %dma_start3A_20 = tpu.memref_slice %arg5[%mul3A_19, %dma_start3A] : memref<10240x128xf32, #tpu.memory_space<hbm>> -> memref<640x128xf32, #tpu.memory_space<hbm>>
        %dma_start3A_21 = arith.constant 0 : i32
        %dma_start3A_22 = tpu.memref_slice %arg11[%mul3A_17, %dma_start3A_21] : memref<10240x128xf32, #tpu.memory_space<vmem_shared>> -> memref<640x128xf32, #tpu.memory_space<vmem_shared>>
        tpu.enqueue_dma source(%dma_start3A_22 : memref<640x128xf32, #tpu.memory_space<vmem_shared>>) target(%dma_start3A_20 : memref<640x128xf32, #tpu.memory_space<hbm>>) target_semaphore(%run_scoped3A : memref<!tpu.dma_semaphore, #tpu.memory_space<semaphore_mem>>)
        %dma_wait3A = arith.constant 0 : i32
        %dma_wait3A_23 = tpu.memref_slice %arg5[%mul3A_19, %dma_wait3A] : memref<10240x128xf32, #tpu.memory_space<hbm>> -> memref<640x128xf32, #tpu.memory_space<hbm>>
        %dma_wait3A_24 = arith.constant 0 : i32
        %dma_wait3A_25 = tpu.memref_slice %arg11[%mul3A_17, %dma_wait3A_24] : memref<10240x128xf32, #tpu.memory_space<vmem_shared>> -> memref<640x128xf32, #tpu.memory_space<vmem_shared>>
        tpu.wait_dma2 semaphore(%run_scoped3A : memref<!tpu.dma_semaphore, #tpu.memory_space<semaphore_mem>>) src(%dma_wait3A_25 : memref<640x128xf32, #tpu.memory_space<vmem_shared>>) dst(%dma_wait3A_23 : memref<640x128xf32, #tpu.memory_space<hbm>>)
        tpu.yield
      }) : () -> ()
    } else {
    }
    %eq3A_12 = arith.constant 1 : i32
    %eq3A_13 = arith.cmpi eq, %arg0, %eq3A_12 : i32
    %convert_element_type3A_14 = arith.extui %eq3A_13 : i1 to i32
    %cond3A_15 = arith.constant 0 : i32
    %cond3A_16 = arith.cmpi ne, %convert_element_type3A_14, %cond3A_15 : i32
    scf.if %cond3A_16 {
      %mul3A = arith.constant 640 : i32
      %mul3A_17 = arith.muli %arg1, %mul3A : i32
      %mul3A_18 = arith.constant 640 : i32
      %mul3A_19 = arith.muli %arg1, %mul3A_18 : i32
      "tpu.region"() ({
        %run_scoped3A = tpu.sem_alloc : memref<!tpu.dma_semaphore, #tpu.memory_space<semaphore_mem>>
        %dma_start3A = arith.constant 0 : i32
        %dma_start3A_20 = tpu.memref_slice %arg6[%mul3A_19, %dma_start3A] : memref<10240x128xf32, #tpu.memory_space<hbm>> -> memref<640x128xf32, #tpu.memory_space<hbm>>
        %dma_start3A_21 = arith.constant 0 : i32
        %dma_start3A_22 = tpu.memref_slice %arg11[%mul3A_17, %dma_start3A_21] : memref<10240x128xf32, #tpu.memory_space<vmem_shared>> -> memref<640x128xf32, #tpu.memory_space<vmem_shared>>
        tpu.enqueue_dma source(%dma_start3A_22 : memref<640x128xf32, #tpu.memory_space<vmem_shared>>) target(%dma_start3A_20 : memref<640x128xf32, #tpu.memory_space<hbm>>) target_semaphore(%run_scoped3A : memref<!tpu.dma_semaphore, #tpu.memory_space<semaphore_mem>>)
        %dma_wait3A = arith.constant 0 : i32
        %dma_wait3A_23 = tpu.memref_slice %arg6[%mul3A_19, %dma_wait3A] : memref<10240x128xf32, #tpu.memory_space<hbm>> -> memref<640x128xf32, #tpu.memory_space<hbm>>
        %dma_wait3A_24 = arith.constant 0 : i32
        %dma_wait3A_25 = tpu.memref_slice %arg11[%mul3A_17, %dma_wait3A_24] : memref<10240x128xf32, #tpu.memory_space<vmem_shared>> -> memref<640x128xf32, #tpu.memory_space<vmem_shared>>
        tpu.wait_dma2 semaphore(%run_scoped3A : memref<!tpu.dma_semaphore, #tpu.memory_space<semaphore_mem>>) src(%dma_wait3A_25 : memref<640x128xf32, #tpu.memory_space<vmem_shared>>) dst(%dma_wait3A_23 : memref<640x128xf32, #tpu.memory_space<hbm>>)
        tpu.yield
      }) : () -> ()
    } else {
    }
    return
  }
}

module attributes {stable_mosaic.version = 14 : i64} {
  func.func @_lin1_body(%arg0: i32, %arg1: memref<512x128xf32, #tpu.memory_space<vmem>>, %arg2: memref<128x256xf32, #tpu.memory_space<vmem>>, %arg3: memref<512x1xf32, #tpu.memory_space<vmem>>, %arg4: memref<512x128xf32, #tpu.memory_space<vmem>>, %arg5: memref<512x128xf32, #tpu.memory_space<vmem>>) attributes {dimension_semantics = [#tpu.dimension_semantics<arbitrary>], iteration_bounds = array<i64: 20>, scalar_prefetch = 0 : i64, scratch_operands = 0 : i64, tpu.core_type = #tpu.core_type<tc>, window_params = [{transform_indices = @transform_0, window_bounds = array<i64: 512, 128>}, {pipeline_mode = #tpu.pipeline_mode<synchronous>, transform_indices = @transform_1, window_bounds = array<i64: 128, 256>}, {transform_indices = @transform_2, window_bounds = array<i64: 512, 1>}, {transform_indices = @transform_3, window_bounds = array<i64: 512, 128>}, {transform_indices = @transform_4, window_bounds = array<i64: 512, 128>}]} {
    %get3A = arith.constant 0 : index
    %get3A_0 = arith.constant 0 : index
    %get3A_1 = vector.load %arg3[%get3A, %get3A_0] : memref<512x1xf32, #tpu.memory_space<vmem>>, vector<512x1xf32>
    %add3A = arith.constant 1.000000e+00 : f32
    %add3A_2 = vector.broadcast %add3A : f32 to vector<512x1xf32>
    %add3A_3 = arith.addf %get3A_1, %add3A_2 : vector<512x1xf32>
    %rsqrt3A = math.rsqrt %add3A_3 : vector<512x1xf32>
    %get3A_4 = arith.constant 0 : index
    %get3A_5 = arith.constant 0 : index
    %get3A_6 = vector.load %arg1[%get3A_4, %get3A_5] : memref<512x128xf32, #tpu.memory_space<vmem>>, vector<512x128xf32>
    %get3A_7 = arith.constant 0 : index
    %get3A_8 = arith.constant 0 : index
    %get3A_9 = vector.load %arg2[%get3A_7, %get3A_8] : memref<128x256xf32, #tpu.memory_space<vmem>>, vector<128x256xf32>
    %dot_general3A = arith.constant dense<0.000000e+00> : vector<512x256xf32>
    %dot_general3A_10 = tpu.matmul %get3A_6, %get3A_9, %dot_general3A {dimension_numbers = #tpu.dot_dimension_numbers<[1], [0], [0], [1], [0, 0, 1, 1], [], []>, transpose_lhs_hint = false} : vector<512x128xf32>, vector<128x256xf32>, vector<512x256xf32> -> vector<512x256xf32>
    %mul3A = vector.broadcast %rsqrt3A : vector<512x1xf32> to vector<512x256xf32>
    %mul3A_11 = arith.mulf %dot_general3A_10, %mul3A : vector<512x256xf32>
    %slice3A = vector.extract_strided_slice %mul3A_11 {offsets = [0, 0], sizes = [512, 128], strides = [1, 1]} : vector<512x256xf32> to vector<512x128xf32>
    %swap3A = arith.constant 0 : index
    %swap3A_12 = arith.constant 0 : index
    %swap3A_13 = vector.load %arg4[%swap3A, %swap3A_12] : memref<512x128xf32, #tpu.memory_space<vmem>>, vector<512x128xf32>
    tpu.vector_store %arg4[%swap3A, %swap3A_12], %slice3A {strides = array<i32>} : memref<512x128xf32, #tpu.memory_space<vmem>>, vector<512x128xf32>,
    %slice3A_14 = vector.extract_strided_slice %mul3A_11 {offsets = [0, 128], sizes = [512, 128], strides = [1, 1]} : vector<512x256xf32> to vector<512x128xf32>
    %swap3A_15 = arith.constant 0 : index
    %swap3A_16 = arith.constant 0 : index
    %swap3A_17 = vector.load %arg5[%swap3A_15, %swap3A_16] : memref<512x128xf32, #tpu.memory_space<vmem>>, vector<512x128xf32>
    tpu.vector_store %arg5[%swap3A_15, %swap3A_16], %slice3A_14 {strides = array<i32>} : memref<512x128xf32, #tpu.memory_space<vmem>>, vector<512x128xf32>,
    return
  }
  func.func @transform_0(%arg0: i32) -> (i32, i32) {
    %c0_i32 = arith.constant 0 : i32
    %c0_i32_0 = arith.constant 0 : i32
    return %arg0, %c0_i32 : i32, i32
  }
  func.func @transform_1(%arg0: i32) -> (i32, i32) {
    %c0_i32 = arith.constant 0 : i32
    %c0_i32_0 = arith.constant 0 : i32
    %c0_i32_1 = arith.constant 0 : i32
    return %c0_i32, %c0_i32_0 : i32, i32
  }
  func.func @transform_2(%arg0: i32) -> (i32, i32) {
    %c0_i32 = arith.constant 0 : i32
    %c0_i32_0 = arith.constant 0 : i32
    return %arg0, %c0_i32 : i32, i32
  }
  func.func @transform_3(%arg0: i32) -> (i32, i32) {
    %c0_i32 = arith.constant 0 : i32
    %c0_i32_0 = arith.constant 0 : i32
    return %arg0, %c0_i32 : i32, i32
  }
  func.func @transform_4(%arg0: i32) -> (i32, i32) {
    %c0_i32 = arith.constant 0 : i32
    %c0_i32_0 = arith.constant 0 : i32
    return %arg0, %c0_i32 : i32, i32
  }
}

module attributes {stable_mosaic.version = 14 : i64} {
  func.func @_mid_body(%arg0: i32, %arg1: memref<512x128xf32, #tpu.memory_space<vmem>>, %arg2: memref<512x128xf32, #tpu.memory_space<vmem>>, %arg3: memref<512x1xf32, #tpu.memory_space<vmem>>, %arg4: memref<256x256xf32, #tpu.memory_space<vmem>>, %arg5: memref<1x256xf32, #tpu.memory_space<vmem>>, %arg6: memref<512x128xf32, #tpu.memory_space<vmem>>, %arg7: memref<512x128xf32, #tpu.memory_space<vmem>>) attributes {dimension_semantics = [#tpu.dimension_semantics<arbitrary>], iteration_bounds = array<i64: 20>, scalar_prefetch = 0 : i64, scratch_operands = 0 : i64, tpu.core_type = #tpu.core_type<tc>, window_params = [{transform_indices = @transform_0, window_bounds = array<i64: 512, 128>}, {transform_indices = @transform_1, window_bounds = array<i64: 512, 128>}, {transform_indices = @transform_2, window_bounds = array<i64: 512, 1>}, {pipeline_mode = #tpu.pipeline_mode<synchronous>, transform_indices = @transform_3, window_bounds = array<i64: 256, 256>}, {pipeline_mode = #tpu.pipeline_mode<synchronous>, transform_indices = @transform_4, window_bounds = array<i64: 1, 256>}, {transform_indices = @transform_5, window_bounds = array<i64: 512, 128>}, {transform_indices = @transform_6, window_bounds = array<i64: 512, 128>}]} {
    %get3A = arith.constant 0 : index
    %get3A_0 = arith.constant 0 : index
    %get3A_1 = vector.load %arg3[%get3A, %get3A_0] : memref<512x1xf32, #tpu.memory_space<vmem>>, vector<512x1xf32>
    %add3A = arith.constant 1.000000e+00 : f32
    %add3A_2 = vector.broadcast %add3A : f32 to vector<512x1xf32>
    %add3A_3 = arith.addf %get3A_1, %add3A_2 : vector<512x1xf32>
    %rsqrt3A = math.rsqrt %add3A_3 : vector<512x1xf32>
    %get3A_4 = arith.constant 0 : index
    %get3A_5 = arith.constant 0 : index
    %get3A_6 = vector.load %arg1[%get3A_4, %get3A_5] : memref<512x128xf32, #tpu.memory_space<vmem>>, vector<512x128xf32>
    %get3A_7 = arith.constant 0 : index
    %get3A_8 = arith.constant 0 : index
    %get3A_9 = vector.load %arg2[%get3A_7, %get3A_8] : memref<512x128xf32, #tpu.memory_space<vmem>>, vector<512x128xf32>
    %concatenate3A = tpu.concatenate %get3A_6, %get3A_9 in 1 : vector<512x128xf32>, vector<512x128xf32> -> vector<512x256xf32>
    %mul3A = vector.broadcast %rsqrt3A : vector<512x1xf32> to vector<512x256xf32>
    %mul3A_10 = arith.mulf %mul3A, %concatenate3A : vector<512x256xf32>
    %get3A_11 = arith.constant 0 : index
    %get3A_12 = arith.constant 0 : index
    %get3A_13 = vector.load %arg5[%get3A_11, %get3A_12] : memref<1x256xf32, #tpu.memory_space<vmem>>, vector<1x256xf32>
    %add3A_14 = vector.broadcast %get3A_13 : vector<1x256xf32> to vector<512x256xf32>
    %add3A_15 = arith.addf %mul3A_10, %add3A_14 : vector<512x256xf32>
    %max3A = arith.constant 0.000000e+00 : f32
    %max3A_16 = vector.broadcast %max3A : f32 to vector<512x256xf32>
    %max3A_17 = arith.maximumf %add3A_15, %max3A_16 : vector<512x256xf32>
    %get3A_18 = arith.constant 0 : index
    %get3A_19 = arith.constant 0 : index
    %get3A_20 = vector.load %arg4[%get3A_18, %get3A_19] : memref<256x256xf32, #tpu.memory_space<vmem>>, vector<256x256xf32>
    %dot_general3A = arith.constant dense<0.000000e+00> : vector<512x256xf32>
    %dot_general3A_21 = tpu.matmul %max3A_17, %get3A_20, %dot_general3A {dimension_numbers = #tpu.dot_dimension_numbers<[1], [0], [0], [1], [0, 0, 1, 1], [], []>, transpose_lhs_hint = false} : vector<512x256xf32>, vector<256x256xf32>, vector<512x256xf32> -> vector<512x256xf32>
    %mul3A_22 = vector.broadcast %rsqrt3A : vector<512x1xf32> to vector<512x256xf32>
    %mul3A_23 = arith.mulf %dot_general3A_21, %mul3A_22 : vector<512x256xf32>
    %mul3A_24 = arith.constant 512 : i32
    %mul3A_25 = arith.muli %arg0, %mul3A_24 : i32
    %iota3A = tpu.iota {dimensions = array<i32: 0>} : vector<512x1xi32>
    %add3A_26 = vector.broadcast %mul3A_25 : i32 to vector<512x1xi32>
    %add3A_27 = arith.addi %add3A_26, %iota3A : vector<512x1xi32>
    %lt3A = arith.constant 10000 : i32
    %lt3A_28 = vector.broadcast %lt3A : i32 to vector<512x1xi32>
    %lt3A_29 = arith.cmpi slt, %add3A_27, %lt3A_28 : vector<512x1xi32>
    %jit3A = arith.constant 0.000000e+00 : f32
    %broadcast_in_dim3A = vector.shape_cast %lt3A_29 : vector<512x1xi1> to vector<512x1xi1>
    %broadcast_in_dim3A_30 = vector.broadcast %broadcast_in_dim3A : vector<512x1xi1> to vector<512x256xi1>
    %broadcast_in_dim3A_31 = vector.broadcast %jit3A : f32 to vector<512x256xf32>
    %select_n3A = arith.select %broadcast_in_dim3A_30, %mul3A_23, %broadcast_in_dim3A_31 : vector<512x256xi1>, vector<512x256xf32>
    %slice3A = vector.extract_strided_slice %select_n3A {offsets = [0, 0], sizes = [512, 128], strides = [1, 1]} : vector<512x256xf32> to vector<512x128xf32>
    %swap3A = arith.constant 0 : index
    %swap3A_32 = arith.constant 0 : index
    %swap3A_33 = vector.load %arg6[%swap3A, %swap3A_32] : memref<512x128xf32, #tpu.memory_space<vmem>>, vector<512x128xf32>
    tpu.vector_store %arg6[%swap3A, %swap3A_32], %slice3A {strides = array<i32>} : memref<512x128xf32, #tpu.memory_space<vmem>>, vector<512x128xf32>,
    %slice3A_34 = vector.extract_strided_slice %select_n3A {offsets = [0, 128], sizes = [512, 128], strides = [1, 1]} : vector<512x256xf32> to vector<512x128xf32>
    %swap3A_35 = arith.constant 0 : index
    %swap3A_36 = arith.constant 0 : index
    %swap3A_37 = vector.load %arg7[%swap3A_35, %swap3A_36] : memref<512x128xf32, #tpu.memory_space<vmem>>, vector<512x128xf32>
    tpu.vector_store %arg7[%swap3A_35, %swap3A_36], %slice3A_34 {strides = array<i32>} : memref<512x128xf32, #tpu.memory_space<vmem>>, vector<512x128xf32>,
    return
  }
  func.func @transform_0(%arg0: i32) -> (i32, i32) {
    %c0_i32 = arith.constant 0 : i32
    %c0_i32_0 = arith.constant 0 : i32
    return %arg0, %c0_i32 : i32, i32
  }
  func.func @transform_1(%arg0: i32) -> (i32, i32) {
    %c0_i32 = arith.constant 0 : i32
    %c0_i32_0 = arith.constant 0 : i32
    return %arg0, %c0_i32 : i32, i32
  }
  func.func @transform_2(%arg0: i32) -> (i32, i32) {
    %c0_i32 = arith.constant 0 : i32
    %c0_i32_0 = arith.constant 0 : i32
    return %arg0, %c0_i32 : i32, i32
  }
  func.func @transform_3(%arg0: i32) -> (i32, i32) {
    %c0_i32 = arith.constant 0 : i32
    %c0_i32_0 = arith.constant 0 : i32
    %c0_i32_1 = arith.constant 0 : i32
    return %c0_i32, %c0_i32_0 : i32, i32
  }
  func.func @transform_4(%arg0: i32) -> (i32, i32) {
    %c0_i32 = arith.constant 0 : i32
    %c0_i32_0 = arith.constant 0 : i32
    %c0_i32_1 = arith.constant 0 : i32
    return %c0_i32, %c0_i32_0 : i32, i32
  }
  func.func @transform_5(%arg0: i32) -> (i32, i32) {
    %c0_i32 = arith.constant 0 : i32
    %c0_i32_0 = arith.constant 0 : i32
    return %arg0, %c0_i32 : i32, i32
  }
  func.func @transform_6(%arg0: i32) -> (i32, i32) {
    %c0_i32 = arith.constant 0 : i32
    %c0_i32_0 = arith.constant 0 : i32
    return %arg0, %c0_i32 : i32, i32
  }
}

module attributes {stable_mosaic.version = 14 : i64} {
  func.func @_mid_body(%arg0: i32, %arg1: memref<512x128xf32, #tpu.memory_space<vmem>>, %arg2: memref<512x128xf32, #tpu.memory_space<vmem>>, %arg3: memref<512x1xf32, #tpu.memory_space<vmem>>, %arg4: memref<256x128xf32, #tpu.memory_space<vmem>>, %arg5: memref<1x256xf32, #tpu.memory_space<vmem>>, %arg6: memref<512x128xf32, #tpu.memory_space<vmem>>, %arg7: memref<512x128xf32, #tpu.memory_space<vmem>>) attributes {dimension_semantics = [#tpu.dimension_semantics<arbitrary>], iteration_bounds = array<i64: 20>, scalar_prefetch = 0 : i64, scratch_operands = 0 : i64, tpu.core_type = #tpu.core_type<tc>, window_params = [{transform_indices = @transform_0, window_bounds = array<i64: 512, 128>}, {transform_indices = @transform_1, window_bounds = array<i64: 512, 128>}, {transform_indices = @transform_2, window_bounds = array<i64: 512, 1>}, {pipeline_mode = #tpu.pipeline_mode<synchronous>, transform_indices = @transform_3, window_bounds = array<i64: 256, 128>}, {pipeline_mode = #tpu.pipeline_mode<synchronous>, transform_indices = @transform_4, window_bounds = array<i64: 1, 256>}, {transform_indices = @transform_5, window_bounds = array<i64: 512, 128>}, {transform_indices = @transform_6, window_bounds = array<i64: 512, 128>}]} {
    %get3A = arith.constant 0 : index
    %get3A_0 = arith.constant 0 : index
    %get3A_1 = vector.load %arg3[%get3A, %get3A_0] : memref<512x1xf32, #tpu.memory_space<vmem>>, vector<512x1xf32>
    %add3A = arith.constant 1.000000e+00 : f32
    %add3A_2 = vector.broadcast %add3A : f32 to vector<512x1xf32>
    %add3A_3 = arith.addf %get3A_1, %add3A_2 : vector<512x1xf32>
    %rsqrt3A = math.rsqrt %add3A_3 : vector<512x1xf32>
    %get3A_4 = arith.constant 0 : index
    %get3A_5 = arith.constant 0 : index
    %get3A_6 = vector.load %arg1[%get3A_4, %get3A_5] : memref<512x128xf32, #tpu.memory_space<vmem>>, vector<512x128xf32>
    %get3A_7 = arith.constant 0 : index
    %get3A_8 = arith.constant 0 : index
    %get3A_9 = vector.load %arg2[%get3A_7, %get3A_8] : memref<512x128xf32, #tpu.memory_space<vmem>>, vector<512x128xf32>
    %concatenate3A = tpu.concatenate %get3A_6, %get3A_9 in 1 : vector<512x128xf32>, vector<512x128xf32> -> vector<512x256xf32>
    %mul3A = vector.broadcast %rsqrt3A : vector<512x1xf32> to vector<512x256xf32>
    %mul3A_10 = arith.mulf %mul3A, %concatenate3A : vector<512x256xf32>
    %get3A_11 = arith.constant 0 : index
    %get3A_12 = arith.constant 0 : index
    %get3A_13 = vector.load %arg5[%get3A_11, %get3A_12] : memref<1x256xf32, #tpu.memory_space<vmem>>, vector<1x256xf32>
    %add3A_14 = vector.broadcast %get3A_13 : vector<1x256xf32> to vector<512x256xf32>
    %add3A_15 = arith.addf %mul3A_10, %add3A_14 : vector<512x256xf32>
    %max3A = arith.constant 0.000000e+00 : f32
    %max3A_16 = vector.broadcast %max3A : f32 to vector<512x256xf32>
    %max3A_17 = arith.maximumf %add3A_15, %max3A_16 : vector<512x256xf32>
    %get3A_18 = arith.constant 0 : index
    %get3A_19 = arith.constant 0 : index
    %get3A_20 = vector.load %arg4[%get3A_18, %get3A_19] : memref<256x128xf32, #tpu.memory_space<vmem>>, vector<256x128xf32>
    %dot_general3A = arith.constant dense<0.000000e+00> : vector<512x128xf32>
    %dot_general3A_21 = tpu.matmul %max3A_17, %get3A_20, %dot_general3A {dimension_numbers = #tpu.dot_dimension_numbers<[1], [0], [0], [1], [0, 0, 1, 1], [], []>, transpose_lhs_hint = false} : vector<512x256xf32>, vector<256x128xf32>, vector<512x128xf32> -> vector<512x128xf32>
    %mul3A_22 = vector.broadcast %rsqrt3A : vector<512x1xf32> to vector<512x128xf32>
    %mul3A_23 = arith.mulf %dot_general3A_21, %mul3A_22 : vector<512x128xf32>
    %mul3A_24 = arith.constant 512 : i32
    %mul3A_25 = arith.muli %arg0, %mul3A_24 : i32
    %iota3A = tpu.iota {dimensions = array<i32: 0>} : vector<512x1xi32>
    %add3A_26 = vector.broadcast %mul3A_25 : i32 to vector<512x1xi32>
    %add3A_27 = arith.addi %add3A_26, %iota3A : vector<512x1xi32>
    %lt3A = arith.constant 10000 : i32
    %lt3A_28 = vector.broadcast %lt3A : i32 to vector<512x1xi32>
    %lt3A_29 = arith.cmpi slt, %add3A_27, %lt3A_28 : vector<512x1xi32>
    %jit3A = arith.constant 0.000000e+00 : f32
    %broadcast_in_dim3A = vector.shape_cast %lt3A_29 : vector<512x1xi1> to vector<512x1xi1>
    %broadcast_in_dim3A_30 = vector.broadcast %broadcast_in_dim3A : vector<512x1xi1> to vector<512x128xi1>
    %broadcast_in_dim3A_31 = vector.broadcast %jit3A : f32 to vector<512x128xf32>
    %select_n3A = arith.select %broadcast_in_dim3A_30, %mul3A_23, %broadcast_in_dim3A_31 : vector<512x128xi1>, vector<512x128xf32>
    %swap3A = arith.constant 0 : index
    %swap3A_32 = arith.constant 0 : index
    %swap3A_33 = vector.load %arg6[%swap3A, %swap3A_32] : memref<512x128xf32, #tpu.memory_space<vmem>>, vector<512x128xf32>
    tpu.vector_store %arg6[%swap3A, %swap3A_32], %select_n3A {strides = array<i32>} : memref<512x128xf32, #tpu.memory_space<vmem>>, vector<512x128xf32>,
    %swap3A_34 = arith.constant 0 : index
    %swap3A_35 = arith.constant 0 : index
    %swap3A_36 = vector.load %arg7[%swap3A_34, %swap3A_35] : memref<512x128xf32, #tpu.memory_space<vmem>>, vector<512x128xf32>
    tpu.vector_store %arg7[%swap3A_34, %swap3A_35], %select_n3A {strides = array<i32>} : memref<512x128xf32, #tpu.memory_space<vmem>>, vector<512x128xf32>,
    return
  }
  func.func @transform_0(%arg0: i32) -> (i32, i32) {
    %c0_i32 = arith.constant 0 : i32
    %c0_i32_0 = arith.constant 0 : i32
    return %arg0, %c0_i32 : i32, i32
  }
  func.func @transform_1(%arg0: i32) -> (i32, i32) {
    %c0_i32 = arith.constant 0 : i32
    %c0_i32_0 = arith.constant 0 : i32
    return %arg0, %c0_i32 : i32, i32
  }
  func.func @transform_2(%arg0: i32) -> (i32, i32) {
    %c0_i32 = arith.constant 0 : i32
    %c0_i32_0 = arith.constant 0 : i32
    return %arg0, %c0_i32 : i32, i32
  }
  func.func @transform_3(%arg0: i32) -> (i32, i32) {
    %c0_i32 = arith.constant 0 : i32
    %c0_i32_0 = arith.constant 0 : i32
    %c0_i32_1 = arith.constant 0 : i32
    return %c0_i32, %c0_i32_0 : i32, i32
  }
  func.func @transform_4(%arg0: i32) -> (i32, i32) {
    %c0_i32 = arith.constant 0 : i32
    %c0_i32_0 = arith.constant 0 : i32
    %c0_i32_1 = arith.constant 0 : i32
    return %c0_i32, %c0_i32_0 : i32, i32
  }
  func.func @transform_5(%arg0: i32) -> (i32, i32) {
    %c0_i32 = arith.constant 0 : i32
    %c0_i32_0 = arith.constant 0 : i32
    return %arg0, %c0_i32 : i32, i32
  }
  func.func @transform_6(%arg0: i32) -> (i32, i32) {
    %c0_i32 = arith.constant 0 : i32
    %c0_i32_0 = arith.constant 0 : i32
    return %arg0, %c0_i32 : i32, i32
  }
}

module attributes {stable_mosaic.version = 14 : i64} {
  func.func @_fin_body(%arg0: i32, %arg1: memref<400x128xf32, #tpu.memory_space<vmem>>, %arg2: memref<400x128xf32, #tpu.memory_space<vmem>>, %arg3: memref<400x1xf32, #tpu.memory_space<vmem>>, %arg4: memref<1x128xf32, #tpu.memory_space<vmem>>, %arg5: memref<128x64xf32, #tpu.memory_space<vmem>>, %arg6: memref<1x64xf32, #tpu.memory_space<vmem>>, %arg7: memref<400x64xf32, #tpu.memory_space<vmem>>) attributes {dimension_semantics = [#tpu.dimension_semantics<arbitrary>], iteration_bounds = array<i64: 25>, scalar_prefetch = 0 : i64, scratch_operands = 0 : i64, tpu.core_type = #tpu.core_type<tc>, window_params = [{transform_indices = @transform_0, window_bounds = array<i64: 400, 128>}, {transform_indices = @transform_1, window_bounds = array<i64: 400, 128>}, {transform_indices = @transform_2, window_bounds = array<i64: 400, 1>}, {pipeline_mode = #tpu.pipeline_mode<synchronous>, transform_indices = @transform_3, window_bounds = array<i64: 1, 128>}, {pipeline_mode = #tpu.pipeline_mode<synchronous>, transform_indices = @transform_4, window_bounds = array<i64: 128, 64>}, {pipeline_mode = #tpu.pipeline_mode<synchronous>, transform_indices = @transform_5, window_bounds = array<i64: 1, 64>}, {transform_indices = @transform_6, window_bounds = array<i64: 400, 64>}]} {
    %get3A = arith.constant 0 : index
    %get3A_0 = arith.constant 0 : index
    %get3A_1 = vector.load %arg3[%get3A, %get3A_0] : memref<400x1xf32, #tpu.memory_space<vmem>>, vector<400x1xf32>
    %add3A = arith.constant 1.000000e+00 : f32
    %add3A_2 = vector.broadcast %add3A : f32 to vector<400x1xf32>
    %add3A_3 = arith.addf %get3A_1, %add3A_2 : vector<400x1xf32>
    %rsqrt3A = math.rsqrt %add3A_3 : vector<400x1xf32>
    %get3A_4 = arith.constant 0 : index
    %get3A_5 = arith.constant 0 : index
    %get3A_6 = vector.load %arg1[%get3A_4, %get3A_5] : memref<400x128xf32, #tpu.memory_space<vmem>>, vector<400x128xf32>
    %get3A_7 = arith.constant 0 : index
    %get3A_8 = arith.constant 0 : index
    %get3A_9 = vector.load %arg2[%get3A_7, %get3A_8] : memref<400x128xf32, #tpu.memory_space<vmem>>, vector<400x128xf32>
    %add3A_10 = arith.addf %get3A_6, %get3A_9 : vector<400x128xf32>
    %mul3A = vector.broadcast %rsqrt3A : vector<400x1xf32> to vector<400x128xf32>
    %mul3A_11 = arith.mulf %mul3A, %add3A_10 : vector<400x128xf32>
    %get3A_12 = arith.constant 0 : index
    %get3A_13 = arith.constant 0 : index
    %get3A_14 = vector.load %arg4[%get3A_12, %get3A_13] : memref<1x128xf32, #tpu.memory_space<vmem>>, vector<1x128xf32>
    %add3A_15 = vector.broadcast %get3A_14 : vector<1x128xf32> to vector<400x128xf32>
    %add3A_16 = arith.addf %mul3A_11, %add3A_15 : vector<400x128xf32>
    %max3A = arith.constant 0.000000e+00 : f32
    %max3A_17 = vector.broadcast %max3A : f32 to vector<400x128xf32>
    %max3A_18 = arith.maximumf %add3A_16, %max3A_17 : vector<400x128xf32>
    %get3A_19 = arith.constant 0 : index
    %get3A_20 = arith.constant 0 : index
    %get3A_21 = vector.load %arg5[%get3A_19, %get3A_20] : memref<128x64xf32, #tpu.memory_space<vmem>>, vector<128x64xf32>
    %dot_general3A = arith.constant dense<0.000000e+00> : vector<400x64xf32>
    %dot_general3A_22 = tpu.matmul %max3A_18, %get3A_21, %dot_general3A {dimension_numbers = #tpu.dot_dimension_numbers<[1], [0], [0], [1], [0, 0, 1, 1], [], []>, transpose_lhs_hint = false} : vector<400x128xf32>, vector<128x64xf32>, vector<400x64xf32> -> vector<400x64xf32>
    %get3A_23 = arith.constant 0 : index
    %get3A_24 = arith.constant 0 : index
    %get3A_25 = vector.load %arg6[%get3A_23, %get3A_24] : memref<1x64xf32, #tpu.memory_space<vmem>>, vector<1x64xf32>
    %add3A_26 = vector.broadcast %get3A_25 : vector<1x64xf32> to vector<400x64xf32>
    %add3A_27 = arith.addf %dot_general3A_22, %add3A_26 : vector<400x64xf32>
    %max3A_28 = arith.constant 0.000000e+00 : f32
    %max3A_29 = vector.broadcast %max3A_28 : f32 to vector<400x64xf32>
    %max3A_30 = arith.maximumf %add3A_27, %max3A_29 : vector<400x64xf32>
    %mul3A_31 = arith.mulf %max3A_30, %max3A_30 : vector<400x64xf32>
    %reduce_sum3A = arith.constant dense<0.000000e+00> : vector<400xf32>
    %reduce_sum3A_32 = vector.multi_reduction <add>, %mul3A_31, %reduce_sum3A [1] : vector<400x64xf32> to vector<400xf32>
    %broadcast_in_dim3A = vector.shape_cast %reduce_sum3A_32 : vector<400xf32> to vector<400x1xf32>
    %sqrt3A = math.sqrt %broadcast_in_dim3A : vector<400x1xf32>
    %max3A_33 = arith.constant 9.99999996E-13 : f32
    %max3A_34 = vector.broadcast %max3A_33 : f32 to vector<400x1xf32>
    %max3A_35 = arith.maximumf %sqrt3A, %max3A_34 : vector<400x1xf32>
    %div3A = vector.broadcast %max3A_35 : vector<400x1xf32> to vector<400x64xf32>
    %div3A_36 = arith.divf %max3A_30, %div3A : vector<400x64xf32>
    %swap3A = arith.constant 0 : index
    %swap3A_37 = arith.constant 0 : index
    %swap3A_38 = vector.load %arg7[%swap3A, %swap3A_37] : memref<400x64xf32, #tpu.memory_space<vmem>>, vector<400x64xf32>
    tpu.vector_store %arg7[%swap3A, %swap3A_37], %div3A_36 {strides = array<i32>} : memref<400x64xf32, #tpu.memory_space<vmem>>, vector<400x64xf32>,
    return
  }
  func.func @transform_0(%arg0: i32) -> (i32, i32) {
    %c0_i32 = arith.constant 0 : i32
    %c0_i32_0 = arith.constant 0 : i32
    return %arg0, %c0_i32 : i32, i32
  }
  func.func @transform_1(%arg0: i32) -> (i32, i32) {
    %c0_i32 = arith.constant 0 : i32
    %c0_i32_0 = arith.constant 0 : i32
    return %arg0, %c0_i32 : i32, i32
  }
  func.func @transform_2(%arg0: i32) -> (i32, i32) {
    %c0_i32 = arith.constant 0 : i32
    %c0_i32_0 = arith.constant 0 : i32
    return %arg0, %c0_i32 : i32, i32
  }
  func.func @transform_3(%arg0: i32) -> (i32, i32) {
    %c0_i32 = arith.constant 0 : i32
    %c0_i32_0 = arith.constant 0 : i32
    %c0_i32_1 = arith.constant 0 : i32
    return %c0_i32, %c0_i32_0 : i32, i32
  }
  func.func @transform_4(%arg0: i32) -> (i32, i32) {
    %c0_i32 = arith.constant 0 : i32
    %c0_i32_0 = arith.constant 0 : i32
    %c0_i32_1 = arith.constant 0 : i32
    return %c0_i32, %c0_i32_0 : i32, i32
  }
  func.func @transform_5(%arg0: i32) -> (i32, i32) {
    %c0_i32 = arith.constant 0 : i32
    %c0_i32_0 = arith.constant 0 : i32
    %c0_i32_1 = arith.constant 0 : i32
    return %c0_i32, %c0_i32_0 : i32, i32
  }
  func.func @transform_6(%arg0: i32) -> (i32, i32) {
    %c0_i32 = arith.constant 0 : i32
    %c0_i32_0 = arith.constant 0 : i32
    return %arg0, %c0_i32 : i32, i32
  }
}

</mosaic_0001>

<sc_bundles>
// kernel: kernel.10.cloned.1.call-start
scs
__scs_entry_jumppad:
0x0: {  	(pc) =	sbr.rel $0x88, $3  }
0x1: {  	(tag) =	ssettag $0x0;
	lr =	simm.s32 $0x1  }
0x2: {  	[smem:$0x3F97] =	sst lr;
	_ =	strace $0xD0000000  }
0x3: {  	_ = 	snop  }
0x4: {  	_ = 	snop  }
0x5: {  	_ = 	snop  }
0x6: {  	_ = 	snop  }
0x7: {  	_ = 	snop  }
__scs_overlays_trampoline_lowered:
0x8: {  	[smem:$0x3FA6] =	sst s0  }
0x9: {  	[smem:$0x3FA7] =	sst s1  }
0xa: {  	[smem:$0x3FA8] =	sst s2  }
0xb: {  	[smem:$0x3FA9] =	sst s3  }
0xc: {  	[smem:$0x3FAA] =	sst s4  }
0xd: {  	[smem:$0x3FAB] =	sst s5  }
0xe: {  	[smem:$0x3FAC] =	sst s6  }
0xf: {  	[smem:$0x3FAD] =	sst s7  }
0x10: {  	[smem:$0x3FAE] =	sst s8  }
0x11: {  	[smem:$0x3FAF] =	sst s9;
	s0 =	simm.s32 @!p0 $0x0  }
0x12: {  	s1 =	sld [smem:$0x3F95];
	s0 =	simm.s32 @p0 $0x1  }
0x13: {  	[smem:$0x3FB0] =	sst s0;
	s0 =	simm.s32 @!p1 $0x0  }
0x14: {  	s2 =	sld [smem:$0x3F94];
	s0 =	simm.s32 @p1 $0x1  }
0x15: {  	[smem:$0x3FB1] =	sst s0;
	s0 =	simm.s32 @!p2 $0x0  }
0x16: {  	s3 =	sld [smem:$0x3FDB];
	s0 =	simm.s32 @p2 $0x1  }
0x17: {  	s4 =	simm.s32 $0x1BF5;
	[smem:$0x3FB3] =	sst s0  }
0x18: {  	s0 =	sld [smem:$0x3F96];
	_ =	swait.ge [sflag:s4], $0x0  }
0x19: {  	s7 =	sld [smem:$0x3F97]  }
0x1a: {  	s8 =	sadd.s32 $0xFFFFE003, lr  }
0x1b: {  	s9 =	sadd.s32 $0xFFFFFEF7, lr;
	s5 =	simm.s32 $0xFFFFFFFF;
	p2 =	slt.u32 s8, $0xFFFFF086  }
0x1c: {  	p1 =	slt.u32 s9, $0xF7A;
	s5 =	simm.s32 @!p2 $0x0  }
0x1d: {  	s5 =	simm.s32 @p1 $0x1;
	p0 =	seq.s32 s7, s2  }
0x1e: {  	s7 =	smul.u32 @!p0 $0xF7A, s2;
	p2 =	seq.s32 @!p0 s5, $0x0  }
0x1f: {  	s9 =	smul.u32 $0xF7A, s1;
	s8 =	simm.s32 @!p0 $0x1BF5;
	p2 =	por !p2, p0  }
0x20: {  	[sflag:s8] =	ssyncset.s32 @!p0 $0xFFFFF086;
	s6 =	sadd.s32 @!p0 s3, s7;
	s7 =	simm.s32 @!p0 $0x108  }
0x21: {  	s3 =	sadd.s32 s3, s9;
	s6 =	sadd.s32 @!p0 $0x88, s6;
	s7 =	simm.s32 @p2 $0x1082  }
0x22: {  	[simem:s7], [sflag:s8] =	dma.local @!p0 [hbm:s6], $0xF7A  }
0x23: {  	s9 =	sor.u32 $0xD0000000, s2;
	s6 =	simm.s32 $0x108;
	_ =	swait.ge @!p0 [sflag:s8], $0x0  }
0x24: {  	s3 =	sadd.s32 $0x88, s3;
	s6 =	simm.s32 @!p1 $0x1082;
	[sflag:s4] =	ssyncset.s32 $0xFFFFF086  }
0x25: {  	[simem:s6], [sflag:s4] =	dma.local [hbm:s3], $0xF7A  }
0x26: {  	[smem:$0x3F97] =	sst s1;
	(tag) =	ssettag s2;
	_ =	strace s9  }
0x27: {  	s1 =	sld [smem:$0x3FA7]  }
0x28: {  	s2 =	sld [smem:$0x3FA8]  }
0x29: {  	s4 =	sld [smem:$0x3FAA]  }
0x2a: {  	p0 =	seq.s32 s5, $0x0;
	s5 =	sld [smem:$0x3FAB]  }
0x2b: {  	s6 =	sld [smem:$0x3FAC]  }
0x2c: {  	s7 =	sld [smem:$0x3FAD]  }
0x2d: {  	s3 =	simm.s32 $0x108;
	s8 =	sld [smem:$0x3FAE]  }
0x2e: {  	s3 =	simm.s32 @!p0 $0x1082;
	s9 =	sld [smem:$0x3FAF]  }
0x2f: {  	lr =	sadd.s32 s0, s3;
	s0 =	sld [smem:$0x3FA6]  }
0x30: {  	s3 =	sld [smem:$0x3FA9]  }
0x31: {  	[smem:$0x3FB2] =	sst s10  }
0x32: {  	s10 =	sld [smem:$0x3FB0];
	_ =	sdelay $0x3  }
0x33: {  	p0 =	seq.s32 s10, $0x1;
	s10 =	sld [smem:$0x3FB2];
	_ =	sdelay $0x3  }
0x34: {  	[smem:$0x3FB2] =	sst s10  }
0x35: {  	s10 =	sld [smem:$0x3FB1];
	_ =	sdelay $0x3  }
0x36: {  	p1 =	seq.s32 s10, $0x1;
	s10 =	sld [smem:$0x3FB2];
	_ =	sdelay $0x3  }
0x37: {  	[smem:$0x3FB2] =	sst s10  }
0x38: {  	s10 =	sld [smem:$0x3FB3]  }
0x39: {  	_ = 	snop;
	(pc) =	sbr.ind lr, $3  }
0x3a: {  	_ = 	snop  }
0x3b: {  	_ = 	snop  }
0x3c: {  	p2 =	seq.s32 s10, $0x1;
	s10 =	sld [smem:$0x3FB2]  }
0x3d: {  	_ =	shalt  }
0x3e: {  	_ =	shalt  }
0x3f: {  	_ =	shalt  }
0x40: {  	_ =	shalt  }
0x41: {  	_ =	shalt  }
0x42: {  	_ =	shalt  }
0x43: {  	_ =	shalt  }
0x44: {  	_ =	shalt  }
0x45: {  	_ =	shalt  }
0x46: {  	_ =	shalt  }
0x47: {  	_ =	shalt  }
0x48: {  	_ =	shalt  }
0x49: {  	_ =	shalt  }
0x4a: {  	_ =	shalt  }
0x4b: {  	_ =	shalt  }
0x4c: {  	_ =	shalt  }
0x4d: {  	_ =	shalt  }
0x4e: {  	_ =	shalt  }
0x4f: {  	_ =	shalt  }
0x50: {  	_ =	shalt  }
0x51: {  	_ =	shalt  }
0x52: {  	_ =	shalt  }
0x53: {  	_ =	shalt  }
0x54: {  	_ =	shalt  }
0x55: {  	_ =	shalt  }
0x56: {  	_ =	shalt  }
0x57: {  	_ =	shalt  }
0x58: {  	_ =	shalt  }
0x59: {  	_ =	shalt  }
0x5a: {  	_ =	shalt  }
0x5b: {  	_ =	shalt  }
0x5c: {  	_ =	shalt  }
0x5d: {  	_ =	shalt  }
0x5e: {  	_ =	shalt  }
0x5f: {  	_ =	shalt  }
0x60: {  	_ =	shalt  }
0x61: {  	_ =	shalt  }
0x62: {  	_ =	shalt  }
0x63: {  	_ =	shalt  }
0x64: {  	_ =	shalt  }
0x65: {  	_ =	shalt  }
0x66: {  	_ =	shalt  }
0x67: {  	_ =	shalt  }
0x68: {  	_ =	shalt  }
0x69: {  	_ =	shalt  }
0x6a: {  	_ =	shalt  }
0x6b: {  	_ =	shalt  }
0x6c: {  	_ =	shalt  }
0x6d: {  	_ =	shalt  }
0x6e: {  	_ =	shalt  }
0x6f: {  	_ =	shalt  }
0x70: {  	_ =	shalt  }
0x71: {  	_ =	shalt  }
0x72: {  	_ =	shalt  }
0x73: {  	_ =	shalt  }
0x74: {  	_ =	shalt  }
0x75: {  	_ =	shalt  }
0x76: {  	_ =	shalt  }
0x77: {  	_ =	shalt  }
0x78: {  	_ =	shalt  }
0x79: {  	_ =	shalt  }
0x7a: {  	_ =	shalt  }
0x7b: {  	_ =	shalt  }
0x7c: {  	_ =	shalt  }
0x7d: {  	_ =	shalt  }
0x7e: {  	_ =	shalt  }
0x7f: {  	_ =	shalt  }
0x80: {  	_ =	shalt  }
0x81: {  	_ =	shalt  }
0x82: {  	_ =	shalt  }
0x83: {  	_ =	shalt  }
0x84: {  	_ =	shalt  }
0x85: {  	_ =	shalt  }
0x86: {  	_ =	shalt  }
0x87: {  	_ =	shalt  }
.Lfunc_end0:
.L_simem_size_0:
called_computation_lowered:
.L_overlay_start_0:
0x88: {  	s2 =	sld [smem:$0x3FD9]  }
0x89: {  	s3 =	sld [smem:$0x3FFE];
	_ =	sdelay $0x1  }
0x8a: {  	s1 =	srdreg.scid  }
0x8b: {  	s0 =	sand.u32 $0x1, s1  }
0x8c: {  	s17 =	sshll.u32 s0, $0xA;
	s2 =	sadd.s32 s3, s2  }
0x8d: {  	s2 =	sadd.s32 s2, s17  }
0x8e: {  	[smem:$0x3FBE] =	sst s2  }
0x8f: {  	_ = 	snop  }
0x90: {  	s2 =	sld [smem:$0x3FD0];
	(tm) =	ssettm $0x1  }
0x91: {  	s18 =	sld [smem:$0x3FFB];
	_ =	sdelay $0x3  }
0x92: {  	_ =	strace s18  }
0x93: {  	s3 =	sld [smem:$0x3FFC];
	_ =	sdelay $0x3  }
0x94: {  	_ =	strace s3  }
0x95: {  	s3 =	sld [smem:$0x3FFD];
	_ =	sdelay $0x3  }
0x96: {  	_ =	strace s3  }
0x97: {  	_ =	strace $0x8FFFFFFF  }
0x98: {  	s19 =	sld [smem:$0x3FDB];
	_ =	sdelay $0x1  }
0x99: {  	s4 =	simm.s32 $_scs_section_size  }
0x9a: {  	s5 =	simm.s32 $_size__tile_overlayer_lowered;
	s6 =	simm.s32 $_tile_overlayer_lowered  }
0x9b: {  	s22 =	simm.s32 $0x1BFF;
	s21 =	sshll.u32 s6, $0x1;
	s3 =	sadd.s32 s4, s19  }
0x9c: {  	s7 =	simm.s32 $0x0;
	s20 =	sshll.u32 s5, $0x1;
	s5 =	sadd.s32 s21, s3  }
0x9d: {  	[timem:s7], [sflag:s22] =	dma.local [hbm:s5], s20  }
0x9e: {  	_ =	swait.ge [sflag:s22], s20  }
0x9f: {  	s4 =	ssub.s32 $0x0, s20;
	[sflag:s22] =	ssyncset.done $0x0  }
0xa0: {  	[sflag:s22] =	ssyncadd.s32 s4;
	_ =	sdelay $0x1  }
0xa1: {  	s23 =	simm.s32 $0x1B8B  }
0xa2: {  	_ =	swait.ge [sflag:s23], $0x1  }
0xa3: {  	[sflag:s23] =	ssyncset.done $0x0  }
0xa4: {  	s25 =	simm.s32 $0x1B8E;
	s24 =	sld [smem:$0x3FFE];
	[sflag:s23] =	ssyncadd.s32 $0xFFFFFFFF  }
0xa5: {  	s26 =	simm.s32 $execute0_lowered;
	[smem:$0x3FD2] =	sst s25  }
0xa6: {  	s5 =	sshll.u32 s26, $0x1;
	_ =	strace $0x80000046;
	[dreg:$0x1] =	wrdreg $0xFFFFFFFF  }
0xa7: {  	s28 =	simm.s32 $_size_execute0_lowered;
	s3 =	sadd.s32 s3, s5;
	[dreg:$0x0] =	wrdreg $0x0  }
0xa8: {  	s5 =	sshll.u32 s28, $0x1;
	[dreg:$0x2] =	wrdreg s3  }
0xa9: {  	[dreg:$0x3] =	wrdreg s5  }
0xaa: {  	[dreg:$0x4] =	wrdreg $0xC0  }
0xab: {  	_ =	task [dreg:s7], $0x5FFFF  }
0xac: {  	[dreg:$0x1] =	wrdreg $0xFFFFFFFF  }
0xad: {  	[dreg:$0x0] =	wrdreg $0x60  }
0xae: {  	[dreg:$0x2] =	wrdreg s2  }
0xaf: {  	[dreg:$0x3] =	wrdreg s24  }
0xb0: {  	[dreg:$0x4] =	wrdreg $0x50800  }
0xb1: {  	[dreg:$0x5] =	wrdreg $0x9  }
0xb2: {  	_ =	task.clear_ibuf [dreg:s7], $0x6FFFF;
	_ =	strace $0x90000046  }
0xb3: {  	s29 =	simm.s32 $0x9;
	_ =	strace $0x80000048  }
0xb4: {  	_ =	swait.ge [sflag:s29], $0x1  }
0xb5: {  	[sflag:s29] =	ssyncadd.s32 $0xFFFFFFFF  }
0xb6: {  	_ =	strace $0x90000048  }
0xb7: {  	_ =	sfence  }
0xb8: {  	s30 =	sld [smem:$0x0];
	_ =	sdelay $0x2  }
0xb9: {  	s31 =	sshll.u32 s1, $0xD;
	s1 =	sshrl.u32 s1, $0x2  }
0xba: {  	s3 =	sand.u32 $0x4000, s31;
	s1 =	sadd.s32 s1, s30  }
0xbb: {  	s0 =	sor.u32 s3, s0;
	s1 =	sshll.u32 s1, $0x11  }
0xbc: {  	s0 =	sor.u32 s1, s0  }
0xbd: {  	s0 =	sadd.s32 $0x8F2B, s0  }
0xbe: {  	[sflag:s0] =	ssyncadd.remote.s32 $0x1  }
0xbf: {  	_ =	sfence.sel $0xFFFF  }
0xc0: {  	[dreg:$0x0] =	wrdreg $0xFFFFFFFF;
	(pc) =	sbr.abs _section_cstart, $3  }
0xc1: {  	[dreg:$0x1] =	wrdreg $0xFFFFFFFF  }
0xc2: {  	_ =	task.clear_ibuf [dreg:s7], $0x2FFFF;
	_ =	strace $0x9FFFFFFF  }
0xc3: {  	(tm) =	ssettm $0x7FFFFFFF  }
tec
execute0_lowered:
.L_overlay_start_1:
0x0: {  	(tag) =	ssettag $0x1  }
0x1: {  	s1 =	srdreg.scid  }
0x2: {  	s1 =	sand.u32 $0x1, s1  }
0x3: {  	p0 =	seq.s32 s1, $0x1  }
.Ltmp0:
0x4: {  	s5 =	rddreg [dreg:$0x0];
	(pc) =	sbr.rel @p0 .LBB2_4-.Ltmp0, $4  }
0x5: {  	s10 =	rddreg [dreg:$0x1]  }
0x6: {  	s2 =	rddreg [dreg:$0x2];
	s6 =	simm.s32 $0x0  }
0x7: {  	[smem:$0x7FF] =	sst s6  }
0x8: {  	s0 =	rddreg [dreg:$0x3];
	_ =	strace $0x80000047;
	s1 =	stileid.u32  }
0x9: {  	v0 =	vimm.f32 $1.000000000e+00  }
0xa: {  	[tilespmem:$0x5000] =	vst v0  }
0xb: {  	[tilespmem:$0x5010] =	vst v0  }
0xc: {  	[tilespmem:$0x5020] =	vst v0  }
0xd: {  	[tilespmem:$0x5030] =	vst v0  }
0xe: {  	s3 =	smul.u32 $0x280, s1;
	[tilespmem:$0x5040] =	vst v0  }
0xf: {  	s4 =	sadd.s32 $0x5600, s10;
	s23 =	sshll.u32 s1, $0x6;
	[tilespmem:$0x5050] =	vst v0  }
0x10: {  	s24 =	simm.s32 $0x5;
	[tilespmem:$0x5060] =	vst v0;
	s11 =	sshrl.u32 s3, $0x3;
	s7 =	sadd.s32 s3, s2  }
0x11: {  	[tilespmem:$0x5070] =	vst v0;
	s3 =	sor.u32 $0x1C05, s23;
	s8 =	sadd.s32 s4, s11;
	s4 =	sshrl.u32 s7, $0x3  }
0x12: {  	[spmem:s4], [sflag:s3] =	dma.local [hbm:s8], $0x50  }
0x13: {  	s25 =	smul.u32 $0xA00, s1;
	_ =	swait.ge [sflag:s24], $0x50  }
0x14: {  	[sflag:s24] =	ssyncset.done $0x0  }
0x15: {  	s5 =	sadd.s32 s5, s25;
	[sflag:s24] =	ssyncadd.s32 $0xFFFFFFB0  }
0x16: {  	[tilespmem:s6], [sflag:$0x5] =	stream.linear.gather [hbm4b:s5+s6], $0x5000, $0x38;
	[tilespmem:$0x5300] =	vst v63  }
0x17: {  	_ =	swait.ge [sflag:s24], $0x5000  }
0x18: {  	[sflag:s24] =	ssyncset.done $0x0  }
0x19: {  	s26 =	simm.s32 $0x0;
	[sflag:s24] =	ssyncadd.s32 $0xFFFFB000  }
0x1a: {  	s5 =	simm.s32 $0x80;
	s6 =	simm.s32 $0x5000;
	[bflag:$0x0] =	sbarrier.arrive $0xFFFF  }
0x1b: {  	[spmem:s2] =	stream.indirect.scatter.add.f32 [tilespmem:s6], [sflag:$0x1], $0x1, s26, s5, $0xb8;
	[tilespmem:$0x5300] =	vst v63  }
0x1c: {  	s28 =	simm.s32 $0x80  }
0x1d: {  	[spmem:s2] =	stream.indirect.scatter.add.f32 [tilespmem:s6], [sflag:$0x2], $0x1, s28, s5, $0xb8;
	[tilespmem:$0x5300] =	vst v63  }
0x1e: {  	s29 =	simm.s32 $0x100  }
0x1f: {  	[spmem:s2] =	stream.indirect.scatter.add.f32 [tilespmem:s6], [sflag:$0x3], $0x1, s29, s5, $0xb8;
	[tilespmem:$0x5300] =	vst v63  }
0x20: {  	s30 =	simm.s32 $0x180;
	s7 =	simm.s32 $0x1  }
0x21: {  	[spmem:s2] =	stream.indirect.scatter.add.f32 [tilespmem:s6], [sflag:$0x4], $0x1, s30, s5, $0xb8;
	[tilespmem:$0x5300] =	vst v63  }
0x22: {  	_ =	swait.ge [sflag:s7], $0x80  }
0x23: {  	[sflag:s7] =	ssyncset.done $0x0  }
0x24: {  	s8 =	simm.s32 $0x2;
	[sflag:s7] =	ssyncadd.s32 $0xFFFFFF80  }
0x25: {  	_ =	swait.ge [sflag:s8], $0x80  }
0x26: {  	[sflag:s8] =	ssyncset.done $0x0  }
0x27: {  	s9 =	simm.s32 $0x3;
	[sflag:s8] =	ssyncadd.s32 $0xFFFFFF80  }
0x28: {  	_ =	swait.ge [sflag:s9], $0x80  }
0x29: {  	[sflag:s9] =	ssyncset.done $0x0  }
0x2a: {  	s31 =	sadd.s32 s11, s10;
	s11 =	simm.s32 $0x4;
	[sflag:s9] =	ssyncadd.s32 $0xFFFFFF80  }
0x2b: {  	s12 =	simm.s32 $0x800;
	_ =	swait.ge [sflag:s11], $0x80  }
0x2c: {  	s13 =	simm.s32 $0x1000;
	s10 =	sadd.s32 $0x5C00, s31;
	[sflag:s11] =	ssyncset.done $0x0  }
.LBB2_2:
0x2d: {  	s14 =	sshra.s32 s12, $0x2  }
0x2e: {  	[sflag:s11] =	ssyncadd.s32 $0xFFFFFF80;
	s12 =	smov.u32 s13;
	s15 =	sadd.s32 $0x800, s13  }
0x2f: {  	[spmem:s2] =	stream.indirect.scatter.add.f32 [tilespmem:s6], [sflag:$0x1], $0x1, s14, s5, $0xb8;
	[tilespmem:$0x5300] =	vst v63  }
0x30: {  	p0 =	sne.s32 s13, $0x13800;
	s13 =	sadd.s32 $0x80, s14  }
0x31: {  	[spmem:s2] =	stream.indirect.scatter.add.f32 [tilespmem:s6], [sflag:$0x2], $0x1, s13, s5, $0xb8;
	[tilespmem:$0x5300] =	vst v63  }
0x32: {  	s13 =	sadd.s32 $0x100, s14  }
0x33: {  	[spmem:s2] =	stream.indirect.scatter.add.f32 [tilespmem:s6], [sflag:$0x3], $0x1, s13, s5, $0xb8;
	[tilespmem:$0x5300] =	vst v63  }
0x34: {  	s13 =	sadd.s32 $0x180, s14  }
0x35: {  	[spmem:s2] =	stream.indirect.scatter.add.f32 [tilespmem:s6], [sflag:$0x4], $0x1, s13, s5, $0xb8;
	[tilespmem:$0x5300] =	vst v63  }
0x36: {  	_ =	swait.ge [sflag:s7], $0x80  }
0x37: {  	[sflag:s7] =	ssyncset.done $0x0  }
0x38: {  	[sflag:s7] =	ssyncadd.s32 $0xFFFFFF80  }
0x39: {  	_ =	swait.ge [sflag:s8], $0x80  }
0x3a: {  	[sflag:s8] =	ssyncset.done $0x0  }
0x3b: {  	[sflag:s8] =	ssyncadd.s32 $0xFFFFFF80  }
.Ltmp1:
0x3c: {  	_ =	swait.ge [sflag:s9], $0x80;
	(pc) =	sbr.rel @p0 .LBB2_2-.Ltmp1, $4  }
0x3d: {  	[sflag:s9] =	ssyncset.done $0x0  }
0x3e: {  	[sflag:s9] =	ssyncadd.s32 $0xFFFFFF80  }
0x3f: {  	_ =	swait.ge [sflag:s11], $0x80  }
0x40: {  	s13 =	smov.u32 s15;
	[sflag:s11] =	ssyncset.done $0x0  }
0x41: {  	s12 =	sshra.s32 s12, $0x2;
	[sflag:s11] =	ssyncadd.s32 $0xFFFFFF80  }
0x42: {  	[spmem:s2] =	stream.indirect.scatter.add.f32 [tilespmem:s6], [sflag:$0x1], $0x1, s12, s5, $0xb8;
	[tilespmem:$0x5300] =	vst v63  }
0x43: {  	s13 =	sadd.s32 $0x80, s12  }
0x44: {  	[spmem:s2] =	stream.indirect.scatter.add.f32 [tilespmem:s6], [sflag:$0x2], $0x1, s13, s5, $0xb8;
	[tilespmem:$0x5300] =	vst v63  }
0x45: {  	s30 =	sadd.s32 $0x100, s12  }
0x46: {  	[spmem:s2] =	stream.indirect.scatter.add.f32 [tilespmem:s6], [sflag:$0x3], $0x1, s30, s5, $0xb8;
	[tilespmem:$0x5300] =	vst v63  }
0x47: {  	s12 =	sadd.s32 $0x180, s12  }
0x48: {  	[spmem:s2] =	stream.indirect.scatter.add.f32 [tilespmem:s6], [sflag:$0x4], $0x1, s12, s5, $0xb8;
	[tilespmem:$0x5300] =	vst v63  }
0x49: {  	_ =	swait.ge [sflag:s7], $0x80  }
0x4a: {  	[sflag:s7] =	ssyncset.done $0x0  }
0x4b: {  	[sflag:s7] =	ssyncadd.s32 $0xFFFFFF80  }
0x4c: {  	_ =	swait.ge [sflag:s8], $0x80  }
0x4d: {  	[sflag:s8] =	ssyncset.done $0x0  }
0x4e: {  	[sflag:s8] =	ssyncadd.s32 $0xFFFFFF80  }
0x4f: {  	_ =	swait.ge [sflag:s9], $0x80  }
0x50: {  	[sflag:s9] =	ssyncset.done $0x0  }
0x51: {  	[sflag:s9] =	ssyncadd.s32 $0xFFFFFF80  }
0x52: {  	_ =	swait.ge [sflag:s11], $0x80  }
0x53: {  	[sflag:s11] =	ssyncset.done $0x0  }
0x54: {  	[sflag:s11] =	ssyncadd.s32 $0xFFFFFF80  }
0x55: {  	s31 =	simm.s32 $0x5;
	[bflag:$0x0] =	sbarrier.arrive $0xFFFF  }
0x56: {  	[hbm:s10], [sflag:s3] =	dma.local [spmem:s4], $0x50  }
0x57: {  	_ =	swait.ge [sflag:s31], $0x50  }
0x58: {  	[sflag:s31] =	ssyncset.done $0x0  }
0x59: {  	[sflag:s31] =	ssyncadd.s32 $0xFFFFFFB0  }
.LBB2_4:
0x5a: {  	_ =	sfence.sel $0x180000  }
0x5b: {  	[bflag:$0x0] =	sbarrier.arrive $0xFFFF  }
0x5c: {  	p0 =	sne.s32 s1, $0x0;
	_ =	strace $0x90000047  }
0x5d: {  	s0 =	sadd.s32 @!p0 $0x100000, s0;
	[bflag:$0x2] =	sbarrier.arrive $0xFFFF  }
0x5e: {  	[sflag:s0] =	ssyncadd.tile.s32 @!p0 $0x1;
	_ =	shalt  }
.Lfunc_end2:
_tile_overlayer_lowered:
.L_overlay_start_2:
0x5f: {  	(tag) =	ssettag $0x2  }
0x60: {  	s0 =	rddreg [dreg:$0x0];
	s2 =	stileid.u32  }
0x61: {  	s1 =	rddreg [dreg:$0x1];
	p0 =	sne.s32 s2, $0x0  }
0x62: {  	s3 =	rddreg [dreg:$0x2];
	[bflag:$0x3] =	sbarrier.arrive $0xFFFF;
	s2 =	simm.s32 @!p0 $0x1C05  }
0x63: {  	[timem:s3], [sflag:s2] =	dma.local @!p0 [hbm:s0], s1  }
0x64: {  	s0 =	simm.s32 @!p0 $0x5  }
0x65: {  	_ =	swait.ge @!p0 [sflag:s0], s1  }
0x66: {  	s1 =	ssub.s32 @!p0 $0x0, s1;
	[sflag:s0] =	ssyncset.done @!p0 $0x0  }
0x67: {  	[sflag:s0] =	ssyncadd.s32 @!p0 s1  }
0x68: {  	[bflag:$0x3] =	sbarrier.arrive $0xFFFF  }
0x69: {  	_ =	shalt  }

// kernel: kernel.13.cloned.1.call-start
scs
__scs_entry_jumppad:
0x0: {  	(pc) =	sbr.rel $0x88, $3  }
0x1: {  	(tag) =	ssettag $0x0;
	lr =	simm.s32 $0x1  }
0x2: {  	[smem:$0x3F97] =	sst lr;
	_ =	strace $0xD0000000  }
0x3: {  	_ = 	snop  }
0x4: {  	_ = 	snop  }
0x5: {  	_ = 	snop  }
0x6: {  	_ = 	snop  }
0x7: {  	_ = 	snop  }
__scs_overlays_trampoline_lowered:
0x8: {  	[smem:$0x3FA6] =	sst s0  }
0x9: {  	[smem:$0x3FA7] =	sst s1  }
0xa: {  	[smem:$0x3FA8] =	sst s2  }
0xb: {  	[smem:$0x3FA9] =	sst s3  }
0xc: {  	[smem:$0x3FAA] =	sst s4  }
0xd: {  	[smem:$0x3FAB] =	sst s5  }
0xe: {  	[smem:$0x3FAC] =	sst s6  }
0xf: {  	[smem:$0x3FAD] =	sst s7  }
0x10: {  	[smem:$0x3FAE] =	sst s8  }
0x11: {  	[smem:$0x3FAF] =	sst s9;
	s0 =	simm.s32 @!p0 $0x0  }
0x12: {  	s1 =	sld [smem:$0x3F95];
	s0 =	simm.s32 @p0 $0x1  }
0x13: {  	[smem:$0x3FB0] =	sst s0;
	s0 =	simm.s32 @!p1 $0x0  }
0x14: {  	s2 =	sld [smem:$0x3F94];
	s0 =	simm.s32 @p1 $0x1  }
0x15: {  	[smem:$0x3FB1] =	sst s0;
	s0 =	simm.s32 @!p2 $0x0  }
0x16: {  	s3 =	sld [smem:$0x3FDB];
	s0 =	simm.s32 @p2 $0x1  }
0x17: {  	s4 =	simm.s32 $0x1BF5;
	[smem:$0x3FB3] =	sst s0  }
0x18: {  	s0 =	sld [smem:$0x3F96];
	_ =	swait.ge [sflag:s4], $0x0  }
0x19: {  	s7 =	sld [smem:$0x3F97]  }
0x1a: {  	s8 =	sadd.s32 $0xFFFFE003, lr  }
0x1b: {  	s9 =	sadd.s32 $0xFFFFFEF7, lr;
	s5 =	simm.s32 $0xFFFFFFFF;
	p2 =	slt.u32 s8, $0xFFFFF086  }
0x1c: {  	p1 =	slt.u32 s9, $0xF7A;
	s5 =	simm.s32 @!p2 $0x0  }
0x1d: {  	s5 =	simm.s32 @p1 $0x1;
	p0 =	seq.s32 s7, s2  }
0x1e: {  	s7 =	smul.u32 @!p0 $0xF7A, s2;
	p2 =	seq.s32 @!p0 s5, $0x0  }
0x1f: {  	s9 =	smul.u32 $0xF7A, s1;
	s8 =	simm.s32 @!p0 $0x1BF5;
	p2 =	por !p2, p0  }
0x20: {  	[sflag:s8] =	ssyncset.s32 @!p0 $0xFFFFF086;
	s6 =	sadd.s32 @!p0 s3, s7;
	s7 =	simm.s32 @!p0 $0x108  }
0x21: {  	s3 =	sadd.s32 s3, s9;
	s6 =	sadd.s32 @!p0 $0x88, s6;
	s7 =	simm.s32 @p2 $0x1082  }
0x22: {  	[simem:s7], [sflag:s8] =	dma.local @!p0 [hbm:s6], $0xF7A  }
0x23: {  	s9 =	sor.u32 $0xD0000000, s2;
	s6 =	simm.s32 $0x108;
	_ =	swait.ge @!p0 [sflag:s8], $0x0  }
0x24: {  	s3 =	sadd.s32 $0x88, s3;
	s6 =	simm.s32 @!p1 $0x1082;
	[sflag:s4] =	ssyncset.s32 $0xFFFFF086  }
0x25: {  	[simem:s6], [sflag:s4] =	dma.local [hbm:s3], $0xF7A  }
0x26: {  	[smem:$0x3F97] =	sst s1;
	(tag) =	ssettag s2;
	_ =	strace s9  }
0x27: {  	s1 =	sld [smem:$0x3FA7]  }
0x28: {  	s2 =	sld [smem:$0x3FA8]  }
0x29: {  	s4 =	sld [smem:$0x3FAA]  }
0x2a: {  	p0 =	seq.s32 s5, $0x0;
	s5 =	sld [smem:$0x3FAB]  }
0x2b: {  	s6 =	sld [smem:$0x3FAC]  }
0x2c: {  	s7 =	sld [smem:$0x3FAD]  }
0x2d: {  	s3 =	simm.s32 $0x108;
	s8 =	sld [smem:$0x3FAE]  }
0x2e: {  	s3 =	simm.s32 @!p0 $0x1082;
	s9 =	sld [smem:$0x3FAF]  }
0x2f: {  	lr =	sadd.s32 s0, s3;
	s0 =	sld [smem:$0x3FA6]  }
0x30: {  	s3 =	sld [smem:$0x3FA9]  }
0x31: {  	[smem:$0x3FB2] =	sst s10  }
0x32: {  	s10 =	sld [smem:$0x3FB0];
	_ =	sdelay $0x3  }
0x33: {  	p0 =	seq.s32 s10, $0x1;
	s10 =	sld [smem:$0x3FB2];
	_ =	sdelay $0x3  }
0x34: {  	[smem:$0x3FB2] =	sst s10  }
0x35: {  	s10 =	sld [smem:$0x3FB1];
	_ =	sdelay $0x3  }
0x36: {  	p1 =	seq.s32 s10, $0x1;
	s10 =	sld [smem:$0x3FB2];
	_ =	sdelay $0x3  }
0x37: {  	[smem:$0x3FB2] =	sst s10  }
0x38: {  	s10 =	sld [smem:$0x3FB3]  }
0x39: {  	_ = 	snop;
	(pc) =	sbr.ind lr, $3  }
0x3a: {  	_ = 	snop  }
0x3b: {  	_ = 	snop  }
0x3c: {  	p2 =	seq.s32 s10, $0x1;
	s10 =	sld [smem:$0x3FB2]  }
0x3d: {  	_ =	shalt  }
0x3e: {  	_ =	shalt  }
0x3f: {  	_ =	shalt  }
0x40: {  	_ =	shalt  }
0x41: {  	_ =	shalt  }
0x42: {  	_ =	shalt  }
0x43: {  	_ =	shalt  }
0x44: {  	_ =	shalt  }
0x45: {  	_ =	shalt  }
0x46: {  	_ =	shalt  }
0x47: {  	_ =	shalt  }
0x48: {  	_ =	shalt  }
0x49: {  	_ =	shalt  }
0x4a: {  	_ =	shalt  }
0x4b: {  	_ =	shalt  }
0x4c: {  	_ =	shalt  }
0x4d: {  	_ =	shalt  }
0x4e: {  	_ =	shalt  }
0x4f: {  	_ =	shalt  }
0x50: {  	_ =	shalt  }
0x51: {  	_ =	shalt  }
0x52: {  	_ =	shalt  }
0x53: {  	_ =	shalt  }
0x54: {  	_ =	shalt  }
0x55: {  	_ =	shalt  }
0x56: {  	_ =	shalt  }
0x57: {  	_ =	shalt  }
0x58: {  	_ =	shalt  }
0x59: {  	_ =	shalt  }
0x5a: {  	_ =	shalt  }
0x5b: {  	_ =	shalt  }
0x5c: {  	_ =	shalt  }
0x5d: {  	_ =	shalt  }
0x5e: {  	_ =	shalt  }
0x5f: {  	_ =	shalt  }
0x60: {  	_ =	shalt  }
0x61: {  	_ =	shalt  }
0x62: {  	_ =	shalt  }
0x63: {  	_ =	shalt  }
0x64: {  	_ =	shalt  }
0x65: {  	_ =	shalt  }
0x66: {  	_ =	shalt  }
0x67: {  	_ =	shalt  }
0x68: {  	_ =	shalt  }
0x69: {  	_ =	shalt  }
0x6a: {  	_ =	shalt  }
0x6b: {  	_ =	shalt  }
0x6c: {  	_ =	shalt  }
0x6d: {  	_ =	shalt  }
0x6e: {  	_ =	shalt  }
0x6f: {  	_ =	shalt  }
0x70: {  	_ =	shalt  }
0x71: {  	_ =	shalt  }
0x72: {  	_ =	shalt  }
0x73: {  	_ =	shalt  }
0x74: {  	_ =	shalt  }
0x75: {  	_ =	shalt  }
0x76: {  	_ =	shalt  }
0x77: {  	_ =	shalt  }
0x78: {  	_ =	shalt  }
0x79: {  	_ =	shalt  }
0x7a: {  	_ =	shalt  }
0x7b: {  	_ =	shalt  }
0x7c: {  	_ =	shalt  }
0x7d: {  	_ =	shalt  }
0x7e: {  	_ =	shalt  }
0x7f: {  	_ =	shalt  }
0x80: {  	_ =	shalt  }
0x81: {  	_ =	shalt  }
0x82: {  	_ =	shalt  }
0x83: {  	_ =	shalt  }
0x84: {  	_ =	shalt  }
0x85: {  	_ =	shalt  }
0x86: {  	_ =	shalt  }
0x87: {  	_ =	shalt  }
.Lfunc_end0:
.L_simem_size_0:
called_computation.1_lowered:
.L_overlay_start_0:
0x88: {  	s2 =	sld [smem:$0x3FD9]  }
0x89: {  	s3 =	sld [smem:$0x3FFE];
	_ =	sdelay $0x1  }
0x8a: {  	s1 =	srdreg.scid  }
0x8b: {  	s0 =	sand.u32 $0x1, s1  }
0x8c: {  	s16 =	sshll.u32 s0, $0xA;
	s2 =	sadd.s32 s3, s2  }
0x8d: {  	s2 =	sadd.s32 s2, s16  }
0x8e: {  	[smem:$0x3FBE] =	sst s2  }
0x8f: {  	_ = 	snop  }
0x90: {  	(tm) =	ssettm $0x1  }
0x91: {  	s17 =	sld [smem:$0x3FFB];
	_ =	sdelay $0x3  }
0x92: {  	_ =	strace s17  }
0x93: {  	s2 =	sld [smem:$0x3FFC];
	_ =	sdelay $0x3  }
0x94: {  	_ =	strace s2  }
0x95: {  	s2 =	sld [smem:$0x3FFD];
	_ =	sdelay $0x3  }
0x96: {  	_ =	strace s2  }
0x97: {  	_ =	strace $0x8FFFFFFF  }
0x98: {  	s18 =	sld [smem:$0x3FDB];
	_ =	sdelay $0x1  }
0x99: {  	s19 =	simm.s32 $_scs_section_size  }
0x9a: {  	s4 =	simm.s32 $_size__tile_overlayer_lowered;
	s5 =	simm.s32 $_tile_overlayer_lowered  }
0x9b: {  	s22 =	simm.s32 $0x1BFF;
	s21 =	sshll.u32 s5, $0x1;
	s2 =	sadd.s32 s19, s18  }
0x9c: {  	s6 =	simm.s32 $0x0;
	s20 =	sshll.u32 s4, $0x1;
	s4 =	sadd.s32 s21, s2  }
0x9d: {  	[timem:s6], [sflag:s22] =	dma.local [hbm:s4], s20  }
0x9e: {  	_ =	swait.ge [sflag:s22], s20  }
0x9f: {  	s3 =	ssub.s32 $0x0, s20;
	[sflag:s22] =	ssyncset.done $0x0  }
0xa0: {  	[sflag:s22] =	ssyncadd.s32 s3;
	_ =	sdelay $0x1  }
0xa1: {  	s23 =	simm.s32 $0x1B8B  }
0xa2: {  	_ =	swait.ge [sflag:s23], $0x1  }
0xa3: {  	[sflag:s23] =	ssyncset.done $0x0  }
0xa4: {  	s25 =	simm.s32 $0x1B8E;
	s24 =	sld [smem:$0x3FFE];
	[sflag:s23] =	ssyncadd.s32 $0xFFFFFFFF  }
0xa5: {  	s26 =	simm.s32 $execute0_lowered;
	[smem:$0x3FD2] =	sst s25  }
0xa6: {  	s4 =	sshll.u32 s26, $0x1;
	_ =	strace $0x80000049;
	[dreg:$0x1] =	wrdreg $0xFFFFFFFF  }
0xa7: {  	s28 =	simm.s32 $_size_execute0_lowered;
	s2 =	sadd.s32 s2, s4;
	[dreg:$0x0] =	wrdreg $0x0  }
0xa8: {  	s4 =	sshll.u32 s28, $0x1;
	[dreg:$0x2] =	wrdreg s2  }
0xa9: {  	[dreg:$0x3] =	wrdreg s4  }
0xaa: {  	[dreg:$0x4] =	wrdreg $0xC0  }
0xab: {  	_ =	task [dreg:s6], $0x5FFFF  }
0xac: {  	[dreg:$0x1] =	wrdreg $0xFFFFFFFF  }
0xad: {  	[dreg:$0x0] =	wrdreg $0x60  }
0xae: {  	[dreg:$0x2] =	wrdreg s24  }
0xaf: {  	[dreg:$0x3] =	wrdreg $0x82000  }
0xb0: {  	[dreg:$0x4] =	wrdreg $0x9  }
0xb1: {  	_ =	task.clear_ibuf [dreg:s6], $0x5FFFF;
	_ =	strace $0x90000049  }
0xb2: {  	s29 =	simm.s32 $0x9;
	_ =	strace $0x8000004B  }
0xb3: {  	_ =	swait.ge [sflag:s29], $0x1  }
0xb4: {  	[sflag:s29] =	ssyncadd.s32 $0xFFFFFFFF  }
0xb5: {  	_ =	strace $0x9000004B  }
0xb6: {  	_ =	sfence  }
0xb7: {  	s30 =	sld [smem:$0x0];
	_ =	sdelay $0x2  }
0xb8: {  	s31 =	sshll.u32 s1, $0xD;
	s1 =	sshrl.u32 s1, $0x2  }
0xb9: {  	s3 =	sand.u32 $0x4000, s31;
	s1 =	sadd.s32 s1, s30  }
0xba: {  	s0 =	sor.u32 s3, s0;
	s1 =	sshll.u32 s1, $0x11  }
0xbb: {  	s0 =	sor.u32 s1, s0  }
0xbc: {  	s0 =	sadd.s32 $0x8F2B, s0  }
0xbd: {  	[sflag:s0] =	ssyncadd.remote.s32 $0x1  }
0xbe: {  	_ =	sfence.sel $0xFFFF  }
0xbf: {  	[dreg:$0x0] =	wrdreg $0xFFFFFFFF;
	(pc) =	sbr.abs _section_cstart, $3  }
0xc0: {  	[dreg:$0x1] =	wrdreg $0xFFFFFFFF  }
0xc1: {  	_ =	task.clear_ibuf [dreg:s6], $0x2FFFF;
	_ =	strace $0x9FFFFFFF  }
0xc2: {  	(tm) =	ssettm $0x7FFFFFFF  }
0xc3: {  	_ =	shalt  }
tec
execute0_lowered:
.L_overlay_start_1:
0x0: {  	(tag) =	ssettag $0x1  }
0x1: {  	s0 =	rddreg [dreg:$0x0]  }
0x2: {  	s1 =	rddreg [dreg:$0x1];
	s3 =	simm.s32 $0x0;
	s8 =	stileid.u32  }
0x3: {  	s6 =	srdreg.scid;
	s19 =	simm.s32 $0x7;
	s20 =	simm.s32 $0x100  }
0x4: {  	s21 =	simm.s32 $0x5;
	s22 =	simm.s32 $0x80;
	s23 =	simm.s32 $0x200  }
0x5: {  	s28 =	simm.s32 $0x2;
	s29 =	simm.s32 $0x180;
	s30 =	simm.s32 $0x3  }
0x6: {  	s31 =	simm.s32 $0x4;
	[smem:$0x7FF] =	sst s3;
	s4 =	sadd.s32 $0x42200, s0  }
0x7: {  	s2 =	smul.u32 $0x1400, s8;
	s5 =	sadd.s32 $0x6A200, s0;
	s6 =	sand.u32 $0x1, s6  }
0x8: {  	s7 =	smul.u32 $0x50000, s8;
	s9 =	sadd.s32 $0x92200, s0;
	s16 =	sshll.u32 s8, $0x6  }
0x9: {  	_ =	strace $0x8000004A;
	[dreg:$0x3] =	wrdreg s9;
	s24 =	ssub.s32 $0x2, s6  }
0xa: {  	p0 =	sne.s32 s6, $0x0;
	s2 =	sadd.s32 s2, s0;
	s10 =	sshrl.u32 s24, $0x1  }
0xb: {  	s11 =	sshrl.u32 s7, $0x2;
	s7 =	smul.u32 $0x2800, s8;
	s0 =	sadd.s32 $0xBA200, s0  }
0xc: {  	[dreg:$0x4] =	wrdreg s0;
	s25 =	ssub.s32 s24, s10;
	s17 =	sadd.s32 s11, s1  }
.Ltmp0:
0xd: {  	s10 =	sadd.s32 $0x6200, s2;
	s11 =	sadd.s32 $0x6220, s2;
	(pc) =	sbr.rel .LBB2_1-.Ltmp0, $4  }
0xe: {  	s14 =	sadd.s32 $0x6240, s2;
	s15 =	sadd.s32 $0x6260, s2;
	s2 =	sor.u32 $0x1C07, s16  }
0xf: {  	s24 =	simm.s32 $0x1;
	s0 =	simm.s32 $0x0;
	s26 =	sadd.s32 s5, s7  }
0x10: {  	s12 =	sadd.s32 s4, s7;
	s13 =	smax.u32 s25, $0x1;
	s18 =	sshrl.u32 s17, $0x3  }
0x11: {  	s25 =	simm.s32 $0x6;
	[dreg:$0x5] =	wrdreg s26;
	s26 =	simm.s32 $0x4200  }
.LBB2_8:
0x12: {  	s6 =	rddreg [dreg:$0x4]  }
.LBB2_9:
0x13: {  	_ =	swait.ge [sflag:s30], $0x4000  }
0x14: {  	[sflag:s30] =	ssyncset.done $0x0  }
0x15: {  	[sflag:s30] =	ssyncadd.s32 $0xFFFFC000  }
0x16: {  	_ =	swait.ge [sflag:s31], $0x4000  }
0x17: {  	s0 =	sadd.s32 $0x1, s0;
	[sflag:s31] =	ssyncset.done $0x0  }
0x18: {  	p1 =	sne.s32 s0, s13;
	[sflag:s31] =	ssyncadd.s32 $0xFFFFC000  }
.Ltmp1:
0x19: {  	s6 =	sadd.s32 s6, s7;
	[bflag:$0x0] =	sbarrier.arrive $0xFFFF;
	(pc) =	sbr.rel @!p1 .LBB2_10-.Ltmp1, $4  }
0x1a: {  	[hbm:s6], [sflag:s17] =	dma.local [spmem:s18], $0x2800  }
0x1b: {  	_ =	swait.ge [sflag:s19], $0x2800  }
0x1c: {  	[sflag:s19] =	ssyncset.done $0x0  }
0x1d: {  	[sflag:s19] =	ssyncadd.s32 $0xFFFFD800  }
.LBB2_1:
.Ltmp2:
0x1e: {  	(pc) =	sbr.rel @p0 .LBB2_6-.Ltmp2, $1  }
0x1f: {  	_ =	sdelay $0x3  }
0x20: {  	[spmem:s18], [sflag:s2] =	dma.local [hbm:s12], $0x2800  }
0x21: {  	_ =	swait.ge [sflag:s19], $0x2800  }
0x22: {  	[sflag:s19] =	ssyncset.done $0x0  }
0x23: {  	[sflag:s19] =	ssyncadd.s32 $0xFFFFD800  }
0x24: {  	[bflag:$0x0] =	sbarrier.arrive $0xFFFF  }
0x25: {  	[tilespmem:s3], [sflag:$0x5] =	stream.linear.gather [hbm4b:s10+s3], $0x100, $0x38;
	[tilespmem:$0x1C200] =	vst v63  }
0x26: {  	_ = 	snop  }
0x27: {  	[tilespmem:s20], [sflag:$0x6] =	stream.linear.gather [hbm4b:s11+s3], $0x100, $0x38;
	[tilespmem:$0x1C200] =	vst v63  }
0x28: {  	_ =	swait.ge [sflag:s21], $0x100  }
0x29: {  	[sflag:s21] =	ssyncset.done $0x0  }
0x2a: {  	[sflag:s21] =	ssyncadd.s32 $0xFFFFFF00  }
0x2b: {  	[tilespmem:s23], [sflag:$0x1] =	stream.indirect.gather [hbm4b:s4+s22], $0x80, s3, s22, $0xb8;
	[tilespmem:$0x1C200] =	vst v63  }
0x2c: {  	_ =	swait.ge [sflag:s24], $0x4000  }
0x2d: {  	[sflag:s24] =	ssyncset.done $0x0  }
0x2e: {  	[sflag:s24] =	ssyncadd.s32 $0xFFFFC000  }
0x2f: {  	[spmem:s1] =	stream.indirect.scatter.add.f32 [tilespmem:s23], [sflag:$0x3], $0x80, s22, s22, $0xb8;
	[tilespmem:$0x1C200] =	vst v63  }
0x30: {  	_ = 	snop  }
0x31: {  	[tilespmem:s3], [sflag:$0x5] =	stream.linear.gather [hbm4b:s14+s3], $0x100, $0x38;
	[tilespmem:$0x1C200] =	vst v63  }
0x32: {  	_ =	swait.ge [sflag:s25], $0x100  }
0x33: {  	[sflag:s25] =	ssyncset.done $0x0  }
0x34: {  	[sflag:s25] =	ssyncadd.s32 $0xFFFFFF00  }
0x35: {  	[tilespmem:s26], [sflag:$0x2] =	stream.indirect.gather [hbm4b:s4+s22], $0x80, s20, s22, $0xb8;
	[tilespmem:$0x1C200] =	vst v63  }
0x36: {  	_ =	swait.ge [sflag:s28], $0x4000  }
0x37: {  	[sflag:s28] =	ssyncset.done $0x0  }
0x38: {  	[sflag:s28] =	ssyncadd.s32 $0xFFFFC000  }
0x39: {  	[spmem:s1] =	stream.indirect.scatter.add.f32 [tilespmem:s26], [sflag:$0x4], $0x80, s29, s22, $0xb8;
	[tilespmem:$0x1C200] =	vst v63  }
0x3a: {  	_ = 	snop  }
0x3b: {  	[tilespmem:s20], [sflag:$0x6] =	stream.linear.gather [hbm4b:s15+s3], $0x100, $0x38;
	[tilespmem:$0x1C200] =	vst v63  }
0x3c: {  	_ =	swait.ge [sflag:s30], $0x4000  }
0x3d: {  	[sflag:s30] =	ssyncset.done $0x0  }
0x3e: {  	[sflag:s30] =	ssyncadd.s32 $0xFFFFC000  }
0x3f: {  	_ =	swait.ge [sflag:s21], $0x100  }
0x40: {  	[sflag:s21] =	ssyncset.done $0x0  }
0x41: {  	s17 =	simm.s32 $0xFFFFEC80;
	[sflag:s21] =	ssyncadd.s32 $0xFFFFFF00  }
0x42: {  	[tilespmem:s23], [sflag:$0x1] =	stream.indirect.gather [hbm4b:s4+s22], $0x80, s3, s22, $0xb8;
	[tilespmem:$0x1C200] =	vst v63  }
.LBB2_3:
0x43: {  	_ =	swait.ge [sflag:s24], $0x4000  }
0x44: {  	p1 =	seq.s32 s17, $0x0;
	[sflag:s24] =	ssyncset.done $0x0  }
0x45: {  	s6 =	sadd.s32 @!p1 s17, s10;
	[sflag:s24] =	ssyncadd.s32 $0xFFFFC000  }
0x46: {  	[spmem:s1] =	stream.indirect.scatter.add.f32 [tilespmem:s23], [sflag:$0x3], $0x80, s22, s22, $0xb8;
	[tilespmem:$0x1C200] =	vst v63  }
0x47: {  	s8 =	simm.s32 @!p1 $0x0;
	s6 =	sadd.s32 @!p1 $0x1400, s6  }
0x48: {  	[tilespmem:s8], [sflag:$0x5] =	stream.linear.gather @!p1 [hbm4b:s6+s8], $0x100, $0x38;
	[tilespmem:$0x1C200] =	vst v63  }
0x49: {  	_ =	swait.ge [sflag:s31], $0x4000  }
0x4a: {  	[sflag:s31] =	ssyncset.done $0x0  }
0x4b: {  	[sflag:s31] =	ssyncadd.s32 $0xFFFFC000  }
0x4c: {  	_ =	swait.ge [sflag:s25], $0x100  }
0x4d: {  	[sflag:s25] =	ssyncset.done $0x0  }
0x4e: {  	[sflag:s25] =	ssyncadd.s32 $0xFFFFFF00  }
0x4f: {  	[tilespmem:s26], [sflag:$0x2] =	stream.indirect.gather [hbm4b:s4+s22], $0x80, s20, s22, $0xb8;
	[tilespmem:$0x1C200] =	vst v63  }
.Ltmp3:
0x50: {  	_ = 	snop;
	(pc) =	sbr.rel @p1 .LBB2_4-.Ltmp3, $4  }
0x51: {  	_ =	swait.ge [sflag:s28], $0x4000  }
0x52: {  	[sflag:s28] =	ssyncset.done $0x0  }
0x53: {  	[sflag:s28] =	ssyncadd.s32 $0xFFFFC000  }
0x54: {  	[spmem:s1] =	stream.indirect.scatter.add.f32 [tilespmem:s26], [sflag:$0x4], $0x80, s29, s22, $0xb8;
	[tilespmem:$0x1C200] =	vst v63  }
0x55: {  	s6 =	sadd.s32 s17, s10  }
0x56: {  	s6 =	sadd.s32 $0x1420, s6  }
0x57: {  	[tilespmem:s20], [sflag:$0x6] =	stream.linear.gather [hbm4b:s6+s3], $0x100, $0x38;
	[tilespmem:$0x1C200] =	vst v63  }
0x58: {  	_ =	swait.ge [sflag:s30], $0x4000  }
0x59: {  	[sflag:s30] =	ssyncset.done $0x0  }
.Ltmp4:
0x5a: {  	[sflag:s30] =	ssyncadd.s32 $0xFFFFC000;
	(pc) =	sbr.rel .LBB2_3-.Ltmp4, $4  }
0x5b: {  	_ =	swait.ge [sflag:s21], $0x100  }
0x5c: {  	[sflag:s21] =	ssyncset.done $0x0  }
0x5d: {  	s17 =	sadd.s32 $0x40, s17;
	[sflag:s21] =	ssyncadd.s32 $0xFFFFFF00  }
0x5e: {  	[tilespmem:s23], [sflag:$0x1] =	stream.indirect.gather [hbm4b:s4+s22], $0x80, s3, s22, $0xb8;
	[tilespmem:$0x1C200] =	vst v63  }
.LBB2_6:
0x5f: {  	s17 =	sor.u32 $0x1C07, s16;
	s6 =	rddreg [dreg:$0x5]  }
0x60: {  	[spmem:s18], [sflag:s17] =	dma.local [hbm:s6], $0x2800  }
0x61: {  	_ =	swait.ge [sflag:s19], $0x2800  }
0x62: {  	[sflag:s19] =	ssyncset.done $0x0  }
0x63: {  	[sflag:s19] =	ssyncadd.s32 $0xFFFFD800  }
0x64: {  	[bflag:$0x0] =	sbarrier.arrive $0xFFFF  }
0x65: {  	[tilespmem:s3], [sflag:$0x5] =	stream.linear.gather [hbm4b:s10+s3], $0x100, $0x38;
	[tilespmem:$0x1C200] =	vst v63  }
0x66: {  	_ = 	snop  }
0x67: {  	[tilespmem:s20], [sflag:$0x6] =	stream.linear.gather [hbm4b:s11+s3], $0x100, $0x38;
	[tilespmem:$0x1C200] =	vst v63  }
0x68: {  	_ =	swait.ge [sflag:s21], $0x100  }
0x69: {  	[sflag:s21] =	ssyncset.done $0x0  }
0x6a: {  	[sflag:s21] =	ssyncadd.s32 $0xFFFFFF00  }
0x6b: {  	[tilespmem:s23], [sflag:$0x1] =	stream.indirect.gather [hbm4b:s5+s22], $0x80, s3, s22, $0xb8;
	[tilespmem:$0x1C200] =	vst v63  }
0x6c: {  	_ =	swait.ge [sflag:s24], $0x4000  }
0x6d: {  	[sflag:s24] =	ssyncset.done $0x0  }
0x6e: {  	[sflag:s24] =	ssyncadd.s32 $0xFFFFC000  }
0x6f: {  	[spmem:s1] =	stream.indirect.scatter.add.f32 [tilespmem:s23], [sflag:$0x3], $0x80, s22, s22, $0xb8;
	[tilespmem:$0x1C200] =	vst v63  }
0x70: {  	_ = 	snop  }
0x71: {  	[tilespmem:s3], [sflag:$0x5] =	stream.linear.gather [hbm4b:s14+s3], $0x100, $0x38;
	[tilespmem:$0x1C200] =	vst v63  }
0x72: {  	_ =	swait.ge [sflag:s25], $0x100  }
0x73: {  	[sflag:s25] =	ssyncset.done $0x0  }
0x74: {  	[sflag:s25] =	ssyncadd.s32 $0xFFFFFF00  }
0x75: {  	[tilespmem:s26], [sflag:$0x2] =	stream.indirect.gather [hbm4b:s5+s22], $0x80, s20, s22, $0xb8;
	[tilespmem:$0x1C200] =	vst v63  }
0x76: {  	_ =	swait.ge [sflag:s28], $0x4000  }
0x77: {  	[sflag:s28] =	ssyncset.done $0x0  }
0x78: {  	[sflag:s28] =	ssyncadd.s32 $0xFFFFC000  }
0x79: {  	[spmem:s1] =	stream.indirect.scatter.add.f32 [tilespmem:s26], [sflag:$0x4], $0x80, s29, s22, $0xb8;
	[tilespmem:$0x1C200] =	vst v63  }
0x7a: {  	_ = 	snop  }
0x7b: {  	[tilespmem:s20], [sflag:$0x6] =	stream.linear.gather [hbm4b:s15+s3], $0x100, $0x38;
	[tilespmem:$0x1C200] =	vst v63  }
0x7c: {  	_ =	swait.ge [sflag:s30], $0x4000  }
0x7d: {  	[sflag:s30] =	ssyncset.done $0x0  }
0x7e: {  	[sflag:s30] =	ssyncadd.s32 $0xFFFFC000  }
0x7f: {  	_ =	swait.ge [sflag:s21], $0x100  }
0x80: {  	[sflag:s21] =	ssyncset.done $0x0  }
0x81: {  	s6 =	simm.s32 $0xFFFFEC80;
	[sflag:s21] =	ssyncadd.s32 $0xFFFFFF00  }
0x82: {  	[tilespmem:s23], [sflag:$0x1] =	stream.indirect.gather [hbm4b:s5+s22], $0x80, s3, s22, $0xb8;
	[tilespmem:$0x1C200] =	vst v63  }
.LBB2_7:
0x83: {  	_ =	swait.ge [sflag:s24], $0x4000  }
0x84: {  	p1 =	seq.s32 s6, $0x0;
	[sflag:s24] =	ssyncset.done $0x0  }
0x85: {  	s8 =	sadd.s32 @!p1 s6, s10;
	[sflag:s24] =	ssyncadd.s32 $0xFFFFC000  }
0x86: {  	[spmem:s1] =	stream.indirect.scatter.add.f32 [tilespmem:s23], [sflag:$0x3], $0x80, s22, s22, $0xb8;
	[tilespmem:$0x1C200] =	vst v63  }
0x87: {  	s9 =	simm.s32 @!p1 $0x0;
	s8 =	sadd.s32 @!p1 $0x1400, s8  }
0x88: {  	[tilespmem:s9], [sflag:$0x5] =	stream.linear.gather @!p1 [hbm4b:s8+s9], $0x100, $0x38;
	[tilespmem:$0x1C200] =	vst v63  }
0x89: {  	_ =	swait.ge [sflag:s31], $0x4000  }
0x8a: {  	[sflag:s31] =	ssyncset.done $0x0  }
0x8b: {  	[sflag:s31] =	ssyncadd.s32 $0xFFFFC000  }
0x8c: {  	_ =	swait.ge [sflag:s25], $0x100  }
0x8d: {  	[sflag:s25] =	ssyncset.done $0x0  }
0x8e: {  	[sflag:s25] =	ssyncadd.s32 $0xFFFFFF00  }
0x8f: {  	[tilespmem:s26], [sflag:$0x2] =	stream.indirect.gather [hbm4b:s5+s22], $0x80, s20, s22, $0xb8;
	[tilespmem:$0x1C200] =	vst v63  }
.Ltmp5:
0x90: {  	_ = 	snop;
	(pc) =	sbr.rel @p1 .LBB2_8-.Ltmp5, $4  }
0x91: {  	_ =	swait.ge [sflag:s28], $0x4000  }
0x92: {  	[sflag:s28] =	ssyncset.done $0x0  }
0x93: {  	[sflag:s28] =	ssyncadd.s32 $0xFFFFC000  }
0x94: {  	[spmem:s1] =	stream.indirect.scatter.add.f32 [tilespmem:s26], [sflag:$0x4], $0x80, s29, s22, $0xb8;
	[tilespmem:$0x1C200] =	vst v63  }
0x95: {  	s8 =	sadd.s32 s6, s10  }
0x96: {  	s8 =	sadd.s32 $0x1420, s8  }
0x97: {  	[tilespmem:s20], [sflag:$0x6] =	stream.linear.gather [hbm4b:s8+s3], $0x100, $0x38;
	[tilespmem:$0x1C200] =	vst v63  }
0x98: {  	_ =	swait.ge [sflag:s30], $0x4000  }
0x99: {  	[sflag:s30] =	ssyncset.done $0x0  }
.Ltmp6:
0x9a: {  	[sflag:s30] =	ssyncadd.s32 $0xFFFFC000;
	(pc) =	sbr.rel .LBB2_7-.Ltmp6, $4  }
0x9b: {  	_ =	swait.ge [sflag:s21], $0x100  }
0x9c: {  	[sflag:s21] =	ssyncset.done $0x0  }
0x9d: {  	s6 =	sadd.s32 $0x40, s6;
	[sflag:s21] =	ssyncadd.s32 $0xFFFFFF00  }
0x9e: {  	[tilespmem:s23], [sflag:$0x1] =	stream.indirect.gather [hbm4b:s5+s22], $0x80, s3, s22, $0xb8;
	[tilespmem:$0x1C200] =	vst v63  }
.LBB2_4:
.Ltmp7:
0x9f: {  	(pc) =	sbr.rel .LBB2_9-.Ltmp7, $2  }
0xa0: {  	_ =	sdelay $0x2  }
0xa1: {  	s6 =	rddreg [dreg:$0x3];
	s17 =	smov.u32 s2  }
.LBB2_10:
0xa2: {  	_ =	sfence.sel $0x180000  }
0xa3: {  	[bflag:$0x0] =	sbarrier.arrive $0xFFFF  }
0xa4: {  	_ =	strace $0x9000004A  }
0xa5: {  	s0 =	stileid.u32;
	[bflag:$0x2] =	sbarrier.arrive $0xFFFF  }
0xa6: {  	p0 =	sne.s32 s0, $0x0;
	s0 =	rddreg [dreg:$0x2]  }
0xa7: {  	s0 =	sadd.s32 @!p0 $0x100000, s0  }
0xa8: {  	[sflag:s0] =	ssyncadd.tile.s32 @!p0 $0x1;
	_ =	shalt  }
.Lfunc_end2:
_tile_overlayer_lowered:
.L_overlay_start_2:
0xa9: {  	(tag) =	ssettag $0x2  }
0xaa: {  	s0 =	rddreg [dreg:$0x0];
	s2 =	stileid.u32  }
0xab: {  	s1 =	rddreg [dreg:$0x1];
	p0 =	sne.s32 s2, $0x0  }
0xac: {  	s3 =	rddreg [dreg:$0x2];
	[bflag:$0x3] =	sbarrier.arrive $0xFFFF;
	s2 =	simm.s32 @!p0 $0x1C07  }
0xad: {  	[timem:s3], [sflag:s2] =	dma.local @!p0 [hbm:s0], s1  }
0xae: {  	s0 =	simm.s32 @!p0 $0x7  }
0xaf: {  	_ =	swait.ge @!p0 [sflag:s0], s1  }
0xb0: {  	s1 =	ssub.s32 @!p0 $0x0, s1;
	[sflag:s0] =	ssyncset.done @!p0 $0x0  }
0xb1: {  	[sflag:s0] =	ssyncadd.s32 @!p0 s1  }
0xb2: {  	[bflag:$0x3] =	sbarrier.arrive $0xFFFF  }
0xb3: {  	_ =	shalt  }

// kernel: kernel.16.cloned.1.call-start
scs
__scs_entry_jumppad:
0x0: {  	(pc) =	sbr.rel $0x88, $3  }
0x1: {  	(tag) =	ssettag $0x0;
	lr =	simm.s32 $0x1  }
0x2: {  	[smem:$0x3F97] =	sst lr;
	_ =	strace $0xD0000000  }
0x3: {  	_ = 	snop  }
0x4: {  	_ = 	snop  }
0x5: {  	_ = 	snop  }
0x6: {  	_ = 	snop  }
0x7: {  	_ = 	snop  }
__scs_overlays_trampoline_lowered:
0x8: {  	[smem:$0x3FA6] =	sst s0  }
0x9: {  	[smem:$0x3FA7] =	sst s1  }
0xa: {  	[smem:$0x3FA8] =	sst s2  }
0xb: {  	[smem:$0x3FA9] =	sst s3  }
0xc: {  	[smem:$0x3FAA] =	sst s4  }
0xd: {  	[smem:$0x3FAB] =	sst s5  }
0xe: {  	[smem:$0x3FAC] =	sst s6  }
0xf: {  	[smem:$0x3FAD] =	sst s7  }
0x10: {  	[smem:$0x3FAE] =	sst s8  }
0x11: {  	[smem:$0x3FAF] =	sst s9;
	s0 =	simm.s32 @!p0 $0x0  }
0x12: {  	s1 =	sld [smem:$0x3F95];
	s0 =	simm.s32 @p0 $0x1  }
0x13: {  	[smem:$0x3FB0] =	sst s0;
	s0 =	simm.s32 @!p1 $0x0  }
0x14: {  	s2 =	sld [smem:$0x3F94];
	s0 =	simm.s32 @p1 $0x1  }
0x15: {  	[smem:$0x3FB1] =	sst s0;
	s0 =	simm.s32 @!p2 $0x0  }
0x16: {  	s3 =	sld [smem:$0x3FDB];
	s0 =	simm.s32 @p2 $0x1  }
0x17: {  	s4 =	simm.s32 $0x1BF5;
	[smem:$0x3FB3] =	sst s0  }
0x18: {  	s0 =	sld [smem:$0x3F96];
	_ =	swait.ge [sflag:s4], $0x0  }
0x19: {  	s7 =	sld [smem:$0x3F97]  }
0x1a: {  	s8 =	sadd.s32 $0xFFFFE003, lr  }
0x1b: {  	s9 =	sadd.s32 $0xFFFFFEF7, lr;
	s5 =	simm.s32 $0xFFFFFFFF;
	p2 =	slt.u32 s8, $0xFFFFF086  }
0x1c: {  	p1 =	slt.u32 s9, $0xF7A;
	s5 =	simm.s32 @!p2 $0x0  }
0x1d: {  	s5 =	simm.s32 @p1 $0x1;
	p0 =	seq.s32 s7, s2  }
0x1e: {  	s7 =	smul.u32 @!p0 $0xF7A, s2;
	p2 =	seq.s32 @!p0 s5, $0x0  }
0x1f: {  	s9 =	smul.u32 $0xF7A, s1;
	s8 =	simm.s32 @!p0 $0x1BF5;
	p2 =	por !p2, p0  }
0x20: {  	[sflag:s8] =	ssyncset.s32 @!p0 $0xFFFFF086;
	s6 =	sadd.s32 @!p0 s3, s7;
	s7 =	simm.s32 @!p0 $0x108  }
0x21: {  	s3 =	sadd.s32 s3, s9;
	s6 =	sadd.s32 @!p0 $0x88, s6;
	s7 =	simm.s32 @p2 $0x1082  }
0x22: {  	[simem:s7], [sflag:s8] =	dma.local @!p0 [hbm:s6], $0xF7A  }
0x23: {  	s9 =	sor.u32 $0xD0000000, s2;
	s6 =	simm.s32 $0x108;
	_ =	swait.ge @!p0 [sflag:s8], $0x0  }
0x24: {  	s3 =	sadd.s32 $0x88, s3;
	s6 =	simm.s32 @!p1 $0x1082;
	[sflag:s4] =	ssyncset.s32 $0xFFFFF086  }
0x25: {  	[simem:s6], [sflag:s4] =	dma.local [hbm:s3], $0xF7A  }
0x26: {  	[smem:$0x3F97] =	sst s1;
	(tag) =	ssettag s2;
	_ =	strace s9  }
0x27: {  	s1 =	sld [smem:$0x3FA7]  }
0x28: {  	s2 =	sld [smem:$0x3FA8]  }
0x29: {  	s4 =	sld [smem:$0x3FAA]  }
0x2a: {  	p0 =	seq.s32 s5, $0x0;
	s5 =	sld [smem:$0x3FAB]  }
0x2b: {  	s6 =	sld [smem:$0x3FAC]  }
0x2c: {  	s7 =	sld [smem:$0x3FAD]  }
0x2d: {  	s3 =	simm.s32 $0x108;
	s8 =	sld [smem:$0x3FAE]  }
0x2e: {  	s3 =	simm.s32 @!p0 $0x1082;
	s9 =	sld [smem:$0x3FAF]  }
0x2f: {  	lr =	sadd.s32 s0, s3;
	s0 =	sld [smem:$0x3FA6]  }
0x30: {  	s3 =	sld [smem:$0x3FA9]  }
0x31: {  	[smem:$0x3FB2] =	sst s10  }
0x32: {  	s10 =	sld [smem:$0x3FB0];
	_ =	sdelay $0x3  }
0x33: {  	p0 =	seq.s32 s10, $0x1;
	s10 =	sld [smem:$0x3FB2];
	_ =	sdelay $0x3  }
0x34: {  	[smem:$0x3FB2] =	sst s10  }
0x35: {  	s10 =	sld [smem:$0x3FB1];
	_ =	sdelay $0x3  }
0x36: {  	p1 =	seq.s32 s10, $0x1;
	s10 =	sld [smem:$0x3FB2];
	_ =	sdelay $0x3  }
0x37: {  	[smem:$0x3FB2] =	sst s10  }
0x38: {  	s10 =	sld [smem:$0x3FB3]  }
0x39: {  	_ = 	snop;
	(pc) =	sbr.ind lr, $3  }
0x3a: {  	_ = 	snop  }
0x3b: {  	_ = 	snop  }
0x3c: {  	p2 =	seq.s32 s10, $0x1;
	s10 =	sld [smem:$0x3FB2]  }
0x3d: {  	_ =	shalt  }
0x3e: {  	_ =	shalt  }
0x3f: {  	_ =	shalt  }
0x40: {  	_ =	shalt  }
0x41: {  	_ =	shalt  }
0x42: {  	_ =	shalt  }
0x43: {  	_ =	shalt  }
0x44: {  	_ =	shalt  }
0x45: {  	_ =	shalt  }
0x46: {  	_ =	shalt  }
0x47: {  	_ =	shalt  }
0x48: {  	_ =	shalt  }
0x49: {  	_ =	shalt  }
0x4a: {  	_ =	shalt  }
0x4b: {  	_ =	shalt  }
0x4c: {  	_ =	shalt  }
0x4d: {  	_ =	shalt  }
0x4e: {  	_ =	shalt  }
0x4f: {  	_ =	shalt  }
0x50: {  	_ =	shalt  }
0x51: {  	_ =	shalt  }
0x52: {  	_ =	shalt  }
0x53: {  	_ =	shalt  }
0x54: {  	_ =	shalt  }
0x55: {  	_ =	shalt  }
0x56: {  	_ =	shalt  }
0x57: {  	_ =	shalt  }
0x58: {  	_ =	shalt  }
0x59: {  	_ =	shalt  }
0x5a: {  	_ =	shalt  }
0x5b: {  	_ =	shalt  }
0x5c: {  	_ =	shalt  }
0x5d: {  	_ =	shalt  }
0x5e: {  	_ =	shalt  }
0x5f: {  	_ =	shalt  }
0x60: {  	_ =	shalt  }
0x61: {  	_ =	shalt  }
0x62: {  	_ =	shalt  }
0x63: {  	_ =	shalt  }
0x64: {  	_ =	shalt  }
0x65: {  	_ =	shalt  }
0x66: {  	_ =	shalt  }
0x67: {  	_ =	shalt  }
0x68: {  	_ =	shalt  }
0x69: {  	_ =	shalt  }
0x6a: {  	_ =	shalt  }
0x6b: {  	_ =	shalt  }
0x6c: {  	_ =	shalt  }
0x6d: {  	_ =	shalt  }
0x6e: {  	_ =	shalt  }
0x6f: {  	_ =	shalt  }
0x70: {  	_ =	shalt  }
0x71: {  	_ =	shalt  }
0x72: {  	_ =	shalt  }
0x73: {  	_ =	shalt  }
0x74: {  	_ =	shalt  }
0x75: {  	_ =	shalt  }
0x76: {  	_ =	shalt  }
0x77: {  	_ =	shalt  }
0x78: {  	_ =	shalt  }
0x79: {  	_ =	shalt  }
0x7a: {  	_ =	shalt  }
0x7b: {  	_ =	shalt  }
0x7c: {  	_ =	shalt  }
0x7d: {  	_ =	shalt  }
0x7e: {  	_ =	shalt  }
0x7f: {  	_ =	shalt  }
0x80: {  	_ =	shalt  }
0x81: {  	_ =	shalt  }
0x82: {  	_ =	shalt  }
0x83: {  	_ =	shalt  }
0x84: {  	_ =	shalt  }
0x85: {  	_ =	shalt  }
0x86: {  	_ =	shalt  }
0x87: {  	_ =	shalt  }
.Lfunc_end0:
.L_simem_size_0:
called_computation.2_lowered:
.L_overlay_start_0:
0x88: {  	s2 =	sld [smem:$0x3FD9]  }
0x89: {  	s3 =	sld [smem:$0x3FFE];
	_ =	sdelay $0x1  }
0x8a: {  	s1 =	srdreg.scid  }
0x8b: {  	s0 =	sand.u32 $0x1, s1  }
0x8c: {  	s16 =	sshll.u32 s0, $0xA;
	s2 =	sadd.s32 s3, s2  }
0x8d: {  	s2 =	sadd.s32 s2, s16  }
0x8e: {  	[smem:$0x3FBE] =	sst s2  }
0x8f: {  	_ = 	snop  }
0x90: {  	(tm) =	ssettm $0x1  }
0x91: {  	s17 =	sld [smem:$0x3FFB];
	_ =	sdelay $0x3  }
0x92: {  	_ =	strace s17  }
0x93: {  	s2 =	sld [smem:$0x3FFC];
	_ =	sdelay $0x3  }
0x94: {  	_ =	strace s2  }
0x95: {  	s2 =	sld [smem:$0x3FFD];
	_ =	sdelay $0x3  }
0x96: {  	_ =	strace s2  }
0x97: {  	_ =	strace $0x8FFFFFFF  }
0x98: {  	s18 =	sld [smem:$0x3FDB];
	_ =	sdelay $0x1  }
0x99: {  	s19 =	simm.s32 $_scs_section_size  }
0x9a: {  	s4 =	simm.s32 $_size__tile_overlayer_lowered;
	s5 =	simm.s32 $_tile_overlayer_lowered  }
0x9b: {  	s22 =	simm.s32 $0x1BFF;
	s21 =	sshll.u32 s5, $0x1;
	s2 =	sadd.s32 s19, s18  }
0x9c: {  	s6 =	simm.s32 $0x0;
	s20 =	sshll.u32 s4, $0x1;
	s4 =	sadd.s32 s21, s2  }
0x9d: {  	[timem:s6], [sflag:s22] =	dma.local [hbm:s4], s20  }
0x9e: {  	_ =	swait.ge [sflag:s22], s20  }
0x9f: {  	s3 =	ssub.s32 $0x0, s20;
	[sflag:s22] =	ssyncset.done $0x0  }
0xa0: {  	[sflag:s22] =	ssyncadd.s32 s3;
	_ =	sdelay $0x1  }
0xa1: {  	s23 =	simm.s32 $0x1B8B  }
0xa2: {  	_ =	swait.ge [sflag:s23], $0x1  }
0xa3: {  	[sflag:s23] =	ssyncset.done $0x0  }
0xa4: {  	s25 =	simm.s32 $0x1B8E;
	s24 =	sld [smem:$0x3FFE];
	[sflag:s23] =	ssyncadd.s32 $0xFFFFFFFF  }
0xa5: {  	s26 =	simm.s32 $execute0_lowered;
	[smem:$0x3FD2] =	sst s25  }
0xa6: {  	s4 =	sshll.u32 s26, $0x1;
	_ =	strace $0x8000004C;
	[dreg:$0x1] =	wrdreg $0xFFFFFFFF  }
0xa7: {  	s28 =	simm.s32 $_size_execute0_lowered;
	s2 =	sadd.s32 s2, s4;
	[dreg:$0x0] =	wrdreg $0x0  }
0xa8: {  	s4 =	sshll.u32 s28, $0x1;
	[dreg:$0x2] =	wrdreg s2  }
0xa9: {  	[dreg:$0x3] =	wrdreg s4  }
0xaa: {  	[dreg:$0x4] =	wrdreg $0xC0  }
0xab: {  	_ =	task [dreg:s6], $0x5FFFF  }
0xac: {  	[dreg:$0x1] =	wrdreg $0xFFFFFFFF  }
0xad: {  	[dreg:$0x0] =	wrdreg $0x60  }
0xae: {  	[dreg:$0x2] =	wrdreg s24  }
0xaf: {  	[dreg:$0x3] =	wrdreg $0x82000  }
0xb0: {  	[dreg:$0x4] =	wrdreg $0x9  }
0xb1: {  	_ =	task.clear_ibuf [dreg:s6], $0x5FFFF;
	_ =	strace $0x9000004C  }
0xb2: {  	s29 =	simm.s32 $0x9;
	_ =	strace $0x8000004E  }
0xb3: {  	_ =	swait.ge [sflag:s29], $0x1  }
0xb4: {  	[sflag:s29] =	ssyncadd.s32 $0xFFFFFFFF  }
0xb5: {  	_ =	strace $0x9000004E  }
0xb6: {  	_ =	sfence  }
0xb7: {  	s30 =	sld [smem:$0x0];
	_ =	sdelay $0x2  }
0xb8: {  	s31 =	sshll.u32 s1, $0xD;
	s1 =	sshrl.u32 s1, $0x2  }
0xb9: {  	s3 =	sand.u32 $0x4000, s31;
	s1 =	sadd.s32 s1, s30  }
0xba: {  	s0 =	sor.u32 s3, s0;
	s1 =	sshll.u32 s1, $0x11  }
0xbb: {  	s0 =	sor.u32 s1, s0  }
0xbc: {  	s0 =	sadd.s32 $0x8F2B, s0  }
0xbd: {  	[sflag:s0] =	ssyncadd.remote.s32 $0x1  }
0xbe: {  	_ =	sfence.sel $0xFFFF  }
0xbf: {  	[dreg:$0x0] =	wrdreg $0xFFFFFFFF;
	(pc) =	sbr.abs _section_cstart, $3  }
0xc0: {  	[dreg:$0x1] =	wrdreg $0xFFFFFFFF  }
0xc1: {  	_ =	task.clear_ibuf [dreg:s6], $0x2FFFF;
	_ =	strace $0x9FFFFFFF  }
0xc2: {  	(tm) =	ssettm $0x7FFFFFFF  }
0xc3: {  	_ =	shalt  }
tec
execute0_lowered:
.L_overlay_start_1:
0x0: {  	(tag) =	ssettag $0x1  }
0x1: {  	s0 =	rddreg [dreg:$0x0]  }
0x2: {  	s1 =	rddreg [dreg:$0x1];
	s3 =	simm.s32 $0x0;
	s8 =	stileid.u32  }
0x3: {  	s6 =	srdreg.scid;
	s19 =	simm.s32 $0x7;
	s20 =	simm.s32 $0x100  }
0x4: {  	s21 =	simm.s32 $0x5;
	s22 =	simm.s32 $0x80;
	s23 =	simm.s32 $0x200  }
0x5: {  	s28 =	simm.s32 $0x2;
	s29 =	simm.s32 $0x180;
	s30 =	simm.s32 $0x3  }
0x6: {  	s31 =	simm.s32 $0x4;
	[smem:$0x7FF] =	sst s3;
	s4 =	sadd.s32 $0x42200, s0  }
0x7: {  	s2 =	smul.u32 $0x1400, s8;
	s5 =	sadd.s32 $0x6A200, s0;
	s6 =	sand.u32 $0x1, s6  }
0x8: {  	s7 =	smul.u32 $0x50000, s8;
	s9 =	sadd.s32 $0x92200, s0;
	s16 =	sshll.u32 s8, $0x6  }
0x9: {  	_ =	strace $0x8000004D;
	[dreg:$0x3] =	wrdreg s9;
	s24 =	ssub.s32 $0x2, s6  }
0xa: {  	p0 =	sne.s32 s6, $0x0;
	s2 =	sadd.s32 s2, s0;
	s10 =	sshrl.u32 s24, $0x1  }
0xb: {  	s11 =	sshrl.u32 s7, $0x2;
	s7 =	smul.u32 $0x2800, s8;
	s0 =	sadd.s32 $0xBA200, s0  }
0xc: {  	[dreg:$0x4] =	wrdreg s0;
	s25 =	ssub.s32 s24, s10;
	s17 =	sadd.s32 s11, s1  }
.Ltmp0:
0xd: {  	s10 =	sadd.s32 $0x6200, s2;
	s11 =	sadd.s32 $0x6220, s2;
	(pc) =	sbr.rel .LBB2_1-.Ltmp0, $4  }
0xe: {  	s14 =	sadd.s32 $0x6240, s2;
	s15 =	sadd.s32 $0x6260, s2;
	s2 =	sor.u32 $0x1C07, s16  }
0xf: {  	s24 =	simm.s32 $0x1;
	s0 =	simm.s32 $0x0;
	s26 =	sadd.s32 s5, s7  }
0x10: {  	s12 =	sadd.s32 s4, s7;
	s13 =	smax.u32 s25, $0x1;
	s18 =	sshrl.u32 s17, $0x3  }
0x11: {  	s25 =	simm.s32 $0x6;
	[dreg:$0x5] =	wrdreg s26;
	s26 =	simm.s32 $0x4200  }
.LBB2_8:
0x12: {  	s6 =	rddreg [dreg:$0x4]  }
.LBB2_9:
0x13: {  	_ =	swait.ge [sflag:s30], $0x4000  }
0x14: {  	[sflag:s30] =	ssyncset.done $0x0  }
0x15: {  	[sflag:s30] =	ssyncadd.s32 $0xFFFFC000  }
0x16: {  	_ =	swait.ge [sflag:s31], $0x4000  }
0x17: {  	s0 =	sadd.s32 $0x1, s0;
	[sflag:s31] =	ssyncset.done $0x0  }
0x18: {  	p1 =	sne.s32 s0, s13;
	[sflag:s31] =	ssyncadd.s32 $0xFFFFC000  }
.Ltmp1:
0x19: {  	s6 =	sadd.s32 s6, s7;
	[bflag:$0x0] =	sbarrier.arrive $0xFFFF;
	(pc) =	sbr.rel @!p1 .LBB2_10-.Ltmp1, $4  }
0x1a: {  	[hbm:s6], [sflag:s17] =	dma.local [spmem:s18], $0x2800  }
0x1b: {  	_ =	swait.ge [sflag:s19], $0x2800  }
0x1c: {  	[sflag:s19] =	ssyncset.done $0x0  }
0x1d: {  	[sflag:s19] =	ssyncadd.s32 $0xFFFFD800  }
.LBB2_1:
.Ltmp2:
0x1e: {  	(pc) =	sbr.rel @p0 .LBB2_6-.Ltmp2, $1  }
0x1f: {  	_ =	sdelay $0x3  }
0x20: {  	[spmem:s18], [sflag:s2] =	dma.local [hbm:s12], $0x2800  }
0x21: {  	_ =	swait.ge [sflag:s19], $0x2800  }
0x22: {  	[sflag:s19] =	ssyncset.done $0x0  }
0x23: {  	[sflag:s19] =	ssyncadd.s32 $0xFFFFD800  }
0x24: {  	[bflag:$0x0] =	sbarrier.arrive $0xFFFF  }
0x25: {  	[tilespmem:s3], [sflag:$0x5] =	stream.linear.gather [hbm4b:s10+s3], $0x100, $0x38;
	[tilespmem:$0x1C200] =	vst v63  }
0x26: {  	_ = 	snop  }
0x27: {  	[tilespmem:s20], [sflag:$0x6] =	stream.linear.gather [hbm4b:s11+s3], $0x100, $0x38;
	[tilespmem:$0x1C200] =	vst v63  }
0x28: {  	_ =	swait.ge [sflag:s21], $0x100  }
0x29: {  	[sflag:s21] =	ssyncset.done $0x0  }
0x2a: {  	[sflag:s21] =	ssyncadd.s32 $0xFFFFFF00  }
0x2b: {  	[tilespmem:s23], [sflag:$0x1] =	stream.indirect.gather [hbm4b:s4+s22], $0x80, s3, s22, $0xb8;
	[tilespmem:$0x1C200] =	vst v63  }
0x2c: {  	_ =	swait.ge [sflag:s24], $0x4000  }
0x2d: {  	[sflag:s24] =	ssyncset.done $0x0  }
0x2e: {  	[sflag:s24] =	ssyncadd.s32 $0xFFFFC000  }
0x2f: {  	[spmem:s1] =	stream.indirect.scatter.add.f32 [tilespmem:s23], [sflag:$0x3], $0x80, s22, s22, $0xb8;
	[tilespmem:$0x1C200] =	vst v63  }
0x30: {  	_ = 	snop  }
0x31: {  	[tilespmem:s3], [sflag:$0x5] =	stream.linear.gather [hbm4b:s14+s3], $0x100, $0x38;
	[tilespmem:$0x1C200] =	vst v63  }
0x32: {  	_ =	swait.ge [sflag:s25], $0x100  }
0x33: {  	[sflag:s25] =	ssyncset.done $0x0  }
0x34: {  	[sflag:s25] =	ssyncadd.s32 $0xFFFFFF00  }
0x35: {  	[tilespmem:s26], [sflag:$0x2] =	stream.indirect.gather [hbm4b:s4+s22], $0x80, s20, s22, $0xb8;
	[tilespmem:$0x1C200] =	vst v63  }
0x36: {  	_ =	swait.ge [sflag:s28], $0x4000  }
0x37: {  	[sflag:s28] =	ssyncset.done $0x0  }
0x38: {  	[sflag:s28] =	ssyncadd.s32 $0xFFFFC000  }
0x39: {  	[spmem:s1] =	stream.indirect.scatter.add.f32 [tilespmem:s26], [sflag:$0x4], $0x80, s29, s22, $0xb8;
	[tilespmem:$0x1C200] =	vst v63  }
0x3a: {  	_ = 	snop  }
0x3b: {  	[tilespmem:s20], [sflag:$0x6] =	stream.linear.gather [hbm4b:s15+s3], $0x100, $0x38;
	[tilespmem:$0x1C200] =	vst v63  }
0x3c: {  	_ =	swait.ge [sflag:s30], $0x4000  }
0x3d: {  	[sflag:s30] =	ssyncset.done $0x0  }
0x3e: {  	[sflag:s30] =	ssyncadd.s32 $0xFFFFC000  }
0x3f: {  	_ =	swait.ge [sflag:s21], $0x100  }
0x40: {  	[sflag:s21] =	ssyncset.done $0x0  }
0x41: {  	s17 =	simm.s32 $0xFFFFEC80;
	[sflag:s21] =	ssyncadd.s32 $0xFFFFFF00  }
0x42: {  	[tilespmem:s23], [sflag:$0x1] =	stream.indirect.gather [hbm4b:s4+s22], $0x80, s3, s22, $0xb8;
	[tilespmem:$0x1C200] =	vst v63  }
.LBB2_3:
0x43: {  	_ =	swait.ge [sflag:s24], $0x4000  }
0x44: {  	p1 =	seq.s32 s17, $0x0;
	[sflag:s24] =	ssyncset.done $0x0  }
0x45: {  	s6 =	sadd.s32 @!p1 s17, s10;
	[sflag:s24] =	ssyncadd.s32 $0xFFFFC000  }
0x46: {  	[spmem:s1] =	stream.indirect.scatter.add.f32 [tilespmem:s23], [sflag:$0x3], $0x80, s22, s22, $0xb8;
	[tilespmem:$0x1C200] =	vst v63  }
0x47: {  	s8 =	simm.s32 @!p1 $0x0;
	s6 =	sadd.s32 @!p1 $0x1400, s6  }
0x48: {  	[tilespmem:s8], [sflag:$0x5] =	stream.linear.gather @!p1 [hbm4b:s6+s8], $0x100, $0x38;
	[tilespmem:$0x1C200] =	vst v63  }
0x49: {  	_ =	swait.ge [sflag:s31], $0x4000  }
0x4a: {  	[sflag:s31] =	ssyncset.done $0x0  }
0x4b: {  	[sflag:s31] =	ssyncadd.s32 $0xFFFFC000  }
0x4c: {  	_ =	swait.ge [sflag:s25], $0x100  }
0x4d: {  	[sflag:s25] =	ssyncset.done $0x0  }
0x4e: {  	[sflag:s25] =	ssyncadd.s32 $0xFFFFFF00  }
0x4f: {  	[tilespmem:s26], [sflag:$0x2] =	stream.indirect.gather [hbm4b:s4+s22], $0x80, s20, s22, $0xb8;
	[tilespmem:$0x1C200] =	vst v63  }
.Ltmp3:
0x50: {  	_ = 	snop;
	(pc) =	sbr.rel @p1 .LBB2_4-.Ltmp3, $4  }
0x51: {  	_ =	swait.ge [sflag:s28], $0x4000  }
0x52: {  	[sflag:s28] =	ssyncset.done $0x0  }
0x53: {  	[sflag:s28] =	ssyncadd.s32 $0xFFFFC000  }
0x54: {  	[spmem:s1] =	stream.indirect.scatter.add.f32 [tilespmem:s26], [sflag:$0x4], $0x80, s29, s22, $0xb8;
	[tilespmem:$0x1C200] =	vst v63  }
0x55: {  	s6 =	sadd.s32 s17, s10  }
0x56: {  	s6 =	sadd.s32 $0x1420, s6  }
0x57: {  	[tilespmem:s20], [sflag:$0x6] =	stream.linear.gather [hbm4b:s6+s3], $0x100, $0x38;
	[tilespmem:$0x1C200] =	vst v63  }
0x58: {  	_ =	swait.ge [sflag:s30], $0x4000  }
0x59: {  	[sflag:s30] =	ssyncset.done $0x0  }
.Ltmp4:
0x5a: {  	[sflag:s30] =	ssyncadd.s32 $0xFFFFC000;
	(pc) =	sbr.rel .LBB2_3-.Ltmp4, $4  }
0x5b: {  	_ =	swait.ge [sflag:s21], $0x100  }
0x5c: {  	[sflag:s21] =	ssyncset.done $0x0  }
0x5d: {  	s17 =	sadd.s32 $0x40, s17;
	[sflag:s21] =	ssyncadd.s32 $0xFFFFFF00  }
0x5e: {  	[tilespmem:s23], [sflag:$0x1] =	stream.indirect.gather [hbm4b:s4+s22], $0x80, s3, s22, $0xb8;
	[tilespmem:$0x1C200] =	vst v63  }
.LBB2_6:
0x5f: {  	s17 =	sor.u32 $0x1C07, s16;
	s6 =	rddreg [dreg:$0x5]  }
0x60: {  	[spmem:s18], [sflag:s17] =	dma.local [hbm:s6], $0x2800  }
0x61: {  	_ =	swait.ge [sflag:s19], $0x2800  }
0x62: {  	[sflag:s19] =	ssyncset.done $0x0  }
0x63: {  	[sflag:s19] =	ssyncadd.s32 $0xFFFFD800  }
0x64: {  	[bflag:$0x0] =	sbarrier.arrive $0xFFFF  }
0x65: {  	[tilespmem:s3], [sflag:$0x5] =	stream.linear.gather [hbm4b:s10+s3], $0x100, $0x38;
	[tilespmem:$0x1C200] =	vst v63  }
0x66: {  	_ = 	snop  }
0x67: {  	[tilespmem:s20], [sflag:$0x6] =	stream.linear.gather [hbm4b:s11+s3], $0x100, $0x38;
	[tilespmem:$0x1C200] =	vst v63  }
0x68: {  	_ =	swait.ge [sflag:s21], $0x100  }
0x69: {  	[sflag:s21] =	ssyncset.done $0x0  }
0x6a: {  	[sflag:s21] =	ssyncadd.s32 $0xFFFFFF00  }
0x6b: {  	[tilespmem:s23], [sflag:$0x1] =	stream.indirect.gather [hbm4b:s5+s22], $0x80, s3, s22, $0xb8;
	[tilespmem:$0x1C200] =	vst v63  }
0x6c: {  	_ =	swait.ge [sflag:s24], $0x4000  }
0x6d: {  	[sflag:s24] =	ssyncset.done $0x0  }
0x6e: {  	[sflag:s24] =	ssyncadd.s32 $0xFFFFC000  }
0x6f: {  	[spmem:s1] =	stream.indirect.scatter.add.f32 [tilespmem:s23], [sflag:$0x3], $0x80, s22, s22, $0xb8;
	[tilespmem:$0x1C200] =	vst v63  }
0x70: {  	_ = 	snop  }
0x71: {  	[tilespmem:s3], [sflag:$0x5] =	stream.linear.gather [hbm4b:s14+s3], $0x100, $0x38;
	[tilespmem:$0x1C200] =	vst v63  }
0x72: {  	_ =	swait.ge [sflag:s25], $0x100  }
0x73: {  	[sflag:s25] =	ssyncset.done $0x0  }
0x74: {  	[sflag:s25] =	ssyncadd.s32 $0xFFFFFF00  }
0x75: {  	[tilespmem:s26], [sflag:$0x2] =	stream.indirect.gather [hbm4b:s5+s22], $0x80, s20, s22, $0xb8;
	[tilespmem:$0x1C200] =	vst v63  }
0x76: {  	_ =	swait.ge [sflag:s28], $0x4000  }
0x77: {  	[sflag:s28] =	ssyncset.done $0x0  }
0x78: {  	[sflag:s28] =	ssyncadd.s32 $0xFFFFC000  }
0x79: {  	[spmem:s1] =	stream.indirect.scatter.add.f32 [tilespmem:s26], [sflag:$0x4], $0x80, s29, s22, $0xb8;
	[tilespmem:$0x1C200] =	vst v63  }
0x7a: {  	_ = 	snop  }
0x7b: {  	[tilespmem:s20], [sflag:$0x6] =	stream.linear.gather [hbm4b:s15+s3], $0x100, $0x38;
	[tilespmem:$0x1C200] =	vst v63  }
0x7c: {  	_ =	swait.ge [sflag:s30], $0x4000  }
0x7d: {  	[sflag:s30] =	ssyncset.done $0x0  }
0x7e: {  	[sflag:s30] =	ssyncadd.s32 $0xFFFFC000  }
0x7f: {  	_ =	swait.ge [sflag:s21], $0x100  }
0x80: {  	[sflag:s21] =	ssyncset.done $0x0  }
0x81: {  	s6 =	simm.s32 $0xFFFFEC80;
	[sflag:s21] =	ssyncadd.s32 $0xFFFFFF00  }
0x82: {  	[tilespmem:s23], [sflag:$0x1] =	stream.indirect.gather [hbm4b:s5+s22], $0x80, s3, s22, $0xb8;
	[tilespmem:$0x1C200] =	vst v63  }
.LBB2_7:
0x83: {  	_ =	swait.ge [sflag:s24], $0x4000  }
0x84: {  	p1 =	seq.s32 s6, $0x0;
	[sflag:s24] =	ssyncset.done $0x0  }
0x85: {  	s8 =	sadd.s32 @!p1 s6, s10;
	[sflag:s24] =	ssyncadd.s32 $0xFFFFC000  }
0x86: {  	[spmem:s1] =	stream.indirect.scatter.add.f32 [tilespmem:s23], [sflag:$0x3], $0x80, s22, s22, $0xb8;
	[tilespmem:$0x1C200] =	vst v63  }
0x87: {  	s9 =	simm.s32 @!p1 $0x0;
	s8 =	sadd.s32 @!p1 $0x1400, s8  }
0x88: {  	[tilespmem:s9], [sflag:$0x5] =	stream.linear.gather @!p1 [hbm4b:s8+s9], $0x100, $0x38;
	[tilespmem:$0x1C200] =	vst v63  }
0x89: {  	_ =	swait.ge [sflag:s31], $0x4000  }
0x8a: {  	[sflag:s31] =	ssyncset.done $0x0  }
0x8b: {  	[sflag:s31] =	ssyncadd.s32 $0xFFFFC000  }
0x8c: {  	_ =	swait.ge [sflag:s25], $0x100  }
0x8d: {  	[sflag:s25] =	ssyncset.done $0x0  }
0x8e: {  	[sflag:s25] =	ssyncadd.s32 $0xFFFFFF00  }
0x8f: {  	[tilespmem:s26], [sflag:$0x2] =	stream.indirect.gather [hbm4b:s5+s22], $0x80, s20, s22, $0xb8;
	[tilespmem:$0x1C200] =	vst v63  }
.Ltmp5:
0x90: {  	_ = 	snop;
	(pc) =	sbr.rel @p1 .LBB2_8-.Ltmp5, $4  }
0x91: {  	_ =	swait.ge [sflag:s28], $0x4000  }
0x92: {  	[sflag:s28] =	ssyncset.done $0x0  }
0x93: {  	[sflag:s28] =	ssyncadd.s32 $0xFFFFC000  }
0x94: {  	[spmem:s1] =	stream.indirect.scatter.add.f32 [tilespmem:s26], [sflag:$0x4], $0x80, s29, s22, $0xb8;
	[tilespmem:$0x1C200] =	vst v63  }
0x95: {  	s8 =	sadd.s32 s6, s10  }
0x96: {  	s8 =	sadd.s32 $0x1420, s8  }
0x97: {  	[tilespmem:s20], [sflag:$0x6] =	stream.linear.gather [hbm4b:s8+s3], $0x100, $0x38;
	[tilespmem:$0x1C200] =	vst v63  }
0x98: {  	_ =	swait.ge [sflag:s30], $0x4000  }
0x99: {  	[sflag:s30] =	ssyncset.done $0x0  }
.Ltmp6:
0x9a: {  	[sflag:s30] =	ssyncadd.s32 $0xFFFFC000;
	(pc) =	sbr.rel .LBB2_7-.Ltmp6, $4  }
0x9b: {  	_ =	swait.ge [sflag:s21], $0x100  }
0x9c: {  	[sflag:s21] =	ssyncset.done $0x0  }
0x9d: {  	s6 =	sadd.s32 $0x40, s6;
	[sflag:s21] =	ssyncadd.s32 $0xFFFFFF00  }
0x9e: {  	[tilespmem:s23], [sflag:$0x1] =	stream.indirect.gather [hbm4b:s5+s22], $0x80, s3, s22, $0xb8;
	[tilespmem:$0x1C200] =	vst v63  }
.LBB2_4:
.Ltmp7:
0x9f: {  	(pc) =	sbr.rel .LBB2_9-.Ltmp7, $2  }
0xa0: {  	_ =	sdelay $0x2  }
0xa1: {  	s6 =	rddreg [dreg:$0x3];
	s17 =	smov.u32 s2  }
.LBB2_10:
0xa2: {  	_ =	sfence.sel $0x180000  }
0xa3: {  	[bflag:$0x0] =	sbarrier.arrive $0xFFFF  }
0xa4: {  	_ =	strace $0x9000004D  }
0xa5: {  	s0 =	stileid.u32;
	[bflag:$0x2] =	sbarrier.arrive $0xFFFF  }
0xa6: {  	p0 =	sne.s32 s0, $0x0;
	s0 =	rddreg [dreg:$0x2]  }
0xa7: {  	s0 =	sadd.s32 @!p0 $0x100000, s0  }
0xa8: {  	[sflag:s0] =	ssyncadd.tile.s32 @!p0 $0x1;
	_ =	shalt  }
.Lfunc_end2:
_tile_overlayer_lowered:
.L_overlay_start_2:
0xa9: {  	(tag) =	ssettag $0x2  }
0xaa: {  	s0 =	rddreg [dreg:$0x0];
	s2 =	stileid.u32  }
0xab: {  	s1 =	rddreg [dreg:$0x1];
	p0 =	sne.s32 s2, $0x0  }
0xac: {  	s3 =	rddreg [dreg:$0x2];
	[bflag:$0x3] =	sbarrier.arrive $0xFFFF;
	s2 =	simm.s32 @!p0 $0x1C07  }
0xad: {  	[timem:s3], [sflag:s2] =	dma.local @!p0 [hbm:s0], s1  }
0xae: {  	s0 =	simm.s32 @!p0 $0x7  }
0xaf: {  	_ =	swait.ge @!p0 [sflag:s0], s1  }
0xb0: {  	s1 =	ssub.s32 @!p0 $0x0, s1;
	[sflag:s0] =	ssyncset.done @!p0 $0x0  }
0xb1: {  	[sflag:s0] =	ssyncadd.s32 @!p0 s1  }
0xb2: {  	[bflag:$0x3] =	sbarrier.arrive $0xFFFF  }
0xb3: {  	_ =	shalt  }

// kernel: kernel.19.cloned.1.call-start
scs
__scs_entry_jumppad:
0x0: {  	(pc) =	sbr.rel $0x88, $3  }
0x1: {  	(tag) =	ssettag $0x0;
	lr =	simm.s32 $0x1  }
0x2: {  	[smem:$0x3F97] =	sst lr;
	_ =	strace $0xD0000000  }
0x3: {  	_ = 	snop  }
0x4: {  	_ = 	snop  }
0x5: {  	_ = 	snop  }
0x6: {  	_ = 	snop  }
0x7: {  	_ = 	snop  }
__scs_overlays_trampoline_lowered:
0x8: {  	[smem:$0x3FA6] =	sst s0  }
0x9: {  	[smem:$0x3FA7] =	sst s1  }
0xa: {  	[smem:$0x3FA8] =	sst s2  }
0xb: {  	[smem:$0x3FA9] =	sst s3  }
0xc: {  	[smem:$0x3FAA] =	sst s4  }
0xd: {  	[smem:$0x3FAB] =	sst s5  }
0xe: {  	[smem:$0x3FAC] =	sst s6  }
0xf: {  	[smem:$0x3FAD] =	sst s7  }
0x10: {  	[smem:$0x3FAE] =	sst s8  }
0x11: {  	[smem:$0x3FAF] =	sst s9;
	s0 =	simm.s32 @!p0 $0x0  }
0x12: {  	s1 =	sld [smem:$0x3F95];
	s0 =	simm.s32 @p0 $0x1  }
0x13: {  	[smem:$0x3FB0] =	sst s0;
	s0 =	simm.s32 @!p1 $0x0  }
0x14: {  	s2 =	sld [smem:$0x3F94];
	s0 =	simm.s32 @p1 $0x1  }
0x15: {  	[smem:$0x3FB1] =	sst s0;
	s0 =	simm.s32 @!p2 $0x0  }
0x16: {  	s3 =	sld [smem:$0x3FDB];
	s0 =	simm.s32 @p2 $0x1  }
0x17: {  	s4 =	simm.s32 $0x1BF5;
	[smem:$0x3FB3] =	sst s0  }
0x18: {  	s0 =	sld [smem:$0x3F96];
	_ =	swait.ge [sflag:s4], $0x0  }
0x19: {  	s7 =	sld [smem:$0x3F97]  }
0x1a: {  	s8 =	sadd.s32 $0xFFFFE003, lr  }
0x1b: {  	s9 =	sadd.s32 $0xFFFFFEF7, lr;
	s5 =	simm.s32 $0xFFFFFFFF;
	p2 =	slt.u32 s8, $0xFFFFF086  }
0x1c: {  	p1 =	slt.u32 s9, $0xF7A;
	s5 =	simm.s32 @!p2 $0x0  }
0x1d: {  	s5 =	simm.s32 @p1 $0x1;
	p0 =	seq.s32 s7, s2  }
0x1e: {  	s7 =	smul.u32 @!p0 $0xF7A, s2;
	p2 =	seq.s32 @!p0 s5, $0x0  }
0x1f: {  	s9 =	smul.u32 $0xF7A, s1;
	s8 =	simm.s32 @!p0 $0x1BF5;
	p2 =	por !p2, p0  }
0x20: {  	[sflag:s8] =	ssyncset.s32 @!p0 $0xFFFFF086;
	s6 =	sadd.s32 @!p0 s3, s7;
	s7 =	simm.s32 @!p0 $0x108  }
0x21: {  	s3 =	sadd.s32 s3, s9;
	s6 =	sadd.s32 @!p0 $0x88, s6;
	s7 =	simm.s32 @p2 $0x1082  }
0x22: {  	[simem:s7], [sflag:s8] =	dma.local @!p0 [hbm:s6], $0xF7A  }
0x23: {  	s9 =	sor.u32 $0xD0000000, s2;
	s6 =	simm.s32 $0x108;
	_ =	swait.ge @!p0 [sflag:s8], $0x0  }
0x24: {  	s3 =	sadd.s32 $0x88, s3;
	s6 =	simm.s32 @!p1 $0x1082;
	[sflag:s4] =	ssyncset.s32 $0xFFFFF086  }
0x25: {  	[simem:s6], [sflag:s4] =	dma.local [hbm:s3], $0xF7A  }
0x26: {  	[smem:$0x3F97] =	sst s1;
	(tag) =	ssettag s2;
	_ =	strace s9  }
0x27: {  	s1 =	sld [smem:$0x3FA7]  }
0x28: {  	s2 =	sld [smem:$0x3FA8]  }
0x29: {  	s4 =	sld [smem:$0x3FAA]  }
0x2a: {  	p0 =	seq.s32 s5, $0x0;
	s5 =	sld [smem:$0x3FAB]  }
0x2b: {  	s6 =	sld [smem:$0x3FAC]  }
0x2c: {  	s7 =	sld [smem:$0x3FAD]  }
0x2d: {  	s3 =	simm.s32 $0x108;
	s8 =	sld [smem:$0x3FAE]  }
0x2e: {  	s3 =	simm.s32 @!p0 $0x1082;
	s9 =	sld [smem:$0x3FAF]  }
0x2f: {  	lr =	sadd.s32 s0, s3;
	s0 =	sld [smem:$0x3FA6]  }
0x30: {  	s3 =	sld [smem:$0x3FA9]  }
0x31: {  	[smem:$0x3FB2] =	sst s10  }
0x32: {  	s10 =	sld [smem:$0x3FB0];
	_ =	sdelay $0x3  }
0x33: {  	p0 =	seq.s32 s10, $0x1;
	s10 =	sld [smem:$0x3FB2];
	_ =	sdelay $0x3  }
0x34: {  	[smem:$0x3FB2] =	sst s10  }
0x35: {  	s10 =	sld [smem:$0x3FB1];
	_ =	sdelay $0x3  }
0x36: {  	p1 =	seq.s32 s10, $0x1;
	s10 =	sld [smem:$0x3FB2];
	_ =	sdelay $0x3  }
0x37: {  	[smem:$0x3FB2] =	sst s10  }
0x38: {  	s10 =	sld [smem:$0x3FB3]  }
0x39: {  	_ = 	snop;
	(pc) =	sbr.ind lr, $3  }
0x3a: {  	_ = 	snop  }
0x3b: {  	_ = 	snop  }
0x3c: {  	p2 =	seq.s32 s10, $0x1;
	s10 =	sld [smem:$0x3FB2]  }
0x3d: {  	_ =	shalt  }
0x3e: {  	_ =	shalt  }
0x3f: {  	_ =	shalt  }
0x40: {  	_ =	shalt  }
0x41: {  	_ =	shalt  }
0x42: {  	_ =	shalt  }
0x43: {  	_ =	shalt  }
0x44: {  	_ =	shalt  }
0x45: {  	_ =	shalt  }
0x46: {  	_ =	shalt  }
0x47: {  	_ =	shalt  }
0x48: {  	_ =	shalt  }
0x49: {  	_ =	shalt  }
0x4a: {  	_ =	shalt  }
0x4b: {  	_ =	shalt  }
0x4c: {  	_ =	shalt  }
0x4d: {  	_ =	shalt  }
0x4e: {  	_ =	shalt  }
0x4f: {  	_ =	shalt  }
0x50: {  	_ =	shalt  }
0x51: {  	_ =	shalt  }
0x52: {  	_ =	shalt  }
0x53: {  	_ =	shalt  }
0x54: {  	_ =	shalt  }
0x55: {  	_ =	shalt  }
0x56: {  	_ =	shalt  }
0x57: {  	_ =	shalt  }
0x58: {  	_ =	shalt  }
0x59: {  	_ =	shalt  }
0x5a: {  	_ =	shalt  }
0x5b: {  	_ =	shalt  }
0x5c: {  	_ =	shalt  }
0x5d: {  	_ =	shalt  }
0x5e: {  	_ =	shalt  }
0x5f: {  	_ =	shalt  }
0x60: {  	_ =	shalt  }
0x61: {  	_ =	shalt  }
0x62: {  	_ =	shalt  }
0x63: {  	_ =	shalt  }
0x64: {  	_ =	shalt  }
0x65: {  	_ =	shalt  }
0x66: {  	_ =	shalt  }
0x67: {  	_ =	shalt  }
0x68: {  	_ =	shalt  }
0x69: {  	_ =	shalt  }
0x6a: {  	_ =	shalt  }
0x6b: {  	_ =	shalt  }
0x6c: {  	_ =	shalt  }
0x6d: {  	_ =	shalt  }
0x6e: {  	_ =	shalt  }
0x6f: {  	_ =	shalt  }
0x70: {  	_ =	shalt  }
0x71: {  	_ =	shalt  }
0x72: {  	_ =	shalt  }
0x73: {  	_ =	shalt  }
0x74: {  	_ =	shalt  }
0x75: {  	_ =	shalt  }
0x76: {  	_ =	shalt  }
0x77: {  	_ =	shalt  }
0x78: {  	_ =	shalt  }
0x79: {  	_ =	shalt  }
0x7a: {  	_ =	shalt  }
0x7b: {  	_ =	shalt  }
0x7c: {  	_ =	shalt  }
0x7d: {  	_ =	shalt  }
0x7e: {  	_ =	shalt  }
0x7f: {  	_ =	shalt  }
0x80: {  	_ =	shalt  }
0x81: {  	_ =	shalt  }
0x82: {  	_ =	shalt  }
0x83: {  	_ =	shalt  }
0x84: {  	_ =	shalt  }
0x85: {  	_ =	shalt  }
0x86: {  	_ =	shalt  }
0x87: {  	_ =	shalt  }
.Lfunc_end0:
.L_simem_size_0:
called_computation.3_lowered:
.L_overlay_start_0:
0x88: {  	s2 =	sld [smem:$0x3FD9]  }
0x89: {  	s3 =	sld [smem:$0x3FFE];
	_ =	sdelay $0x1  }
0x8a: {  	s1 =	srdreg.scid  }
0x8b: {  	s0 =	sand.u32 $0x1, s1  }
0x8c: {  	s16 =	sshll.u32 s0, $0xA;
	s2 =	sadd.s32 s3, s2  }
0x8d: {  	s2 =	sadd.s32 s2, s16  }
0x8e: {  	[smem:$0x3FBE] =	sst s2  }
0x8f: {  	_ = 	snop  }
0x90: {  	(tm) =	ssettm $0x1  }
0x91: {  	s17 =	sld [smem:$0x3FFB];
	_ =	sdelay $0x3  }
0x92: {  	_ =	strace s17  }
0x93: {  	s2 =	sld [smem:$0x3FFC];
	_ =	sdelay $0x3  }
0x94: {  	_ =	strace s2  }
0x95: {  	s2 =	sld [smem:$0x3FFD];
	_ =	sdelay $0x3  }
0x96: {  	_ =	strace s2  }
0x97: {  	_ =	strace $0x8FFFFFFF  }
0x98: {  	s18 =	sld [smem:$0x3FDB];
	_ =	sdelay $0x1  }
0x99: {  	s19 =	simm.s32 $_scs_section_size  }
0x9a: {  	s4 =	simm.s32 $_size__tile_overlayer_lowered;
	s5 =	simm.s32 $_tile_overlayer_lowered  }
0x9b: {  	s22 =	simm.s32 $0x1BFF;
	s21 =	sshll.u32 s5, $0x1;
	s2 =	sadd.s32 s19, s18  }
0x9c: {  	s6 =	simm.s32 $0x0;
	s20 =	sshll.u32 s4, $0x1;
	s4 =	sadd.s32 s21, s2  }
0x9d: {  	[timem:s6], [sflag:s22] =	dma.local [hbm:s4], s20  }
0x9e: {  	_ =	swait.ge [sflag:s22], s20  }
0x9f: {  	s3 =	ssub.s32 $0x0, s20;
	[sflag:s22] =	ssyncset.done $0x0  }
0xa0: {  	[sflag:s22] =	ssyncadd.s32 s3;
	_ =	sdelay $0x1  }
0xa1: {  	s23 =	simm.s32 $0x1B8B  }
0xa2: {  	_ =	swait.ge [sflag:s23], $0x1  }
0xa3: {  	[sflag:s23] =	ssyncset.done $0x0  }
0xa4: {  	s25 =	simm.s32 $0x1B8E;
	s24 =	sld [smem:$0x3FFE];
	[sflag:s23] =	ssyncadd.s32 $0xFFFFFFFF  }
0xa5: {  	s26 =	simm.s32 $execute0_lowered;
	[smem:$0x3FD2] =	sst s25  }
0xa6: {  	s4 =	sshll.u32 s26, $0x1;
	_ =	strace $0x8000004F;
	[dreg:$0x1] =	wrdreg $0xFFFFFFFF  }
0xa7: {  	s28 =	simm.s32 $_size_execute0_lowered;
	s2 =	sadd.s32 s2, s4;
	[dreg:$0x0] =	wrdreg $0x0  }
0xa8: {  	s4 =	sshll.u32 s28, $0x1;
	[dreg:$0x2] =	wrdreg s2  }
0xa9: {  	[dreg:$0x3] =	wrdreg s4  }
0xaa: {  	[dreg:$0x4] =	wrdreg $0xC0  }
0xab: {  	_ =	task [dreg:s6], $0x5FFFF  }
0xac: {  	[dreg:$0x1] =	wrdreg $0xFFFFFFFF  }
0xad: {  	[dreg:$0x0] =	wrdreg $0x60  }
0xae: {  	[dreg:$0x2] =	wrdreg s24  }
0xaf: {  	[dreg:$0x3] =	wrdreg $0x82000  }
0xb0: {  	[dreg:$0x4] =	wrdreg $0x9  }
0xb1: {  	_ =	task.clear_ibuf [dreg:s6], $0x5FFFF;
	_ =	strace $0x9000004F  }
0xb2: {  	s29 =	simm.s32 $0x9;
	_ =	strace $0x80000051  }
0xb3: {  	_ =	swait.ge [sflag:s29], $0x1  }
0xb4: {  	[sflag:s29] =	ssyncadd.s32 $0xFFFFFFFF  }
0xb5: {  	_ =	strace $0x90000051  }
0xb6: {  	_ =	sfence  }
0xb7: {  	s30 =	sld [smem:$0x0];
	_ =	sdelay $0x2  }
0xb8: {  	s31 =	sshll.u32 s1, $0xD;
	s1 =	sshrl.u32 s1, $0x2  }
0xb9: {  	s3 =	sand.u32 $0x4000, s31;
	s1 =	sadd.s32 s1, s30  }
0xba: {  	s0 =	sor.u32 s3, s0;
	s1 =	sshll.u32 s1, $0x11  }
0xbb: {  	s0 =	sor.u32 s1, s0  }
0xbc: {  	s0 =	sadd.s32 $0x8F2B, s0  }
0xbd: {  	[sflag:s0] =	ssyncadd.remote.s32 $0x1  }
0xbe: {  	_ =	sfence.sel $0xFFFF  }
0xbf: {  	[dreg:$0x0] =	wrdreg $0xFFFFFFFF;
	(pc) =	sbr.abs _section_cstart, $3  }
0xc0: {  	[dreg:$0x1] =	wrdreg $0xFFFFFFFF  }
0xc1: {  	_ =	task.clear_ibuf [dreg:s6], $0x2FFFF;
	_ =	strace $0x9FFFFFFF  }
0xc2: {  	(tm) =	ssettm $0x7FFFFFFF  }
0xc3: {  	_ =	shalt  }
tec
execute0_lowered:
.L_overlay_start_1:
0x0: {  	(tag) =	ssettag $0x1  }
0x1: {  	s0 =	rddreg [dreg:$0x0]  }
0x2: {  	s1 =	rddreg [dreg:$0x1];
	s3 =	simm.s32 $0x0  }
0x3: {  	s13 =	stileid.u32;
	s2 =	srdreg.scid;
	s28 =	simm.s32 $0x200  }
0x4: {  	s29 =	simm.s32 $0x1;
	s30 =	simm.s32 $0x6;
	s31 =	simm.s32 $0x4200  }
0x5: {  	[smem:$0x7FF] =	sst s3;
	s4 =	sadd.s32 $0x42200, s0;
	s6 =	smul.u32 $0x2800, s13  }
0x6: {  	s5 =	sadd.s32 $0x6A200, s0;
	s7 =	sadd.s32 $0x6200, s0;
	s8 =	smul.u32 $0x50000, s13  }
0x7: {  	s2 =	sand.u32 $0x1, s2;
	s10 =	sadd.s32 $0xBA200, s0;
	s12 =	smul.u32 $0x1400, s13  }
0x8: {  	s20 =	smul.u32 $0xA000, s13;
	_ =	strace $0x80000050;
	[dreg:$0x3] =	wrdreg s10  }
0x9: {  	s18 =	ssub.s32 $0x2, s2;
	p0 =	sne.s32 s2, $0x0;
	s2 =	simm.s32 $0x180  }
0xa: {  	s9 =	sadd.s32 s6, s0;
	s11 =	sshrl.u32 s18, $0x1;
	s8 =	sshrl.u32 s8, $0x2  }
0xb: {  	s0 =	sadd.s32 $0xE2200, s0;
	s10 =	sadd.s32 s7, s12;
	s15 =	sadd.s32 s4, s6  }
0xc: {  	s25 =	sor.u32 $0x400, s20;
	[dreg:$0x4] =	wrdreg s0;
	s9 =	sadd.s32 $0x92200, s9  }
0xd: {  	s19 =	ssub.s32 s18, s11;
	s21 =	sadd.s32 $0x20, s10;
	[dreg:$0x5] =	wrdreg s9  }
0xe: {  	s8 =	sadd.s32 s8, s1;
	s22 =	sadd.s32 $0x60, s10;
	[dreg:$0x6] =	wrdreg s21  }
0xf: {  	s23 =	sadd.s32 $0xA0, s10;
	s24 =	sadd.s32 $0xE0, s10;
	[dreg:$0x7] =	wrdreg s22  }
0x10: {  	s16 =	sadd.s32 $0x40, s10;
	s11 =	sshrl.u32 s25, $0x3;
	[dreg:$0x8] =	wrdreg s23  }
0x11: {  	s25 =	simm.s32 $0x5;
	s0 =	simm.s32 $0x2;
	[dreg:$0x9] =	wrdreg s24  }
.Ltmp0:
0x12: {  	s9 =	sor.u32 $0x600, s20;
	s17 =	smax.u32 s19, $0x1;
	(pc) =	sbr.rel .LBB2_1-.Ltmp0, $4  }
0x13: {  	s18 =	sadd.s32 s7, s11;
	s20 =	sshll.u32 s13, $0x6;
	s22 =	sshrl.u32 s8, $0x3  }
0x14: {  	s23 =	simm.s32 $0x7;
	s24 =	simm.s32 $0x100;
	s8 =	simm.s32 $0x4  }
0x15: {  	s26 =	sshrl.u32 s9, $0x3;
	s11 =	sor.u32 $0x1C07, s20;
	s9 =	simm.s32 $0x0  }
0x16: {  	s19 =	sadd.s32 s7, s26;
	s26 =	simm.s32 $0x80;
	s7 =	simm.s32 $0x3  }
.LBB2_8:
0x17: {  	s12 =	rddreg [dreg:$0x4]  }
.LBB2_9:
0x18: {  	_ =	swait.ge [sflag:s7], $0x4000  }
0x19: {  	[sflag:s7] =	ssyncset.done $0x0  }
0x1a: {  	[sflag:s7] =	ssyncadd.s32 $0xFFFFC000  }
0x1b: {  	_ =	swait.ge [sflag:s8], $0x4000  }
0x1c: {  	s9 =	sadd.s32 $0x1, s9;
	[sflag:s8] =	ssyncset.done $0x0  }
0x1d: {  	p1 =	sne.s32 s9, s17;
	[sflag:s8] =	ssyncadd.s32 $0xFFFFC000  }
.Ltmp1:
0x1e: {  	s12 =	sadd.s32 s12, s6;
	[bflag:$0x0] =	sbarrier.arrive $0xFFFF;
	(pc) =	sbr.rel @!p1 .LBB2_10-.Ltmp1, $4  }
0x1f: {  	[hbm:s12], [sflag:s21] =	dma.local [spmem:s22], $0x2800  }
0x20: {  	_ =	swait.ge [sflag:s23], $0x2800  }
0x21: {  	[sflag:s23] =	ssyncset.done $0x0  }
0x22: {  	[sflag:s23] =	ssyncadd.s32 $0xFFFFD800  }
.LBB2_1:
.Ltmp2:
0x23: {  	(pc) =	sbr.rel @p0 .LBB2_6-.Ltmp2, $1  }
0x24: {  	_ =	sdelay $0x3  }
0x25: {  	[spmem:s22], [sflag:s11] =	dma.local [hbm:s15], $0x2800  }
0x26: {  	_ =	swait.ge [sflag:s23], $0x2800  }
0x27: {  	[sflag:s23] =	ssyncset.done $0x0  }
0x28: {  	[sflag:s23] =	ssyncadd.s32 $0xFFFFD800  }
0x29: {  	[bflag:$0x0] =	sbarrier.arrive $0xFFFF  }
0x2a: {  	[tilespmem:s3], [sflag:$0x5] =	stream.linear.gather [hbm4b:s10+s3], $0x100, $0x38;
	[tilespmem:$0x1C200] =	vst v63  }
0x2b: {  	_ = 	snop  }
0x2c: {  	[tilespmem:s24], [sflag:$0x6] =	stream.linear.gather [hbm4b:s16+s3], $0x100, $0x38;
	[tilespmem:$0x1C200] =	vst v63  }
0x2d: {  	_ =	swait.ge [sflag:s25], $0x100  }
0x2e: {  	[sflag:s25] =	ssyncset.done $0x0  }
0x2f: {  	[sflag:s25] =	ssyncadd.s32 $0xFFFFFF00  }
0x30: {  	[tilespmem:s28], [sflag:$0x1] =	stream.indirect.gather [hbm4b:s4+s26], $0x80, s3, s26, $0xb8;
	[tilespmem:$0x1C200] =	vst v63  }
0x31: {  	_ =	swait.ge [sflag:s29], $0x4000  }
0x32: {  	[sflag:s29] =	ssyncset.done $0x0  }
0x33: {  	[sflag:s29] =	ssyncadd.s32 $0xFFFFC000  }
0x34: {  	[spmem:s1] =	stream.indirect.scatter.add.f32 [tilespmem:s28], [sflag:$0x3], $0x80, s26, s26, $0xb8;
	[tilespmem:$0x1C200] =	vst v63  }
0x35: {  	_ = 	snop  }
0x36: {  	[tilespmem:s3], [sflag:$0x5] =	stream.linear.gather [hbm4b:s18+s3], $0x100, $0x38;
	[tilespmem:$0x1C200] =	vst v63  }
0x37: {  	_ =	swait.ge [sflag:s30], $0x100  }
0x38: {  	[sflag:s30] =	ssyncset.done $0x0  }
0x39: {  	[sflag:s30] =	ssyncadd.s32 $0xFFFFFF00  }
0x3a: {  	[tilespmem:s31], [sflag:$0x2] =	stream.indirect.gather [hbm4b:s4+s26], $0x80, s24, s26, $0xb8;
	[tilespmem:$0x1C200] =	vst v63  }
0x3b: {  	_ =	swait.ge [sflag:s0], $0x4000  }
0x3c: {  	[sflag:s0] =	ssyncset.done $0x0  }
0x3d: {  	[sflag:s0] =	ssyncadd.s32 $0xFFFFC000  }
0x3e: {  	[spmem:s1] =	stream.indirect.scatter.add.f32 [tilespmem:s31], [sflag:$0x4], $0x80, s2, s26, $0xb8;
	[tilespmem:$0x1C200] =	vst v63  }
0x3f: {  	_ = 	snop  }
0x40: {  	[tilespmem:s24], [sflag:$0x6] =	stream.linear.gather [hbm4b:s19+s3], $0x100, $0x38;
	[tilespmem:$0x1C200] =	vst v63  }
0x41: {  	_ =	swait.ge [sflag:s7], $0x4000  }
0x42: {  	[sflag:s7] =	ssyncset.done $0x0  }
0x43: {  	[sflag:s7] =	ssyncadd.s32 $0xFFFFC000  }
0x44: {  	_ =	swait.ge [sflag:s25], $0x100  }
0x45: {  	[sflag:s25] =	ssyncset.done $0x0  }
0x46: {  	s21 =	simm.s32 $0xFFFFED00;
	[sflag:s25] =	ssyncadd.s32 $0xFFFFFF00  }
0x47: {  	[tilespmem:s28], [sflag:$0x1] =	stream.indirect.gather [hbm4b:s4+s26], $0x80, s3, s26, $0xb8;
	[tilespmem:$0x1C200] =	vst v63  }
.LBB2_3:
0x48: {  	_ =	swait.ge [sflag:s29], $0x4000  }
0x49: {  	p1 =	seq.s32 s21, $0x0;
	[sflag:s29] =	ssyncset.done $0x0  }
0x4a: {  	s12 =	sadd.s32 @!p1 s21, s10;
	[sflag:s29] =	ssyncadd.s32 $0xFFFFC000  }
0x4b: {  	[spmem:s1] =	stream.indirect.scatter.add.f32 [tilespmem:s28], [sflag:$0x3], $0x80, s26, s26, $0xb8;
	[tilespmem:$0x1C200] =	vst v63  }
0x4c: {  	s13 =	simm.s32 @!p1 $0x0;
	s12 =	sadd.s32 @!p1 $0x1400, s12  }
0x4d: {  	[tilespmem:s13], [sflag:$0x5] =	stream.linear.gather @!p1 [hbm4b:s12+s13], $0x100, $0x38;
	[tilespmem:$0x1C200] =	vst v63  }
0x4e: {  	_ =	swait.ge [sflag:s8], $0x4000  }
0x4f: {  	[sflag:s8] =	ssyncset.done $0x0  }
0x50: {  	[sflag:s8] =	ssyncadd.s32 $0xFFFFC000  }
0x51: {  	_ =	swait.ge [sflag:s30], $0x100  }
0x52: {  	[sflag:s30] =	ssyncset.done $0x0  }
0x53: {  	[sflag:s30] =	ssyncadd.s32 $0xFFFFFF00  }
0x54: {  	[tilespmem:s31], [sflag:$0x2] =	stream.indirect.gather [hbm4b:s4+s26], $0x80, s24, s26, $0xb8;
	[tilespmem:$0x1C200] =	vst v63  }
.Ltmp3:
0x55: {  	_ = 	snop;
	(pc) =	sbr.rel @p1 .LBB2_4-.Ltmp3, $4  }
0x56: {  	_ =	swait.ge [sflag:s0], $0x4000  }
0x57: {  	[sflag:s0] =	ssyncset.done $0x0  }
0x58: {  	[sflag:s0] =	ssyncadd.s32 $0xFFFFC000  }
0x59: {  	[spmem:s1] =	stream.indirect.scatter.add.f32 [tilespmem:s31], [sflag:$0x4], $0x80, s2, s26, $0xb8;
	[tilespmem:$0x1C200] =	vst v63  }
0x5a: {  	s12 =	sadd.s32 s21, s10  }
0x5b: {  	s12 =	sadd.s32 $0x1440, s12  }
0x5c: {  	[tilespmem:s24], [sflag:$0x6] =	stream.linear.gather [hbm4b:s12+s3], $0x100, $0x38;
	[tilespmem:$0x1C200] =	vst v63  }
0x5d: {  	_ =	swait.ge [sflag:s7], $0x4000  }
0x5e: {  	[sflag:s7] =	ssyncset.done $0x0  }
.Ltmp4:
0x5f: {  	[sflag:s7] =	ssyncadd.s32 $0xFFFFC000;
	(pc) =	sbr.rel .LBB2_3-.Ltmp4, $4  }
0x60: {  	_ =	swait.ge [sflag:s25], $0x100  }
0x61: {  	[sflag:s25] =	ssyncset.done $0x0  }
0x62: {  	s21 =	sadd.s32 $0x80, s21;
	[sflag:s25] =	ssyncadd.s32 $0xFFFFFF00  }
0x63: {  	[tilespmem:s28], [sflag:$0x1] =	stream.indirect.gather [hbm4b:s4+s26], $0x80, s3, s26, $0xb8;
	[tilespmem:$0x1C200] =	vst v63  }
.LBB2_6:
0x64: {  	s21 =	sor.u32 $0x1C07, s20;
	s12 =	rddreg [dreg:$0x5]  }
0x65: {  	[spmem:s22], [sflag:s21] =	dma.local [hbm:s12], $0x2800  }
0x66: {  	_ =	swait.ge [sflag:s23], $0x2800  }
0x67: {  	[sflag:s23] =	ssyncset.done $0x0  }
0x68: {  	[sflag:s23] =	ssyncadd.s32 $0xFFFFD800  }
0x69: {  	[bflag:$0x0] =	sbarrier.arrive $0xFFFF  }
0x6a: {  	s13 =	rddreg [dreg:$0x6]  }
0x6b: {  	[tilespmem:s3], [sflag:$0x5] =	stream.linear.gather [hbm4b:s13+s3], $0x100, $0x38;
	[tilespmem:$0x1C200] =	vst v63  }
0x6c: {  	s14 =	rddreg [dreg:$0x7]  }
0x6d: {  	[tilespmem:s24], [sflag:$0x6] =	stream.linear.gather [hbm4b:s14+s3], $0x100, $0x38;
	[tilespmem:$0x1C200] =	vst v63  }
0x6e: {  	_ =	swait.ge [sflag:s25], $0x100  }
0x6f: {  	[sflag:s25] =	ssyncset.done $0x0  }
0x70: {  	[sflag:s25] =	ssyncadd.s32 $0xFFFFFF00  }
0x71: {  	[tilespmem:s28], [sflag:$0x1] =	stream.indirect.gather [hbm4b:s5+s26], $0x80, s3, s26, $0xb8;
	[tilespmem:$0x1C200] =	vst v63  }
0x72: {  	_ =	swait.ge [sflag:s29], $0x4000  }
0x73: {  	[sflag:s29] =	ssyncset.done $0x0  }
0x74: {  	[sflag:s29] =	ssyncadd.s32 $0xFFFFC000  }
0x75: {  	[spmem:s1] =	stream.indirect.scatter.add.f32 [tilespmem:s28], [sflag:$0x3], $0x80, s26, s26, $0xb8;
	[tilespmem:$0x1C200] =	vst v63  }
0x76: {  	s13 =	rddreg [dreg:$0x8]  }
0x77: {  	[tilespmem:s3], [sflag:$0x5] =	stream.linear.gather [hbm4b:s13+s3], $0x100, $0x38;
	[tilespmem:$0x1C200] =	vst v63  }
0x78: {  	_ =	swait.ge [sflag:s30], $0x100  }
0x79: {  	[sflag:s30] =	ssyncset.done $0x0  }
0x7a: {  	[sflag:s30] =	ssyncadd.s32 $0xFFFFFF00  }
0x7b: {  	[tilespmem:s31], [sflag:$0x2] =	stream.indirect.gather [hbm4b:s5+s26], $0x80, s24, s26, $0xb8;
	[tilespmem:$0x1C200] =	vst v63  }
0x7c: {  	_ =	swait.ge [sflag:s0], $0x4000  }
0x7d: {  	[sflag:s0] =	ssyncset.done $0x0  }
0x7e: {  	[sflag:s0] =	ssyncadd.s32 $0xFFFFC000  }
0x7f: {  	[spmem:s1] =	stream.indirect.scatter.add.f32 [tilespmem:s31], [sflag:$0x4], $0x80, s2, s26, $0xb8;
	[tilespmem:$0x1C200] =	vst v63  }
0x80: {  	s14 =	rddreg [dreg:$0x9]  }
0x81: {  	[tilespmem:s24], [sflag:$0x6] =	stream.linear.gather [hbm4b:s14+s3], $0x100, $0x38;
	[tilespmem:$0x1C200] =	vst v63  }
0x82: {  	_ =	swait.ge [sflag:s7], $0x4000  }
0x83: {  	[sflag:s7] =	ssyncset.done $0x0  }
0x84: {  	[sflag:s7] =	ssyncadd.s32 $0xFFFFC000  }
0x85: {  	_ =	swait.ge [sflag:s25], $0x100  }
0x86: {  	[sflag:s25] =	ssyncset.done $0x0  }
0x87: {  	s12 =	simm.s32 $0xFFFFED00;
	[sflag:s25] =	ssyncadd.s32 $0xFFFFFF00  }
0x88: {  	[tilespmem:s28], [sflag:$0x1] =	stream.indirect.gather [hbm4b:s5+s26], $0x80, s3, s26, $0xb8;
	[tilespmem:$0x1C200] =	vst v63  }
.LBB2_7:
0x89: {  	_ =	swait.ge [sflag:s29], $0x4000  }
0x8a: {  	p1 =	seq.s32 s12, $0x0;
	[sflag:s29] =	ssyncset.done $0x0  }
0x8b: {  	s13 =	sadd.s32 @!p1 s12, s10;
	[sflag:s29] =	ssyncadd.s32 $0xFFFFC000  }
0x8c: {  	[spmem:s1] =	stream.indirect.scatter.add.f32 [tilespmem:s28], [sflag:$0x3], $0x80, s26, s26, $0xb8;
	[tilespmem:$0x1C200] =	vst v63  }
0x8d: {  	s14 =	simm.s32 @!p1 $0x0;
	s13 =	sadd.s32 @!p1 $0x1420, s13  }
0x8e: {  	[tilespmem:s14], [sflag:$0x5] =	stream.linear.gather @!p1 [hbm4b:s13+s14], $0x100, $0x38;
	[tilespmem:$0x1C200] =	vst v63  }
0x8f: {  	_ =	swait.ge [sflag:s8], $0x4000  }
0x90: {  	[sflag:s8] =	ssyncset.done $0x0  }
0x91: {  	[sflag:s8] =	ssyncadd.s32 $0xFFFFC000  }
0x92: {  	_ =	swait.ge [sflag:s30], $0x100  }
0x93: {  	[sflag:s30] =	ssyncset.done $0x0  }
0x94: {  	[sflag:s30] =	ssyncadd.s32 $0xFFFFFF00  }
0x95: {  	[tilespmem:s31], [sflag:$0x2] =	stream.indirect.gather [hbm4b:s5+s26], $0x80, s24, s26, $0xb8;
	[tilespmem:$0x1C200] =	vst v63  }
.Ltmp5:
0x96: {  	_ = 	snop;
	(pc) =	sbr.rel @p1 .LBB2_8-.Ltmp5, $4  }
0x97: {  	_ =	swait.ge [sflag:s0], $0x4000  }
0x98: {  	[sflag:s0] =	ssyncset.done $0x0  }
0x99: {  	[sflag:s0] =	ssyncadd.s32 $0xFFFFC000  }
0x9a: {  	[spmem:s1] =	stream.indirect.scatter.add.f32 [tilespmem:s31], [sflag:$0x4], $0x80, s2, s26, $0xb8;
	[tilespmem:$0x1C200] =	vst v63  }
0x9b: {  	s13 =	sadd.s32 s12, s10  }
0x9c: {  	s13 =	sadd.s32 $0x1460, s13  }
0x9d: {  	[tilespmem:s24], [sflag:$0x6] =	stream.linear.gather [hbm4b:s13+s3], $0x100, $0x38;
	[tilespmem:$0x1C200] =	vst v63  }
0x9e: {  	_ =	swait.ge [sflag:s7], $0x4000  }
0x9f: {  	[sflag:s7] =	ssyncset.done $0x0  }
.Ltmp6:
0xa0: {  	[sflag:s7] =	ssyncadd.s32 $0xFFFFC000;
	(pc) =	sbr.rel .LBB2_7-.Ltmp6, $4  }
0xa1: {  	_ =	swait.ge [sflag:s25], $0x100  }
0xa2: {  	[sflag:s25] =	ssyncset.done $0x0  }
0xa3: {  	s12 =	sadd.s32 $0x80, s12;
	[sflag:s25] =	ssyncadd.s32 $0xFFFFFF00  }
0xa4: {  	[tilespmem:s28], [sflag:$0x1] =	stream.indirect.gather [hbm4b:s5+s26], $0x80, s3, s26, $0xb8;
	[tilespmem:$0x1C200] =	vst v63  }
.LBB2_4:
.Ltmp7:
0xa5: {  	(pc) =	sbr.rel .LBB2_9-.Ltmp7, $2  }
0xa6: {  	_ =	sdelay $0x2  }
0xa7: {  	s12 =	rddreg [dreg:$0x3];
	s21 =	smov.u32 s11  }
.LBB2_10:
0xa8: {  	_ =	sfence.sel $0x180000  }
0xa9: {  	[bflag:$0x0] =	sbarrier.arrive $0xFFFF  }
0xaa: {  	_ =	strace $0x90000050  }
0xab: {  	s0 =	stileid.u32;
	[bflag:$0x2] =	sbarrier.arrive $0xFFFF  }
0xac: {  	p0 =	sne.s32 s0, $0x0;
	s0 =	rddreg [dreg:$0x2]  }
0xad: {  	s0 =	sadd.s32 @!p0 $0x100000, s0  }
0xae: {  	[sflag:s0] =	ssyncadd.tile.s32 @!p0 $0x1;
	_ =	shalt  }
.Lfunc_end2:
_tile_overlayer_lowered:
.L_overlay_start_2:
0xaf: {  	(tag) =	ssettag $0x2  }
0xb0: {  	s0 =	rddreg [dreg:$0x0];
	s2 =	stileid.u32  }
0xb1: {  	s1 =	rddreg [dreg:$0x1];
	p0 =	sne.s32 s2, $0x0  }
0xb2: {  	s3 =	rddreg [dreg:$0x2];
	[bflag:$0x3] =	sbarrier.arrive $0xFFFF;
	s2 =	simm.s32 @!p0 $0x1C07  }
0xb3: {  	[timem:s3], [sflag:s2] =	dma.local @!p0 [hbm:s0], s1  }
0xb4: {  	s0 =	simm.s32 @!p0 $0x7  }
0xb5: {  	_ =	swait.ge @!p0 [sflag:s0], s1  }
0xb6: {  	s1 =	ssub.s32 @!p0 $0x0, s1;
	[sflag:s0] =	ssyncset.done @!p0 $0x0  }
0xb7: {  	[sflag:s0] =	ssyncadd.s32 @!p0 s1  }
0xb8: {  	[bflag:$0x3] =	sbarrier.arrive $0xFFFF  }
0xb9: {  	_ =	shalt  }

</sc_bundles>
